<compile_context>
chip_gen: v7x
topology: tpu7x:2x2x1
jax: 0.10.2.dev20260603
libtpu: 0.0.44.dev20260713+nightly
codegen_flags: <defaults>
</compile_context>

<pallas_src>
import functools

import jax
import jax.numpy as jnp
import numpy as np
from jax import lax
from jax.experimental import pallas as pl
from jax.experimental.pallas import tpu as pltpu
from jax.experimental.pallas import tpu_sc as plsc

N = 10000
E = 160000
DM = 256
H = 8
DH = 32
DFF = 1024
NC = 2
NS = 16
LANES = 16
NW = NC * NS
BB = 64
RPT = 80
EP = NW * RPT * BB
NPAD = EP - E
E16 = EP * LANES
NROW = EP // BB
NT = N + 16
ROWB = BB * LANES
INV_SQRT_DH = float(1.0 / np.sqrt(DH))

_mesh = lambda: plsc.VectorSubcoreMesh(core_axis_name="c", subcore_axis_name="s")


def _lane_perm(x, perm):
    return x.at[perm].get(mode="promise_in_bounds")


def _lane_max_splat(x):
    lane = lax.iota(jnp.int32, LANES)
    for k in (8, 4, 2, 1):
        x = jnp.maximum(x, _lane_perm(x, lane ^ k))
    return x


def _dot8_row(kr, qr, i):
    lane = lax.iota(jnp.int32, LANES)
    lt8 = lane < 8
    maskq = (lane & 4) == 0

    def rot(x, k):
        return _lane_perm(x, lane ^ k)

    p = []
    for h in range(H):
        a0 = kr[i, pl.ds(h * DH, LANES)] * qr[i, pl.ds(h * DH, LANES)]
        a1 = (kr[i, pl.ds(h * DH + LANES, LANES)]
              * qr[i, pl.ds(h * DH + LANES, LANES)])
        p.append(a0 + a1)
    m = []
    for a, b in ((0, 1), (2, 3), (4, 5), (6, 7)):
        m.append(jnp.where(lt8, p[a], p[b]) + rot(jnp.where(lt8, p[b], p[a]), 8))
    z = []
    for a, b in ((0, 1), (2, 3)):
        x2 = m[a] + rot(m[a], 4)
        y2 = m[b] + rot(m[b], 4)
        z.append(jnp.where(maskq, x2, rot(y2, 4)))
    zb = []
    for t in z:
        t = t + rot(t, 2)
        t = t + rot(t, 1)
        zb.append(t)
    fmap = ((lane & 1) << 3) | ((lane & 2) << 1)
    return jnp.where(lane < 4,
                     _lane_perm(zb[0], fmap),
                     _lane_perm(zb[1], fmap))


def _proj_block(qf_ref, kvf_ref, wq_ref, wk_ref, wv_ref,
                qh_ref, kh_ref, v0_ref, v1_ref):
    qh_ref[...] = jnp.dot(qf_ref[...], wq_ref[...],
                          preferred_element_type=jnp.float32)
    kh_ref[...] = jnp.dot(kvf_ref[...], wk_ref[...],
                          preferred_element_type=jnp.float32) * INV_SQRT_DH
    v = jnp.dot(kvf_ref[...], wv_ref[...], preferred_element_type=jnp.float32)
    v0_ref[...] = v[:, :128]
    v1_ref[...] = v[:, 128:]


def _projections(q_feat, kv_feat, Wq, Wk, Wv):
    BR = 2000
    full = lambda r, c: pl.BlockSpec((r, c), lambda i: (0, 0))
    row = lambda c: pl.BlockSpec((BR, c), lambda i: (i, 0))
    return pl.pallas_call(
        _proj_block,
        grid=(N // BR,),
        in_specs=[row(DM), row(DM), full(DM, DM), full(DM, DM), full(DM, DM)],
        out_specs=[row(DM), row(DM), row(128), row(128)],
        out_shape=[
            jax.ShapeDtypeStruct((N, DM), jnp.float32),
            jax.ShapeDtypeStruct((N, DM), jnp.float32),
            jax.ShapeDtypeStruct((N, 128), jnp.float32),
            jax.ShapeDtypeStruct((N, 128), jnp.float32),
        ],
    )(q_feat, kv_feat, Wq, Wk, Wv)


def _logits_body(kh, qh, src1d, dstg1d, e_out, tmax,
                 isall, idall, kr0, qr0, kr1, qr1, es0, es1, mstage,
                 sem0, sem1, esem0, esem1):
    c = lax.axis_index("c")
    s = lax.axis_index("s")
    wid = c * NS + s
    rbase = pl.multiple_of(wid * RPT, 8)
    lane = lax.iota(jnp.int32, LANES)
    neg = jnp.full((LANES,), -1e30, jnp.float32)
    lt8 = lane < 8

    pltpu.sync_copy(src1d.at[pl.ds(rbase * BB, RPT * BB)], isall)
    pltpu.sync_copy(dstg1d.at[pl.ds(rbase * BB, RPT * BB)], idall)

    def e_slice(r):
        return e_out.at[pl.ds((rbase + r) * ROWB, ROWB)]

    def gather(r, kr, qr, sem):
        ck = pltpu.async_copy(kh.at[isall.at[pl.ds(r * BB, BB)]], kr, sem)
        cq = pltpu.async_copy(qh.at[idall.at[pl.ds(r * BB, BB)]], qr, sem)
        return ck, cq

    def compute(kr, qr, es, mx):
        def edge2(ii, mx):
            for u in range(2):
                i = 2 * ii + u
                row = _dot8_row(kr, qr, i)
                es[pl.ds(i * LANES, LANES)] = row
                mx = jnp.maximum(mx, jnp.where(lt8, row, neg))
            return mx

        return lax.fori_loop(0, BB // 2, edge2, mx)

    NP = RPT // 2
    gather(0, kr0, qr0, sem0)
    gather(1, kr1, qr1, sem1)

    def pair(p, mx):
        r0 = 2 * p
        r1 = r0 + 1

        @pl.when(p > 0)
        def _():
            pltpu.make_async_copy(es0, e_slice(r0), esem0).wait()
            pltpu.make_async_copy(es1, e_slice(r1), esem1).wait()

        pltpu.make_async_copy(kh.at[isall.at[pl.ds(r0 * BB, BB)]], kr0,
                              sem0).wait()
        pltpu.make_async_copy(qh.at[idall.at[pl.ds(r0 * BB, BB)]], qr0,
                              sem0).wait()
        mx = compute(kr0, qr0, es0, mx)
        pltpu.async_copy(es0, e_slice(r0), esem0)

        @pl.when(p < NP - 1)
        def _():
            gather(r0 + 2, kr0, qr0, sem0)

        pltpu.make_async_copy(kh.at[isall.at[pl.ds(r1 * BB, BB)]], kr1,
                              sem1).wait()
        pltpu.make_async_copy(qh.at[idall.at[pl.ds(r1 * BB, BB)]], qr1,
                              sem1).wait()
        mx = compute(kr1, qr1, es1, mx)
        pltpu.async_copy(es1, e_slice(r1), esem1)

        @pl.when(p < NP - 1)
        def _():
            gather(r1 + 2, kr1, qr1, sem1)

        return mx

    mx = lax.fori_loop(0, NP, pair, neg)
    pltpu.make_async_copy(es0, e_slice(0), esem0).wait()
    pltpu.make_async_copy(es1, e_slice(1), esem1).wait()
    mstage[...] = mx
    pltpu.sync_copy(mstage, tmax.at[pl.ds(wid * LANES, LANES)])


def _edge_logits(kh, qh, src1d, dstg1d):
    f32 = jnp.float32
    kfn = pl.kernel(
        _logits_body,
        mesh=_mesh(),
        out_type=[
            jax.ShapeDtypeStruct((E16,), f32),
            jax.ShapeDtypeStruct((NW * LANES,), f32),
        ],
        scratch_types=[
            pltpu.VMEM((RPT * BB,), jnp.int32),
            pltpu.VMEM((RPT * BB,), jnp.int32),
            pltpu.VMEM((BB, DM), f32),
            pltpu.VMEM((BB, DM), f32),
            pltpu.VMEM((BB, DM), f32),
            pltpu.VMEM((BB, DM), f32),
            pltpu.VMEM((ROWB,), f32),
            pltpu.VMEM((ROWB,), f32),
            pltpu.VMEM((LANES,), f32),
            pltpu.SemaphoreType.DMA,
            pltpu.SemaphoreType.DMA,
            pltpu.SemaphoreType.DMA,
            pltpu.SemaphoreType.DMA,
        ],
    )
    return kfn(kh, qh, src1d, dstg1d)


def _load_m(tbuf):
    m = tbuf[pl.ds(0, LANES)]
    for i in range(1, NW):
        m = jnp.maximum(m, tbuf[pl.ds(i * LANES, LANES)])
    return _lane_max_splat(m)


def _denom_body(e_in, dsts2d, tmax, zs, s0, s1,
                shared_s, eb0, eb1, wb0, wb1, idall, tbuf,
                sem0, sem1, ssem0, ssem1):
    c = lax.axis_index("c")
    s = lax.axis_index("s")
    wid = c * NS + s
    rbase = pl.multiple_of(wid * RPT, 8)
    lane = lax.iota(jnp.int32, LANES)

    @pl.when(s == 0)
    def _():
        pltpu.sync_copy(zs, shared_s)

    pltpu.sync_copy(zs.at[pl.ds(0, BB)], wb0)
    pltpu.sync_copy(zs.at[pl.ds(0, BB)], wb1)
    pltpu.sync_copy(dsts2d.at[pl.ds(rbase, RPT)], idall)
    pltpu.sync_copy(tmax, tbuf)
    M = _load_m(tbuf)
    plsc.subcore_barrier()

    def e_slice(r):
        return e_in.at[pl.ds((rbase + r) * ROWB, ROWB)]

    def compute(eb, wb):
        def rowf(i, carry):
            r = eb[pl.ds(i * LANES, LANES)]
            wb[i, pl.ds(0, LANES)] = jnp.where(lane < H, jnp.exp(r - M), 0.0)
            return carry

        lax.fori_loop(0, BB, rowf, 0)

    NP = RPT // 2
    pltpu.async_copy(e_slice(0), eb0, sem0)
    pltpu.async_copy(e_slice(1), eb1, sem1)

    def pair(p, carry):
        r0 = 2 * p
        r1 = r0 + 1

        @pl.when(p > 0)
        def _():
            pltpu.make_async_copy(wb0, shared_s.at[idall.at[r0]], ssem0).wait()
            pltpu.make_async_copy(wb1, shared_s.at[idall.at[r1]], ssem1).wait()

        pltpu.make_async_copy(e_slice(r0), eb0, sem0).wait()
        compute(eb0, wb0)
        pltpu.async_copy(wb0, shared_s.at[idall.at[r0]], ssem0, add=True)

        @pl.when(p < NP - 1)
        def _():
            pltpu.async_copy(e_slice(r0 + 2), eb0, sem0)

        pltpu.make_async_copy(e_slice(r1), eb1, sem1).wait()
        compute(eb1, wb1)
        pltpu.async_copy(wb1, shared_s.at[idall.at[r1]], ssem1, add=True)

        @pl.when(p < NP - 1)
        def _():
            pltpu.async_copy(e_slice(r1 + 2), eb1, sem1)

        return carry

    lax.fori_loop(0, NP, pair, 0)
    pltpu.make_async_copy(wb0, shared_s.at[idall.at[0]], ssem0).wait()
    pltpu.make_async_copy(wb1, shared_s.at[idall.at[1]], ssem1).wait()
    plsc.subcore_barrier()

    rows = 1000
    off = pl.multiple_of(s * rows, 8)

    @pl.when(jnp.logical_and(c == 0, s < N // rows))
    def _():
        pltpu.sync_copy(shared_s.at[pl.ds(off, rows)],
                        s0.at[pl.ds(off, rows)])

    @pl.when(jnp.logical_and(c == 1, s < N // rows))
    def _():
        pltpu.sync_copy(shared_s.at[pl.ds(off, rows)],
                        s1.at[pl.ds(off, rows)])


def _edge_denoms(e_arr, dsts2d, tmax, zs):
    f32 = jnp.float32
    kfn = pl.kernel(
        _denom_body,
        mesh=_mesh(),
        out_type=[
            jax.ShapeDtypeStruct((N, 128), f32),
            jax.ShapeDtypeStruct((N, 128), f32),
        ],
        scratch_types=[
            pltpu.VMEM_SHARED((NT, 128), f32),
            pltpu.VMEM((ROWB,), f32),
            pltpu.VMEM((ROWB,), f32),
            pltpu.VMEM((BB, 128), f32),
            pltpu.VMEM((BB, 128), f32),
            pltpu.VMEM((RPT, BB), jnp.int32),
            pltpu.VMEM((NW * LANES,), f32),
            pltpu.SemaphoreType.DMA,
            pltpu.SemaphoreType.DMA,
            pltpu.SemaphoreType.DMA,
            pltpu.SemaphoreType.DMA,
        ],
    )
    return kfn(e_arr, dsts2d, tmax, zs)


def _agg_body(g, vg, e_in, tmax, src1d, dsts2d, zs, og0, og1,
              shared_o, vb0, vb1, mb0, mb1, eb0, eb1, isall, idall, tbuf,
              sem0, sem1, ssem0, ssem1):
    c = lax.axis_index("c")
    s = lax.axis_index("s")
    wid = c * NS + s
    rbase = pl.multiple_of(wid * RPT, 8)

    @pl.when(s == 0)
    def _():
        pltpu.sync_copy(zs, shared_o)

    pltpu.sync_copy(src1d.at[pl.ds(rbase * BB, RPT * BB)], isall)
    pltpu.sync_copy(dsts2d.at[pl.ds(rbase, RPT)], idall)
    pltpu.sync_copy(tmax, tbuf)
    M = _load_m(tbuf)
    plsc.subcore_barrier()

    def e_slice(r):
        return e_in.at[pl.ds((rbase + r) * ROWB, ROWB)]

    def compute(vb, eb, mb):
        def edge(i, carry):
            arow = jnp.exp(eb[pl.ds(i * LANES, LANES)] - M)
            for hh in range(4):
                hsel = jnp.full((LANES,), g * 4 + hh, jnp.int32)
                spl = arow.at[hsel].get(mode="promise_in_bounds")
                lo = vb[i, pl.ds(hh * DH, LANES)] * spl
                hi = vb[i, pl.ds(hh * DH + LANES, LANES)] * spl
                mb[i, pl.ds(hh * DH, LANES)] = lo
                mb[i, pl.ds(hh * DH + LANES, LANES)] = hi
            return carry

        lax.fori_loop(0, BB, edge, 0)

    def gathers(r, vb, eb, sem):
        pltpu.async_copy(vg.at[isall.at[pl.ds(r * BB, BB)]], vb, sem)
        pltpu.async_copy(e_slice(r), eb, sem)

    NP = RPT // 2
    gathers(0, vb0, eb0, sem0)
    gathers(1, vb1, eb1, sem1)

    def pair(p, carry):
        r0 = 2 * p
        r1 = r0 + 1

        @pl.when(p > 0)
        def _():
            pltpu.make_async_copy(mb0, shared_o.at[idall.at[r0]], ssem0).wait()
            pltpu.make_async_copy(mb1, shared_o.at[idall.at[r1]], ssem1).wait()

        pltpu.make_async_copy(vg.at[isall.at[pl.ds(r0 * BB, BB)]], vb0,
                              sem0).wait()
        pltpu.make_async_copy(e_slice(r0), eb0, sem0).wait()
        compute(vb0, eb0, mb0)
        pltpu.async_copy(mb0, shared_o.at[idall.at[r0]], ssem0, add=True)

        @pl.when(p < NP - 1)
        def _():
            gathers(r0 + 2, vb0, eb0, sem0)

        pltpu.make_async_copy(vg.at[isall.at[pl.ds(r1 * BB, BB)]], vb1,
                              sem1).wait()
        pltpu.make_async_copy(e_slice(r1), eb1, sem1).wait()
        compute(vb1, eb1, mb1)
        pltpu.async_copy(mb1, shared_o.at[idall.at[r1]], ssem1, add=True)

        @pl.when(p < NP - 1)
        def _():
            gathers(r1 + 2, vb1, eb1, sem1)

        return carry

    lax.fori_loop(0, NP, pair, 0)
    pltpu.make_async_copy(mb0, shared_o.at[idall.at[0]], ssem0).wait()
    pltpu.make_async_copy(mb1, shared_o.at[idall.at[1]], ssem1).wait()
    plsc.subcore_barrier()

    rows = 1000
    off2 = pl.multiple_of(s * rows, 8)

    @pl.when(jnp.logical_and(c == 0, s < N // rows))
    def _():
        pltpu.sync_copy(shared_o.at[pl.ds(off2, rows)],
                        og0.at[pl.ds(off2, rows)])

    @pl.when(jnp.logical_and(c == 1, s < N // rows))
    def _():
        pltpu.sync_copy(shared_o.at[pl.ds(off2, rows)],
                        og1.at[pl.ds(off2, rows)])


def _aggregate(g, vg, e_arr, tmax, src1d, dsts2d, zs):
    f32 = jnp.float32
    kfn = pl.kernel(
        functools.partial(_agg_body, g),
        mesh=_mesh(),
        out_type=[
            jax.ShapeDtypeStruct((N, 128), f32),
            jax.ShapeDtypeStruct((N, 128), f32),
        ],
        scratch_types=[
            pltpu.VMEM_SHARED((NT, 128), f32),
            pltpu.VMEM((BB, 128), f32),
            pltpu.VMEM((BB, 128), f32),
            pltpu.VMEM((BB, 128), f32),
            pltpu.VMEM((BB, 128), f32),
            pltpu.VMEM((ROWB,), f32),
            pltpu.VMEM((ROWB,), f32),
            pltpu.VMEM((RPT * BB,), jnp.int32),
            pltpu.VMEM((RPT, BB), jnp.int32),
            pltpu.VMEM((NW * LANES,), f32),
            pltpu.SemaphoreType.DMA,
            pltpu.SemaphoreType.DMA,
            pltpu.SemaphoreType.DMA,
            pltpu.SemaphoreType.DMA,
        ],
    )
    return kfn(vg, e_arr, tmax, src1d, dsts2d, zs)


def _post_block(o00_ref, o01_ref, o10_ref, o11_ref, s0_ref, s1_ref,
                qf_ref, wo_ref, w1_ref, b1_ref, w2_ref, b2_ref,
                gin_ref, bin_ref, gint_ref, bint_ref, out_ref):
    a0 = o00_ref[...] + o01_ref[...]
    a1 = o10_ref[...] + o11_ref[...]
    sden = s0_ref[...] + s1_ref[...] + 1e-9
    br = a0.shape[0]
    rep = jnp.concatenate(
        [jnp.broadcast_to(sden[:, h:h + 1], (br, DH)) for h in range(H)],
        axis=1)
    a0 = a0 / rep[:, :128]
    a1 = a1 / rep[:, 128:]
    attn = jnp.concatenate([a0, a1], axis=1)
    sa = jnp.dot(attn, wo_ref[...], preferred_element_type=jnp.float32)
    x = qf_ref[...] + sa
    mu = jnp.mean(x, axis=-1, keepdims=True)
    var = jnp.mean((x - mu) ** 2, axis=-1, keepdims=True)
    x = (x - mu) / jnp.sqrt(var + 1e-5) * gin_ref[...] + bin_ref[...]
    hmid = jnp.maximum(jnp.dot(x, w1_ref[...], preferred_element_type=jnp.float32)
                       + b1_ref[...], 0.0)
    f = jnp.dot(hmid, w2_ref[...], preferred_element_type=jnp.float32) + b2_ref[...]
    y = x + f
    mu2 = jnp.mean(y, axis=-1, keepdims=True)
    var2 = jnp.mean((y - mu2) ** 2, axis=-1, keepdims=True)
    out_ref[...] = ((y - mu2) / jnp.sqrt(var2 + 1e-5) * gint_ref[...]
                    + bint_ref[...])


def _post(o00, o01, o10, o11, s0, s1, q_feat, Wo, W1, b1, W2, b2,
          g_in, b_in, g_inter, b_inter):
    BR = 1000
    full = lambda r, c: pl.BlockSpec((r, c), lambda i: (0, 0))
    row = lambda c: pl.BlockSpec((BR, c), lambda i: (i, 0))
    return pl.pallas_call(
        _post_block,
        grid=(N // BR,),
        in_specs=[row(128), row(128), row(128), row(128),
                  row(128), row(128), row(DM),
                  full(DM, DM), full(DM, DFF), full(1, DFF),
                  full(DFF, DM), full(1, DM), full(1, DM), full(1, DM),
                  full(1, DM), full(1, DM)],
        out_specs=row(DM),
        out_shape=jax.ShapeDtypeStruct((N, DM), jnp.float32),
    )(o00, o01, o10, o11, s0, s1, q_feat, Wo, W1, b1.reshape(1, -1), W2,
      b2.reshape(1, -1), g_in.reshape(1, -1), b_in.reshape(1, -1),
      g_inter.reshape(1, -1), b_inter.reshape(1, -1))


def kernel(q_feat, kv_feat, edge_index, q_nids, kv_nids,
           Wq, Wk, Wv, Wo, W1, b1, W2, b2, g_in, b_in, g_inter, b_inter):
    src = edge_index[0]
    dst = edge_index[1]
    idt = src.dtype
    padi = jnp.arange(NPAD, dtype=idt)
    src1d = jnp.concatenate([src, padi % N])
    dstg1d = jnp.concatenate([dst, padi % N])
    dsts2d = jnp.concatenate([dst, N + padi % (NT - N)]).reshape(NROW, BB)
    qh, kh, v0, v1 = _projections(q_feat, kv_feat, Wq, Wk, Wv)
    zs = jnp.zeros((NT, 128), jnp.float32)
    e_arr, tmax = _edge_logits(kh, qh, src1d, dstg1d)
    s0, s1 = _edge_denoms(e_arr, dsts2d, tmax, zs)
    o00, o01 = _aggregate(0, v0, e_arr, tmax, src1d, dsts2d, zs)
    o10, o11 = _aggregate(1, v1, e_arr, tmax, src1d, dsts2d, zs)
    return _post(o00, o01, o10, o11, s0, s1, q_feat, Wo, W1, b1, W2, b2,
                 g_in, b_in, g_inter, b_inter)

# --- scband reference (transcript-rebuilt; emitter-appended) ---
"""Pipeline reference for scband-multi-head-attention-53094385713786 (READ-ONLY COPY).

The authoritative reference and input builder live on the scoring server;
editing this copy changes nothing except your own understanding.
"""

import jax, jax.numpy as jnp
import numpy as np

N = 10000
E = 160000
D_MODEL = 256
NUM_HEADS = 8
D_HEAD = 32
D_FF = 1024


def _xavier(key, shape):
    lim = float(np.sqrt(6.0 / (shape[0] + shape[1])))
    return jax.random.uniform(key, shape, jnp.float32, -lim, lim)


def _layernorm(x, g, b, eps=1e-5):
    mu = jnp.mean(x, axis=-1, keepdims=True)
    var = jnp.var(x, axis=-1, keepdims=True)
    return (x - mu) / jnp.sqrt(var + eps) * g + b


def setup_inputs(seed: int = 0) -> dict:
    key = jax.random.key(seed)
    ks = jax.random.split(key, 16)
    q_feat = jax.random.normal(ks[0], (N, D_MODEL), jnp.float32)
    kv_feat = jax.random.normal(ks[1], (N, D_MODEL), jnp.float32)
    edge_index = jax.random.randint(ks[2], (2, E), 0, N)
    q_nids = jnp.arange(N)
    kv_nids = jnp.arange(N)
    Wq = _xavier(ks[3], (D_MODEL, NUM_HEADS * D_HEAD))
    Wk = _xavier(ks[4], (D_MODEL, NUM_HEADS * D_HEAD))
    Wv = _xavier(ks[5], (D_MODEL, NUM_HEADS * D_HEAD))
    Wo = _xavier(ks[6], (NUM_HEADS * D_HEAD, D_MODEL))
    W1 = _xavier(ks[7], (D_MODEL, D_FF))
    b1 = jnp.zeros((D_FF,), jnp.float32)
    W2 = _xavier(ks[8], (D_FF, D_MODEL))
    b2 = jnp.zeros((D_MODEL,), jnp.float32)
    g_in = jnp.ones((D_MODEL,), jnp.float32)
    b_in = jnp.zeros((D_MODEL,), jnp.float32)
    g_inter = jnp.ones((D_MODEL,), jnp.float32)
    b_inter = jnp.zeros((D_MODEL,), jnp.float32)
    return {"q_feat": q_feat, "kv_feat": kv_feat, "edge_index": edge_index,
            "q_nids": q_nids, "kv_nids": kv_nids,
            "Wq": Wq, "Wk": Wk, "Wv": Wv, "Wo": Wo,
            "W1": W1, "b1": b1, "W2": W2, "b2": b2,
            "g_in": g_in, "b_in": b_in, "g_inter": g_inter, "b_inter": b_inter}


def reference(q_feat, kv_feat, edge_index, q_nids, kv_nids,
              Wq, Wk, Wv, Wo, W1, b1, W2, b2, g_in, b_in, g_inter, b_inter):
    src = edge_index[0]
    dst = edge_index[1]
    # project and store onto graph node storage (DGL graph.nodes[nids].data[...] = ...)
    q = (q_feat @ Wq).reshape(-1, NUM_HEADS, D_HEAD)
    k = (kv_feat @ Wk).reshape(-1, NUM_HEADS, D_HEAD)
    v = (kv_feat @ Wv).reshape(-1, NUM_HEADS, D_HEAD)
    node_q = jnp.zeros((N, NUM_HEADS, D_HEAD), jnp.float32).at[q_nids].set(q)
    node_k = jnp.zeros((N, NUM_HEADS, D_HEAD), jnp.float32).at[kv_nids].set(k)
    node_v = jnp.zeros((N, NUM_HEADS, D_HEAD), jnp.float32).at[kv_nids].set(v)
    # apply_edges(fn.u_mul_v(key, query)) then sum over d_head, scale
    e = jnp.sum(node_k[src] * node_q[dst], axis=-1) / np.sqrt(D_HEAD)  # [E, H]
    # edge_softmax over incoming edges per destination node
    m = jax.ops.segment_max(e, dst, num_segments=N)
    m = jnp.where(jnp.isfinite(m), m, 0.0)
    ex = jnp.exp(e - m[dst])
    s = jax.ops.segment_sum(ex, dst, num_segments=N)
    att = ex / (s[dst] + 1e-9)  # dropa is identity (p=0, eval)
    # pull: u_mul_e(value, att) then sum-reduce to dst
    msg = node_v[src] * att[:, :, None]  # [E, H, D_HEAD]
    out = jax.ops.segment_sum(msg, dst, num_segments=N)
    out = out[q_nids].reshape(-1, NUM_HEADS * D_HEAD)
    sa = out @ Wo
    feat = _layernorm(q_feat + sa, g_in, b_in)
    ffn = jnp.maximum(feat @ W1 + b1, 0.0) @ W2 + b2
    feat = _layernorm(feat + ffn, g_inter, b_inter)
    return feat

if __name__ == "__main__":
    import jax
    _d = setup_inputs()
    print(jax.jit(kernel)(*tuple(_d.values())))

</pallas_src>

<mosaic_0001>
#map = affine_map<(d0, d1) -> (0, 0)>
#map1 = affine_map<(d0, d1) -> (0)>
module attributes {stable_mosaic.version = 14 : i64} {
  func.func @_logits_body(%arg0: i32, %arg1: i32, %arg2: memref<10000x256xf32, #tpu.memory_space<hbm>>, %arg3: memref<10000x256xf32, #tpu.memory_space<hbm>>, %arg4: memref<163840xi32, #tpu.memory_space<hbm>>, %arg5: memref<163840xi32, #tpu.memory_space<hbm>>, %arg6: memref<2621440xf32, #tpu.memory_space<hbm>>, %arg7: memref<512xf32, #tpu.memory_space<hbm>>, %arg8: memref<5120xi32, #tpu.memory_space<vmem>>, %arg9: memref<5120xi32, #tpu.memory_space<vmem>>, %arg10: memref<64x256xf32, #tpu.memory_space<vmem>>, %arg11: memref<64x256xf32, #tpu.memory_space<vmem>>, %arg12: memref<64x256xf32, #tpu.memory_space<vmem>>, %arg13: memref<64x256xf32, #tpu.memory_space<vmem>>, %arg14: memref<1024xf32, #tpu.memory_space<vmem>>, %arg15: memref<1024xf32, #tpu.memory_space<vmem>>, %arg16: memref<16xf32, #tpu.memory_space<vmem>>, %arg17: memref<!tpu.dma_semaphore, #tpu.memory_space<semaphore_mem>>, %arg18: memref<!tpu.dma_semaphore, #tpu.memory_space<semaphore_mem>>, %arg19: memref<!tpu.dma_semaphore, #tpu.memory_space<semaphore_mem>>, %arg20: memref<!tpu.dma_semaphore, #tpu.memory_space<semaphore_mem>>) attributes {dimension_semantics = [#tpu.dimension_semantics<core_parallel>, #tpu.dimension_semantics<subcore_parallel>], iteration_bounds = array<i64: 2, 16>, scalar_prefetch = 0 : i64, scratch_operands = 13 : i64, tpu.core_type = #tpu.core_type<sc_vector_subcore>, window_params = [{transform_indices = #map}, {transform_indices = #map}, {transform_indices = #map1}, {transform_indices = #map1}, {transform_indices = #map1}, {transform_indices = #map1}]} {
    %mul3A = arith.constant 16 : i32
    %mul3A_0 = arith.muli %arg0, %mul3A : i32
    %add3A = arith.addi %mul3A_0, %arg1 : i32
    %mul3A_1 = arith.constant 80 : i32
    %mul3A_2 = arith.muli %add3A, %mul3A_1 : i32
    %multiple_of3A = tpu.assume_multiple %mul3A_2, 8 : i32
    %iota3A = tpu.iota {dimensions = array<i32: 0>} : vector<16xi32>
    %broadcast_in_dim3A = arith.constant -1.000000e+30 : f32
    %broadcast_in_dim3A_3 = vector.broadcast %broadcast_in_dim3A : f32 to vector<16xf32>
    %lt3A = arith.constant 8 : i32
    %lt3A_4 = vector.broadcast %lt3A : i32 to vector<16xi32>
    %lt3A_5 = arith.cmpi slt, %iota3A, %lt3A_4 : vector<16xi32>
    %mul3A_6 = arith.constant 64 : i32
    %mul3A_7 = arith.muli %multiple_of3A, %mul3A_6 : i32
    "tpu.region"() ({
      %run_scoped3A = tpu.sem_alloc : memref<!tpu.dma_semaphore, #tpu.memory_space<semaphore_mem>>
      %dma_start3A_50 = tpu.memref_slice %arg4[%mul3A_7] : memref<163840xi32, #tpu.memory_space<hbm>> -> memref<5120xi32, #tpu.memory_space<hbm>>
      %dma_start3A_51 = tpu.memref_slice %arg4[%mul3A_7] : memref<163840xi32, #tpu.memory_space<hbm>> -> memref<5120xi32, #tpu.memory_space<hbm>>
      tpu.enqueue_dma source(%dma_start3A_51 : memref<5120xi32, #tpu.memory_space<hbm>>) target(%arg8 : memref<5120xi32, #tpu.memory_space<vmem>>) target_semaphore(%run_scoped3A : memref<!tpu.dma_semaphore, #tpu.memory_space<semaphore_mem>>)
      %dma_wait3A_52 = tpu.memref_slice %arg4[%mul3A_7] : memref<163840xi32, #tpu.memory_space<hbm>> -> memref<5120xi32, #tpu.memory_space<hbm>>
      %dma_wait3A_53 = tpu.memref_slice %arg4[%mul3A_7] : memref<163840xi32, #tpu.memory_space<hbm>> -> memref<5120xi32, #tpu.memory_space<hbm>>
      tpu.wait_dma2 semaphore(%run_scoped3A : memref<!tpu.dma_semaphore, #tpu.memory_space<semaphore_mem>>) src(%dma_wait3A_53 : memref<5120xi32, #tpu.memory_space<hbm>>) dst(%arg8 : memref<5120xi32, #tpu.memory_space<vmem>>)
      tpu.yield
    }) : () -> ()
    %mul3A_8 = arith.constant 64 : i32
    %mul3A_9 = arith.muli %multiple_of3A, %mul3A_8 : i32
    "tpu.region"() ({
      %run_scoped3A = tpu.sem_alloc : memref<!tpu.dma_semaphore, #tpu.memory_space<semaphore_mem>>
      %dma_start3A_50 = tpu.memref_slice %arg5[%mul3A_9] : memref<163840xi32, #tpu.memory_space<hbm>> -> memref<5120xi32, #tpu.memory_space<hbm>>
      %dma_start3A_51 = tpu.memref_slice %arg5[%mul3A_9] : memref<163840xi32, #tpu.memory_space<hbm>> -> memref<5120xi32, #tpu.memory_space<hbm>>
      tpu.enqueue_dma source(%dma_start3A_51 : memref<5120xi32, #tpu.memory_space<hbm>>) target(%arg9 : memref<5120xi32, #tpu.memory_space<vmem>>) target_semaphore(%run_scoped3A : memref<!tpu.dma_semaphore, #tpu.memory_space<semaphore_mem>>)
      %dma_wait3A_52 = tpu.memref_slice %arg5[%mul3A_9] : memref<163840xi32, #tpu.memory_space<hbm>> -> memref<5120xi32, #tpu.memory_space<hbm>>
      %dma_wait3A_53 = tpu.memref_slice %arg5[%mul3A_9] : memref<163840xi32, #tpu.memory_space<hbm>> -> memref<5120xi32, #tpu.memory_space<hbm>>
      tpu.wait_dma2 semaphore(%run_scoped3A : memref<!tpu.dma_semaphore, #tpu.memory_space<semaphore_mem>>) src(%dma_wait3A_53 : memref<5120xi32, #tpu.memory_space<hbm>>) dst(%arg9 : memref<5120xi32, #tpu.memory_space<vmem>>)
      tpu.yield
    }) : () -> ()
    %dma_start3A = arith.constant 0 : i32
    %dma_start3A_10 = tpu.memref_slice %arg8[%dma_start3A] : memref<5120xi32, #tpu.memory_space<vmem>> -> memref<64xi32, #tpu.memory_space<vmem>>
    %dma_start3A_11 = arith.constant 0 : i32
    %dma_start3A_12 = arith.constant 0 : i32
    %dma_start3A_13 = tpu.memref_slice %arg2[%dma_start3A_11, %dma_start3A_12] : memref<10000x256xf32, #tpu.memory_space<hbm>> -> memref<10000x256xf32, #tpu.memory_space<hbm>>
    tpu.enqueue_indirect_dma source(%dma_start3A_13 : memref<10000x256xf32, #tpu.memory_space<hbm>>) target(%arg10 : memref<64x256xf32, #tpu.memory_space<vmem>>) offsets(%dma_start3A_10 : memref<64xi32, #tpu.memory_space<vmem>>) semaphore(%arg17 : memref<!tpu.dma_semaphore, #tpu.memory_space<semaphore_mem>>)
    %dma_start3A_14 = arith.constant 0 : i32
    %dma_start3A_15 = tpu.memref_slice %arg9[%dma_start3A_14] : memref<5120xi32, #tpu.memory_space<vmem>> -> memref<64xi32, #tpu.memory_space<vmem>>
    %dma_start3A_16 = arith.constant 0 : i32
    %dma_start3A_17 = arith.constant 0 : i32
    %dma_start3A_18 = tpu.memref_slice %arg3[%dma_start3A_16, %dma_start3A_17] : memref<10000x256xf32, #tpu.memory_space<hbm>> -> memref<10000x256xf32, #tpu.memory_space<hbm>>
    tpu.enqueue_indirect_dma source(%dma_start3A_18 : memref<10000x256xf32, #tpu.memory_space<hbm>>) target(%arg11 : memref<64x256xf32, #tpu.memory_space<vmem>>) offsets(%dma_start3A_15 : memref<64xi32, #tpu.memory_space<vmem>>) semaphore(%arg17 : memref<!tpu.dma_semaphore, #tpu.memory_space<semaphore_mem>>)
    %dma_start3A_19 = arith.constant 64 : i32
    %dma_start3A_20 = tpu.memref_slice %arg8[%dma_start3A_19] : memref<5120xi32, #tpu.memory_space<vmem>> -> memref<64xi32, #tpu.memory_space<vmem>>
    %dma_start3A_21 = arith.constant 0 : i32
    %dma_start3A_22 = arith.constant 0 : i32
    %dma_start3A_23 = tpu.memref_slice %arg2[%dma_start3A_21, %dma_start3A_22] : memref<10000x256xf32, #tpu.memory_space<hbm>> -> memref<10000x256xf32, #tpu.memory_space<hbm>>
    tpu.enqueue_indirect_dma source(%dma_start3A_23 : memref<10000x256xf32, #tpu.memory_space<hbm>>) target(%arg12 : memref<64x256xf32, #tpu.memory_space<vmem>>) offsets(%dma_start3A_20 : memref<64xi32, #tpu.memory_space<vmem>>) semaphore(%arg18 : memref<!tpu.dma_semaphore, #tpu.memory_space<semaphore_mem>>)
    %dma_start3A_24 = arith.constant 64 : i32
    %dma_start3A_25 = tpu.memref_slice %arg9[%dma_start3A_24] : memref<5120xi32, #tpu.memory_space<vmem>> -> memref<64xi32, #tpu.memory_space<vmem>>
    %dma_start3A_26 = arith.constant 0 : i32
    %dma_start3A_27 = arith.constant 0 : i32
    %dma_start3A_28 = tpu.memref_slice %arg3[%dma_start3A_26, %dma_start3A_27] : memref<10000x256xf32, #tpu.memory_space<hbm>> -> memref<10000x256xf32, #tpu.memory_space<hbm>>
    tpu.enqueue_indirect_dma source(%dma_start3A_28 : memref<10000x256xf32, #tpu.memory_space<hbm>>) target(%arg13 : memref<64x256xf32, #tpu.memory_space<vmem>>) offsets(%dma_start3A_25 : memref<64xi32, #tpu.memory_space<vmem>>) semaphore(%arg18 : memref<!tpu.dma_semaphore, #tpu.memory_space<semaphore_mem>>)
    %scan3A = arith.constant 0 : i32
    %scan3A_29 = arith.constant 40 : i32
    %scan3A_30 = arith.addi %scan3A, %scan3A_29 : i32
    %scan3A_31 = arith.constant 1 : i32
    %scan3A_32 = scf.for %scan3A_50 = %scan3A to %scan3A_30 step %scan3A_31 iter_args(%scan3A_51 = %broadcast_in_dim3A_3) -> (vector<16xf32>)  : i32 {
      %mul3A_52 = arith.constant 2 : i32
      %mul3A_53 = arith.muli %mul3A_52, %scan3A_50 : i32
      %add3A_54 = arith.constant 1 : i32
      %add3A_55 = arith.addi %mul3A_53, %add3A_54 : i32
      %gt3A = arith.constant 0 : i32
      %gt3A_56 = arith.cmpi sgt, %scan3A_50, %gt3A : i32
      %convert_element_type3A = arith.extui %gt3A_56 : i1 to i32
      %cond3A = arith.constant 0 : i32
      %cond3A_57 = arith.cmpi ne, %convert_element_type3A, %cond3A : i32
      scf.if %cond3A_57 {
        %add3A_114 = arith.addi %multiple_of3A, %mul3A_53 : i32
        %mul3A_115 = arith.constant 1024 : i32
        %mul3A_116 = arith.muli %add3A_114, %mul3A_115 : i32
        %dma_wait3A_117 = tpu.memref_slice %arg6[%mul3A_116] : memref<2621440xf32, #tpu.memory_space<hbm>> -> memref<1024xf32, #tpu.memory_space<hbm>>
        %dma_wait3A_118 = tpu.memref_slice %arg6[%mul3A_116] : memref<2621440xf32, #tpu.memory_space<hbm>> -> memref<1024xf32, #tpu.memory_space<hbm>>
        tpu.wait_dma2 semaphore(%arg19 : memref<!tpu.dma_semaphore, #tpu.memory_space<semaphore_mem>>) src(%arg14 : memref<1024xf32, #tpu.memory_space<vmem>>) dst(%dma_wait3A_118 : memref<1024xf32, #tpu.memory_space<hbm>>)
        %add3A_119 = arith.addi %multiple_of3A, %add3A_55 : i32
        %mul3A_120 = arith.constant 1024 : i32
        %mul3A_121 = arith.muli %add3A_119, %mul3A_120 : i32
        %dma_wait3A_122 = tpu.memref_slice %arg6[%mul3A_121] : memref<2621440xf32, #tpu.memory_space<hbm>> -> memref<1024xf32, #tpu.memory_space<hbm>>
        %dma_wait3A_123 = tpu.memref_slice %arg6[%mul3A_121] : memref<2621440xf32, #tpu.memory_space<hbm>> -> memref<1024xf32, #tpu.memory_space<hbm>>
        tpu.wait_dma2 semaphore(%arg20 : memref<!tpu.dma_semaphore, #tpu.memory_space<semaphore_mem>>) src(%arg15 : memref<1024xf32, #tpu.memory_space<vmem>>) dst(%dma_wait3A_123 : memref<1024xf32, #tpu.memory_space<hbm>>)
      } else {
      }
      %mul3A_58 = arith.constant 64 : i32
      %mul3A_59 = arith.muli %mul3A_53, %mul3A_58 : i32
      %dma_wait3A_60 = tpu.memref_slice %arg8[%mul3A_59] : memref<5120xi32, #tpu.memory_space<vmem>> -> memref<64xi32, #tpu.memory_space<vmem>>
      %dma_wait3A_61 = arith.constant 0 : i32
      %dma_wait3A_62 = arith.constant 0 : i32
      %dma_wait3A_63 = tpu.memref_slice %arg2[%dma_wait3A_61, %dma_wait3A_62] : memref<10000x256xf32, #tpu.memory_space<hbm>> -> memref<10000x256xf32, #tpu.memory_space<hbm>>
      tpu.wait_indirect_dma semaphore(%arg17 : memref<!tpu.dma_semaphore, #tpu.memory_space<semaphore_mem>>) src(%dma_wait3A_63 : memref<10000x256xf32, #tpu.memory_space<hbm>>) dst(%arg10 : memref<64x256xf32, #tpu.memory_space<vmem>>)
      %mul3A_64 = arith.constant 64 : i32
      %mul3A_65 = arith.muli %mul3A_53, %mul3A_64 : i32
      %dma_wait3A_66 = tpu.memref_slice %arg9[%mul3A_65] : memref<5120xi32, #tpu.memory_space<vmem>> -> memref<64xi32, #tpu.memory_space<vmem>>
      %dma_wait3A_67 = arith.constant 0 : i32
      %dma_wait3A_68 = arith.constant 0 : i32
      %dma_wait3A_69 = tpu.memref_slice %arg3[%dma_wait3A_67, %dma_wait3A_68] : memref<10000x256xf32, #tpu.memory_space<hbm>> -> memref<10000x256xf32, #tpu.memory_space<hbm>>
      tpu.wait_indirect_dma semaphore(%arg17 : memref<!tpu.dma_semaphore, #tpu.memory_space<semaphore_mem>>) src(%dma_wait3A_69 : memref<10000x256xf32, #tpu.memory_space<hbm>>) dst(%arg11 : memref<64x256xf32, #tpu.memory_space<vmem>>)
      %scan3A_70 = arith.constant 0 : i32
      %scan3A_71 = arith.constant 32 : i32
      %scan3A_72 = arith.addi %scan3A_70, %scan3A_71 : i32
      %scan3A_73 = arith.constant 1 : i32
      %scan3A_74 = scf.for %scan3A_114 = %scan3A_70 to %scan3A_72 step %scan3A_73 iter_args(%scan3A_115 = %scan3A_51) -> (vector<16xf32>)  : i32 {
        %mul3A_116 = arith.constant 2 : i32
        %mul3A_117 = arith.muli %mul3A_116, %scan3A_114 : i32
        %add3A_118 = arith.constant 0 : i32
        %add3A_119 = arith.addi %mul3A_117, %add3A_118 : i32
        %iota3A_120 = tpu.iota {dimensions = array<i32: 0>} : vector<16xi32>
        %lt3A_121 = arith.constant 8 : i32
        %lt3A_122 = vector.broadcast %lt3A_121 : i32 to vector<16xi32>
        %lt3A_123 = arith.cmpi slt, %iota3A_120, %lt3A_122 : vector<16xi32>
        %and3A = arith.constant 4 : i32
        %and3A_124 = vector.broadcast %and3A : i32 to vector<16xi32>
        %and3A_125 = arith.andi %iota3A_120, %and3A_124 : vector<16xi32>
        %eq3A = arith.constant 0 : i32
        %eq3A_126 = vector.broadcast %eq3A : i32 to vector<16xi32>
        %eq3A_127 = arith.cmpi eq, %and3A_125, %eq3A_126 : vector<16xi32>
        %get3A = arith.index_cast %add3A_119 : i32 to index
        %get3A_128 = arith.constant 0 : index
        %get3A_129 = tpu.vector_load %arg10[%get3A, %get3A_128] {strides = array<i32>} : memref<64x256xf32, #tpu.memory_space<vmem>>, vector<1x16xf32>,
        %get3A_130 = vector.shape_cast %get3A_129 : vector<1x16xf32> to vector<16xf32>
        %get3A_131 = arith.index_cast %add3A_119 : i32 to index
        %get3A_132 = arith.constant 0 : index
        %get3A_133 = tpu.vector_load %arg11[%get3A_131, %get3A_132] {strides = array<i32>} : memref<64x256xf32, #tpu.memory_space<vmem>>, vector<1x16xf32>,
        %get3A_134 = vector.shape_cast %get3A_133 : vector<1x16xf32> to vector<16xf32>
        %mul3A_135 = arith.mulf %get3A_130, %get3A_134 : vector<16xf32>
        %get3A_136 = arith.index_cast %add3A_119 : i32 to index
        %get3A_137 = arith.constant 16 : index
        %get3A_138 = tpu.vector_load %arg10[%get3A_136, %get3A_137] {strides = array<i32>} : memref<64x256xf32, #tpu.memory_space<vmem>>, vector<1x16xf32>,
        %get3A_139 = vector.shape_cast %get3A_138 : vector<1x16xf32> to vector<16xf32>
        %get3A_140 = arith.index_cast %add3A_119 : i32 to index
        %get3A_141 = arith.constant 16 : index
        %get3A_142 = tpu.vector_load %arg11[%get3A_140, %get3A_141] {strides = array<i32>} : memref<64x256xf32, #tpu.memory_space<vmem>>, vector<1x16xf32>,
        %get3A_143 = vector.shape_cast %get3A_142 : vector<1x16xf32> to vector<16xf32>
        %mul3A_144 = arith.mulf %get3A_139, %get3A_143 : vector<16xf32>
        %add3A_145 = arith.addf %mul3A_135, %mul3A_144 : vector<16xf32>
        %get3A_146 = arith.index_cast %add3A_119 : i32 to index
        %get3A_147 = arith.constant 32 : index
        %get3A_148 = tpu.vector_load %arg10[%get3A_146, %get3A_147] {strides = array<i32>} : memref<64x256xf32, #tpu.memory_space<vmem>>, vector<1x16xf32>,
        %get3A_149 = vector.shape_cast %get3A_148 : vector<1x16xf32> to vector<16xf32>
        %get3A_150 = arith.index_cast %add3A_119 : i32 to index
        %get3A_151 = arith.constant 32 : index
        %get3A_152 = tpu.vector_load %arg11[%get3A_150, %get3A_151] {strides = array<i32>} : memref<64x256xf32, #tpu.memory_space<vmem>>, vector<1x16xf32>,
        %get3A_153 = vector.shape_cast %get3A_152 : vector<1x16xf32> to vector<16xf32>
        %mul3A_154 = arith.mulf %get3A_149, %get3A_153 : vector<16xf32>
        %get3A_155 = arith.index_cast %add3A_119 : i32 to index
        %get3A_156 = arith.constant 48 : index
        %get3A_157 = tpu.vector_load %arg10[%get3A_155, %get3A_156] {strides = array<i32>} : memref<64x256xf32, #tpu.memory_space<vmem>>, vector<1x16xf32>,
        %get3A_158 = vector.shape_cast %get3A_157 : vector<1x16xf32> to vector<16xf32>
        %get3A_159 = arith.index_cast %add3A_119 : i32 to index
        %get3A_160 = arith.constant 48 : index
        %get3A_161 = tpu.vector_load %arg11[%get3A_159, %get3A_160] {strides = array<i32>} : memref<64x256xf32, #tpu.memory_space<vmem>>, vector<1x16xf32>,
        %get3A_162 = vector.shape_cast %get3A_161 : vector<1x16xf32> to vector<16xf32>
        %mul3A_163 = arith.mulf %get3A_158, %get3A_162 : vector<16xf32>
        %add3A_164 = arith.addf %mul3A_154, %mul3A_163 : vector<16xf32>
        %get3A_165 = arith.index_cast %add3A_119 : i32 to index
        %get3A_166 = arith.constant 64 : index
        %get3A_167 = tpu.vector_load %arg10[%get3A_165, %get3A_166] {strides = array<i32>} : memref<64x256xf32, #tpu.memory_space<vmem>>, vector<1x16xf32>,
        %get3A_168 = vector.shape_cast %get3A_167 : vector<1x16xf32> to vector<16xf32>
        %get3A_169 = arith.index_cast %add3A_119 : i32 to index
        %get3A_170 = arith.constant 64 : index
        %get3A_171 = tpu.vector_load %arg11[%get3A_169, %get3A_170] {strides = array<i32>} : memref<64x256xf32, #tpu.memory_space<vmem>>, vector<1x16xf32>,
        %get3A_172 = vector.shape_cast %get3A_171 : vector<1x16xf32> to vector<16xf32>
        %mul3A_173 = arith.mulf %get3A_168, %get3A_172 : vector<16xf32>
        %get3A_174 = arith.index_cast %add3A_119 : i32 to index
        %get3A_175 = arith.constant 80 : index
        %get3A_176 = tpu.vector_load %arg10[%get3A_174, %get3A_175] {strides = array<i32>} : memref<64x256xf32, #tpu.memory_space<vmem>>, vector<1x16xf32>,
        %get3A_177 = vector.shape_cast %get3A_176 : vector<1x16xf32> to vector<16xf32>
        %get3A_178 = arith.index_cast %add3A_119 : i32 to index
        %get3A_179 = arith.constant 80 : index
        %get3A_180 = tpu.vector_load %arg11[%get3A_178, %get3A_179] {strides = array<i32>} : memref<64x256xf32, #tpu.memory_space<vmem>>, vector<1x16xf32>,
        %get3A_181 = vector.shape_cast %get3A_180 : vector<1x16xf32> to vector<16xf32>
        %mul3A_182 = arith.mulf %get3A_177, %get3A_181 : vector<16xf32>
        %add3A_183 = arith.addf %mul3A_173, %mul3A_182 : vector<16xf32>
        %get3A_184 = arith.index_cast %add3A_119 : i32 to index
        %get3A_185 = arith.constant 96 : index
        %get3A_186 = tpu.vector_load %arg10[%get3A_184, %get3A_185] {strides = array<i32>} : memref<64x256xf32, #tpu.memory_space<vmem>>, vector<1x16xf32>,
        %get3A_187 = vector.shape_cast %get3A_186 : vector<1x16xf32> to vector<16xf32>
        %get3A_188 = arith.index_cast %add3A_119 : i32 to index
        %get3A_189 = arith.constant 96 : index
        %get3A_190 = tpu.vector_load %arg11[%get3A_188, %get3A_189] {strides = array<i32>} : memref<64x256xf32, #tpu.memory_space<vmem>>, vector<1x16xf32>,
        %get3A_191 = vector.shape_cast %get3A_190 : vector<1x16xf32> to vector<16xf32>
        %mul3A_192 = arith.mulf %get3A_187, %get3A_191 : vector<16xf32>
        %get3A_193 = arith.index_cast %add3A_119 : i32 to index
        %get3A_194 = arith.constant 112 : index
        %get3A_195 = tpu.vector_load %arg10[%get3A_193, %get3A_194] {strides = array<i32>} : memref<64x256xf32, #tpu.memory_space<vmem>>, vector<1x16xf32>,
        %get3A_196 = vector.shape_cast %get3A_195 : vector<1x16xf32> to vector<16xf32>
        %get3A_197 = arith.index_cast %add3A_119 : i32 to index
        %get3A_198 = arith.constant 112 : index
        %get3A_199 = tpu.vector_load %arg11[%get3A_197, %get3A_198] {strides = array<i32>} : memref<64x256xf32, #tpu.memory_space<vmem>>, vector<1x16xf32>,
        %get3A_200 = vector.shape_cast %get3A_199 : vector<1x16xf32> to vector<16xf32>
        %mul3A_201 = arith.mulf %get3A_196, %get3A_200 : vector<16xf32>
        %add3A_202 = arith.addf %mul3A_192, %mul3A_201 : vector<16xf32>
        %get3A_203 = arith.index_cast %add3A_119 : i32 to index
        %get3A_204 = arith.constant 128 : index
        %get3A_205 = tpu.vector_load %arg10[%get3A_203, %get3A_204] {strides = array<i32>} : memref<64x256xf32, #tpu.memory_space<vmem>>, vector<1x16xf32>,
        %get3A_206 = vector.shape_cast %get3A_205 : vector<1x16xf32> to vector<16xf32>
        %get3A_207 = arith.index_cast %add3A_119 : i32 to index
        %get3A_208 = arith.constant 128 : index
        %get3A_209 = tpu.vector_load %arg11[%get3A_207, %get3A_208] {strides = array<i32>} : memref<64x256xf32, #tpu.memory_space<vmem>>, vector<1x16xf32>,
        %get3A_210 = vector.shape_cast %get3A_209 : vector<1x16xf32> to vector<16xf32>
        %mul3A_211 = arith.mulf %get3A_206, %get3A_210 : vector<16xf32>
        %get3A_212 = arith.index_cast %add3A_119 : i32 to index
        %get3A_213 = arith.constant 144 : index
        %get3A_214 = tpu.vector_load %arg10[%get3A_212, %get3A_213] {strides = array<i32>} : memref<64x256xf32, #tpu.memory_space<vmem>>, vector<1x16xf32>,
        %get3A_215 = vector.shape_cast %get3A_214 : vector<1x16xf32> to vector<16xf32>
        %get3A_216 = arith.index_cast %add3A_119 : i32 to index
        %get3A_217 = arith.constant 144 : index
        %get3A_218 = tpu.vector_load %arg11[%get3A_216, %get3A_217] {strides = array<i32>} : memref<64x256xf32, #tpu.memory_space<vmem>>, vector<1x16xf32>,
        %get3A_219 = vector.shape_cast %get3A_218 : vector<1x16xf32> to vector<16xf32>
        %mul3A_220 = arith.mulf %get3A_215, %get3A_219 : vector<16xf32>
        %add3A_221 = arith.addf %mul3A_211, %mul3A_220 : vector<16xf32>
        %get3A_222 = arith.index_cast %add3A_119 : i32 to index
        %get3A_223 = arith.constant 160 : index
        %get3A_224 = tpu.vector_load %arg10[%get3A_222, %get3A_223] {strides = array<i32>} : memref<64x256xf32, #tpu.memory_space<vmem>>, vector<1x16xf32>,
        %get3A_225 = vector.shape_cast %get3A_224 : vector<1x16xf32> to vector<16xf32>
        %get3A_226 = arith.index_cast %add3A_119 : i32 to index
        %get3A_227 = arith.constant 160 : index
        %get3A_228 = tpu.vector_load %arg11[%get3A_226, %get3A_227] {strides = array<i32>} : memref<64x256xf32, #tpu.memory_space<vmem>>, vector<1x16xf32>,
        %get3A_229 = vector.shape_cast %get3A_228 : vector<1x16xf32> to vector<16xf32>
        %mul3A_230 = arith.mulf %get3A_225, %get3A_229 : vector<16xf32>
        %get3A_231 = arith.index_cast %add3A_119 : i32 to index
        %get3A_232 = arith.constant 176 : index
        %get3A_233 = tpu.vector_load %arg10[%get3A_231, %get3A_232] {strides = array<i32>} : memref<64x256xf32, #tpu.memory_space<vmem>>, vector<1x16xf32>,
        %get3A_234 = vector.shape_cast %get3A_233 : vector<1x16xf32> to vector<16xf32>
        %get3A_235 = arith.index_cast %add3A_119 : i32 to index
        %get3A_236 = arith.constant 176 : index
        %get3A_237 = tpu.vector_load %arg11[%get3A_235, %get3A_236] {strides = array<i32>} : memref<64x256xf32, #tpu.memory_space<vmem>>, vector<1x16xf32>,
        %get3A_238 = vector.shape_cast %get3A_237 : vector<1x16xf32> to vector<16xf32>
        %mul3A_239 = arith.mulf %get3A_234, %get3A_238 : vector<16xf32>
        %add3A_240 = arith.addf %mul3A_230, %mul3A_239 : vector<16xf32>
        %get3A_241 = arith.index_cast %add3A_119 : i32 to index
        %get3A_242 = arith.constant 192 : index
        %get3A_243 = tpu.vector_load %arg10[%get3A_241, %get3A_242] {strides = array<i32>} : memref<64x256xf32, #tpu.memory_space<vmem>>, vector<1x16xf32>,
        %get3A_244 = vector.shape_cast %get3A_243 : vector<1x16xf32> to vector<16xf32>
        %get3A_245 = arith.index_cast %add3A_119 : i32 to index
        %get3A_246 = arith.constant 192 : index
        %get3A_247 = tpu.vector_load %arg11[%get3A_245, %get3A_246] {strides = array<i32>} : memref<64x256xf32, #tpu.memory_space<vmem>>, vector<1x16xf32>,
        %get3A_248 = vector.shape_cast %get3A_247 : vector<1x16xf32> to vector<16xf32>
        %mul3A_249 = arith.mulf %get3A_244, %get3A_248 : vector<16xf32>
        %get3A_250 = arith.index_cast %add3A_119 : i32 to index
        %get3A_251 = arith.constant 208 : index
        %get3A_252 = tpu.vector_load %arg10[%get3A_250, %get3A_251] {strides = array<i32>} : memref<64x256xf32, #tpu.memory_space<vmem>>, vector<1x16xf32>,
        %get3A_253 = vector.shape_cast %get3A_252 : vector<1x16xf32> to vector<16xf32>
        %get3A_254 = arith.index_cast %add3A_119 : i32 to index
        %get3A_255 = arith.constant 208 : index
        %get3A_256 = tpu.vector_load %arg11[%get3A_254, %get3A_255] {strides = array<i32>} : memref<64x256xf32, #tpu.memory_space<vmem>>, vector<1x16xf32>,
        %get3A_257 = vector.shape_cast %get3A_256 : vector<1x16xf32> to vector<16xf32>
        %mul3A_258 = arith.mulf %get3A_253, %get3A_257 : vector<16xf32>
        %add3A_259 = arith.addf %mul3A_249, %mul3A_258 : vector<16xf32>
        %get3A_260 = arith.index_cast %add3A_119 : i32 to index
        %get3A_261 = arith.constant 224 : index
        %get3A_262 = tpu.vector_load %arg10[%get3A_260, %get3A_261] {strides = array<i32>} : memref<64x256xf32, #tpu.memory_space<vmem>>, vector<1x16xf32>,
        %get3A_263 = vector.shape_cast %get3A_262 : vector<1x16xf32> to vector<16xf32>
        %get3A_264 = arith.index_cast %add3A_119 : i32 to index
        %get3A_265 = arith.constant 224 : index
        %get3A_266 = tpu.vector_load %arg11[%get3A_264, %get3A_265] {strides = array<i32>} : memref<64x256xf32, #tpu.memory_space<vmem>>, vector<1x16xf32>,
        %get3A_267 = vector.shape_cast %get3A_266 : vector<1x16xf32> to vector<16xf32>
        %mul3A_268 = arith.mulf %get3A_263, %get3A_267 : vector<16xf32>
        %get3A_269 = arith.index_cast %add3A_119 : i32 to index
        %get3A_270 = arith.constant 240 : index
        %get3A_271 = tpu.vector_load %arg10[%get3A_269, %get3A_270] {strides = array<i32>} : memref<64x256xf32, #tpu.memory_space<vmem>>, vector<1x16xf32>,
        %get3A_272 = vector.shape_cast %get3A_271 : vector<1x16xf32> to vector<16xf32>
        %get3A_273 = arith.index_cast %add3A_119 : i32 to index
        %get3A_274 = arith.constant 240 : index
        %get3A_275 = tpu.vector_load %arg11[%get3A_273, %get3A_274] {strides = array<i32>} : memref<64x256xf32, #tpu.memory_space<vmem>>, vector<1x16xf32>,
        %get3A_276 = vector.shape_cast %get3A_275 : vector<1x16xf32> to vector<16xf32>
        %mul3A_277 = arith.mulf %get3A_272, %get3A_276 : vector<16xf32>
        %add3A_278 = arith.addf %mul3A_268, %mul3A_277 : vector<16xf32>
        %select_n3A = arith.select %lt3A_123, %add3A_145, %add3A_164 : vector<16xi1>, vector<16xf32>
        %select_n3A_279 = arith.select %lt3A_123, %add3A_164, %add3A_145 : vector<16xi1>, vector<16xf32>
        %xor3A = arith.constant 8 : i32
        %xor3A_280 = vector.broadcast %xor3A : i32 to vector<16xi32>
        %xor3A_281 = arith.xori %iota3A_120, %xor3A_280 : vector<16xi32>
        %lt3A_282 = arith.constant 0 : i32
        %lt3A_283 = vector.broadcast %lt3A_282 : i32 to vector<16xi32>
        %lt3A_284 = arith.cmpi slt, %xor3A_281, %lt3A_283 : vector<16xi32>
        %add3A_285 = arith.constant 16 : i32
        %add3A_286 = vector.broadcast %add3A_285 : i32 to vector<16xi32>
        %add3A_287 = arith.addi %xor3A_281, %add3A_286 : vector<16xi32>
        %select_n3A_288 = arith.select %lt3A_284, %add3A_287, %xor3A_281 : vector<16xi1>, vector<16xi32>
        %broadcast_in_dim3A_289 = vector.shape_cast %select_n3A_288 : vector<16xi32> to vector<16x1xi32>
        %gather3A = vector.shape_cast %broadcast_in_dim3A_289 : vector<16x1xi32> to vector<16xi32>
        %gather3A_290 = tpu.dynamic_gather %select_n3A_279[%gather3A] in [0] : vector<16xf32>, vector<16xi32> -> vector<16xf32>
        %add3A_291 = arith.addf %select_n3A, %gather3A_290 : vector<16xf32>
        %select_n3A_292 = arith.select %lt3A_123, %add3A_183, %add3A_202 : vector<16xi1>, vector<16xf32>
        %select_n3A_293 = arith.select %lt3A_123, %add3A_202, %add3A_183 : vector<16xi1>, vector<16xf32>
        %xor3A_294 = arith.constant 8 : i32
        %xor3A_295 = vector.broadcast %xor3A_294 : i32 to vector<16xi32>
        %xor3A_296 = arith.xori %iota3A_120, %xor3A_295 : vector<16xi32>
        %lt3A_297 = arith.constant 0 : i32
        %lt3A_298 = vector.broadcast %lt3A_297 : i32 to vector<16xi32>
        %lt3A_299 = arith.cmpi slt, %xor3A_296, %lt3A_298 : vector<16xi32>
        %add3A_300 = arith.constant 16 : i32
        %add3A_301 = vector.broadcast %add3A_300 : i32 to vector<16xi32>
        %add3A_302 = arith.addi %xor3A_296, %add3A_301 : vector<16xi32>
        %select_n3A_303 = arith.select %lt3A_299, %add3A_302, %xor3A_296 : vector<16xi1>, vector<16xi32>
        %broadcast_in_dim3A_304 = vector.shape_cast %select_n3A_303 : vector<16xi32> to vector<16x1xi32>
        %gather3A_305 = vector.shape_cast %broadcast_in_dim3A_304 : vector<16x1xi32> to vector<16xi32>
        %gather3A_306 = tpu.dynamic_gather %select_n3A_293[%gather3A_305] in [0] : vector<16xf32>, vector<16xi32> -> vector<16xf32>
        %add3A_307 = arith.addf %select_n3A_292, %gather3A_306 : vector<16xf32>
        %select_n3A_308 = arith.select %lt3A_123, %add3A_221, %add3A_240 : vector<16xi1>, vector<16xf32>
        %select_n3A_309 = arith.select %lt3A_123, %add3A_240, %add3A_221 : vector<16xi1>, vector<16xf32>
        %xor3A_310 = arith.constant 8 : i32
        %xor3A_311 = vector.broadcast %xor3A_310 : i32 to vector<16xi32>
        %xor3A_312 = arith.xori %iota3A_120, %xor3A_311 : vector<16xi32>
        %lt3A_313 = arith.constant 0 : i32
        %lt3A_314 = vector.broadcast %lt3A_313 : i32 to vector<16xi32>
        %lt3A_315 = arith.cmpi slt, %xor3A_312, %lt3A_314 : vector<16xi32>
        %add3A_316 = arith.constant 16 : i32
        %add3A_317 = vector.broadcast %add3A_316 : i32 to vector<16xi32>
        %add3A_318 = arith.addi %xor3A_312, %add3A_317 : vector<16xi32>
        %select_n3A_319 = arith.select %lt3A_315, %add3A_318, %xor3A_312 : vector<16xi1>, vector<16xi32>
        %broadcast_in_dim3A_320 = vector.shape_cast %select_n3A_319 : vector<16xi32> to vector<16x1xi32>
        %gather3A_321 = vector.shape_cast %broadcast_in_dim3A_320 : vector<16x1xi32> to vector<16xi32>
        %gather3A_322 = tpu.dynamic_gather %select_n3A_309[%gather3A_321] in [0] : vector<16xf32>, vector<16xi32> -> vector<16xf32>
        %add3A_323 = arith.addf %select_n3A_308, %gather3A_322 : vector<16xf32>
        %select_n3A_324 = arith.select %lt3A_123, %add3A_259, %add3A_278 : vector<16xi1>, vector<16xf32>
        %select_n3A_325 = arith.select %lt3A_123, %add3A_278, %add3A_259 : vector<16xi1>, vector<16xf32>
        %xor3A_326 = arith.constant 8 : i32
        %xor3A_327 = vector.broadcast %xor3A_326 : i32 to vector<16xi32>
        %xor3A_328 = arith.xori %iota3A_120, %xor3A_327 : vector<16xi32>
        %lt3A_329 = arith.constant 0 : i32
        %lt3A_330 = vector.broadcast %lt3A_329 : i32 to vector<16xi32>
        %lt3A_331 = arith.cmpi slt, %xor3A_328, %lt3A_330 : vector<16xi32>
        %add3A_332 = arith.constant 16 : i32
        %add3A_333 = vector.broadcast %add3A_332 : i32 to vector<16xi32>
        %add3A_334 = arith.addi %xor3A_328, %add3A_333 : vector<16xi32>
        %select_n3A_335 = arith.select %lt3A_331, %add3A_334, %xor3A_328 : vector<16xi1>, vector<16xi32>
        %broadcast_in_dim3A_336 = vector.shape_cast %select_n3A_335 : vector<16xi32> to vector<16x1xi32>
        %gather3A_337 = vector.shape_cast %broadcast_in_dim3A_336 : vector<16x1xi32> to vector<16xi32>
        %gather3A_338 = tpu.dynamic_gather %select_n3A_325[%gather3A_337] in [0] : vector<16xf32>, vector<16xi32> -> vector<16xf32>
        %add3A_339 = arith.addf %select_n3A_324, %gather3A_338 : vector<16xf32>
        %xor3A_340 = arith.constant 4 : i32
        %xor3A_341 = vector.broadcast %xor3A_340 : i32 to vector<16xi32>
        %xor3A_342 = arith.xori %iota3A_120, %xor3A_341 : vector<16xi32>
        %lt3A_343 = arith.constant 0 : i32
        %lt3A_344 = vector.broadcast %lt3A_343 : i32 to vector<16xi32>
        %lt3A_345 = arith.cmpi slt, %xor3A_342, %lt3A_344 : vector<16xi32>
        %add3A_346 = arith.constant 16 : i32
        %add3A_347 = vector.broadcast %add3A_346 : i32 to vector<16xi32>
        %add3A_348 = arith.addi %xor3A_342, %add3A_347 : vector<16xi32>
        %select_n3A_349 = arith.select %lt3A_345, %add3A_348, %xor3A_342 : vector<16xi1>, vector<16xi32>
        %broadcast_in_dim3A_350 = vector.shape_cast %select_n3A_349 : vector<16xi32> to vector<16x1xi32>
        %gather3A_351 = vector.shape_cast %broadcast_in_dim3A_350 : vector<16x1xi32> to vector<16xi32>
        %gather3A_352 = tpu.dynamic_gather %add3A_291[%gather3A_351] in [0] : vector<16xf32>, vector<16xi32> -> vector<16xf32>
        %add3A_353 = arith.addf %add3A_291, %gather3A_352 : vector<16xf32>
        %xor3A_354 = arith.constant 4 : i32
        %xor3A_355 = vector.broadcast %xor3A_354 : i32 to vector<16xi32>
        %xor3A_356 = arith.xori %iota3A_120, %xor3A_355 : vector<16xi32>
        %lt3A_357 = arith.constant 0 : i32
        %lt3A_358 = vector.broadcast %lt3A_357 : i32 to vector<16xi32>
        %lt3A_359 = arith.cmpi slt, %xor3A_356, %lt3A_358 : vector<16xi32>
        %add3A_360 = arith.constant 16 : i32
        %add3A_361 = vector.broadcast %add3A_360 : i32 to vector<16xi32>
        %add3A_362 = arith.addi %xor3A_356, %add3A_361 : vector<16xi32>
        %select_n3A_363 = arith.select %lt3A_359, %add3A_362, %xor3A_356 : vector<16xi1>, vector<16xi32>
        %broadcast_in_dim3A_364 = vector.shape_cast %select_n3A_363 : vector<16xi32> to vector<16x1xi32>
        %gather3A_365 = vector.shape_cast %broadcast_in_dim3A_364 : vector<16x1xi32> to vector<16xi32>
        %gather3A_366 = tpu.dynamic_gather %add3A_307[%gather3A_365] in [0] : vector<16xf32>, vector<16xi32> -> vector<16xf32>
        %add3A_367 = arith.addf %add3A_307, %gather3A_366 : vector<16xf32>
        %xor3A_368 = arith.constant 4 : i32
        %xor3A_369 = vector.broadcast %xor3A_368 : i32 to vector<16xi32>
        %xor3A_370 = arith.xori %iota3A_120, %xor3A_369 : vector<16xi32>
        %lt3A_371 = arith.constant 0 : i32
        %lt3A_372 = vector.broadcast %lt3A_371 : i32 to vector<16xi32>
        %lt3A_373 = arith.cmpi slt, %xor3A_370, %lt3A_372 : vector<16xi32>
        %add3A_374 = arith.constant 16 : i32
        %add3A_375 = vector.broadcast %add3A_374 : i32 to vector<16xi32>
        %add3A_376 = arith.addi %xor3A_370, %add3A_375 : vector<16xi32>
        %select_n3A_377 = arith.select %lt3A_373, %add3A_376, %xor3A_370 : vector<16xi1>, vector<16xi32>
        %broadcast_in_dim3A_378 = vector.shape_cast %select_n3A_377 : vector<16xi32> to vector<16x1xi32>
        %gather3A_379 = vector.shape_cast %broadcast_in_dim3A_378 : vector<16x1xi32> to vector<16xi32>
        %gather3A_380 = tpu.dynamic_gather %add3A_367[%gather3A_379] in [0] : vector<16xf32>, vector<16xi32> -> vector<16xf32>
        %select_n3A_381 = arith.select %eq3A_127, %add3A_353, %gather3A_380 : vector<16xi1>, vector<16xf32>
        %xor3A_382 = arith.constant 4 : i32
        %xor3A_383 = vector.broadcast %xor3A_382 : i32 to vector<16xi32>
        %xor3A_384 = arith.xori %iota3A_120, %xor3A_383 : vector<16xi32>
        %lt3A_385 = arith.constant 0 : i32
        %lt3A_386 = vector.broadcast %lt3A_385 : i32 to vector<16xi32>
        %lt3A_387 = arith.cmpi slt, %xor3A_384, %lt3A_386 : vector<16xi32>
        %add3A_388 = arith.constant 16 : i32
        %add3A_389 = vector.broadcast %add3A_388 : i32 to vector<16xi32>
        %add3A_390 = arith.addi %xor3A_384, %add3A_389 : vector<16xi32>
        %select_n3A_391 = arith.select %lt3A_387, %add3A_390, %xor3A_384 : vector<16xi1>, vector<16xi32>
        %broadcast_in_dim3A_392 = vector.shape_cast %select_n3A_391 : vector<16xi32> to vector<16x1xi32>
        %gather3A_393 = vector.shape_cast %broadcast_in_dim3A_392 : vector<16x1xi32> to vector<16xi32>
        %gather3A_394 = tpu.dynamic_gather %add3A_323[%gather3A_393] in [0] : vector<16xf32>, vector<16xi32> -> vector<16xf32>
        %add3A_395 = arith.addf %add3A_323, %gather3A_394 : vector<16xf32>
        %xor3A_396 = arith.constant 4 : i32
        %xor3A_397 = vector.broadcast %xor3A_396 : i32 to vector<16xi32>
        %xor3A_398 = arith.xori %iota3A_120, %xor3A_397 : vector<16xi32>
        %lt3A_399 = arith.constant 0 : i32
        %lt3A_400 = vector.broadcast %lt3A_399 : i32 to vector<16xi32>
        %lt3A_401 = arith.cmpi slt, %xor3A_398, %lt3A_400 : vector<16xi32>
        %add3A_402 = arith.constant 16 : i32
        %add3A_403 = vector.broadcast %add3A_402 : i32 to vector<16xi32>
        %add3A_404 = arith.addi %xor3A_398, %add3A_403 : vector<16xi32>
        %select_n3A_405 = arith.select %lt3A_401, %add3A_404, %xor3A_398 : vector<16xi1>, vector<16xi32>
        %broadcast_in_dim3A_406 = vector.shape_cast %select_n3A_405 : vector<16xi32> to vector<16x1xi32>
        %gather3A_407 = vector.shape_cast %broadcast_in_dim3A_406 : vector<16x1xi32> to vector<16xi32>
        %gather3A_408 = tpu.dynamic_gather %add3A_339[%gather3A_407] in [0] : vector<16xf32>, vector<16xi32> -> vector<16xf32>
        %add3A_409 = arith.addf %add3A_339, %gather3A_408 : vector<16xf32>
        %xor3A_410 = arith.constant 4 : i32
        %xor3A_411 = vector.broadcast %xor3A_410 : i32 to vector<16xi32>
        %xor3A_412 = arith.xori %iota3A_120, %xor3A_411 : vector<16xi32>
        %lt3A_413 = arith.constant 0 : i32
        %lt3A_414 = vector.broadcast %lt3A_413 : i32 to vector<16xi32>
        %lt3A_415 = arith.cmpi slt, %xor3A_412, %lt3A_414 : vector<16xi32>
        %add3A_416 = arith.constant 16 : i32
        %add3A_417 = vector.broadcast %add3A_416 : i32 to vector<16xi32>
        %add3A_418 = arith.addi %xor3A_412, %add3A_417 : vector<16xi32>
        %select_n3A_419 = arith.select %lt3A_415, %add3A_418, %xor3A_412 : vector<16xi1>, vector<16xi32>
        %broadcast_in_dim3A_420 = vector.shape_cast %select_n3A_419 : vector<16xi32> to vector<16x1xi32>
        %gather3A_421 = vector.shape_cast %broadcast_in_dim3A_420 : vector<16x1xi32> to vector<16xi32>
        %gather3A_422 = tpu.dynamic_gather %add3A_409[%gather3A_421] in [0] : vector<16xf32>, vector<16xi32> -> vector<16xf32>
        %select_n3A_423 = arith.select %eq3A_127, %add3A_395, %gather3A_422 : vector<16xi1>, vector<16xf32>
        %xor3A_424 = arith.constant 2 : i32
        %xor3A_425 = vector.broadcast %xor3A_424 : i32 to vector<16xi32>
        %xor3A_426 = arith.xori %iota3A_120, %xor3A_425 : vector<16xi32>
        %lt3A_427 = arith.constant 0 : i32
        %lt3A_428 = vector.broadcast %lt3A_427 : i32 to vector<16xi32>
        %lt3A_429 = arith.cmpi slt, %xor3A_426, %lt3A_428 : vector<16xi32>
        %add3A_430 = arith.constant 16 : i32
        %add3A_431 = vector.broadcast %add3A_430 : i32 to vector<16xi32>
        %add3A_432 = arith.addi %xor3A_426, %add3A_431 : vector<16xi32>
        %select_n3A_433 = arith.select %lt3A_429, %add3A_432, %xor3A_426 : vector<16xi1>, vector<16xi32>
        %broadcast_in_dim3A_434 = vector.shape_cast %select_n3A_433 : vector<16xi32> to vector<16x1xi32>
        %gather3A_435 = vector.shape_cast %broadcast_in_dim3A_434 : vector<16x1xi32> to vector<16xi32>
        %gather3A_436 = tpu.dynamic_gather %select_n3A_381[%gather3A_435] in [0] : vector<16xf32>, vector<16xi32> -> vector<16xf32>
        %add3A_437 = arith.addf %select_n3A_381, %gather3A_436 : vector<16xf32>
        %xor3A_438 = arith.constant 1 : i32
        %xor3A_439 = vector.broadcast %xor3A_438 : i32 to vector<16xi32>
        %xor3A_440 = arith.xori %iota3A_120, %xor3A_439 : vector<16xi32>
        %lt3A_441 = arith.constant 0 : i32
        %lt3A_442 = vector.broadcast %lt3A_441 : i32 to vector<16xi32>
        %lt3A_443 = arith.cmpi slt, %xor3A_440, %lt3A_442 : vector<16xi32>
        %add3A_444 = arith.constant 16 : i32
        %add3A_445 = vector.broadcast %add3A_444 : i32 to vector<16xi32>
        %add3A_446 = arith.addi %xor3A_440, %add3A_445 : vector<16xi32>
        %select_n3A_447 = arith.select %lt3A_443, %add3A_446, %xor3A_440 : vector<16xi1>, vector<16xi32>
        %broadcast_in_dim3A_448 = vector.shape_cast %select_n3A_447 : vector<16xi32> to vector<16x1xi32>
        %gather3A_449 = vector.shape_cast %broadcast_in_dim3A_448 : vector<16x1xi32> to vector<16xi32>
        %gather3A_450 = tpu.dynamic_gather %add3A_437[%gather3A_449] in [0] : vector<16xf32>, vector<16xi32> -> vector<16xf32>
        %add3A_451 = arith.addf %add3A_437, %gather3A_450 : vector<16xf32>
        %xor3A_452 = arith.constant 2 : i32
        %xor3A_453 = vector.broadcast %xor3A_452 : i32 to vector<16xi32>
        %xor3A_454 = arith.xori %iota3A_120, %xor3A_453 : vector<16xi32>
        %lt3A_455 = arith.constant 0 : i32
        %lt3A_456 = vector.broadcast %lt3A_455 : i32 to vector<16xi32>
        %lt3A_457 = arith.cmpi slt, %xor3A_454, %lt3A_456 : vector<16xi32>
        %add3A_458 = arith.constant 16 : i32
        %add3A_459 = vector.broadcast %add3A_458 : i32 to vector<16xi32>
        %add3A_460 = arith.addi %xor3A_454, %add3A_459 : vector<16xi32>
        %select_n3A_461 = arith.select %lt3A_457, %add3A_460, %xor3A_454 : vector<16xi1>, vector<16xi32>
        %broadcast_in_dim3A_462 = vector.shape_cast %select_n3A_461 : vector<16xi32> to vector<16x1xi32>
        %gather3A_463 = vector.shape_cast %broadcast_in_dim3A_462 : vector<16x1xi32> to vector<16xi32>
        %gather3A_464 = tpu.dynamic_gather %select_n3A_423[%gather3A_463] in [0] : vector<16xf32>, vector<16xi32> -> vector<16xf32>
        %add3A_465 = arith.addf %select_n3A_423, %gather3A_464 : vector<16xf32>
        %xor3A_466 = arith.constant 1 : i32
        %xor3A_467 = vector.broadcast %xor3A_466 : i32 to vector<16xi32>
        %xor3A_468 = arith.xori %iota3A_120, %xor3A_467 : vector<16xi32>
        %lt3A_469 = arith.constant 0 : i32
        %lt3A_470 = vector.broadcast %lt3A_469 : i32 to vector<16xi32>
        %lt3A_471 = arith.cmpi slt, %xor3A_468, %lt3A_470 : vector<16xi32>
        %add3A_472 = arith.constant 16 : i32
        %add3A_473 = vector.broadcast %add3A_472 : i32 to vector<16xi32>
        %add3A_474 = arith.addi %xor3A_468, %add3A_473 : vector<16xi32>
        %select_n3A_475 = arith.select %lt3A_471, %add3A_474, %xor3A_468 : vector<16xi1>, vector<16xi32>
        %broadcast_in_dim3A_476 = vector.shape_cast %select_n3A_475 : vector<16xi32> to vector<16x1xi32>
        %gather3A_477 = vector.shape_cast %broadcast_in_dim3A_476 : vector<16x1xi32> to vector<16xi32>
        %gather3A_478 = tpu.dynamic_gather %add3A_465[%gather3A_477] in [0] : vector<16xf32>, vector<16xi32> -> vector<16xf32>
        %add3A_479 = arith.addf %add3A_465, %gather3A_478 : vector<16xf32>
        %and3A_480 = arith.constant 1 : i32
        %and3A_481 = vector.broadcast %and3A_480 : i32 to vector<16xi32>
        %and3A_482 = arith.andi %iota3A_120, %and3A_481 : vector<16xi32>
        %shift_left3A = arith.constant 3 : i32
        %shift_left3A_483 = vector.broadcast %shift_left3A : i32 to vector<16xi32>
        %shift_left3A_484 = arith.shli %and3A_482, %shift_left3A_483 : vector<16xi32>
        %and3A_485 = arith.constant 2 : i32
        %and3A_486 = vector.broadcast %and3A_485 : i32 to vector<16xi32>
        %and3A_487 = arith.andi %iota3A_120, %and3A_486 : vector<16xi32>
        %shift_left3A_488 = arith.constant 1 : i32
        %shift_left3A_489 = vector.broadcast %shift_left3A_488 : i32 to vector<16xi32>
        %shift_left3A_490 = arith.shli %and3A_487, %shift_left3A_489 : vector<16xi32>
        %or3A = arith.ori %shift_left3A_484, %shift_left3A_490 : vector<16xi32>
        %lt3A_491 = arith.constant 4 : i32
        %lt3A_492 = vector.broadcast %lt3A_491 : i32 to vector<16xi32>
        %lt3A_493 = arith.cmpi slt, %iota3A_120, %lt3A_492 : vector<16xi32>
        %lt3A_494 = arith.constant 0 : i32
        %lt3A_495 = vector.broadcast %lt3A_494 : i32 to vector<16xi32>
        %lt3A_496 = arith.cmpi slt, %or3A, %lt3A_495 : vector<16xi32>
        %add3A_497 = arith.constant 16 : i32
        %add3A_498 = vector.broadcast %add3A_497 : i32 to vector<16xi32>
        %add3A_499 = arith.addi %or3A, %add3A_498 : vector<16xi32>
        %select_n3A_500 = arith.select %lt3A_496, %add3A_499, %or3A : vector<16xi1>, vector<16xi32>
        %broadcast_in_dim3A_501 = vector.shape_cast %select_n3A_500 : vector<16xi32> to vector<16x1xi32>
        %gather3A_502 = vector.shape_cast %broadcast_in_dim3A_501 : vector<16x1xi32> to vector<16xi32>
        %gather3A_503 = tpu.dynamic_gather %add3A_451[%gather3A_502] in [0] : vector<16xf32>, vector<16xi32> -> vector<16xf32>
        %lt3A_504 = arith.constant 0 : i32
        %lt3A_505 = vector.broadcast %lt3A_504 : i32 to vector<16xi32>
        %lt3A_506 = arith.cmpi slt, %or3A, %lt3A_505 : vector<16xi32>
        %add3A_507 = arith.constant 16 : i32
        %add3A_508 = vector.broadcast %add3A_507 : i32 to vector<16xi32>
        %add3A_509 = arith.addi %or3A, %add3A_508 : vector<16xi32>
        %select_n3A_510 = arith.select %lt3A_506, %add3A_509, %or3A : vector<16xi1>, vector<16xi32>
        %broadcast_in_dim3A_511 = vector.shape_cast %select_n3A_510 : vector<16xi32> to vector<16x1xi32>
        %gather3A_512 = vector.shape_cast %broadcast_in_dim3A_511 : vector<16x1xi32> to vector<16xi32>
        %gather3A_513 = tpu.dynamic_gather %add3A_479[%gather3A_512] in [0] : vector<16xf32>, vector<16xi32> -> vector<16xf32>
        %select_n3A_514 = arith.select %lt3A_493, %gather3A_503, %gather3A_513 : vector<16xi1>, vector<16xf32>
        %mul3A_515 = arith.constant 16 : i32
        %mul3A_516 = arith.muli %add3A_119, %mul3A_515 : i32
        %swap3A_517 = arith.index_cast %mul3A_516 : i32 to index
        %swap3A_518 = tpu.vector_load %arg14[%swap3A_517] {strides = array<i32>} : memref<1024xf32, #tpu.memory_space<vmem>>, vector<16xf32>,
        %swap3A_519 = vector.shape_cast %swap3A_518 : vector<16xf32> to vector<16xf32>
        %swap3A_520 = vector.shape_cast %select_n3A_514 : vector<16xf32> to vector<16xf32>
        tpu.vector_store %arg14[%swap3A_517], %swap3A_520 {strides = array<i32>} : memref<1024xf32, #tpu.memory_space<vmem>>, vector<16xf32>,
        %select_n3A_521 = arith.select %lt3A_5, %select_n3A_514, %broadcast_in_dim3A_3 : vector<16xi1>, vector<16xf32>
        %max3A = arith.maximumf %scan3A_115, %select_n3A_521 : vector<16xf32>
        %mul3A_522 = arith.constant 2 : i32
        %mul3A_523 = arith.muli %mul3A_522, %scan3A_114 : i32
        %add3A_524 = arith.constant 1 : i32
        %add3A_525 = arith.addi %mul3A_523, %add3A_524 : i32
        %iota3A_526 = tpu.iota {dimensions = array<i32: 0>} : vector<16xi32>
        %lt3A_527 = arith.constant 8 : i32
        %lt3A_528 = vector.broadcast %lt3A_527 : i32 to vector<16xi32>
        %lt3A_529 = arith.cmpi slt, %iota3A_526, %lt3A_528 : vector<16xi32>
        %and3A_530 = arith.constant 4 : i32
        %and3A_531 = vector.broadcast %and3A_530 : i32 to vector<16xi32>
        %and3A_532 = arith.andi %iota3A_526, %and3A_531 : vector<16xi32>
        %eq3A_533 = arith.constant 0 : i32
        %eq3A_534 = vector.broadcast %eq3A_533 : i32 to vector<16xi32>
        %eq3A_535 = arith.cmpi eq, %and3A_532, %eq3A_534 : vector<16xi32>
        %get3A_536 = arith.index_cast %add3A_525 : i32 to index
        %get3A_537 = arith.constant 0 : index
        %get3A_538 = tpu.vector_load %arg10[%get3A_536, %get3A_537] {strides = array<i32>} : memref<64x256xf32, #tpu.memory_space<vmem>>, vector<1x16xf32>,
        %get3A_539 = vector.shape_cast %get3A_538 : vector<1x16xf32> to vector<16xf32>
        %get3A_540 = arith.index_cast %add3A_525 : i32 to index
        %get3A_541 = arith.constant 0 : index
        %get3A_542 = tpu.vector_load %arg11[%get3A_540, %get3A_541] {strides = array<i32>} : memref<64x256xf32, #tpu.memory_space<vmem>>, vector<1x16xf32>,
        %get3A_543 = vector.shape_cast %get3A_542 : vector<1x16xf32> to vector<16xf32>
        %mul3A_544 = arith.mulf %get3A_539, %get3A_543 : vector<16xf32>
        %get3A_545 = arith.index_cast %add3A_525 : i32 to index
        %get3A_546 = arith.constant 16 : index
        %get3A_547 = tpu.vector_load %arg10[%get3A_545, %get3A_546] {strides = array<i32>} : memref<64x256xf32, #tpu.memory_space<vmem>>, vector<1x16xf32>,
        %get3A_548 = vector.shape_cast %get3A_547 : vector<1x16xf32> to vector<16xf32>
        %get3A_549 = arith.index_cast %add3A_525 : i32 to index
        %get3A_550 = arith.constant 16 : index
        %get3A_551 = tpu.vector_load %arg11[%get3A_549, %get3A_550] {strides = array<i32>} : memref<64x256xf32, #tpu.memory_space<vmem>>, vector<1x16xf32>,
        %get3A_552 = vector.shape_cast %get3A_551 : vector<1x16xf32> to vector<16xf32>
        %mul3A_553 = arith.mulf %get3A_548, %get3A_552 : vector<16xf32>
        %add3A_554 = arith.addf %mul3A_544, %mul3A_553 : vector<16xf32>
        %get3A_555 = arith.index_cast %add3A_525 : i32 to index
        %get3A_556 = arith.constant 32 : index
        %get3A_557 = tpu.vector_load %arg10[%get3A_555, %get3A_556] {strides = array<i32>} : memref<64x256xf32, #tpu.memory_space<vmem>>, vector<1x16xf32>,
        %get3A_558 = vector.shape_cast %get3A_557 : vector<1x16xf32> to vector<16xf32>
        %get3A_559 = arith.index_cast %add3A_525 : i32 to index
        %get3A_560 = arith.constant 32 : index
        %get3A_561 = tpu.vector_load %arg11[%get3A_559, %get3A_560] {strides = array<i32>} : memref<64x256xf32, #tpu.memory_space<vmem>>, vector<1x16xf32>,
        %get3A_562 = vector.shape_cast %get3A_561 : vector<1x16xf32> to vector<16xf32>
        %mul3A_563 = arith.mulf %get3A_558, %get3A_562 : vector<16xf32>
        %get3A_564 = arith.index_cast %add3A_525 : i32 to index
        %get3A_565 = arith.constant 48 : index
        %get3A_566 = tpu.vector_load %arg10[%get3A_564, %get3A_565] {strides = array<i32>} : memref<64x256xf32, #tpu.memory_space<vmem>>, vector<1x16xf32>,
        %get3A_567 = vector.shape_cast %get3A_566 : vector<1x16xf32> to vector<16xf32>
        %get3A_568 = arith.index_cast %add3A_525 : i32 to index
        %get3A_569 = arith.constant 48 : index
        %get3A_570 = tpu.vector_load %arg11[%get3A_568, %get3A_569] {strides = array<i32>} : memref<64x256xf32, #tpu.memory_space<vmem>>, vector<1x16xf32>,
        %get3A_571 = vector.shape_cast %get3A_570 : vector<1x16xf32> to vector<16xf32>
        %mul3A_572 = arith.mulf %get3A_567, %get3A_571 : vector<16xf32>
        %add3A_573 = arith.addf %mul3A_563, %mul3A_572 : vector<16xf32>
        %get3A_574 = arith.index_cast %add3A_525 : i32 to index
        %get3A_575 = arith.constant 64 : index
        %get3A_576 = tpu.vector_load %arg10[%get3A_574, %get3A_575] {strides = array<i32>} : memref<64x256xf32, #tpu.memory_space<vmem>>, vector<1x16xf32>,
        %get3A_577 = vector.shape_cast %get3A_576 : vector<1x16xf32> to vector<16xf32>
        %get3A_578 = arith.index_cast %add3A_525 : i32 to index
        %get3A_579 = arith.constant 64 : index
        %get3A_580 = tpu.vector_load %arg11[%get3A_578, %get3A_579] {strides = array<i32>} : memref<64x256xf32, #tpu.memory_space<vmem>>, vector<1x16xf32>,
        %get3A_581 = vector.shape_cast %get3A_580 : vector<1x16xf32> to vector<16xf32>
        %mul3A_582 = arith.mulf %get3A_577, %get3A_581 : vector<16xf32>
        %get3A_583 = arith.index_cast %add3A_525 : i32 to index
        %get3A_584 = arith.constant 80 : index
        %get3A_585 = tpu.vector_load %arg10[%get3A_583, %get3A_584] {strides = array<i32>} : memref<64x256xf32, #tpu.memory_space<vmem>>, vector<1x16xf32>,
        %get3A_586 = vector.shape_cast %get3A_585 : vector<1x16xf32> to vector<16xf32>
        %get3A_587 = arith.index_cast %add3A_525 : i32 to index
        %get3A_588 = arith.constant 80 : index
        %get3A_589 = tpu.vector_load %arg11[%get3A_587, %get3A_588] {strides = array<i32>} : memref<64x256xf32, #tpu.memory_space<vmem>>, vector<1x16xf32>,
        %get3A_590 = vector.shape_cast %get3A_589 : vector<1x16xf32> to vector<16xf32>
        %mul3A_591 = arith.mulf %get3A_586, %get3A_590 : vector<16xf32>
        %add3A_592 = arith.addf %mul3A_582, %mul3A_591 : vector<16xf32>
        %get3A_593 = arith.index_cast %add3A_525 : i32 to index
        %get3A_594 = arith.constant 96 : index
        %get3A_595 = tpu.vector_load %arg10[%get3A_593, %get3A_594] {strides = array<i32>} : memref<64x256xf32, #tpu.memory_space<vmem>>, vector<1x16xf32>,
        %get3A_596 = vector.shape_cast %get3A_595 : vector<1x16xf32> to vector<16xf32>
        %get3A_597 = arith.index_cast %add3A_525 : i32 to index
        %get3A_598 = arith.constant 96 : index
        %get3A_599 = tpu.vector_load %arg11[%get3A_597, %get3A_598] {strides = array<i32>} : memref<64x256xf32, #tpu.memory_space<vmem>>, vector<1x16xf32>,
        %get3A_600 = vector.shape_cast %get3A_599 : vector<1x16xf32> to vector<16xf32>
        %mul3A_601 = arith.mulf %get3A_596, %get3A_600 : vector<16xf32>
        %get3A_602 = arith.index_cast %add3A_525 : i32 to index
        %get3A_603 = arith.constant 112 : index
        %get3A_604 = tpu.vector_load %arg10[%get3A_602, %get3A_603] {strides = array<i32>} : memref<64x256xf32, #tpu.memory_space<vmem>>, vector<1x16xf32>,
        %get3A_605 = vector.shape_cast %get3A_604 : vector<1x16xf32> to vector<16xf32>
        %get3A_606 = arith.index_cast %add3A_525 : i32 to index
        %get3A_607 = arith.constant 112 : index
        %get3A_608 = tpu.vector_load %arg11[%get3A_606, %get3A_607] {strides = array<i32>} : memref<64x256xf32, #tpu.memory_space<vmem>>, vector<1x16xf32>,
        %get3A_609 = vector.shape_cast %get3A_608 : vector<1x16xf32> to vector<16xf32>
        %mul3A_610 = arith.mulf %get3A_605, %get3A_609 : vector<16xf32>
        %add3A_611 = arith.addf %mul3A_601, %mul3A_610 : vector<16xf32>
        %get3A_612 = arith.index_cast %add3A_525 : i32 to index
        %get3A_613 = arith.constant 128 : index
        %get3A_614 = tpu.vector_load %arg10[%get3A_612, %get3A_613] {strides = array<i32>} : memref<64x256xf32, #tpu.memory_space<vmem>>, vector<1x16xf32>,
        %get3A_615 = vector.shape_cast %get3A_614 : vector<1x16xf32> to vector<16xf32>
        %get3A_616 = arith.index_cast %add3A_525 : i32 to index
        %get3A_617 = arith.constant 128 : index
        %get3A_618 = tpu.vector_load %arg11[%get3A_616, %get3A_617] {strides = array<i32>} : memref<64x256xf32, #tpu.memory_space<vmem>>, vector<1x16xf32>,
        %get3A_619 = vector.shape_cast %get3A_618 : vector<1x16xf32> to vector<16xf32>
        %mul3A_620 = arith.mulf %get3A_615, %get3A_619 : vector<16xf32>
        %get3A_621 = arith.index_cast %add3A_525 : i32 to index
        %get3A_622 = arith.constant 144 : index
        %get3A_623 = tpu.vector_load %arg10[%get3A_621, %get3A_622] {strides = array<i32>} : memref<64x256xf32, #tpu.memory_space<vmem>>, vector<1x16xf32>,
        %get3A_624 = vector.shape_cast %get3A_623 : vector<1x16xf32> to vector<16xf32>
        %get3A_625 = arith.index_cast %add3A_525 : i32 to index
        %get3A_626 = arith.constant 144 : index
        %get3A_627 = tpu.vector_load %arg11[%get3A_625, %get3A_626] {strides = array<i32>} : memref<64x256xf32, #tpu.memory_space<vmem>>, vector<1x16xf32>,
        %get3A_628 = vector.shape_cast %get3A_627 : vector<1x16xf32> to vector<16xf32>
        %mul3A_629 = arith.mulf %get3A_624, %get3A_628 : vector<16xf32>
        %add3A_630 = arith.addf %mul3A_620, %mul3A_629 : vector<16xf32>
        %get3A_631 = arith.index_cast %add3A_525 : i32 to index
        %get3A_632 = arith.constant 160 : index
        %get3A_633 = tpu.vector_load %arg10[%get3A_631, %get3A_632] {strides = array<i32>} : memref<64x256xf32, #tpu.memory_space<vmem>>, vector<1x16xf32>,
        %get3A_634 = vector.shape_cast %get3A_633 : vector<1x16xf32> to vector<16xf32>
        %get3A_635 = arith.index_cast %add3A_525 : i32 to index
        %get3A_636 = arith.constant 160 : index
        %get3A_637 = tpu.vector_load %arg11[%get3A_635, %get3A_636] {strides = array<i32>} : memref<64x256xf32, #tpu.memory_space<vmem>>, vector<1x16xf32>,
        %get3A_638 = vector.shape_cast %get3A_637 : vector<1x16xf32> to vector<16xf32>
        %mul3A_639 = arith.mulf %get3A_634, %get3A_638 : vector<16xf32>
        %get3A_640 = arith.index_cast %add3A_525 : i32 to index
        %get3A_641 = arith.constant 176 : index
        %get3A_642 = tpu.vector_load %arg10[%get3A_640, %get3A_641] {strides = array<i32>} : memref<64x256xf32, #tpu.memory_space<vmem>>, vector<1x16xf32>,
        %get3A_643 = vector.shape_cast %get3A_642 : vector<1x16xf32> to vector<16xf32>
        %get3A_644 = arith.index_cast %add3A_525 : i32 to index
        %get3A_645 = arith.constant 176 : index
        %get3A_646 = tpu.vector_load %arg11[%get3A_644, %get3A_645] {strides = array<i32>} : memref<64x256xf32, #tpu.memory_space<vmem>>, vector<1x16xf32>,
        %get3A_647 = vector.shape_cast %get3A_646 : vector<1x16xf32> to vector<16xf32>
        %mul3A_648 = arith.mulf %get3A_643, %get3A_647 : vector<16xf32>
        %add3A_649 = arith.addf %mul3A_639, %mul3A_648 : vector<16xf32>
        %get3A_650 = arith.index_cast %add3A_525 : i32 to index
        %get3A_651 = arith.constant 192 : index
        %get3A_652 = tpu.vector_load %arg10[%get3A_650, %get3A_651] {strides = array<i32>} : memref<64x256xf32, #tpu.memory_space<vmem>>, vector<1x16xf32>,
        %get3A_653 = vector.shape_cast %get3A_652 : vector<1x16xf32> to vector<16xf32>
        %get3A_654 = arith.index_cast %add3A_525 : i32 to index
        %get3A_655 = arith.constant 192 : index
        %get3A_656 = tpu.vector_load %arg11[%get3A_654, %get3A_655] {strides = array<i32>} : memref<64x256xf32, #tpu.memory_space<vmem>>, vector<1x16xf32>,
        %get3A_657 = vector.shape_cast %get3A_656 : vector<1x16xf32> to vector<16xf32>
        %mul3A_658 = arith.mulf %get3A_653, %get3A_657 : vector<16xf32>
        %get3A_659 = arith.index_cast %add3A_525 : i32 to index
        %get3A_660 = arith.constant 208 : index
        %get3A_661 = tpu.vector_load %arg10[%get3A_659, %get3A_660] {strides = array<i32>} : memref<64x256xf32, #tpu.memory_space<vmem>>, vector<1x16xf32>,
        %get3A_662 = vector.shape_cast %get3A_661 : vector<1x16xf32> to vector<16xf32>
        %get3A_663 = arith.index_cast %add3A_525 : i32 to index
        %get3A_664 = arith.constant 208 : index
        %get3A_665 = tpu.vector_load %arg11[%get3A_663, %get3A_664] {strides = array<i32>} : memref<64x256xf32, #tpu.memory_space<vmem>>, vector<1x16xf32>,
        %get3A_666 = vector.shape_cast %get3A_665 : vector<1x16xf32> to vector<16xf32>
        %mul3A_667 = arith.mulf %get3A_662, %get3A_666 : vector<16xf32>
        %add3A_668 = arith.addf %mul3A_658, %mul3A_667 : vector<16xf32>
        %get3A_669 = arith.index_cast %add3A_525 : i32 to index
        %get3A_670 = arith.constant 224 : index
        %get3A_671 = tpu.vector_load %arg10[%get3A_669, %get3A_670] {strides = array<i32>} : memref<64x256xf32, #tpu.memory_space<vmem>>, vector<1x16xf32>,
        %get3A_672 = vector.shape_cast %get3A_671 : vector<1x16xf32> to vector<16xf32>
        %get3A_673 = arith.index_cast %add3A_525 : i32 to index
        %get3A_674 = arith.constant 224 : index
        %get3A_675 = tpu.vector_load %arg11[%get3A_673, %get3A_674] {strides = array<i32>} : memref<64x256xf32, #tpu.memory_space<vmem>>, vector<1x16xf32>,
        %get3A_676 = vector.shape_cast %get3A_675 : vector<1x16xf32> to vector<16xf32>
        %mul3A_677 = arith.mulf %get3A_672, %get3A_676 : vector<16xf32>
        %get3A_678 = arith.index_cast %add3A_525 : i32 to index
        %get3A_679 = arith.constant 240 : index
        %get3A_680 = tpu.vector_load %arg10[%get3A_678, %get3A_679] {strides = array<i32>} : memref<64x256xf32, #tpu.memory_space<vmem>>, vector<1x16xf32>,
        %get3A_681 = vector.shape_cast %get3A_680 : vector<1x16xf32> to vector<16xf32>
        %get3A_682 = arith.index_cast %add3A_525 : i32 to index
        %get3A_683 = arith.constant 240 : index
        %get3A_684 = tpu.vector_load %arg11[%get3A_682, %get3A_683] {strides = array<i32>} : memref<64x256xf32, #tpu.memory_space<vmem>>, vector<1x16xf32>,
        %get3A_685 = vector.shape_cast %get3A_684 : vector<1x16xf32> to vector<16xf32>
        %mul3A_686 = arith.mulf %get3A_681, %get3A_685 : vector<16xf32>
        %add3A_687 = arith.addf %mul3A_677, %mul3A_686 : vector<16xf32>
        %select_n3A_688 = arith.select %lt3A_529, %add3A_554, %add3A_573 : vector<16xi1>, vector<16xf32>
        %select_n3A_689 = arith.select %lt3A_529, %add3A_573, %add3A_554 : vector<16xi1>, vector<16xf32>
        %xor3A_690 = arith.constant 8 : i32
        %xor3A_691 = vector.broadcast %xor3A_690 : i32 to vector<16xi32>
        %xor3A_692 = arith.xori %iota3A_526, %xor3A_691 : vector<16xi32>
        %lt3A_693 = arith.constant 0 : i32
        %lt3A_694 = vector.broadcast %lt3A_693 : i32 to vector<16xi32>
        %lt3A_695 = arith.cmpi slt, %xor3A_692, %lt3A_694 : vector<16xi32>
        %add3A_696 = arith.constant 16 : i32
        %add3A_697 = vector.broadcast %add3A_696 : i32 to vector<16xi32>
        %add3A_698 = arith.addi %xor3A_692, %add3A_697 : vector<16xi32>
        %select_n3A_699 = arith.select %lt3A_695, %add3A_698, %xor3A_692 : vector<16xi1>, vector<16xi32>
        %broadcast_in_dim3A_700 = vector.shape_cast %select_n3A_699 : vector<16xi32> to vector<16x1xi32>
        %gather3A_701 = vector.shape_cast %broadcast_in_dim3A_700 : vector<16x1xi32> to vector<16xi32>
        %gather3A_702 = tpu.dynamic_gather %select_n3A_689[%gather3A_701] in [0] : vector<16xf32>, vector<16xi32> -> vector<16xf32>
        %add3A_703 = arith.addf %select_n3A_688, %gather3A_702 : vector<16xf32>
        %select_n3A_704 = arith.select %lt3A_529, %add3A_592, %add3A_611 : vector<16xi1>, vector<16xf32>
        %select_n3A_705 = arith.select %lt3A_529, %add3A_611, %add3A_592 : vector<16xi1>, vector<16xf32>
        %xor3A_706 = arith.constant 8 : i32
        %xor3A_707 = vector.broadcast %xor3A_706 : i32 to vector<16xi32>
        %xor3A_708 = arith.xori %iota3A_526, %xor3A_707 : vector<16xi32>
        %lt3A_709 = arith.constant 0 : i32
        %lt3A_710 = vector.broadcast %lt3A_709 : i32 to vector<16xi32>
        %lt3A_711 = arith.cmpi slt, %xor3A_708, %lt3A_710 : vector<16xi32>
        %add3A_712 = arith.constant 16 : i32
        %add3A_713 = vector.broadcast %add3A_712 : i32 to vector<16xi32>
        %add3A_714 = arith.addi %xor3A_708, %add3A_713 : vector<16xi32>
        %select_n3A_715 = arith.select %lt3A_711, %add3A_714, %xor3A_708 : vector<16xi1>, vector<16xi32>
        %broadcast_in_dim3A_716 = vector.shape_cast %select_n3A_715 : vector<16xi32> to vector<16x1xi32>
        %gather3A_717 = vector.shape_cast %broadcast_in_dim3A_716 : vector<16x1xi32> to vector<16xi32>
        %gather3A_718 = tpu.dynamic_gather %select_n3A_705[%gather3A_717] in [0] : vector<16xf32>, vector<16xi32> -> vector<16xf32>
        %add3A_719 = arith.addf %select_n3A_704, %gather3A_718 : vector<16xf32>
        %select_n3A_720 = arith.select %lt3A_529, %add3A_630, %add3A_649 : vector<16xi1>, vector<16xf32>
        %select_n3A_721 = arith.select %lt3A_529, %add3A_649, %add3A_630 : vector<16xi1>, vector<16xf32>
        %xor3A_722 = arith.constant 8 : i32
        %xor3A_723 = vector.broadcast %xor3A_722 : i32 to vector<16xi32>
        %xor3A_724 = arith.xori %iota3A_526, %xor3A_723 : vector<16xi32>
        %lt3A_725 = arith.constant 0 : i32
        %lt3A_726 = vector.broadcast %lt3A_725 : i32 to vector<16xi32>
        %lt3A_727 = arith.cmpi slt, %xor3A_724, %lt3A_726 : vector<16xi32>
        %add3A_728 = arith.constant 16 : i32
        %add3A_729 = vector.broadcast %add3A_728 : i32 to vector<16xi32>
        %add3A_730 = arith.addi %xor3A_724, %add3A_729 : vector<16xi32>
        %select_n3A_731 = arith.select %lt3A_727, %add3A_730, %xor3A_724 : vector<16xi1>, vector<16xi32>
        %broadcast_in_dim3A_732 = vector.shape_cast %select_n3A_731 : vector<16xi32> to vector<16x1xi32>
        %gather3A_733 = vector.shape_cast %broadcast_in_dim3A_732 : vector<16x1xi32> to vector<16xi32>
        %gather3A_734 = tpu.dynamic_gather %select_n3A_721[%gather3A_733] in [0] : vector<16xf32>, vector<16xi32> -> vector<16xf32>
        %add3A_735 = arith.addf %select_n3A_720, %gather3A_734 : vector<16xf32>
        %select_n3A_736 = arith.select %lt3A_529, %add3A_668, %add3A_687 : vector<16xi1>, vector<16xf32>
        %select_n3A_737 = arith.select %lt3A_529, %add3A_687, %add3A_668 : vector<16xi1>, vector<16xf32>
        %xor3A_738 = arith.constant 8 : i32
        %xor3A_739 = vector.broadcast %xor3A_738 : i32 to vector<16xi32>
        %xor3A_740 = arith.xori %iota3A_526, %xor3A_739 : vector<16xi32>
        %lt3A_741 = arith.constant 0 : i32
        %lt3A_742 = vector.broadcast %lt3A_741 : i32 to vector<16xi32>
        %lt3A_743 = arith.cmpi slt, %xor3A_740, %lt3A_742 : vector<16xi32>
        %add3A_744 = arith.constant 16 : i32
        %add3A_745 = vector.broadcast %add3A_744 : i32 to vector<16xi32>
        %add3A_746 = arith.addi %xor3A_740, %add3A_745 : vector<16xi32>
        %select_n3A_747 = arith.select %lt3A_743, %add3A_746, %xor3A_740 : vector<16xi1>, vector<16xi32>
        %broadcast_in_dim3A_748 = vector.shape_cast %select_n3A_747 : vector<16xi32> to vector<16x1xi32>
        %gather3A_749 = vector.shape_cast %broadcast_in_dim3A_748 : vector<16x1xi32> to vector<16xi32>
        %gather3A_750 = tpu.dynamic_gather %select_n3A_737[%gather3A_749] in [0] : vector<16xf32>, vector<16xi32> -> vector<16xf32>
        %add3A_751 = arith.addf %select_n3A_736, %gather3A_750 : vector<16xf32>
        %xor3A_752 = arith.constant 4 : i32
        %xor3A_753 = vector.broadcast %xor3A_752 : i32 to vector<16xi32>
        %xor3A_754 = arith.xori %iota3A_526, %xor3A_753 : vector<16xi32>
        %lt3A_755 = arith.constant 0 : i32
        %lt3A_756 = vector.broadcast %lt3A_755 : i32 to vector<16xi32>
        %lt3A_757 = arith.cmpi slt, %xor3A_754, %lt3A_756 : vector<16xi32>
        %add3A_758 = arith.constant 16 : i32
        %add3A_759 = vector.broadcast %add3A_758 : i32 to vector<16xi32>
        %add3A_760 = arith.addi %xor3A_754, %add3A_759 : vector<16xi32>
        %select_n3A_761 = arith.select %lt3A_757, %add3A_760, %xor3A_754 : vector<16xi1>, vector<16xi32>
        %broadcast_in_dim3A_762 = vector.shape_cast %select_n3A_761 : vector<16xi32> to vector<16x1xi32>
        %gather3A_763 = vector.shape_cast %broadcast_in_dim3A_762 : vector<16x1xi32> to vector<16xi32>
        %gather3A_764 = tpu.dynamic_gather %add3A_703[%gather3A_763] in [0] : vector<16xf32>, vector<16xi32> -> vector<16xf32>
        %add3A_765 = arith.addf %add3A_703, %gather3A_764 : vector<16xf32>
        %xor3A_766 = arith.constant 4 : i32
        %xor3A_767 = vector.broadcast %xor3A_766 : i32 to vector<16xi32>
        %xor3A_768 = arith.xori %iota3A_526, %xor3A_767 : vector<16xi32>
        %lt3A_769 = arith.constant 0 : i32
        %lt3A_770 = vector.broadcast %lt3A_769 : i32 to vector<16xi32>
        %lt3A_771 = arith.cmpi slt, %xor3A_768, %lt3A_770 : vector<16xi32>
        %add3A_772 = arith.constant 16 : i32
        %add3A_773 = vector.broadcast %add3A_772 : i32 to vector<16xi32>
        %add3A_774 = arith.addi %xor3A_768, %add3A_773 : vector<16xi32>
        %select_n3A_775 = arith.select %lt3A_771, %add3A_774, %xor3A_768 : vector<16xi1>, vector<16xi32>
        %broadcast_in_dim3A_776 = vector.shape_cast %select_n3A_775 : vector<16xi32> to vector<16x1xi32>
        %gather3A_777 = vector.shape_cast %broadcast_in_dim3A_776 : vector<16x1xi32> to vector<16xi32>
        %gather3A_778 = tpu.dynamic_gather %add3A_719[%gather3A_777] in [0] : vector<16xf32>, vector<16xi32> -> vector<16xf32>
        %add3A_779 = arith.addf %add3A_719, %gather3A_778 : vector<16xf32>
        %xor3A_780 = arith.constant 4 : i32
        %xor3A_781 = vector.broadcast %xor3A_780 : i32 to vector<16xi32>
        %xor3A_782 = arith.xori %iota3A_526, %xor3A_781 : vector<16xi32>
        %lt3A_783 = arith.constant 0 : i32
        %lt3A_784 = vector.broadcast %lt3A_783 : i32 to vector<16xi32>
        %lt3A_785 = arith.cmpi slt, %xor3A_782, %lt3A_784 : vector<16xi32>
        %add3A_786 = arith.constant 16 : i32
        %add3A_787 = vector.broadcast %add3A_786 : i32 to vector<16xi32>
        %add3A_788 = arith.addi %xor3A_782, %add3A_787 : vector<16xi32>
        %select_n3A_789 = arith.select %lt3A_785, %add3A_788, %xor3A_782 : vector<16xi1>, vector<16xi32>
        %broadcast_in_dim3A_790 = vector.shape_cast %select_n3A_789 : vector<16xi32> to vector<16x1xi32>
        %gather3A_791 = vector.shape_cast %broadcast_in_dim3A_790 : vector<16x1xi32> to vector<16xi32>
        %gather3A_792 = tpu.dynamic_gather %add3A_779[%gather3A_791] in [0] : vector<16xf32>, vector<16xi32> -> vector<16xf32>
        %select_n3A_793 = arith.select %eq3A_535, %add3A_765, %gather3A_792 : vector<16xi1>, vector<16xf32>
        %xor3A_794 = arith.constant 4 : i32
        %xor3A_795 = vector.broadcast %xor3A_794 : i32 to vector<16xi32>
        %xor3A_796 = arith.xori %iota3A_526, %xor3A_795 : vector<16xi32>
        %lt3A_797 = arith.constant 0 : i32
        %lt3A_798 = vector.broadcast %lt3A_797 : i32 to vector<16xi32>
        %lt3A_799 = arith.cmpi slt, %xor3A_796, %lt3A_798 : vector<16xi32>
        %add3A_800 = arith.constant 16 : i32
        %add3A_801 = vector.broadcast %add3A_800 : i32 to vector<16xi32>
        %add3A_802 = arith.addi %xor3A_796, %add3A_801 : vector<16xi32>
        %select_n3A_803 = arith.select %lt3A_799, %add3A_802, %xor3A_796 : vector<16xi1>, vector<16xi32>
        %broadcast_in_dim3A_804 = vector.shape_cast %select_n3A_803 : vector<16xi32> to vector<16x1xi32>
        %gather3A_805 = vector.shape_cast %broadcast_in_dim3A_804 : vector<16x1xi32> to vector<16xi32>
        %gather3A_806 = tpu.dynamic_gather %add3A_735[%gather3A_805] in [0] : vector<16xf32>, vector<16xi32> -> vector<16xf32>
        %add3A_807 = arith.addf %add3A_735, %gather3A_806 : vector<16xf32>
        %xor3A_808 = arith.constant 4 : i32
        %xor3A_809 = vector.broadcast %xor3A_808 : i32 to vector<16xi32>
        %xor3A_810 = arith.xori %iota3A_526, %xor3A_809 : vector<16xi32>
        %lt3A_811 = arith.constant 0 : i32
        %lt3A_812 = vector.broadcast %lt3A_811 : i32 to vector<16xi32>
        %lt3A_813 = arith.cmpi slt, %xor3A_810, %lt3A_812 : vector<16xi32>
        %add3A_814 = arith.constant 16 : i32
        %add3A_815 = vector.broadcast %add3A_814 : i32 to vector<16xi32>
        %add3A_816 = arith.addi %xor3A_810, %add3A_815 : vector<16xi32>
        %select_n3A_817 = arith.select %lt3A_813, %add3A_816, %xor3A_810 : vector<16xi1>, vector<16xi32>
        %broadcast_in_dim3A_818 = vector.shape_cast %select_n3A_817 : vector<16xi32> to vector<16x1xi32>
        %gather3A_819 = vector.shape_cast %broadcast_in_dim3A_818 : vector<16x1xi32> to vector<16xi32>
        %gather3A_820 = tpu.dynamic_gather %add3A_751[%gather3A_819] in [0] : vector<16xf32>, vector<16xi32> -> vector<16xf32>
        %add3A_821 = arith.addf %add3A_751, %gather3A_820 : vector<16xf32>
        %xor3A_822 = arith.constant 4 : i32
        %xor3A_823 = vector.broadcast %xor3A_822 : i32 to vector<16xi32>
        %xor3A_824 = arith.xori %iota3A_526, %xor3A_823 : vector<16xi32>
        %lt3A_825 = arith.constant 0 : i32
        %lt3A_826 = vector.broadcast %lt3A_825 : i32 to vector<16xi32>
        %lt3A_827 = arith.cmpi slt, %xor3A_824, %lt3A_826 : vector<16xi32>
        %add3A_828 = arith.constant 16 : i32
        %add3A_829 = vector.broadcast %add3A_828 : i32 to vector<16xi32>
        %add3A_830 = arith.addi %xor3A_824, %add3A_829 : vector<16xi32>
        %select_n3A_831 = arith.select %lt3A_827, %add3A_830, %xor3A_824 : vector<16xi1>, vector<16xi32>
        %broadcast_in_dim3A_832 = vector.shape_cast %select_n3A_831 : vector<16xi32> to vector<16x1xi32>
        %gather3A_833 = vector.shape_cast %broadcast_in_dim3A_832 : vector<16x1xi32> to vector<16xi32>
        %gather3A_834 = tpu.dynamic_gather %add3A_821[%gather3A_833] in [0] : vector<16xf32>, vector<16xi32> -> vector<16xf32>
        %select_n3A_835 = arith.select %eq3A_535, %add3A_807, %gather3A_834 : vector<16xi1>, vector<16xf32>
        %xor3A_836 = arith.constant 2 : i32
        %xor3A_837 = vector.broadcast %xor3A_836 : i32 to vector<16xi32>
        %xor3A_838 = arith.xori %iota3A_526, %xor3A_837 : vector<16xi32>
        %lt3A_839 = arith.constant 0 : i32
        %lt3A_840 = vector.broadcast %lt3A_839 : i32 to vector<16xi32>
        %lt3A_841 = arith.cmpi slt, %xor3A_838, %lt3A_840 : vector<16xi32>
        %add3A_842 = arith.constant 16 : i32
        %add3A_843 = vector.broadcast %add3A_842 : i32 to vector<16xi32>
        %add3A_844 = arith.addi %xor3A_838, %add3A_843 : vector<16xi32>
        %select_n3A_845 = arith.select %lt3A_841, %add3A_844, %xor3A_838 : vector<16xi1>, vector<16xi32>
        %broadcast_in_dim3A_846 = vector.shape_cast %select_n3A_845 : vector<16xi32> to vector<16x1xi32>
        %gather3A_847 = vector.shape_cast %broadcast_in_dim3A_846 : vector<16x1xi32> to vector<16xi32>
        %gather3A_848 = tpu.dynamic_gather %select_n3A_793[%gather3A_847] in [0] : vector<16xf32>, vector<16xi32> -> vector<16xf32>
        %add3A_849 = arith.addf %select_n3A_793, %gather3A_848 : vector<16xf32>
        %xor3A_850 = arith.constant 1 : i32
        %xor3A_851 = vector.broadcast %xor3A_850 : i32 to vector<16xi32>
        %xor3A_852 = arith.xori %iota3A_526, %xor3A_851 : vector<16xi32>
        %lt3A_853 = arith.constant 0 : i32
        %lt3A_854 = vector.broadcast %lt3A_853 : i32 to vector<16xi32>
        %lt3A_855 = arith.cmpi slt, %xor3A_852, %lt3A_854 : vector<16xi32>
        %add3A_856 = arith.constant 16 : i32
        %add3A_857 = vector.broadcast %add3A_856 : i32 to vector<16xi32>
        %add3A_858 = arith.addi %xor3A_852, %add3A_857 : vector<16xi32>
        %select_n3A_859 = arith.select %lt3A_855, %add3A_858, %xor3A_852 : vector<16xi1>, vector<16xi32>
        %broadcast_in_dim3A_860 = vector.shape_cast %select_n3A_859 : vector<16xi32> to vector<16x1xi32>
        %gather3A_861 = vector.shape_cast %broadcast_in_dim3A_860 : vector<16x1xi32> to vector<16xi32>
        %gather3A_862 = tpu.dynamic_gather %add3A_849[%gather3A_861] in [0] : vector<16xf32>, vector<16xi32> -> vector<16xf32>
        %add3A_863 = arith.addf %add3A_849, %gather3A_862 : vector<16xf32>
        %xor3A_864 = arith.constant 2 : i32
        %xor3A_865 = vector.broadcast %xor3A_864 : i32 to vector<16xi32>
        %xor3A_866 = arith.xori %iota3A_526, %xor3A_865 : vector<16xi32>
        %lt3A_867 = arith.constant 0 : i32
        %lt3A_868 = vector.broadcast %lt3A_867 : i32 to vector<16xi32>
        %lt3A_869 = arith.cmpi slt, %xor3A_866, %lt3A_868 : vector<16xi32>
        %add3A_870 = arith.constant 16 : i32
        %add3A_871 = vector.broadcast %add3A_870 : i32 to vector<16xi32>
        %add3A_872 = arith.addi %xor3A_866, %add3A_871 : vector<16xi32>
        %select_n3A_873 = arith.select %lt3A_869, %add3A_872, %xor3A_866 : vector<16xi1>, vector<16xi32>
        %broadcast_in_dim3A_874 = vector.shape_cast %select_n3A_873 : vector<16xi32> to vector<16x1xi32>
        %gather3A_875 = vector.shape_cast %broadcast_in_dim3A_874 : vector<16x1xi32> to vector<16xi32>
        %gather3A_876 = tpu.dynamic_gather %select_n3A_835[%gather3A_875] in [0] : vector<16xf32>, vector<16xi32> -> vector<16xf32>
        %add3A_877 = arith.addf %select_n3A_835, %gather3A_876 : vector<16xf32>
        %xor3A_878 = arith.constant 1 : i32
        %xor3A_879 = vector.broadcast %xor3A_878 : i32 to vector<16xi32>
        %xor3A_880 = arith.xori %iota3A_526, %xor3A_879 : vector<16xi32>
        %lt3A_881 = arith.constant 0 : i32
        %lt3A_882 = vector.broadcast %lt3A_881 : i32 to vector<16xi32>
        %lt3A_883 = arith.cmpi slt, %xor3A_880, %lt3A_882 : vector<16xi32>
        %add3A_884 = arith.constant 16 : i32
        %add3A_885 = vector.broadcast %add3A_884 : i32 to vector<16xi32>
        %add3A_886 = arith.addi %xor3A_880, %add3A_885 : vector<16xi32>
        %select_n3A_887 = arith.select %lt3A_883, %add3A_886, %xor3A_880 : vector<16xi1>, vector<16xi32>
        %broadcast_in_dim3A_888 = vector.shape_cast %select_n3A_887 : vector<16xi32> to vector<16x1xi32>
        %gather3A_889 = vector.shape_cast %broadcast_in_dim3A_888 : vector<16x1xi32> to vector<16xi32>
        %gather3A_890 = tpu.dynamic_gather %add3A_877[%gather3A_889] in [0] : vector<16xf32>, vector<16xi32> -> vector<16xf32>
        %add3A_891 = arith.addf %add3A_877, %gather3A_890 : vector<16xf32>
        %and3A_892 = arith.constant 1 : i32
        %and3A_893 = vector.broadcast %and3A_892 : i32 to vector<16xi32>
        %and3A_894 = arith.andi %iota3A_526, %and3A_893 : vector<16xi32>
        %shift_left3A_895 = arith.constant 3 : i32
        %shift_left3A_896 = vector.broadcast %shift_left3A_895 : i32 to vector<16xi32>
        %shift_left3A_897 = arith.shli %and3A_894, %shift_left3A_896 : vector<16xi32>
        %and3A_898 = arith.constant 2 : i32
        %and3A_899 = vector.broadcast %and3A_898 : i32 to vector<16xi32>
        %and3A_900 = arith.andi %iota3A_526, %and3A_899 : vector<16xi32>
        %shift_left3A_901 = arith.constant 1 : i32
        %shift_left3A_902 = vector.broadcast %shift_left3A_901 : i32 to vector<16xi32>
        %shift_left3A_903 = arith.shli %and3A_900, %shift_left3A_902 : vector<16xi32>
        %or3A_904 = arith.ori %shift_left3A_897, %shift_left3A_903 : vector<16xi32>
        %lt3A_905 = arith.constant 4 : i32
        %lt3A_906 = vector.broadcast %lt3A_905 : i32 to vector<16xi32>
        %lt3A_907 = arith.cmpi slt, %iota3A_526, %lt3A_906 : vector<16xi32>
        %lt3A_908 = arith.constant 0 : i32
        %lt3A_909 = vector.broadcast %lt3A_908 : i32 to vector<16xi32>
        %lt3A_910 = arith.cmpi slt, %or3A_904, %lt3A_909 : vector<16xi32>
        %add3A_911 = arith.constant 16 : i32
        %add3A_912 = vector.broadcast %add3A_911 : i32 to vector<16xi32>
        %add3A_913 = arith.addi %or3A_904, %add3A_912 : vector<16xi32>
        %select_n3A_914 = arith.select %lt3A_910, %add3A_913, %or3A_904 : vector<16xi1>, vector<16xi32>
        %broadcast_in_dim3A_915 = vector.shape_cast %select_n3A_914 : vector<16xi32> to vector<16x1xi32>
        %gather3A_916 = vector.shape_cast %broadcast_in_dim3A_915 : vector<16x1xi32> to vector<16xi32>
        %gather3A_917 = tpu.dynamic_gather %add3A_863[%gather3A_916] in [0] : vector<16xf32>, vector<16xi32> -> vector<16xf32>
        %lt3A_918 = arith.constant 0 : i32
        %lt3A_919 = vector.broadcast %lt3A_918 : i32 to vector<16xi32>
        %lt3A_920 = arith.cmpi slt, %or3A_904, %lt3A_919 : vector<16xi32>
        %add3A_921 = arith.constant 16 : i32
        %add3A_922 = vector.broadcast %add3A_921 : i32 to vector<16xi32>
        %add3A_923 = arith.addi %or3A_904, %add3A_922 : vector<16xi32>
        %select_n3A_924 = arith.select %lt3A_920, %add3A_923, %or3A_904 : vector<16xi1>, vector<16xi32>
        %broadcast_in_dim3A_925 = vector.shape_cast %select_n3A_924 : vector<16xi32> to vector<16x1xi32>
        %gather3A_926 = vector.shape_cast %broadcast_in_dim3A_925 : vector<16x1xi32> to vector<16xi32>
        %gather3A_927 = tpu.dynamic_gather %add3A_891[%gather3A_926] in [0] : vector<16xf32>, vector<16xi32> -> vector<16xf32>
        %select_n3A_928 = arith.select %lt3A_907, %gather3A_917, %gather3A_927 : vector<16xi1>, vector<16xf32>
        %mul3A_929 = arith.constant 16 : i32
        %mul3A_930 = arith.muli %add3A_525, %mul3A_929 : i32
        %swap3A_931 = arith.index_cast %mul3A_930 : i32 to index
        %swap3A_932 = tpu.vector_load %arg14[%swap3A_931] {strides = array<i32>} : memref<1024xf32, #tpu.memory_space<vmem>>, vector<16xf32>,
        %swap3A_933 = vector.shape_cast %swap3A_932 : vector<16xf32> to vector<16xf32>
        %swap3A_934 = vector.shape_cast %select_n3A_928 : vector<16xf32> to vector<16xf32>
        tpu.vector_store %arg14[%swap3A_931], %swap3A_934 {strides = array<i32>} : memref<1024xf32, #tpu.memory_space<vmem>>, vector<16xf32>,
        %select_n3A_935 = arith.select %lt3A_5, %select_n3A_928, %broadcast_in_dim3A_3 : vector<16xi1>, vector<16xf32>
        %max3A_936 = arith.maximumf %max3A, %select_n3A_935 : vector<16xf32>
        scf.yield %max3A_936 : vector<16xf32>
      }
      %scan3A_75 = arith.constant 32 : i32
      %add3A_76 = arith.addi %multiple_of3A, %mul3A_53 : i32
      %mul3A_77 = arith.constant 1024 : i32
      %mul3A_78 = arith.muli %add3A_76, %mul3A_77 : i32
      %dma_start3A_79 = tpu.memref_slice %arg6[%mul3A_78] : memref<2621440xf32, #tpu.memory_space<hbm>> -> memref<1024xf32, #tpu.memory_space<hbm>>
      %dma_start3A_80 = tpu.memref_slice %arg6[%mul3A_78] : memref<2621440xf32, #tpu.memory_space<hbm>> -> memref<1024xf32, #tpu.memory_space<hbm>>
      tpu.enqueue_dma source(%arg14 : memref<1024xf32, #tpu.memory_space<vmem>>) target(%dma_start3A_80 : memref<1024xf32, #tpu.memory_space<hbm>>) target_semaphore(%arg19 : memref<!tpu.dma_semaphore, #tpu.memory_space<semaphore_mem>>)
      %lt3A_81 = arith.constant 39 : i32
      %lt3A_82 = arith.cmpi slt, %scan3A_50, %lt3A_81 : i32
      %convert_element_type3A_83 = arith.extui %lt3A_82 : i1 to i32
      %cond3A_84 = arith.constant 0 : i32
      %cond3A_85 = arith.cmpi ne, %convert_element_type3A_83, %cond3A_84 : i32
      scf.if %cond3A_85 {
        %add3A_114 = arith.constant 2 : i32
        %add3A_115 = arith.addi %mul3A_53, %add3A_114 : i32
        %mul3A_116 = arith.constant 64 : i32
        %mul3A_117 = arith.muli %add3A_115, %mul3A_116 : i32
        %dma_start3A_118 = tpu.memref_slice %arg8[%mul3A_117] : memref<5120xi32, #tpu.memory_space<vmem>> -> memref<64xi32, #tpu.memory_space<vmem>>
        %dma_start3A_119 = arith.constant 0 : i32
        %dma_start3A_120 = arith.constant 0 : i32
        %dma_start3A_121 = tpu.memref_slice %arg2[%dma_start3A_119, %dma_start3A_120] : memref<10000x256xf32, #tpu.memory_space<hbm>> -> memref<10000x256xf32, #tpu.memory_space<hbm>>
        tpu.enqueue_indirect_dma source(%dma_start3A_121 : memref<10000x256xf32, #tpu.memory_space<hbm>>) target(%arg10 : memref<64x256xf32, #tpu.memory_space<vmem>>) offsets(%dma_start3A_118 : memref<64xi32, #tpu.memory_space<vmem>>) semaphore(%arg17 : memref<!tpu.dma_semaphore, #tpu.memory_space<semaphore_mem>>)
        %mul3A_122 = arith.constant 64 : i32
        %mul3A_123 = arith.muli %add3A_115, %mul3A_122 : i32
        %dma_start3A_124 = tpu.memref_slice %arg9[%mul3A_123] : memref<5120xi32, #tpu.memory_space<vmem>> -> memref<64xi32, #tpu.memory_space<vmem>>
        %dma_start3A_125 = arith.constant 0 : i32
        %dma_start3A_126 = arith.constant 0 : i32
        %dma_start3A_127 = tpu.memref_slice %arg3[%dma_start3A_125, %dma_start3A_126] : memref<10000x256xf32, #tpu.memory_space<hbm>> -> memref<10000x256xf32, #tpu.memory_space<hbm>>
        tpu.enqueue_indirect_dma source(%dma_start3A_127 : memref<10000x256xf32, #tpu.memory_space<hbm>>) target(%arg11 : memref<64x256xf32, #tpu.memory_space<vmem>>) offsets(%dma_start3A_124 : memref<64xi32, #tpu.memory_space<vmem>>) semaphore(%arg17 : memref<!tpu.dma_semaphore, #tpu.memory_space<semaphore_mem>>)
      } else {
      }
      %mul3A_86 = arith.constant 64 : i32
      %mul3A_87 = arith.muli %add3A_55, %mul3A_86 : i32
      %dma_wait3A_88 = tpu.memref_slice %arg8[%mul3A_87] : memref<5120xi32, #tpu.memory_space<vmem>> -> memref<64xi32, #tpu.memory_space<vmem>>
      %dma_wait3A_89 = arith.constant 0 : i32
      %dma_wait3A_90 = arith.constant 0 : i32
      %dma_wait3A_91 = tpu.memref_slice %arg2[%dma_wait3A_89, %dma_wait3A_90] : memref<10000x256xf32, #tpu.memory_space<hbm>> -> memref<10000x256xf32, #tpu.memory_space<hbm>>
      tpu.wait_indirect_dma semaphore(%arg18 : memref<!tpu.dma_semaphore, #tpu.memory_space<semaphore_mem>>) src(%dma_wait3A_91 : memref<10000x256xf32, #tpu.memory_space<hbm>>) dst(%arg12 : memref<64x256xf32, #tpu.memory_space<vmem>>)
      %mul3A_92 = arith.constant 64 : i32
      %mul3A_93 = arith.muli %add3A_55, %mul3A_92 : i32
      %dma_wait3A_94 = tpu.memref_slice %arg9[%mul3A_93] : memref<5120xi32, #tpu.memory_space<vmem>> -> memref<64xi32, #tpu.memory_space<vmem>>
      %dma_wait3A_95 = arith.constant 0 : i32
      %dma_wait3A_96 = arith.constant 0 : i32
      %dma_wait3A_97 = tpu.memref_slice %arg3[%dma_wait3A_95, %dma_wait3A_96] : memref<10000x256xf32, #tpu.memory_space<hbm>> -> memref<10000x256xf32, #tpu.memory_space<hbm>>
      tpu.wait_indirect_dma semaphore(%arg18 : memref<!tpu.dma_semaphore, #tpu.memory_space<semaphore_mem>>) src(%dma_wait3A_97 : memref<10000x256xf32, #tpu.memory_space<hbm>>) dst(%arg13 : memref<64x256xf32, #tpu.memory_space<vmem>>)
      %scan3A_98 = arith.constant 0 : i32
      %scan3A_99 = arith.constant 32 : i32
      %scan3A_100 = arith.addi %scan3A_98, %scan3A_99 : i32
      %scan3A_101 = arith.constant 1 : i32
      %scan3A_102 = scf.for %scan3A_114 = %scan3A_98 to %scan3A_100 step %scan3A_101 iter_args(%scan3A_115 = %scan3A_74) -> (vector<16xf32>)  : i32 {
        %mul3A_116 = arith.constant 2 : i32
        %mul3A_117 = arith.muli %mul3A_116, %scan3A_114 : i32
        %add3A_118 = arith.constant 0 : i32
        %add3A_119 = arith.addi %mul3A_117, %add3A_118 : i32
        %iota3A_120 = tpu.iota {dimensions = array<i32: 0>} : vector<16xi32>
        %lt3A_121 = arith.constant 8 : i32
        %lt3A_122 = vector.broadcast %lt3A_121 : i32 to vector<16xi32>
        %lt3A_123 = arith.cmpi slt, %iota3A_120, %lt3A_122 : vector<16xi32>
        %and3A = arith.constant 4 : i32
        %and3A_124 = vector.broadcast %and3A : i32 to vector<16xi32>
        %and3A_125 = arith.andi %iota3A_120, %and3A_124 : vector<16xi32>
        %eq3A = arith.constant 0 : i32
        %eq3A_126 = vector.broadcast %eq3A : i32 to vector<16xi32>
        %eq3A_127 = arith.cmpi eq, %and3A_125, %eq3A_126 : vector<16xi32>
        %get3A = arith.index_cast %add3A_119 : i32 to index
        %get3A_128 = arith.constant 0 : index
        %get3A_129 = tpu.vector_load %arg12[%get3A, %get3A_128] {strides = array<i32>} : memref<64x256xf32, #tpu.memory_space<vmem>>, vector<1x16xf32>,
        %get3A_130 = vector.shape_cast %get3A_129 : vector<1x16xf32> to vector<16xf32>
        %get3A_131 = arith.index_cast %add3A_119 : i32 to index
        %get3A_132 = arith.constant 0 : index
        %get3A_133 = tpu.vector_load %arg13[%get3A_131, %get3A_132] {strides = array<i32>} : memref<64x256xf32, #tpu.memory_space<vmem>>, vector<1x16xf32>,
        %get3A_134 = vector.shape_cast %get3A_133 : vector<1x16xf32> to vector<16xf32>
        %mul3A_135 = arith.mulf %get3A_130, %get3A_134 : vector<16xf32>
        %get3A_136 = arith.index_cast %add3A_119 : i32 to index
        %get3A_137 = arith.constant 16 : index
        %get3A_138 = tpu.vector_load %arg12[%get3A_136, %get3A_137] {strides = array<i32>} : memref<64x256xf32, #tpu.memory_space<vmem>>, vector<1x16xf32>,
        %get3A_139 = vector.shape_cast %get3A_138 : vector<1x16xf32> to vector<16xf32>
        %get3A_140 = arith.index_cast %add3A_119 : i32 to index
        %get3A_141 = arith.constant 16 : index
        %get3A_142 = tpu.vector_load %arg13[%get3A_140, %get3A_141] {strides = array<i32>} : memref<64x256xf32, #tpu.memory_space<vmem>>, vector<1x16xf32>,
        %get3A_143 = vector.shape_cast %get3A_142 : vector<1x16xf32> to vector<16xf32>
        %mul3A_144 = arith.mulf %get3A_139, %get3A_143 : vector<16xf32>
        %add3A_145 = arith.addf %mul3A_135, %mul3A_144 : vector<16xf32>
        %get3A_146 = arith.index_cast %add3A_119 : i32 to index
        %get3A_147 = arith.constant 32 : index
        %get3A_148 = tpu.vector_load %arg12[%get3A_146, %get3A_147] {strides = array<i32>} : memref<64x256xf32, #tpu.memory_space<vmem>>, vector<1x16xf32>,
        %get3A_149 = vector.shape_cast %get3A_148 : vector<1x16xf32> to vector<16xf32>
        %get3A_150 = arith.index_cast %add3A_119 : i32 to index
        %get3A_151 = arith.constant 32 : index
        %get3A_152 = tpu.vector_load %arg13[%get3A_150, %get3A_151] {strides = array<i32>} : memref<64x256xf32, #tpu.memory_space<vmem>>, vector<1x16xf32>,
        %get3A_153 = vector.shape_cast %get3A_152 : vector<1x16xf32> to vector<16xf32>
        %mul3A_154 = arith.mulf %get3A_149, %get3A_153 : vector<16xf32>
        %get3A_155 = arith.index_cast %add3A_119 : i32 to index
        %get3A_156 = arith.constant 48 : index
        %get3A_157 = tpu.vector_load %arg12[%get3A_155, %get3A_156] {strides = array<i32>} : memref<64x256xf32, #tpu.memory_space<vmem>>, vector<1x16xf32>,
        %get3A_158 = vector.shape_cast %get3A_157 : vector<1x16xf32> to vector<16xf32>
        %get3A_159 = arith.index_cast %add3A_119 : i32 to index
        %get3A_160 = arith.constant 48 : index
        %get3A_161 = tpu.vector_load %arg13[%get3A_159, %get3A_160] {strides = array<i32>} : memref<64x256xf32, #tpu.memory_space<vmem>>, vector<1x16xf32>,
        %get3A_162 = vector.shape_cast %get3A_161 : vector<1x16xf32> to vector<16xf32>
        %mul3A_163 = arith.mulf %get3A_158, %get3A_162 : vector<16xf32>
        %add3A_164 = arith.addf %mul3A_154, %mul3A_163 : vector<16xf32>
        %get3A_165 = arith.index_cast %add3A_119 : i32 to index
        %get3A_166 = arith.constant 64 : index
        %get3A_167 = tpu.vector_load %arg12[%get3A_165, %get3A_166] {strides = array<i32>} : memref<64x256xf32, #tpu.memory_space<vmem>>, vector<1x16xf32>,
        %get3A_168 = vector.shape_cast %get3A_167 : vector<1x16xf32> to vector<16xf32>
        %get3A_169 = arith.index_cast %add3A_119 : i32 to index
        %get3A_170 = arith.constant 64 : index
        %get3A_171 = tpu.vector_load %arg13[%get3A_169, %get3A_170] {strides = array<i32>} : memref<64x256xf32, #tpu.memory_space<vmem>>, vector<1x16xf32>,
        %get3A_172 = vector.shape_cast %get3A_171 : vector<1x16xf32> to vector<16xf32>
        %mul3A_173 = arith.mulf %get3A_168, %get3A_172 : vector<16xf32>
        %get3A_174 = arith.index_cast %add3A_119 : i32 to index
        %get3A_175 = arith.constant 80 : index
        %get3A_176 = tpu.vector_load %arg12[%get3A_174, %get3A_175] {strides = array<i32>} : memref<64x256xf32, #tpu.memory_space<vmem>>, vector<1x16xf32>,
        %get3A_177 = vector.shape_cast %get3A_176 : vector<1x16xf32> to vector<16xf32>
        %get3A_178 = arith.index_cast %add3A_119 : i32 to index
        %get3A_179 = arith.constant 80 : index
        %get3A_180 = tpu.vector_load %arg13[%get3A_178, %get3A_179] {strides = array<i32>} : memref<64x256xf32, #tpu.memory_space<vmem>>, vector<1x16xf32>,
        %get3A_181 = vector.shape_cast %get3A_180 : vector<1x16xf32> to vector<16xf32>
        %mul3A_182 = arith.mulf %get3A_177, %get3A_181 : vector<16xf32>
        %add3A_183 = arith.addf %mul3A_173, %mul3A_182 : vector<16xf32>
        %get3A_184 = arith.index_cast %add3A_119 : i32 to index
        %get3A_185 = arith.constant 96 : index
        %get3A_186 = tpu.vector_load %arg12[%get3A_184, %get3A_185] {strides = array<i32>} : memref<64x256xf32, #tpu.memory_space<vmem>>, vector<1x16xf32>,
        %get3A_187 = vector.shape_cast %get3A_186 : vector<1x16xf32> to vector<16xf32>
        %get3A_188 = arith.index_cast %add3A_119 : i32 to index
        %get3A_189 = arith.constant 96 : index
        %get3A_190 = tpu.vector_load %arg13[%get3A_188, %get3A_189] {strides = array<i32>} : memref<64x256xf32, #tpu.memory_space<vmem>>, vector<1x16xf32>,
        %get3A_191 = vector.shape_cast %get3A_190 : vector<1x16xf32> to vector<16xf32>
        %mul3A_192 = arith.mulf %get3A_187, %get3A_191 : vector<16xf32>
        %get3A_193 = arith.index_cast %add3A_119 : i32 to index
        %get3A_194 = arith.constant 112 : index
        %get3A_195 = tpu.vector_load %arg12[%get3A_193, %get3A_194] {strides = array<i32>} : memref<64x256xf32, #tpu.memory_space<vmem>>, vector<1x16xf32>,
        %get3A_196 = vector.shape_cast %get3A_195 : vector<1x16xf32> to vector<16xf32>
        %get3A_197 = arith.index_cast %add3A_119 : i32 to index
        %get3A_198 = arith.constant 112 : index
        %get3A_199 = tpu.vector_load %arg13[%get3A_197, %get3A_198] {strides = array<i32>} : memref<64x256xf32, #tpu.memory_space<vmem>>, vector<1x16xf32>,
        %get3A_200 = vector.shape_cast %get3A_199 : vector<1x16xf32> to vector<16xf32>
        %mul3A_201 = arith.mulf %get3A_196, %get3A_200 : vector<16xf32>
        %add3A_202 = arith.addf %mul3A_192, %mul3A_201 : vector<16xf32>
        %get3A_203 = arith.index_cast %add3A_119 : i32 to index
        %get3A_204 = arith.constant 128 : index
        %get3A_205 = tpu.vector_load %arg12[%get3A_203, %get3A_204] {strides = array<i32>} : memref<64x256xf32, #tpu.memory_space<vmem>>, vector<1x16xf32>,
        %get3A_206 = vector.shape_cast %get3A_205 : vector<1x16xf32> to vector<16xf32>
        %get3A_207 = arith.index_cast %add3A_119 : i32 to index
        %get3A_208 = arith.constant 128 : index
        %get3A_209 = tpu.vector_load %arg13[%get3A_207, %get3A_208] {strides = array<i32>} : memref<64x256xf32, #tpu.memory_space<vmem>>, vector<1x16xf32>,
        %get3A_210 = vector.shape_cast %get3A_209 : vector<1x16xf32> to vector<16xf32>
        %mul3A_211 = arith.mulf %get3A_206, %get3A_210 : vector<16xf32>
        %get3A_212 = arith.index_cast %add3A_119 : i32 to index
        %get3A_213 = arith.constant 144 : index
        %get3A_214 = tpu.vector_load %arg12[%get3A_212, %get3A_213] {strides = array<i32>} : memref<64x256xf32, #tpu.memory_space<vmem>>, vector<1x16xf32>,
        %get3A_215 = vector.shape_cast %get3A_214 : vector<1x16xf32> to vector<16xf32>
        %get3A_216 = arith.index_cast %add3A_119 : i32 to index
        %get3A_217 = arith.constant 144 : index
        %get3A_218 = tpu.vector_load %arg13[%get3A_216, %get3A_217] {strides = array<i32>} : memref<64x256xf32, #tpu.memory_space<vmem>>, vector<1x16xf32>,
        %get3A_219 = vector.shape_cast %get3A_218 : vector<1x16xf32> to vector<16xf32>
        %mul3A_220 = arith.mulf %get3A_215, %get3A_219 : vector<16xf32>
        %add3A_221 = arith.addf %mul3A_211, %mul3A_220 : vector<16xf32>
        %get3A_222 = arith.index_cast %add3A_119 : i32 to index
        %get3A_223 = arith.constant 160 : index
        %get3A_224 = tpu.vector_load %arg12[%get3A_222, %get3A_223] {strides = array<i32>} : memref<64x256xf32, #tpu.memory_space<vmem>>, vector<1x16xf32>,
        %get3A_225 = vector.shape_cast %get3A_224 : vector<1x16xf32> to vector<16xf32>
        %get3A_226 = arith.index_cast %add3A_119 : i32 to index
        %get3A_227 = arith.constant 160 : index
        %get3A_228 = tpu.vector_load %arg13[%get3A_226, %get3A_227] {strides = array<i32>} : memref<64x256xf32, #tpu.memory_space<vmem>>, vector<1x16xf32>,
        %get3A_229 = vector.shape_cast %get3A_228 : vector<1x16xf32> to vector<16xf32>
        %mul3A_230 = arith.mulf %get3A_225, %get3A_229 : vector<16xf32>
        %get3A_231 = arith.index_cast %add3A_119 : i32 to index
        %get3A_232 = arith.constant 176 : index
        %get3A_233 = tpu.vector_load %arg12[%get3A_231, %get3A_232] {strides = array<i32>} : memref<64x256xf32, #tpu.memory_space<vmem>>, vector<1x16xf32>,
        %get3A_234 = vector.shape_cast %get3A_233 : vector<1x16xf32> to vector<16xf32>
        %get3A_235 = arith.index_cast %add3A_119 : i32 to index
        %get3A_236 = arith.constant 176 : index
        %get3A_237 = tpu.vector_load %arg13[%get3A_235, %get3A_236] {strides = array<i32>} : memref<64x256xf32, #tpu.memory_space<vmem>>, vector<1x16xf32>,
        %get3A_238 = vector.shape_cast %get3A_237 : vector<1x16xf32> to vector<16xf32>
        %mul3A_239 = arith.mulf %get3A_234, %get3A_238 : vector<16xf32>
        %add3A_240 = arith.addf %mul3A_230, %mul3A_239 : vector<16xf32>
        %get3A_241 = arith.index_cast %add3A_119 : i32 to index
        %get3A_242 = arith.constant 192 : index
        %get3A_243 = tpu.vector_load %arg12[%get3A_241, %get3A_242] {strides = array<i32>} : memref<64x256xf32, #tpu.memory_space<vmem>>, vector<1x16xf32>,
        %get3A_244 = vector.shape_cast %get3A_243 : vector<1x16xf32> to vector<16xf32>
        %get3A_245 = arith.index_cast %add3A_119 : i32 to index
        %get3A_246 = arith.constant 192 : index
        %get3A_247 = tpu.vector_load %arg13[%get3A_245, %get3A_246] {strides = array<i32>} : memref<64x256xf32, #tpu.memory_space<vmem>>, vector<1x16xf32>,
        %get3A_248 = vector.shape_cast %get3A_247 : vector<1x16xf32> to vector<16xf32>
        %mul3A_249 = arith.mulf %get3A_244, %get3A_248 : vector<16xf32>
        %get3A_250 = arith.index_cast %add3A_119 : i32 to index
        %get3A_251 = arith.constant 208 : index
        %get3A_252 = tpu.vector_load %arg12[%get3A_250, %get3A_251] {strides = array<i32>} : memref<64x256xf32, #tpu.memory_space<vmem>>, vector<1x16xf32>,
        %get3A_253 = vector.shape_cast %get3A_252 : vector<1x16xf32> to vector<16xf32>
        %get3A_254 = arith.index_cast %add3A_119 : i32 to index
        %get3A_255 = arith.constant 208 : index
        %get3A_256 = tpu.vector_load %arg13[%get3A_254, %get3A_255] {strides = array<i32>} : memref<64x256xf32, #tpu.memory_space<vmem>>, vector<1x16xf32>,
        %get3A_257 = vector.shape_cast %get3A_256 : vector<1x16xf32> to vector<16xf32>
        %mul3A_258 = arith.mulf %get3A_253, %get3A_257 : vector<16xf32>
        %add3A_259 = arith.addf %mul3A_249, %mul3A_258 : vector<16xf32>
        %get3A_260 = arith.index_cast %add3A_119 : i32 to index
        %get3A_261 = arith.constant 224 : index
        %get3A_262 = tpu.vector_load %arg12[%get3A_260, %get3A_261] {strides = array<i32>} : memref<64x256xf32, #tpu.memory_space<vmem>>, vector<1x16xf32>,
        %get3A_263 = vector.shape_cast %get3A_262 : vector<1x16xf32> to vector<16xf32>
        %get3A_264 = arith.index_cast %add3A_119 : i32 to index
        %get3A_265 = arith.constant 224 : index
        %get3A_266 = tpu.vector_load %arg13[%get3A_264, %get3A_265] {strides = array<i32>} : memref<64x256xf32, #tpu.memory_space<vmem>>, vector<1x16xf32>,
        %get3A_267 = vector.shape_cast %get3A_266 : vector<1x16xf32> to vector<16xf32>
        %mul3A_268 = arith.mulf %get3A_263, %get3A_267 : vector<16xf32>
        %get3A_269 = arith.index_cast %add3A_119 : i32 to index
        %get3A_270 = arith.constant 240 : index
        %get3A_271 = tpu.vector_load %arg12[%get3A_269, %get3A_270] {strides = array<i32>} : memref<64x256xf32, #tpu.memory_space<vmem>>, vector<1x16xf32>,
        %get3A_272 = vector.shape_cast %get3A_271 : vector<1x16xf32> to vector<16xf32>
        %get3A_273 = arith.index_cast %add3A_119 : i32 to index
        %get3A_274 = arith.constant 240 : index
        %get3A_275 = tpu.vector_load %arg13[%get3A_273, %get3A_274] {strides = array<i32>} : memref<64x256xf32, #tpu.memory_space<vmem>>, vector<1x16xf32>,
        %get3A_276 = vector.shape_cast %get3A_275 : vector<1x16xf32> to vector<16xf32>
        %mul3A_277 = arith.mulf %get3A_272, %get3A_276 : vector<16xf32>
        %add3A_278 = arith.addf %mul3A_268, %mul3A_277 : vector<16xf32>
        %select_n3A = arith.select %lt3A_123, %add3A_145, %add3A_164 : vector<16xi1>, vector<16xf32>
        %select_n3A_279 = arith.select %lt3A_123, %add3A_164, %add3A_145 : vector<16xi1>, vector<16xf32>
        %xor3A = arith.constant 8 : i32
        %xor3A_280 = vector.broadcast %xor3A : i32 to vector<16xi32>
        %xor3A_281 = arith.xori %iota3A_120, %xor3A_280 : vector<16xi32>
        %lt3A_282 = arith.constant 0 : i32
        %lt3A_283 = vector.broadcast %lt3A_282 : i32 to vector<16xi32>
        %lt3A_284 = arith.cmpi slt, %xor3A_281, %lt3A_283 : vector<16xi32>
        %add3A_285 = arith.constant 16 : i32
        %add3A_286 = vector.broadcast %add3A_285 : i32 to vector<16xi32>
        %add3A_287 = arith.addi %xor3A_281, %add3A_286 : vector<16xi32>
        %select_n3A_288 = arith.select %lt3A_284, %add3A_287, %xor3A_281 : vector<16xi1>, vector<16xi32>
        %broadcast_in_dim3A_289 = vector.shape_cast %select_n3A_288 : vector<16xi32> to vector<16x1xi32>
        %gather3A = vector.shape_cast %broadcast_in_dim3A_289 : vector<16x1xi32> to vector<16xi32>
        %gather3A_290 = tpu.dynamic_gather %select_n3A_279[%gather3A] in [0] : vector<16xf32>, vector<16xi32> -> vector<16xf32>
        %add3A_291 = arith.addf %select_n3A, %gather3A_290 : vector<16xf32>
        %select_n3A_292 = arith.select %lt3A_123, %add3A_183, %add3A_202 : vector<16xi1>, vector<16xf32>
        %select_n3A_293 = arith.select %lt3A_123, %add3A_202, %add3A_183 : vector<16xi1>, vector<16xf32>
        %xor3A_294 = arith.constant 8 : i32
        %xor3A_295 = vector.broadcast %xor3A_294 : i32 to vector<16xi32>
        %xor3A_296 = arith.xori %iota3A_120, %xor3A_295 : vector<16xi32>
        %lt3A_297 = arith.constant 0 : i32
        %lt3A_298 = vector.broadcast %lt3A_297 : i32 to vector<16xi32>
        %lt3A_299 = arith.cmpi slt, %xor3A_296, %lt3A_298 : vector<16xi32>
        %add3A_300 = arith.constant 16 : i32
        %add3A_301 = vector.broadcast %add3A_300 : i32 to vector<16xi32>
        %add3A_302 = arith.addi %xor3A_296, %add3A_301 : vector<16xi32>
        %select_n3A_303 = arith.select %lt3A_299, %add3A_302, %xor3A_296 : vector<16xi1>, vector<16xi32>
        %broadcast_in_dim3A_304 = vector.shape_cast %select_n3A_303 : vector<16xi32> to vector<16x1xi32>
        %gather3A_305 = vector.shape_cast %broadcast_in_dim3A_304 : vector<16x1xi32> to vector<16xi32>
        %gather3A_306 = tpu.dynamic_gather %select_n3A_293[%gather3A_305] in [0] : vector<16xf32>, vector<16xi32> -> vector<16xf32>
        %add3A_307 = arith.addf %select_n3A_292, %gather3A_306 : vector<16xf32>
        %select_n3A_308 = arith.select %lt3A_123, %add3A_221, %add3A_240 : vector<16xi1>, vector<16xf32>
        %select_n3A_309 = arith.select %lt3A_123, %add3A_240, %add3A_221 : vector<16xi1>, vector<16xf32>
        %xor3A_310 = arith.constant 8 : i32
        %xor3A_311 = vector.broadcast %xor3A_310 : i32 to vector<16xi32>
        %xor3A_312 = arith.xori %iota3A_120, %xor3A_311 : vector<16xi32>
        %lt3A_313 = arith.constant 0 : i32
        %lt3A_314 = vector.broadcast %lt3A_313 : i32 to vector<16xi32>
        %lt3A_315 = arith.cmpi slt, %xor3A_312, %lt3A_314 : vector<16xi32>
        %add3A_316 = arith.constant 16 : i32
        %add3A_317 = vector.broadcast %add3A_316 : i32 to vector<16xi32>
        %add3A_318 = arith.addi %xor3A_312, %add3A_317 : vector<16xi32>
        %select_n3A_319 = arith.select %lt3A_315, %add3A_318, %xor3A_312 : vector<16xi1>, vector<16xi32>
        %broadcast_in_dim3A_320 = vector.shape_cast %select_n3A_319 : vector<16xi32> to vector<16x1xi32>
        %gather3A_321 = vector.shape_cast %broadcast_in_dim3A_320 : vector<16x1xi32> to vector<16xi32>
        %gather3A_322 = tpu.dynamic_gather %select_n3A_309[%gather3A_321] in [0] : vector<16xf32>, vector<16xi32> -> vector<16xf32>
        %add3A_323 = arith.addf %select_n3A_308, %gather3A_322 : vector<16xf32>
        %select_n3A_324 = arith.select %lt3A_123, %add3A_259, %add3A_278 : vector<16xi1>, vector<16xf32>
        %select_n3A_325 = arith.select %lt3A_123, %add3A_278, %add3A_259 : vector<16xi1>, vector<16xf32>
        %xor3A_326 = arith.constant 8 : i32
        %xor3A_327 = vector.broadcast %xor3A_326 : i32 to vector<16xi32>
        %xor3A_328 = arith.xori %iota3A_120, %xor3A_327 : vector<16xi32>
        %lt3A_329 = arith.constant 0 : i32
        %lt3A_330 = vector.broadcast %lt3A_329 : i32 to vector<16xi32>
        %lt3A_331 = arith.cmpi slt, %xor3A_328, %lt3A_330 : vector<16xi32>
        %add3A_332 = arith.constant 16 : i32
        %add3A_333 = vector.broadcast %add3A_332 : i32 to vector<16xi32>
        %add3A_334 = arith.addi %xor3A_328, %add3A_333 : vector<16xi32>
        %select_n3A_335 = arith.select %lt3A_331, %add3A_334, %xor3A_328 : vector<16xi1>, vector<16xi32>
        %broadcast_in_dim3A_336 = vector.shape_cast %select_n3A_335 : vector<16xi32> to vector<16x1xi32>
        %gather3A_337 = vector.shape_cast %broadcast_in_dim3A_336 : vector<16x1xi32> to vector<16xi32>
        %gather3A_338 = tpu.dynamic_gather %select_n3A_325[%gather3A_337] in [0] : vector<16xf32>, vector<16xi32> -> vector<16xf32>
        %add3A_339 = arith.addf %select_n3A_324, %gather3A_338 : vector<16xf32>
        %xor3A_340 = arith.constant 4 : i32
        %xor3A_341 = vector.broadcast %xor3A_340 : i32 to vector<16xi32>
        %xor3A_342 = arith.xori %iota3A_120, %xor3A_341 : vector<16xi32>
        %lt3A_343 = arith.constant 0 : i32
        %lt3A_344 = vector.broadcast %lt3A_343 : i32 to vector<16xi32>
        %lt3A_345 = arith.cmpi slt, %xor3A_342, %lt3A_344 : vector<16xi32>
        %add3A_346 = arith.constant 16 : i32
        %add3A_347 = vector.broadcast %add3A_346 : i32 to vector<16xi32>
        %add3A_348 = arith.addi %xor3A_342, %add3A_347 : vector<16xi32>
        %select_n3A_349 = arith.select %lt3A_345, %add3A_348, %xor3A_342 : vector<16xi1>, vector<16xi32>
        %broadcast_in_dim3A_350 = vector.shape_cast %select_n3A_349 : vector<16xi32> to vector<16x1xi32>
        %gather3A_351 = vector.shape_cast %broadcast_in_dim3A_350 : vector<16x1xi32> to vector<16xi32>
        %gather3A_352 = tpu.dynamic_gather %add3A_291[%gather3A_351] in [0] : vector<16xf32>, vector<16xi32> -> vector<16xf32>
        %add3A_353 = arith.addf %add3A_291, %gather3A_352 : vector<16xf32>
        %xor3A_354 = arith.constant 4 : i32
        %xor3A_355 = vector.broadcast %xor3A_354 : i32 to vector<16xi32>
        %xor3A_356 = arith.xori %iota3A_120, %xor3A_355 : vector<16xi32>
        %lt3A_357 = arith.constant 0 : i32
        %lt3A_358 = vector.broadcast %lt3A_357 : i32 to vector<16xi32>
        %lt3A_359 = arith.cmpi slt, %xor3A_356, %lt3A_358 : vector<16xi32>
        %add3A_360 = arith.constant 16 : i32
        %add3A_361 = vector.broadcast %add3A_360 : i32 to vector<16xi32>
        %add3A_362 = arith.addi %xor3A_356, %add3A_361 : vector<16xi32>
        %select_n3A_363 = arith.select %lt3A_359, %add3A_362, %xor3A_356 : vector<16xi1>, vector<16xi32>
        %broadcast_in_dim3A_364 = vector.shape_cast %select_n3A_363 : vector<16xi32> to vector<16x1xi32>
        %gather3A_365 = vector.shape_cast %broadcast_in_dim3A_364 : vector<16x1xi32> to vector<16xi32>
        %gather3A_366 = tpu.dynamic_gather %add3A_307[%gather3A_365] in [0] : vector<16xf32>, vector<16xi32> -> vector<16xf32>
        %add3A_367 = arith.addf %add3A_307, %gather3A_366 : vector<16xf32>
        %xor3A_368 = arith.constant 4 : i32
        %xor3A_369 = vector.broadcast %xor3A_368 : i32 to vector<16xi32>
        %xor3A_370 = arith.xori %iota3A_120, %xor3A_369 : vector<16xi32>
        %lt3A_371 = arith.constant 0 : i32
        %lt3A_372 = vector.broadcast %lt3A_371 : i32 to vector<16xi32>
        %lt3A_373 = arith.cmpi slt, %xor3A_370, %lt3A_372 : vector<16xi32>
        %add3A_374 = arith.constant 16 : i32
        %add3A_375 = vector.broadcast %add3A_374 : i32 to vector<16xi32>
        %add3A_376 = arith.addi %xor3A_370, %add3A_375 : vector<16xi32>
        %select_n3A_377 = arith.select %lt3A_373, %add3A_376, %xor3A_370 : vector<16xi1>, vector<16xi32>
        %broadcast_in_dim3A_378 = vector.shape_cast %select_n3A_377 : vector<16xi32> to vector<16x1xi32>
        %gather3A_379 = vector.shape_cast %broadcast_in_dim3A_378 : vector<16x1xi32> to vector<16xi32>
        %gather3A_380 = tpu.dynamic_gather %add3A_367[%gather3A_379] in [0] : vector<16xf32>, vector<16xi32> -> vector<16xf32>
        %select_n3A_381 = arith.select %eq3A_127, %add3A_353, %gather3A_380 : vector<16xi1>, vector<16xf32>
        %xor3A_382 = arith.constant 4 : i32
        %xor3A_383 = vector.broadcast %xor3A_382 : i32 to vector<16xi32>
        %xor3A_384 = arith.xori %iota3A_120, %xor3A_383 : vector<16xi32>
        %lt3A_385 = arith.constant 0 : i32
        %lt3A_386 = vector.broadcast %lt3A_385 : i32 to vector<16xi32>
        %lt3A_387 = arith.cmpi slt, %xor3A_384, %lt3A_386 : vector<16xi32>
        %add3A_388 = arith.constant 16 : i32
        %add3A_389 = vector.broadcast %add3A_388 : i32 to vector<16xi32>
        %add3A_390 = arith.addi %xor3A_384, %add3A_389 : vector<16xi32>
        %select_n3A_391 = arith.select %lt3A_387, %add3A_390, %xor3A_384 : vector<16xi1>, vector<16xi32>
        %broadcast_in_dim3A_392 = vector.shape_cast %select_n3A_391 : vector<16xi32> to vector<16x1xi32>
        %gather3A_393 = vector.shape_cast %broadcast_in_dim3A_392 : vector<16x1xi32> to vector<16xi32>
        %gather3A_394 = tpu.dynamic_gather %add3A_323[%gather3A_393] in [0] : vector<16xf32>, vector<16xi32> -> vector<16xf32>
        %add3A_395 = arith.addf %add3A_323, %gather3A_394 : vector<16xf32>
        %xor3A_396 = arith.constant 4 : i32
        %xor3A_397 = vector.broadcast %xor3A_396 : i32 to vector<16xi32>
        %xor3A_398 = arith.xori %iota3A_120, %xor3A_397 : vector<16xi32>
        %lt3A_399 = arith.constant 0 : i32
        %lt3A_400 = vector.broadcast %lt3A_399 : i32 to vector<16xi32>
        %lt3A_401 = arith.cmpi slt, %xor3A_398, %lt3A_400 : vector<16xi32>
        %add3A_402 = arith.constant 16 : i32
        %add3A_403 = vector.broadcast %add3A_402 : i32 to vector<16xi32>
        %add3A_404 = arith.addi %xor3A_398, %add3A_403 : vector<16xi32>
        %select_n3A_405 = arith.select %lt3A_401, %add3A_404, %xor3A_398 : vector<16xi1>, vector<16xi32>
        %broadcast_in_dim3A_406 = vector.shape_cast %select_n3A_405 : vector<16xi32> to vector<16x1xi32>
        %gather3A_407 = vector.shape_cast %broadcast_in_dim3A_406 : vector<16x1xi32> to vector<16xi32>
        %gather3A_408 = tpu.dynamic_gather %add3A_339[%gather3A_407] in [0] : vector<16xf32>, vector<16xi32> -> vector<16xf32>
        %add3A_409 = arith.addf %add3A_339, %gather3A_408 : vector<16xf32>
        %xor3A_410 = arith.constant 4 : i32
        %xor3A_411 = vector.broadcast %xor3A_410 : i32 to vector<16xi32>
        %xor3A_412 = arith.xori %iota3A_120, %xor3A_411 : vector<16xi32>
        %lt3A_413 = arith.constant 0 : i32
        %lt3A_414 = vector.broadcast %lt3A_413 : i32 to vector<16xi32>
        %lt3A_415 = arith.cmpi slt, %xor3A_412, %lt3A_414 : vector<16xi32>
        %add3A_416 = arith.constant 16 : i32
        %add3A_417 = vector.broadcast %add3A_416 : i32 to vector<16xi32>
        %add3A_418 = arith.addi %xor3A_412, %add3A_417 : vector<16xi32>
        %select_n3A_419 = arith.select %lt3A_415, %add3A_418, %xor3A_412 : vector<16xi1>, vector<16xi32>
        %broadcast_in_dim3A_420 = vector.shape_cast %select_n3A_419 : vector<16xi32> to vector<16x1xi32>
        %gather3A_421 = vector.shape_cast %broadcast_in_dim3A_420 : vector<16x1xi32> to vector<16xi32>
        %gather3A_422 = tpu.dynamic_gather %add3A_409[%gather3A_421] in [0] : vector<16xf32>, vector<16xi32> -> vector<16xf32>
        %select_n3A_423 = arith.select %eq3A_127, %add3A_395, %gather3A_422 : vector<16xi1>, vector<16xf32>
        %xor3A_424 = arith.constant 2 : i32
        %xor3A_425 = vector.broadcast %xor3A_424 : i32 to vector<16xi32>
        %xor3A_426 = arith.xori %iota3A_120, %xor3A_425 : vector<16xi32>
        %lt3A_427 = arith.constant 0 : i32
        %lt3A_428 = vector.broadcast %lt3A_427 : i32 to vector<16xi32>
        %lt3A_429 = arith.cmpi slt, %xor3A_426, %lt3A_428 : vector<16xi32>
        %add3A_430 = arith.constant 16 : i32
        %add3A_431 = vector.broadcast %add3A_430 : i32 to vector<16xi32>
        %add3A_432 = arith.addi %xor3A_426, %add3A_431 : vector<16xi32>
        %select_n3A_433 = arith.select %lt3A_429, %add3A_432, %xor3A_426 : vector<16xi1>, vector<16xi32>
        %broadcast_in_dim3A_434 = vector.shape_cast %select_n3A_433 : vector<16xi32> to vector<16x1xi32>
        %gather3A_435 = vector.shape_cast %broadcast_in_dim3A_434 : vector<16x1xi32> to vector<16xi32>
        %gather3A_436 = tpu.dynamic_gather %select_n3A_381[%gather3A_435] in [0] : vector<16xf32>, vector<16xi32> -> vector<16xf32>
        %add3A_437 = arith.addf %select_n3A_381, %gather3A_436 : vector<16xf32>
        %xor3A_438 = arith.constant 1 : i32
        %xor3A_439 = vector.broadcast %xor3A_438 : i32 to vector<16xi32>
        %xor3A_440 = arith.xori %iota3A_120, %xor3A_439 : vector<16xi32>
        %lt3A_441 = arith.constant 0 : i32
        %lt3A_442 = vector.broadcast %lt3A_441 : i32 to vector<16xi32>
        %lt3A_443 = arith.cmpi slt, %xor3A_440, %lt3A_442 : vector<16xi32>
        %add3A_444 = arith.constant 16 : i32
        %add3A_445 = vector.broadcast %add3A_444 : i32 to vector<16xi32>
        %add3A_446 = arith.addi %xor3A_440, %add3A_445 : vector<16xi32>
        %select_n3A_447 = arith.select %lt3A_443, %add3A_446, %xor3A_440 : vector<16xi1>, vector<16xi32>
        %broadcast_in_dim3A_448 = vector.shape_cast %select_n3A_447 : vector<16xi32> to vector<16x1xi32>
        %gather3A_449 = vector.shape_cast %broadcast_in_dim3A_448 : vector<16x1xi32> to vector<16xi32>
        %gather3A_450 = tpu.dynamic_gather %add3A_437[%gather3A_449] in [0] : vector<16xf32>, vector<16xi32> -> vector<16xf32>
        %add3A_451 = arith.addf %add3A_437, %gather3A_450 : vector<16xf32>
        %xor3A_452 = arith.constant 2 : i32
        %xor3A_453 = vector.broadcast %xor3A_452 : i32 to vector<16xi32>
        %xor3A_454 = arith.xori %iota3A_120, %xor3A_453 : vector<16xi32>
        %lt3A_455 = arith.constant 0 : i32
        %lt3A_456 = vector.broadcast %lt3A_455 : i32 to vector<16xi32>
        %lt3A_457 = arith.cmpi slt, %xor3A_454, %lt3A_456 : vector<16xi32>
        %add3A_458 = arith.constant 16 : i32
        %add3A_459 = vector.broadcast %add3A_458 : i32 to vector<16xi32>
        %add3A_460 = arith.addi %xor3A_454, %add3A_459 : vector<16xi32>
        %select_n3A_461 = arith.select %lt3A_457, %add3A_460, %xor3A_454 : vector<16xi1>, vector<16xi32>
        %broadcast_in_dim3A_462 = vector.shape_cast %select_n3A_461 : vector<16xi32> to vector<16x1xi32>
        %gather3A_463 = vector.shape_cast %broadcast_in_dim3A_462 : vector<16x1xi32> to vector<16xi32>
        %gather3A_464 = tpu.dynamic_gather %select_n3A_423[%gather3A_463] in [0] : vector<16xf32>, vector<16xi32> -> vector<16xf32>
        %add3A_465 = arith.addf %select_n3A_423, %gather3A_464 : vector<16xf32>
        %xor3A_466 = arith.constant 1 : i32
        %xor3A_467 = vector.broadcast %xor3A_466 : i32 to vector<16xi32>
        %xor3A_468 = arith.xori %iota3A_120, %xor3A_467 : vector<16xi32>
        %lt3A_469 = arith.constant 0 : i32
        %lt3A_470 = vector.broadcast %lt3A_469 : i32 to vector<16xi32>
        %lt3A_471 = arith.cmpi slt, %xor3A_468, %lt3A_470 : vector<16xi32>
        %add3A_472 = arith.constant 16 : i32
        %add3A_473 = vector.broadcast %add3A_472 : i32 to vector<16xi32>
        %add3A_474 = arith.addi %xor3A_468, %add3A_473 : vector<16xi32>
        %select_n3A_475 = arith.select %lt3A_471, %add3A_474, %xor3A_468 : vector<16xi1>, vector<16xi32>
        %broadcast_in_dim3A_476 = vector.shape_cast %select_n3A_475 : vector<16xi32> to vector<16x1xi32>
        %gather3A_477 = vector.shape_cast %broadcast_in_dim3A_476 : vector<16x1xi32> to vector<16xi32>
        %gather3A_478 = tpu.dynamic_gather %add3A_465[%gather3A_477] in [0] : vector<16xf32>, vector<16xi32> -> vector<16xf32>
        %add3A_479 = arith.addf %add3A_465, %gather3A_478 : vector<16xf32>
        %and3A_480 = arith.constant 1 : i32
        %and3A_481 = vector.broadcast %and3A_480 : i32 to vector<16xi32>
        %and3A_482 = arith.andi %iota3A_120, %and3A_481 : vector<16xi32>
        %shift_left3A = arith.constant 3 : i32
        %shift_left3A_483 = vector.broadcast %shift_left3A : i32 to vector<16xi32>
        %shift_left3A_484 = arith.shli %and3A_482, %shift_left3A_483 : vector<16xi32>
        %and3A_485 = arith.constant 2 : i32
        %and3A_486 = vector.broadcast %and3A_485 : i32 to vector<16xi32>
        %and3A_487 = arith.andi %iota3A_120, %and3A_486 : vector<16xi32>
        %shift_left3A_488 = arith.constant 1 : i32
        %shift_left3A_489 = vector.broadcast %shift_left3A_488 : i32 to vector<16xi32>
        %shift_left3A_490 = arith.shli %and3A_487, %shift_left3A_489 : vector<16xi32>
        %or3A = arith.ori %shift_left3A_484, %shift_left3A_490 : vector<16xi32>
        %lt3A_491 = arith.constant 4 : i32
        %lt3A_492 = vector.broadcast %lt3A_491 : i32 to vector<16xi32>
        %lt3A_493 = arith.cmpi slt, %iota3A_120, %lt3A_492 : vector<16xi32>
        %lt3A_494 = arith.constant 0 : i32
        %lt3A_495 = vector.broadcast %lt3A_494 : i32 to vector<16xi32>
        %lt3A_496 = arith.cmpi slt, %or3A, %lt3A_495 : vector<16xi32>
        %add3A_497 = arith.constant 16 : i32
        %add3A_498 = vector.broadcast %add3A_497 : i32 to vector<16xi32>
        %add3A_499 = arith.addi %or3A, %add3A_498 : vector<16xi32>
        %select_n3A_500 = arith.select %lt3A_496, %add3A_499, %or3A : vector<16xi1>, vector<16xi32>
        %broadcast_in_dim3A_501 = vector.shape_cast %select_n3A_500 : vector<16xi32> to vector<16x1xi32>
        %gather3A_502 = vector.shape_cast %broadcast_in_dim3A_501 : vector<16x1xi32> to vector<16xi32>
        %gather3A_503 = tpu.dynamic_gather %add3A_451[%gather3A_502] in [0] : vector<16xf32>, vector<16xi32> -> vector<16xf32>
        %lt3A_504 = arith.constant 0 : i32
        %lt3A_505 = vector.broadcast %lt3A_504 : i32 to vector<16xi32>
        %lt3A_506 = arith.cmpi slt, %or3A, %lt3A_505 : vector<16xi32>
        %add3A_507 = arith.constant 16 : i32
        %add3A_508 = vector.broadcast %add3A_507 : i32 to vector<16xi32>
        %add3A_509 = arith.addi %or3A, %add3A_508 : vector<16xi32>
        %select_n3A_510 = arith.select %lt3A_506, %add3A_509, %or3A : vector<16xi1>, vector<16xi32>
        %broadcast_in_dim3A_511 = vector.shape_cast %select_n3A_510 : vector<16xi32> to vector<16x1xi32>
        %gather3A_512 = vector.shape_cast %broadcast_in_dim3A_511 : vector<16x1xi32> to vector<16xi32>
        %gather3A_513 = tpu.dynamic_gather %add3A_479[%gather3A_512] in [0] : vector<16xf32>, vector<16xi32> -> vector<16xf32>
        %select_n3A_514 = arith.select %lt3A_493, %gather3A_503, %gather3A_513 : vector<16xi1>, vector<16xf32>
        %mul3A_515 = arith.constant 16 : i32
        %mul3A_516 = arith.muli %add3A_119, %mul3A_515 : i32
        %swap3A_517 = arith.index_cast %mul3A_516 : i32 to index
        %swap3A_518 = tpu.vector_load %arg15[%swap3A_517] {strides = array<i32>} : memref<1024xf32, #tpu.memory_space<vmem>>, vector<16xf32>,
        %swap3A_519 = vector.shape_cast %swap3A_518 : vector<16xf32> to vector<16xf32>
        %swap3A_520 = vector.shape_cast %select_n3A_514 : vector<16xf32> to vector<16xf32>
        tpu.vector_store %arg15[%swap3A_517], %swap3A_520 {strides = array<i32>} : memref<1024xf32, #tpu.memory_space<vmem>>, vector<16xf32>,
        %select_n3A_521 = arith.select %lt3A_5, %select_n3A_514, %broadcast_in_dim3A_3 : vector<16xi1>, vector<16xf32>
        %max3A = arith.maximumf %scan3A_115, %select_n3A_521 : vector<16xf32>
        %mul3A_522 = arith.constant 2 : i32
        %mul3A_523 = arith.muli %mul3A_522, %scan3A_114 : i32
        %add3A_524 = arith.constant 1 : i32
        %add3A_525 = arith.addi %mul3A_523, %add3A_524 : i32
        %iota3A_526 = tpu.iota {dimensions = array<i32: 0>} : vector<16xi32>
        %lt3A_527 = arith.constant 8 : i32
        %lt3A_528 = vector.broadcast %lt3A_527 : i32 to vector<16xi32>
        %lt3A_529 = arith.cmpi slt, %iota3A_526, %lt3A_528 : vector<16xi32>
        %and3A_530 = arith.constant 4 : i32
        %and3A_531 = vector.broadcast %and3A_530 : i32 to vector<16xi32>
        %and3A_532 = arith.andi %iota3A_526, %and3A_531 : vector<16xi32>
        %eq3A_533 = arith.constant 0 : i32
        %eq3A_534 = vector.broadcast %eq3A_533 : i32 to vector<16xi32>
        %eq3A_535 = arith.cmpi eq, %and3A_532, %eq3A_534 : vector<16xi32>
        %get3A_536 = arith.index_cast %add3A_525 : i32 to index
        %get3A_537 = arith.constant 0 : index
        %get3A_538 = tpu.vector_load %arg12[%get3A_536, %get3A_537] {strides = array<i32>} : memref<64x256xf32, #tpu.memory_space<vmem>>, vector<1x16xf32>,
        %get3A_539 = vector.shape_cast %get3A_538 : vector<1x16xf32> to vector<16xf32>
        %get3A_540 = arith.index_cast %add3A_525 : i32 to index
        %get3A_541 = arith.constant 0 : index
        %get3A_542 = tpu.vector_load %arg13[%get3A_540, %get3A_541] {strides = array<i32>} : memref<64x256xf32, #tpu.memory_space<vmem>>, vector<1x16xf32>,
        %get3A_543 = vector.shape_cast %get3A_542 : vector<1x16xf32> to vector<16xf32>
        %mul3A_544 = arith.mulf %get3A_539, %get3A_543 : vector<16xf32>
        %get3A_545 = arith.index_cast %add3A_525 : i32 to index
        %get3A_546 = arith.constant 16 : index
        %get3A_547 = tpu.vector_load %arg12[%get3A_545, %get3A_546] {strides = array<i32>} : memref<64x256xf32, #tpu.memory_space<vmem>>, vector<1x16xf32>,
        %get3A_548 = vector.shape_cast %get3A_547 : vector<1x16xf32> to vector<16xf32>
        %get3A_549 = arith.index_cast %add3A_525 : i32 to index
        %get3A_550 = arith.constant 16 : index
        %get3A_551 = tpu.vector_load %arg13[%get3A_549, %get3A_550] {strides = array<i32>} : memref<64x256xf32, #tpu.memory_space<vmem>>, vector<1x16xf32>,
        %get3A_552 = vector.shape_cast %get3A_551 : vector<1x16xf32> to vector<16xf32>
        %mul3A_553 = arith.mulf %get3A_548, %get3A_552 : vector<16xf32>
        %add3A_554 = arith.addf %mul3A_544, %mul3A_553 : vector<16xf32>
        %get3A_555 = arith.index_cast %add3A_525 : i32 to index
        %get3A_556 = arith.constant 32 : index
        %get3A_557 = tpu.vector_load %arg12[%get3A_555, %get3A_556] {strides = array<i32>} : memref<64x256xf32, #tpu.memory_space<vmem>>, vector<1x16xf32>,
        %get3A_558 = vector.shape_cast %get3A_557 : vector<1x16xf32> to vector<16xf32>
        %get3A_559 = arith.index_cast %add3A_525 : i32 to index
        %get3A_560 = arith.constant 32 : index
        %get3A_561 = tpu.vector_load %arg13[%get3A_559, %get3A_560] {strides = array<i32>} : memref<64x256xf32, #tpu.memory_space<vmem>>, vector<1x16xf32>,
        %get3A_562 = vector.shape_cast %get3A_561 : vector<1x16xf32> to vector<16xf32>
        %mul3A_563 = arith.mulf %get3A_558, %get3A_562 : vector<16xf32>
        %get3A_564 = arith.index_cast %add3A_525 : i32 to index
        %get3A_565 = arith.constant 48 : index
        %get3A_566 = tpu.vector_load %arg12[%get3A_564, %get3A_565] {strides = array<i32>} : memref<64x256xf32, #tpu.memory_space<vmem>>, vector<1x16xf32>,
        %get3A_567 = vector.shape_cast %get3A_566 : vector<1x16xf32> to vector<16xf32>
        %get3A_568 = arith.index_cast %add3A_525 : i32 to index
        %get3A_569 = arith.constant 48 : index
        %get3A_570 = tpu.vector_load %arg13[%get3A_568, %get3A_569] {strides = array<i32>} : memref<64x256xf32, #tpu.memory_space<vmem>>, vector<1x16xf32>,
        %get3A_571 = vector.shape_cast %get3A_570 : vector<1x16xf32> to vector<16xf32>
        %mul3A_572 = arith.mulf %get3A_567, %get3A_571 : vector<16xf32>
        %add3A_573 = arith.addf %mul3A_563, %mul3A_572 : vector<16xf32>
        %get3A_574 = arith.index_cast %add3A_525 : i32 to index
        %get3A_575 = arith.constant 64 : index
        %get3A_576 = tpu.vector_load %arg12[%get3A_574, %get3A_575] {strides = array<i32>} : memref<64x256xf32, #tpu.memory_space<vmem>>, vector<1x16xf32>,
        %get3A_577 = vector.shape_cast %get3A_576 : vector<1x16xf32> to vector<16xf32>
        %get3A_578 = arith.index_cast %add3A_525 : i32 to index
        %get3A_579 = arith.constant 64 : index
        %get3A_580 = tpu.vector_load %arg13[%get3A_578, %get3A_579] {strides = array<i32>} : memref<64x256xf32, #tpu.memory_space<vmem>>, vector<1x16xf32>,
        %get3A_581 = vector.shape_cast %get3A_580 : vector<1x16xf32> to vector<16xf32>
        %mul3A_582 = arith.mulf %get3A_577, %get3A_581 : vector<16xf32>
        %get3A_583 = arith.index_cast %add3A_525 : i32 to index
        %get3A_584 = arith.constant 80 : index
        %get3A_585 = tpu.vector_load %arg12[%get3A_583, %get3A_584] {strides = array<i32>} : memref<64x256xf32, #tpu.memory_space<vmem>>, vector<1x16xf32>,
        %get3A_586 = vector.shape_cast %get3A_585 : vector<1x16xf32> to vector<16xf32>
        %get3A_587 = arith.index_cast %add3A_525 : i32 to index
        %get3A_588 = arith.constant 80 : index
        %get3A_589 = tpu.vector_load %arg13[%get3A_587, %get3A_588] {strides = array<i32>} : memref<64x256xf32, #tpu.memory_space<vmem>>, vector<1x16xf32>,
        %get3A_590 = vector.shape_cast %get3A_589 : vector<1x16xf32> to vector<16xf32>
        %mul3A_591 = arith.mulf %get3A_586, %get3A_590 : vector<16xf32>
        %add3A_592 = arith.addf %mul3A_582, %mul3A_591 : vector<16xf32>
        %get3A_593 = arith.index_cast %add3A_525 : i32 to index
        %get3A_594 = arith.constant 96 : index
        %get3A_595 = tpu.vector_load %arg12[%get3A_593, %get3A_594] {strides = array<i32>} : memref<64x256xf32, #tpu.memory_space<vmem>>, vector<1x16xf32>,
        %get3A_596 = vector.shape_cast %get3A_595 : vector<1x16xf32> to vector<16xf32>
        %get3A_597 = arith.index_cast %add3A_525 : i32 to index
        %get3A_598 = arith.constant 96 : index
        %get3A_599 = tpu.vector_load %arg13[%get3A_597, %get3A_598] {strides = array<i32>} : memref<64x256xf32, #tpu.memory_space<vmem>>, vector<1x16xf32>,
        %get3A_600 = vector.shape_cast %get3A_599 : vector<1x16xf32> to vector<16xf32>
        %mul3A_601 = arith.mulf %get3A_596, %get3A_600 : vector<16xf32>
        %get3A_602 = arith.index_cast %add3A_525 : i32 to index
        %get3A_603 = arith.constant 112 : index
        %get3A_604 = tpu.vector_load %arg12[%get3A_602, %get3A_603] {strides = array<i32>} : memref<64x256xf32, #tpu.memory_space<vmem>>, vector<1x16xf32>,
        %get3A_605 = vector.shape_cast %get3A_604 : vector<1x16xf32> to vector<16xf32>
        %get3A_606 = arith.index_cast %add3A_525 : i32 to index
        %get3A_607 = arith.constant 112 : index
        %get3A_608 = tpu.vector_load %arg13[%get3A_606, %get3A_607] {strides = array<i32>} : memref<64x256xf32, #tpu.memory_space<vmem>>, vector<1x16xf32>,
        %get3A_609 = vector.shape_cast %get3A_608 : vector<1x16xf32> to vector<16xf32>
        %mul3A_610 = arith.mulf %get3A_605, %get3A_609 : vector<16xf32>
        %add3A_611 = arith.addf %mul3A_601, %mul3A_610 : vector<16xf32>
        %get3A_612 = arith.index_cast %add3A_525 : i32 to index
        %get3A_613 = arith.constant 128 : index
        %get3A_614 = tpu.vector_load %arg12[%get3A_612, %get3A_613] {strides = array<i32>} : memref<64x256xf32, #tpu.memory_space<vmem>>, vector<1x16xf32>,
        %get3A_615 = vector.shape_cast %get3A_614 : vector<1x16xf32> to vector<16xf32>
        %get3A_616 = arith.index_cast %add3A_525 : i32 to index
        %get3A_617 = arith.constant 128 : index
        %get3A_618 = tpu.vector_load %arg13[%get3A_616, %get3A_617] {strides = array<i32>} : memref<64x256xf32, #tpu.memory_space<vmem>>, vector<1x16xf32>,
        %get3A_619 = vector.shape_cast %get3A_618 : vector<1x16xf32> to vector<16xf32>
        %mul3A_620 = arith.mulf %get3A_615, %get3A_619 : vector<16xf32>
        %get3A_621 = arith.index_cast %add3A_525 : i32 to index
        %get3A_622 = arith.constant 144 : index
        %get3A_623 = tpu.vector_load %arg12[%get3A_621, %get3A_622] {strides = array<i32>} : memref<64x256xf32, #tpu.memory_space<vmem>>, vector<1x16xf32>,
        %get3A_624 = vector.shape_cast %get3A_623 : vector<1x16xf32> to vector<16xf32>
        %get3A_625 = arith.index_cast %add3A_525 : i32 to index
        %get3A_626 = arith.constant 144 : index
        %get3A_627 = tpu.vector_load %arg13[%get3A_625, %get3A_626] {strides = array<i32>} : memref<64x256xf32, #tpu.memory_space<vmem>>, vector<1x16xf32>,
        %get3A_628 = vector.shape_cast %get3A_627 : vector<1x16xf32> to vector<16xf32>
        %mul3A_629 = arith.mulf %get3A_624, %get3A_628 : vector<16xf32>
        %add3A_630 = arith.addf %mul3A_620, %mul3A_629 : vector<16xf32>
        %get3A_631 = arith.index_cast %add3A_525 : i32 to index
        %get3A_632 = arith.constant 160 : index
        %get3A_633 = tpu.vector_load %arg12[%get3A_631, %get3A_632] {strides = array<i32>} : memref<64x256xf32, #tpu.memory_space<vmem>>, vector<1x16xf32>,
        %get3A_634 = vector.shape_cast %get3A_633 : vector<1x16xf32> to vector<16xf32>
        %get3A_635 = arith.index_cast %add3A_525 : i32 to index
        %get3A_636 = arith.constant 160 : index
        %get3A_637 = tpu.vector_load %arg13[%get3A_635, %get3A_636] {strides = array<i32>} : memref<64x256xf32, #tpu.memory_space<vmem>>, vector<1x16xf32>,
        %get3A_638 = vector.shape_cast %get3A_637 : vector<1x16xf32> to vector<16xf32>
        %mul3A_639 = arith.mulf %get3A_634, %get3A_638 : vector<16xf32>
        %get3A_640 = arith.index_cast %add3A_525 : i32 to index
        %get3A_641 = arith.constant 176 : index
        %get3A_642 = tpu.vector_load %arg12[%get3A_640, %get3A_641] {strides = array<i32>} : memref<64x256xf32, #tpu.memory_space<vmem>>, vector<1x16xf32>,
        %get3A_643 = vector.shape_cast %get3A_642 : vector<1x16xf32> to vector<16xf32>
        %get3A_644 = arith.index_cast %add3A_525 : i32 to index
        %get3A_645 = arith.constant 176 : index
        %get3A_646 = tpu.vector_load %arg13[%get3A_644, %get3A_645] {strides = array<i32>} : memref<64x256xf32, #tpu.memory_space<vmem>>, vector<1x16xf32>,
        %get3A_647 = vector.shape_cast %get3A_646 : vector<1x16xf32> to vector<16xf32>
        %mul3A_648 = arith.mulf %get3A_643, %get3A_647 : vector<16xf32>
        %add3A_649 = arith.addf %mul3A_639, %mul3A_648 : vector<16xf32>
        %get3A_650 = arith.index_cast %add3A_525 : i32 to index
        %get3A_651 = arith.constant 192 : index
        %get3A_652 = tpu.vector_load %arg12[%get3A_650, %get3A_651] {strides = array<i32>} : memref<64x256xf32, #tpu.memory_space<vmem>>, vector<1x16xf32>,
        %get3A_653 = vector.shape_cast %get3A_652 : vector<1x16xf32> to vector<16xf32>
        %get3A_654 = arith.index_cast %add3A_525 : i32 to index
        %get3A_655 = arith.constant 192 : index
        %get3A_656 = tpu.vector_load %arg13[%get3A_654, %get3A_655] {strides = array<i32>} : memref<64x256xf32, #tpu.memory_space<vmem>>, vector<1x16xf32>,
        %get3A_657 = vector.shape_cast %get3A_656 : vector<1x16xf32> to vector<16xf32>
        %mul3A_658 = arith.mulf %get3A_653, %get3A_657 : vector<16xf32>
        %get3A_659 = arith.index_cast %add3A_525 : i32 to index
        %get3A_660 = arith.constant 208 : index
        %get3A_661 = tpu.vector_load %arg12[%get3A_659, %get3A_660] {strides = array<i32>} : memref<64x256xf32, #tpu.memory_space<vmem>>, vector<1x16xf32>,
        %get3A_662 = vector.shape_cast %get3A_661 : vector<1x16xf32> to vector<16xf32>
        %get3A_663 = arith.index_cast %add3A_525 : i32 to index
        %get3A_664 = arith.constant 208 : index
        %get3A_665 = tpu.vector_load %arg13[%get3A_663, %get3A_664] {strides = array<i32>} : memref<64x256xf32, #tpu.memory_space<vmem>>, vector<1x16xf32>,
        %get3A_666 = vector.shape_cast %get3A_665 : vector<1x16xf32> to vector<16xf32>
        %mul3A_667 = arith.mulf %get3A_662, %get3A_666 : vector<16xf32>
        %add3A_668 = arith.addf %mul3A_658, %mul3A_667 : vector<16xf32>
        %get3A_669 = arith.index_cast %add3A_525 : i32 to index
        %get3A_670 = arith.constant 224 : index
        %get3A_671 = tpu.vector_load %arg12[%get3A_669, %get3A_670] {strides = array<i32>} : memref<64x256xf32, #tpu.memory_space<vmem>>, vector<1x16xf32>,
        %get3A_672 = vector.shape_cast %get3A_671 : vector<1x16xf32> to vector<16xf32>
        %get3A_673 = arith.index_cast %add3A_525 : i32 to index
        %get3A_674 = arith.constant 224 : index
        %get3A_675 = tpu.vector_load %arg13[%get3A_673, %get3A_674] {strides = array<i32>} : memref<64x256xf32, #tpu.memory_space<vmem>>, vector<1x16xf32>,
        %get3A_676 = vector.shape_cast %get3A_675 : vector<1x16xf32> to vector<16xf32>
        %mul3A_677 = arith.mulf %get3A_672, %get3A_676 : vector<16xf32>
        %get3A_678 = arith.index_cast %add3A_525 : i32 to index
        %get3A_679 = arith.constant 240 : index
        %get3A_680 = tpu.vector_load %arg12[%get3A_678, %get3A_679] {strides = array<i32>} : memref<64x256xf32, #tpu.memory_space<vmem>>, vector<1x16xf32>,
        %get3A_681 = vector.shape_cast %get3A_680 : vector<1x16xf32> to vector<16xf32>
        %get3A_682 = arith.index_cast %add3A_525 : i32 to index
        %get3A_683 = arith.constant 240 : index
        %get3A_684 = tpu.vector_load %arg13[%get3A_682, %get3A_683] {strides = array<i32>} : memref<64x256xf32, #tpu.memory_space<vmem>>, vector<1x16xf32>,
        %get3A_685 = vector.shape_cast %get3A_684 : vector<1x16xf32> to vector<16xf32>
        %mul3A_686 = arith.mulf %get3A_681, %get3A_685 : vector<16xf32>
        %add3A_687 = arith.addf %mul3A_677, %mul3A_686 : vector<16xf32>
        %select_n3A_688 = arith.select %lt3A_529, %add3A_554, %add3A_573 : vector<16xi1>, vector<16xf32>
        %select_n3A_689 = arith.select %lt3A_529, %add3A_573, %add3A_554 : vector<16xi1>, vector<16xf32>
        %xor3A_690 = arith.constant 8 : i32
        %xor3A_691 = vector.broadcast %xor3A_690 : i32 to vector<16xi32>
        %xor3A_692 = arith.xori %iota3A_526, %xor3A_691 : vector<16xi32>
        %lt3A_693 = arith.constant 0 : i32
        %lt3A_694 = vector.broadcast %lt3A_693 : i32 to vector<16xi32>
        %lt3A_695 = arith.cmpi slt, %xor3A_692, %lt3A_694 : vector<16xi32>
        %add3A_696 = arith.constant 16 : i32
        %add3A_697 = vector.broadcast %add3A_696 : i32 to vector<16xi32>
        %add3A_698 = arith.addi %xor3A_692, %add3A_697 : vector<16xi32>
        %select_n3A_699 = arith.select %lt3A_695, %add3A_698, %xor3A_692 : vector<16xi1>, vector<16xi32>
        %broadcast_in_dim3A_700 = vector.shape_cast %select_n3A_699 : vector<16xi32> to vector<16x1xi32>
        %gather3A_701 = vector.shape_cast %broadcast_in_dim3A_700 : vector<16x1xi32> to vector<16xi32>
        %gather3A_702 = tpu.dynamic_gather %select_n3A_689[%gather3A_701] in [0] : vector<16xf32>, vector<16xi32> -> vector<16xf32>
        %add3A_703 = arith.addf %select_n3A_688, %gather3A_702 : vector<16xf32>
        %select_n3A_704 = arith.select %lt3A_529, %add3A_592, %add3A_611 : vector<16xi1>, vector<16xf32>
        %select_n3A_705 = arith.select %lt3A_529, %add3A_611, %add3A_592 : vector<16xi1>, vector<16xf32>
        %xor3A_706 = arith.constant 8 : i32
        %xor3A_707 = vector.broadcast %xor3A_706 : i32 to vector<16xi32>
        %xor3A_708 = arith.xori %iota3A_526, %xor3A_707 : vector<16xi32>
        %lt3A_709 = arith.constant 0 : i32
        %lt3A_710 = vector.broadcast %lt3A_709 : i32 to vector<16xi32>
        %lt3A_711 = arith.cmpi slt, %xor3A_708, %lt3A_710 : vector<16xi32>
        %add3A_712 = arith.constant 16 : i32
        %add3A_713 = vector.broadcast %add3A_712 : i32 to vector<16xi32>
        %add3A_714 = arith.addi %xor3A_708, %add3A_713 : vector<16xi32>
        %select_n3A_715 = arith.select %lt3A_711, %add3A_714, %xor3A_708 : vector<16xi1>, vector<16xi32>
        %broadcast_in_dim3A_716 = vector.shape_cast %select_n3A_715 : vector<16xi32> to vector<16x1xi32>
        %gather3A_717 = vector.shape_cast %broadcast_in_dim3A_716 : vector<16x1xi32> to vector<16xi32>
        %gather3A_718 = tpu.dynamic_gather %select_n3A_705[%gather3A_717] in [0] : vector<16xf32>, vector<16xi32> -> vector<16xf32>
        %add3A_719 = arith.addf %select_n3A_704, %gather3A_718 : vector<16xf32>
        %select_n3A_720 = arith.select %lt3A_529, %add3A_630, %add3A_649 : vector<16xi1>, vector<16xf32>
        %select_n3A_721 = arith.select %lt3A_529, %add3A_649, %add3A_630 : vector<16xi1>, vector<16xf32>
        %xor3A_722 = arith.constant 8 : i32
        %xor3A_723 = vector.broadcast %xor3A_722 : i32 to vector<16xi32>
        %xor3A_724 = arith.xori %iota3A_526, %xor3A_723 : vector<16xi32>
        %lt3A_725 = arith.constant 0 : i32
        %lt3A_726 = vector.broadcast %lt3A_725 : i32 to vector<16xi32>
        %lt3A_727 = arith.cmpi slt, %xor3A_724, %lt3A_726 : vector<16xi32>
        %add3A_728 = arith.constant 16 : i32
        %add3A_729 = vector.broadcast %add3A_728 : i32 to vector<16xi32>
        %add3A_730 = arith.addi %xor3A_724, %add3A_729 : vector<16xi32>
        %select_n3A_731 = arith.select %lt3A_727, %add3A_730, %xor3A_724 : vector<16xi1>, vector<16xi32>
        %broadcast_in_dim3A_732 = vector.shape_cast %select_n3A_731 : vector<16xi32> to vector<16x1xi32>
        %gather3A_733 = vector.shape_cast %broadcast_in_dim3A_732 : vector<16x1xi32> to vector<16xi32>
        %gather3A_734 = tpu.dynamic_gather %select_n3A_721[%gather3A_733] in [0] : vector<16xf32>, vector<16xi32> -> vector<16xf32>
        %add3A_735 = arith.addf %select_n3A_720, %gather3A_734 : vector<16xf32>
        %select_n3A_736 = arith.select %lt3A_529, %add3A_668, %add3A_687 : vector<16xi1>, vector<16xf32>
        %select_n3A_737 = arith.select %lt3A_529, %add3A_687, %add3A_668 : vector<16xi1>, vector<16xf32>
        %xor3A_738 = arith.constant 8 : i32
        %xor3A_739 = vector.broadcast %xor3A_738 : i32 to vector<16xi32>
        %xor3A_740 = arith.xori %iota3A_526, %xor3A_739 : vector<16xi32>
        %lt3A_741 = arith.constant 0 : i32
        %lt3A_742 = vector.broadcast %lt3A_741 : i32 to vector<16xi32>
        %lt3A_743 = arith.cmpi slt, %xor3A_740, %lt3A_742 : vector<16xi32>
        %add3A_744 = arith.constant 16 : i32
        %add3A_745 = vector.broadcast %add3A_744 : i32 to vector<16xi32>
        %add3A_746 = arith.addi %xor3A_740, %add3A_745 : vector<16xi32>
        %select_n3A_747 = arith.select %lt3A_743, %add3A_746, %xor3A_740 : vector<16xi1>, vector<16xi32>
        %broadcast_in_dim3A_748 = vector.shape_cast %select_n3A_747 : vector<16xi32> to vector<16x1xi32>
        %gather3A_749 = vector.shape_cast %broadcast_in_dim3A_748 : vector<16x1xi32> to vector<16xi32>
        %gather3A_750 = tpu.dynamic_gather %select_n3A_737[%gather3A_749] in [0] : vector<16xf32>, vector<16xi32> -> vector<16xf32>
        %add3A_751 = arith.addf %select_n3A_736, %gather3A_750 : vector<16xf32>
        %xor3A_752 = arith.constant 4 : i32
        %xor3A_753 = vector.broadcast %xor3A_752 : i32 to vector<16xi32>
        %xor3A_754 = arith.xori %iota3A_526, %xor3A_753 : vector<16xi32>
        %lt3A_755 = arith.constant 0 : i32
        %lt3A_756 = vector.broadcast %lt3A_755 : i32 to vector<16xi32>
        %lt3A_757 = arith.cmpi slt, %xor3A_754, %lt3A_756 : vector<16xi32>
        %add3A_758 = arith.constant 16 : i32
        %add3A_759 = vector.broadcast %add3A_758 : i32 to vector<16xi32>
        %add3A_760 = arith.addi %xor3A_754, %add3A_759 : vector<16xi32>
        %select_n3A_761 = arith.select %lt3A_757, %add3A_760, %xor3A_754 : vector<16xi1>, vector<16xi32>
        %broadcast_in_dim3A_762 = vector.shape_cast %select_n3A_761 : vector<16xi32> to vector<16x1xi32>
        %gather3A_763 = vector.shape_cast %broadcast_in_dim3A_762 : vector<16x1xi32> to vector<16xi32>
        %gather3A_764 = tpu.dynamic_gather %add3A_703[%gather3A_763] in [0] : vector<16xf32>, vector<16xi32> -> vector<16xf32>
        %add3A_765 = arith.addf %add3A_703, %gather3A_764 : vector<16xf32>
        %xor3A_766 = arith.constant 4 : i32
        %xor3A_767 = vector.broadcast %xor3A_766 : i32 to vector<16xi32>
        %xor3A_768 = arith.xori %iota3A_526, %xor3A_767 : vector<16xi32>
        %lt3A_769 = arith.constant 0 : i32
        %lt3A_770 = vector.broadcast %lt3A_769 : i32 to vector<16xi32>
        %lt3A_771 = arith.cmpi slt, %xor3A_768, %lt3A_770 : vector<16xi32>
        %add3A_772 = arith.constant 16 : i32
        %add3A_773 = vector.broadcast %add3A_772 : i32 to vector<16xi32>
        %add3A_774 = arith.addi %xor3A_768, %add3A_773 : vector<16xi32>
        %select_n3A_775 = arith.select %lt3A_771, %add3A_774, %xor3A_768 : vector<16xi1>, vector<16xi32>
        %broadcast_in_dim3A_776 = vector.shape_cast %select_n3A_775 : vector<16xi32> to vector<16x1xi32>
        %gather3A_777 = vector.shape_cast %broadcast_in_dim3A_776 : vector<16x1xi32> to vector<16xi32>
        %gather3A_778 = tpu.dynamic_gather %add3A_719[%gather3A_777] in [0] : vector<16xf32>, vector<16xi32> -> vector<16xf32>
        %add3A_779 = arith.addf %add3A_719, %gather3A_778 : vector<16xf32>
        %xor3A_780 = arith.constant 4 : i32
        %xor3A_781 = vector.broadcast %xor3A_780 : i32 to vector<16xi32>
        %xor3A_782 = arith.xori %iota3A_526, %xor3A_781 : vector<16xi32>
        %lt3A_783 = arith.constant 0 : i32
        %lt3A_784 = vector.broadcast %lt3A_783 : i32 to vector<16xi32>
        %lt3A_785 = arith.cmpi slt, %xor3A_782, %lt3A_784 : vector<16xi32>
        %add3A_786 = arith.constant 16 : i32
        %add3A_787 = vector.broadcast %add3A_786 : i32 to vector<16xi32>
        %add3A_788 = arith.addi %xor3A_782, %add3A_787 : vector<16xi32>
        %select_n3A_789 = arith.select %lt3A_785, %add3A_788, %xor3A_782 : vector<16xi1>, vector<16xi32>
        %broadcast_in_dim3A_790 = vector.shape_cast %select_n3A_789 : vector<16xi32> to vector<16x1xi32>
        %gather3A_791 = vector.shape_cast %broadcast_in_dim3A_790 : vector<16x1xi32> to vector<16xi32>
        %gather3A_792 = tpu.dynamic_gather %add3A_779[%gather3A_791] in [0] : vector<16xf32>, vector<16xi32> -> vector<16xf32>
        %select_n3A_793 = arith.select %eq3A_535, %add3A_765, %gather3A_792 : vector<16xi1>, vector<16xf32>
        %xor3A_794 = arith.constant 4 : i32
        %xor3A_795 = vector.broadcast %xor3A_794 : i32 to vector<16xi32>
        %xor3A_796 = arith.xori %iota3A_526, %xor3A_795 : vector<16xi32>
        %lt3A_797 = arith.constant 0 : i32
        %lt3A_798 = vector.broadcast %lt3A_797 : i32 to vector<16xi32>
        %lt3A_799 = arith.cmpi slt, %xor3A_796, %lt3A_798 : vector<16xi32>
        %add3A_800 = arith.constant 16 : i32
        %add3A_801 = vector.broadcast %add3A_800 : i32 to vector<16xi32>
        %add3A_802 = arith.addi %xor3A_796, %add3A_801 : vector<16xi32>
        %select_n3A_803 = arith.select %lt3A_799, %add3A_802, %xor3A_796 : vector<16xi1>, vector<16xi32>
        %broadcast_in_dim3A_804 = vector.shape_cast %select_n3A_803 : vector<16xi32> to vector<16x1xi32>
        %gather3A_805 = vector.shape_cast %broadcast_in_dim3A_804 : vector<16x1xi32> to vector<16xi32>
        %gather3A_806 = tpu.dynamic_gather %add3A_735[%gather3A_805] in [0] : vector<16xf32>, vector<16xi32> -> vector<16xf32>
        %add3A_807 = arith.addf %add3A_735, %gather3A_806 : vector<16xf32>
        %xor3A_808 = arith.constant 4 : i32
        %xor3A_809 = vector.broadcast %xor3A_808 : i32 to vector<16xi32>
        %xor3A_810 = arith.xori %iota3A_526, %xor3A_809 : vector<16xi32>
        %lt3A_811 = arith.constant 0 : i32
        %lt3A_812 = vector.broadcast %lt3A_811 : i32 to vector<16xi32>
        %lt3A_813 = arith.cmpi slt, %xor3A_810, %lt3A_812 : vector<16xi32>
        %add3A_814 = arith.constant 16 : i32
        %add3A_815 = vector.broadcast %add3A_814 : i32 to vector<16xi32>
        %add3A_816 = arith.addi %xor3A_810, %add3A_815 : vector<16xi32>
        %select_n3A_817 = arith.select %lt3A_813, %add3A_816, %xor3A_810 : vector<16xi1>, vector<16xi32>
        %broadcast_in_dim3A_818 = vector.shape_cast %select_n3A_817 : vector<16xi32> to vector<16x1xi32>
        %gather3A_819 = vector.shape_cast %broadcast_in_dim3A_818 : vector<16x1xi32> to vector<16xi32>
        %gather3A_820 = tpu.dynamic_gather %add3A_751[%gather3A_819] in [0] : vector<16xf32>, vector<16xi32> -> vector<16xf32>
        %add3A_821 = arith.addf %add3A_751, %gather3A_820 : vector<16xf32>
        %xor3A_822 = arith.constant 4 : i32
        %xor3A_823 = vector.broadcast %xor3A_822 : i32 to vector<16xi32>
        %xor3A_824 = arith.xori %iota3A_526, %xor3A_823 : vector<16xi32>
        %lt3A_825 = arith.constant 0 : i32
        %lt3A_826 = vector.broadcast %lt3A_825 : i32 to vector<16xi32>
        %lt3A_827 = arith.cmpi slt, %xor3A_824, %lt3A_826 : vector<16xi32>
        %add3A_828 = arith.constant 16 : i32
        %add3A_829 = vector.broadcast %add3A_828 : i32 to vector<16xi32>
        %add3A_830 = arith.addi %xor3A_824, %add3A_829 : vector<16xi32>
        %select_n3A_831 = arith.select %lt3A_827, %add3A_830, %xor3A_824 : vector<16xi1>, vector<16xi32>
        %broadcast_in_dim3A_832 = vector.shape_cast %select_n3A_831 : vector<16xi32> to vector<16x1xi32>
        %gather3A_833 = vector.shape_cast %broadcast_in_dim3A_832 : vector<16x1xi32> to vector<16xi32>
        %gather3A_834 = tpu.dynamic_gather %add3A_821[%gather3A_833] in [0] : vector<16xf32>, vector<16xi32> -> vector<16xf32>
        %select_n3A_835 = arith.select %eq3A_535, %add3A_807, %gather3A_834 : vector<16xi1>, vector<16xf32>
        %xor3A_836 = arith.constant 2 : i32
        %xor3A_837 = vector.broadcast %xor3A_836 : i32 to vector<16xi32>
        %xor3A_838 = arith.xori %iota3A_526, %xor3A_837 : vector<16xi32>
        %lt3A_839 = arith.constant 0 : i32
        %lt3A_840 = vector.broadcast %lt3A_839 : i32 to vector<16xi32>
        %lt3A_841 = arith.cmpi slt, %xor3A_838, %lt3A_840 : vector<16xi32>
        %add3A_842 = arith.constant 16 : i32
        %add3A_843 = vector.broadcast %add3A_842 : i32 to vector<16xi32>
        %add3A_844 = arith.addi %xor3A_838, %add3A_843 : vector<16xi32>
        %select_n3A_845 = arith.select %lt3A_841, %add3A_844, %xor3A_838 : vector<16xi1>, vector<16xi32>
        %broadcast_in_dim3A_846 = vector.shape_cast %select_n3A_845 : vector<16xi32> to vector<16x1xi32>
        %gather3A_847 = vector.shape_cast %broadcast_in_dim3A_846 : vector<16x1xi32> to vector<16xi32>
        %gather3A_848 = tpu.dynamic_gather %select_n3A_793[%gather3A_847] in [0] : vector<16xf32>, vector<16xi32> -> vector<16xf32>
        %add3A_849 = arith.addf %select_n3A_793, %gather3A_848 : vector<16xf32>
        %xor3A_850 = arith.constant 1 : i32
        %xor3A_851 = vector.broadcast %xor3A_850 : i32 to vector<16xi32>
        %xor3A_852 = arith.xori %iota3A_526, %xor3A_851 : vector<16xi32>
        %lt3A_853 = arith.constant 0 : i32
        %lt3A_854 = vector.broadcast %lt3A_853 : i32 to vector<16xi32>
        %lt3A_855 = arith.cmpi slt, %xor3A_852, %lt3A_854 : vector<16xi32>
        %add3A_856 = arith.constant 16 : i32
        %add3A_857 = vector.broadcast %add3A_856 : i32 to vector<16xi32>
        %add3A_858 = arith.addi %xor3A_852, %add3A_857 : vector<16xi32>
        %select_n3A_859 = arith.select %lt3A_855, %add3A_858, %xor3A_852 : vector<16xi1>, vector<16xi32>
        %broadcast_in_dim3A_860 = vector.shape_cast %select_n3A_859 : vector<16xi32> to vector<16x1xi32>
        %gather3A_861 = vector.shape_cast %broadcast_in_dim3A_860 : vector<16x1xi32> to vector<16xi32>
        %gather3A_862 = tpu.dynamic_gather %add3A_849[%gather3A_861] in [0] : vector<16xf32>, vector<16xi32> -> vector<16xf32>
        %add3A_863 = arith.addf %add3A_849, %gather3A_862 : vector<16xf32>
        %xor3A_864 = arith.constant 2 : i32
        %xor3A_865 = vector.broadcast %xor3A_864 : i32 to vector<16xi32>
        %xor3A_866 = arith.xori %iota3A_526, %xor3A_865 : vector<16xi32>
        %lt3A_867 = arith.constant 0 : i32
        %lt3A_868 = vector.broadcast %lt3A_867 : i32 to vector<16xi32>
        %lt3A_869 = arith.cmpi slt, %xor3A_866, %lt3A_868 : vector<16xi32>
        %add3A_870 = arith.constant 16 : i32
        %add3A_871 = vector.broadcast %add3A_870 : i32 to vector<16xi32>
        %add3A_872 = arith.addi %xor3A_866, %add3A_871 : vector<16xi32>
        %select_n3A_873 = arith.select %lt3A_869, %add3A_872, %xor3A_866 : vector<16xi1>, vector<16xi32>
        %broadcast_in_dim3A_874 = vector.shape_cast %select_n3A_873 : vector<16xi32> to vector<16x1xi32>
        %gather3A_875 = vector.shape_cast %broadcast_in_dim3A_874 : vector<16x1xi32> to vector<16xi32>
        %gather3A_876 = tpu.dynamic_gather %select_n3A_835[%gather3A_875] in [0] : vector<16xf32>, vector<16xi32> -> vector<16xf32>
        %add3A_877 = arith.addf %select_n3A_835, %gather3A_876 : vector<16xf32>
        %xor3A_878 = arith.constant 1 : i32
        %xor3A_879 = vector.broadcast %xor3A_878 : i32 to vector<16xi32>
        %xor3A_880 = arith.xori %iota3A_526, %xor3A_879 : vector<16xi32>
        %lt3A_881 = arith.constant 0 : i32
        %lt3A_882 = vector.broadcast %lt3A_881 : i32 to vector<16xi32>
        %lt3A_883 = arith.cmpi slt, %xor3A_880, %lt3A_882 : vector<16xi32>
        %add3A_884 = arith.constant 16 : i32
        %add3A_885 = vector.broadcast %add3A_884 : i32 to vector<16xi32>
        %add3A_886 = arith.addi %xor3A_880, %add3A_885 : vector<16xi32>
        %select_n3A_887 = arith.select %lt3A_883, %add3A_886, %xor3A_880 : vector<16xi1>, vector<16xi32>
        %broadcast_in_dim3A_888 = vector.shape_cast %select_n3A_887 : vector<16xi32> to vector<16x1xi32>
        %gather3A_889 = vector.shape_cast %broadcast_in_dim3A_888 : vector<16x1xi32> to vector<16xi32>
        %gather3A_890 = tpu.dynamic_gather %add3A_877[%gather3A_889] in [0] : vector<16xf32>, vector<16xi32> -> vector<16xf32>
        %add3A_891 = arith.addf %add3A_877, %gather3A_890 : vector<16xf32>
        %and3A_892 = arith.constant 1 : i32
        %and3A_893 = vector.broadcast %and3A_892 : i32 to vector<16xi32>
        %and3A_894 = arith.andi %iota3A_526, %and3A_893 : vector<16xi32>
        %shift_left3A_895 = arith.constant 3 : i32
        %shift_left3A_896 = vector.broadcast %shift_left3A_895 : i32 to vector<16xi32>
        %shift_left3A_897 = arith.shli %and3A_894, %shift_left3A_896 : vector<16xi32>
        %and3A_898 = arith.constant 2 : i32
        %and3A_899 = vector.broadcast %and3A_898 : i32 to vector<16xi32>
        %and3A_900 = arith.andi %iota3A_526, %and3A_899 : vector<16xi32>
        %shift_left3A_901 = arith.constant 1 : i32
        %shift_left3A_902 = vector.broadcast %shift_left3A_901 : i32 to vector<16xi32>
        %shift_left3A_903 = arith.shli %and3A_900, %shift_left3A_902 : vector<16xi32>
        %or3A_904 = arith.ori %shift_left3A_897, %shift_left3A_903 : vector<16xi32>
        %lt3A_905 = arith.constant 4 : i32
        %lt3A_906 = vector.broadcast %lt3A_905 : i32 to vector<16xi32>
        %lt3A_907 = arith.cmpi slt, %iota3A_526, %lt3A_906 : vector<16xi32>
        %lt3A_908 = arith.constant 0 : i32
        %lt3A_909 = vector.broadcast %lt3A_908 : i32 to vector<16xi32>
        %lt3A_910 = arith.cmpi slt, %or3A_904, %lt3A_909 : vector<16xi32>
        %add3A_911 = arith.constant 16 : i32
        %add3A_912 = vector.broadcast %add3A_911 : i32 to vector<16xi32>
        %add3A_913 = arith.addi %or3A_904, %add3A_912 : vector<16xi32>
        %select_n3A_914 = arith.select %lt3A_910, %add3A_913, %or3A_904 : vector<16xi1>, vector<16xi32>
        %broadcast_in_dim3A_915 = vector.shape_cast %select_n3A_914 : vector<16xi32> to vector<16x1xi32>
        %gather3A_916 = vector.shape_cast %broadcast_in_dim3A_915 : vector<16x1xi32> to vector<16xi32>
        %gather3A_917 = tpu.dynamic_gather %add3A_863[%gather3A_916] in [0] : vector<16xf32>, vector<16xi32> -> vector<16xf32>
        %lt3A_918 = arith.constant 0 : i32
        %lt3A_919 = vector.broadcast %lt3A_918 : i32 to vector<16xi32>
        %lt3A_920 = arith.cmpi slt, %or3A_904, %lt3A_919 : vector<16xi32>
        %add3A_921 = arith.constant 16 : i32
        %add3A_922 = vector.broadcast %add3A_921 : i32 to vector<16xi32>
        %add3A_923 = arith.addi %or3A_904, %add3A_922 : vector<16xi32>
        %select_n3A_924 = arith.select %lt3A_920, %add3A_923, %or3A_904 : vector<16xi1>, vector<16xi32>
        %broadcast_in_dim3A_925 = vector.shape_cast %select_n3A_924 : vector<16xi32> to vector<16x1xi32>
        %gather3A_926 = vector.shape_cast %broadcast_in_dim3A_925 : vector<16x1xi32> to vector<16xi32>
        %gather3A_927 = tpu.dynamic_gather %add3A_891[%gather3A_926] in [0] : vector<16xf32>, vector<16xi32> -> vector<16xf32>
        %select_n3A_928 = arith.select %lt3A_907, %gather3A_917, %gather3A_927 : vector<16xi1>, vector<16xf32>
        %mul3A_929 = arith.constant 16 : i32
        %mul3A_930 = arith.muli %add3A_525, %mul3A_929 : i32
        %swap3A_931 = arith.index_cast %mul3A_930 : i32 to index
        %swap3A_932 = tpu.vector_load %arg15[%swap3A_931] {strides = array<i32>} : memref<1024xf32, #tpu.memory_space<vmem>>, vector<16xf32>,
        %swap3A_933 = vector.shape_cast %swap3A_932 : vector<16xf32> to vector<16xf32>
        %swap3A_934 = vector.shape_cast %select_n3A_928 : vector<16xf32> to vector<16xf32>
        tpu.vector_store %arg15[%swap3A_931], %swap3A_934 {strides = array<i32>} : memref<1024xf32, #tpu.memory_space<vmem>>, vector<16xf32>,
        %select_n3A_935 = arith.select %lt3A_5, %select_n3A_928, %broadcast_in_dim3A_3 : vector<16xi1>, vector<16xf32>
        %max3A_936 = arith.maximumf %max3A, %select_n3A_935 : vector<16xf32>
        scf.yield %max3A_936 : vector<16xf32>
      }
      %scan3A_103 = arith.constant 32 : i32
      %add3A_104 = arith.addi %multiple_of3A, %add3A_55 : i32
      %mul3A_105 = arith.constant 1024 : i32
      %mul3A_106 = arith.muli %add3A_104, %mul3A_105 : i32
      %dma_start3A_107 = tpu.memref_slice %arg6[%mul3A_106] : memref<2621440xf32, #tpu.memory_space<hbm>> -> memref<1024xf32, #tpu.memory_space<hbm>>
      %dma_start3A_108 = tpu.memref_slice %arg6[%mul3A_106] : memref<2621440xf32, #tpu.memory_space<hbm>> -> memref<1024xf32, #tpu.memory_space<hbm>>
      tpu.enqueue_dma source(%arg15 : memref<1024xf32, #tpu.memory_space<vmem>>) target(%dma_start3A_108 : memref<1024xf32, #tpu.memory_space<hbm>>) target_semaphore(%arg20 : memref<!tpu.dma_semaphore, #tpu.memory_space<semaphore_mem>>)
      %lt3A_109 = arith.constant 39 : i32
      %lt3A_110 = arith.cmpi slt, %scan3A_50, %lt3A_109 : i32
      %convert_element_type3A_111 = arith.extui %lt3A_110 : i1 to i32
      %cond3A_112 = arith.constant 0 : i32
      %cond3A_113 = arith.cmpi ne, %convert_element_type3A_111, %cond3A_112 : i32
      scf.if %cond3A_113 {
        %add3A_114 = arith.constant 2 : i32
        %add3A_115 = arith.addi %add3A_55, %add3A_114 : i32
        %mul3A_116 = arith.constant 64 : i32
        %mul3A_117 = arith.muli %add3A_115, %mul3A_116 : i32
        %dma_start3A_118 = tpu.memref_slice %arg8[%mul3A_117] : memref<5120xi32, #tpu.memory_space<vmem>> -> memref<64xi32, #tpu.memory_space<vmem>>
        %dma_start3A_119 = arith.constant 0 : i32
        %dma_start3A_120 = arith.constant 0 : i32
        %dma_start3A_121 = tpu.memref_slice %arg2[%dma_start3A_119, %dma_start3A_120] : memref<10000x256xf32, #tpu.memory_space<hbm>> -> memref<10000x256xf32, #tpu.memory_space<hbm>>
        tpu.enqueue_indirect_dma source(%dma_start3A_121 : memref<10000x256xf32, #tpu.memory_space<hbm>>) target(%arg12 : memref<64x256xf32, #tpu.memory_space<vmem>>) offsets(%dma_start3A_118 : memref<64xi32, #tpu.memory_space<vmem>>) semaphore(%arg18 : memref<!tpu.dma_semaphore, #tpu.memory_space<semaphore_mem>>)
        %mul3A_122 = arith.constant 64 : i32
        %mul3A_123 = arith.muli %add3A_115, %mul3A_122 : i32
        %dma_start3A_124 = tpu.memref_slice %arg9[%mul3A_123] : memref<5120xi32, #tpu.memory_space<vmem>> -> memref<64xi32, #tpu.memory_space<vmem>>
        %dma_start3A_125 = arith.constant 0 : i32
        %dma_start3A_126 = arith.constant 0 : i32
        %dma_start3A_127 = tpu.memref_slice %arg3[%dma_start3A_125, %dma_start3A_126] : memref<10000x256xf32, #tpu.memory_space<hbm>> -> memref<10000x256xf32, #tpu.memory_space<hbm>>
        tpu.enqueue_indirect_dma source(%dma_start3A_127 : memref<10000x256xf32, #tpu.memory_space<hbm>>) target(%arg13 : memref<64x256xf32, #tpu.memory_space<vmem>>) offsets(%dma_start3A_124 : memref<64xi32, #tpu.memory_space<vmem>>) semaphore(%arg18 : memref<!tpu.dma_semaphore, #tpu.memory_space<semaphore_mem>>)
      } else {
      }
      scf.yield %scan3A_102 : vector<16xf32>
    }
    %scan3A_33 = arith.constant 40 : i32
    %add3A_34 = arith.constant 0 : i32
    %add3A_35 = arith.addi %multiple_of3A, %add3A_34 : i32
    %mul3A_36 = arith.constant 1024 : i32
    %mul3A_37 = arith.muli %add3A_35, %mul3A_36 : i32
    %dma_wait3A = tpu.memref_slice %arg6[%mul3A_37] : memref<2621440xf32, #tpu.memory_space<hbm>> -> memref<1024xf32, #tpu.memory_space<hbm>>
    %dma_wait3A_38 = tpu.memref_slice %arg6[%mul3A_37] : memref<2621440xf32, #tpu.memory_space<hbm>> -> memref<1024xf32, #tpu.memory_space<hbm>>
    tpu.wait_dma2 semaphore(%arg19 : memref<!tpu.dma_semaphore, #tpu.memory_space<semaphore_mem>>) src(%arg14 : memref<1024xf32, #tpu.memory_space<vmem>>) dst(%dma_wait3A_38 : memref<1024xf32, #tpu.memory_space<hbm>>)
    %add3A_39 = arith.constant 1 : i32
    %add3A_40 = arith.addi %multiple_of3A, %add3A_39 : i32
    %mul3A_41 = arith.constant 1024 : i32
    %mul3A_42 = arith.muli %add3A_40, %mul3A_41 : i32
    %dma_wait3A_43 = tpu.memref_slice %arg6[%mul3A_42] : memref<2621440xf32, #tpu.memory_space<hbm>> -> memref<1024xf32, #tpu.memory_space<hbm>>
    %dma_wait3A_44 = tpu.memref_slice %arg6[%mul3A_42] : memref<2621440xf32, #tpu.memory_space<hbm>> -> memref<1024xf32, #tpu.memory_space<hbm>>
    tpu.wait_dma2 semaphore(%arg20 : memref<!tpu.dma_semaphore, #tpu.memory_space<semaphore_mem>>) src(%arg15 : memref<1024xf32, #tpu.memory_space<vmem>>) dst(%dma_wait3A_44 : memref<1024xf32, #tpu.memory_space<hbm>>)
    %swap3A = arith.constant 0 : index
    %swap3A_45 = tpu.vector_load %arg16[%swap3A] {strides = array<i32>} : memref<16xf32, #tpu.memory_space<vmem>>, vector<16xf32>,
    %swap3A_46 = vector.shape_cast %swap3A_45 : vector<16xf32> to vector<16xf32>
    %swap3A_47 = vector.shape_cast %scan3A_32 : vector<16xf32> to vector<16xf32>
    tpu.vector_store %arg16[%swap3A], %swap3A_47 {strides = array<i32>} : memref<16xf32, #tpu.memory_space<vmem>>, vector<16xf32>,
    %mul3A_48 = arith.constant 16 : i32
    %mul3A_49 = arith.muli %add3A, %mul3A_48 : i32
    "tpu.region"() ({
      %run_scoped3A = tpu.sem_alloc : memref<!tpu.dma_semaphore, #tpu.memory_space<semaphore_mem>>
      %dma_start3A_50 = tpu.memref_slice %arg7[%mul3A_49] : memref<512xf32, #tpu.memory_space<hbm>> -> memref<16xf32, #tpu.memory_space<hbm>>
      %dma_start3A_51 = tpu.memref_slice %arg7[%mul3A_49] : memref<512xf32, #tpu.memory_space<hbm>> -> memref<16xf32, #tpu.memory_space<hbm>>
      tpu.enqueue_dma source(%arg16 : memref<16xf32, #tpu.memory_space<vmem>>) target(%dma_start3A_51 : memref<16xf32, #tpu.memory_space<hbm>>) target_semaphore(%run_scoped3A : memref<!tpu.dma_semaphore, #tpu.memory_space<semaphore_mem>>)
      %dma_wait3A_52 = tpu.memref_slice %arg7[%mul3A_49] : memref<512xf32, #tpu.memory_space<hbm>> -> memref<16xf32, #tpu.memory_space<hbm>>
      %dma_wait3A_53 = tpu.memref_slice %arg7[%mul3A_49] : memref<512xf32, #tpu.memory_space<hbm>> -> memref<16xf32, #tpu.memory_space<hbm>>
      tpu.wait_dma2 semaphore(%run_scoped3A : memref<!tpu.dma_semaphore, #tpu.memory_space<semaphore_mem>>) src(%arg16 : memref<16xf32, #tpu.memory_space<vmem>>) dst(%dma_wait3A_53 : memref<16xf32, #tpu.memory_space<hbm>>)
      tpu.yield
    }) : () -> ()
    return
  }
}

#map = affine_map<(d0, d1) -> (0, 0)>
#map1 = affine_map<(d0, d1) -> (0)>
module attributes {stable_mosaic.version = 14 : i64} {
  func.func @_agg_body(%arg0: i32, %arg1: i32, %arg2: memref<10000x128xf32, #tpu.memory_space<hbm>>, %arg3: memref<2621440xf32, #tpu.memory_space<hbm>>, %arg4: memref<512xf32, #tpu.memory_space<hbm>>, %arg5: memref<163840xi32, #tpu.memory_space<hbm>>, %arg6: memref<2560x64xi32, #tpu.memory_space<hbm>>, %arg7: memref<10016x128xf32, #tpu.memory_space<hbm>>, %arg8: memref<10000x128xf32, #tpu.memory_space<hbm>>, %arg9: memref<10000x128xf32, #tpu.memory_space<hbm>>, %arg10: memref<10016x128xf32, #tpu.memory_space<vmem_shared>>, %arg11: memref<64x128xf32, #tpu.memory_space<vmem>>, %arg12: memref<64x128xf32, #tpu.memory_space<vmem>>, %arg13: memref<64x128xf32, #tpu.memory_space<vmem>>, %arg14: memref<64x128xf32, #tpu.memory_space<vmem>>, %arg15: memref<1024xf32, #tpu.memory_space<vmem>>, %arg16: memref<1024xf32, #tpu.memory_space<vmem>>, %arg17: memref<5120xi32, #tpu.memory_space<vmem>>, %arg18: memref<80x64xi32, #tpu.memory_space<vmem>>, %arg19: memref<512xf32, #tpu.memory_space<vmem>>, %arg20: memref<!tpu.dma_semaphore, #tpu.memory_space<semaphore_mem>>, %arg21: memref<!tpu.dma_semaphore, #tpu.memory_space<semaphore_mem>>, %arg22: memref<!tpu.dma_semaphore, #tpu.memory_space<semaphore_mem>>, %arg23: memref<!tpu.dma_semaphore, #tpu.memory_space<semaphore_mem>>) attributes {dimension_semantics = [#tpu.dimension_semantics<core_parallel>, #tpu.dimension_semantics<subcore_parallel>], iteration_bounds = array<i64: 2, 16>, scalar_prefetch = 0 : i64, scratch_operands = 14 : i64, tpu.core_type = #tpu.core_type<sc_vector_subcore>, window_params = [{transform_indices = #map}, {transform_indices = #map1}, {transform_indices = #map1}, {transform_indices = #map1}, {transform_indices = #map}, {transform_indices = #map}, {transform_indices = #map}, {transform_indices = #map}]} {
    %mul3A = arith.constant 16 : i32
    %mul3A_0 = arith.muli %arg0, %mul3A : i32
    %add3A = arith.addi %mul3A_0, %arg1 : i32
    %mul3A_1 = arith.constant 80 : i32
    %mul3A_2 = arith.muli %add3A, %mul3A_1 : i32
    %multiple_of3A = tpu.assume_multiple %mul3A_2, 8 : i32
    %eq3A = arith.constant 0 : i32
    %eq3A_3 = arith.cmpi eq, %arg1, %eq3A : i32
    %convert_element_type3A = arith.extui %eq3A_3 : i1 to i32
    %cond3A = arith.constant 0 : i32
    %cond3A_4 = arith.cmpi ne, %convert_element_type3A, %cond3A : i32
    scf.if %cond3A_4 {
      "tpu.region"() ({
        %run_scoped3A = tpu.sem_alloc : memref<!tpu.dma_semaphore, #tpu.memory_space<semaphore_mem>>
        tpu.enqueue_dma source(%arg7 : memref<10016x128xf32, #tpu.memory_space<hbm>>) target(%arg10 : memref<10016x128xf32, #tpu.memory_space<vmem_shared>>) target_semaphore(%run_scoped3A : memref<!tpu.dma_semaphore, #tpu.memory_space<semaphore_mem>>)
        tpu.wait_dma2 semaphore(%run_scoped3A : memref<!tpu.dma_semaphore, #tpu.memory_space<semaphore_mem>>) src(%arg7 : memref<10016x128xf32, #tpu.memory_space<hbm>>) dst(%arg10 : memref<10016x128xf32, #tpu.memory_space<vmem_shared>>)
        tpu.yield
      }) : () -> ()
    } else {
    }
    %mul3A_5 = arith.constant 64 : i32
    %mul3A_6 = arith.muli %multiple_of3A, %mul3A_5 : i32
    "tpu.region"() ({
      %run_scoped3A = tpu.sem_alloc : memref<!tpu.dma_semaphore, #tpu.memory_space<semaphore_mem>>
      %dma_start3A_241 = tpu.memref_slice %arg5[%mul3A_6] : memref<163840xi32, #tpu.memory_space<hbm>> -> memref<5120xi32, #tpu.memory_space<hbm>>
      %dma_start3A_242 = tpu.memref_slice %arg5[%mul3A_6] : memref<163840xi32, #tpu.memory_space<hbm>> -> memref<5120xi32, #tpu.memory_space<hbm>>
      tpu.enqueue_dma source(%dma_start3A_242 : memref<5120xi32, #tpu.memory_space<hbm>>) target(%arg17 : memref<5120xi32, #tpu.memory_space<vmem>>) target_semaphore(%run_scoped3A : memref<!tpu.dma_semaphore, #tpu.memory_space<semaphore_mem>>)
      %dma_wait3A_243 = tpu.memref_slice %arg5[%mul3A_6] : memref<163840xi32, #tpu.memory_space<hbm>> -> memref<5120xi32, #tpu.memory_space<hbm>>
      %dma_wait3A_244 = tpu.memref_slice %arg5[%mul3A_6] : memref<163840xi32, #tpu.memory_space<hbm>> -> memref<5120xi32, #tpu.memory_space<hbm>>
      tpu.wait_dma2 semaphore(%run_scoped3A : memref<!tpu.dma_semaphore, #tpu.memory_space<semaphore_mem>>) src(%dma_wait3A_244 : memref<5120xi32, #tpu.memory_space<hbm>>) dst(%arg17 : memref<5120xi32, #tpu.memory_space<vmem>>)
      tpu.yield
    }) : () -> ()
    "tpu.region"() ({
      %run_scoped3A = tpu.sem_alloc : memref<!tpu.dma_semaphore, #tpu.memory_space<semaphore_mem>>
      %dma_start3A_241 = arith.constant 0 : i32
      %dma_start3A_242 = tpu.memref_slice %arg6[%multiple_of3A, %dma_start3A_241] : memref<2560x64xi32, #tpu.memory_space<hbm>> -> memref<80x64xi32, #tpu.memory_space<hbm>>
      %dma_start3A_243 = arith.constant 0 : i32
      %dma_start3A_244 = tpu.memref_slice %arg6[%multiple_of3A, %dma_start3A_243] : memref<2560x64xi32, #tpu.memory_space<hbm>> -> memref<80x64xi32, #tpu.memory_space<hbm>>
      tpu.enqueue_dma source(%dma_start3A_244 : memref<80x64xi32, #tpu.memory_space<hbm>>) target(%arg18 : memref<80x64xi32, #tpu.memory_space<vmem>>) target_semaphore(%run_scoped3A : memref<!tpu.dma_semaphore, #tpu.memory_space<semaphore_mem>>)
      %dma_wait3A_245 = arith.constant 0 : i32
      %dma_wait3A_246 = tpu.memref_slice %arg6[%multiple_of3A, %dma_wait3A_245] : memref<2560x64xi32, #tpu.memory_space<hbm>> -> memref<80x64xi32, #tpu.memory_space<hbm>>
      %dma_wait3A_247 = arith.constant 0 : i32
      %dma_wait3A_248 = tpu.memref_slice %arg6[%multiple_of3A, %dma_wait3A_247] : memref<2560x64xi32, #tpu.memory_space<hbm>> -> memref<80x64xi32, #tpu.memory_space<hbm>>
      tpu.wait_dma2 semaphore(%run_scoped3A : memref<!tpu.dma_semaphore, #tpu.memory_space<semaphore_mem>>) src(%dma_wait3A_248 : memref<80x64xi32, #tpu.memory_space<hbm>>) dst(%arg18 : memref<80x64xi32, #tpu.memory_space<vmem>>)
      tpu.yield
    }) : () -> ()
    "tpu.region"() ({
      %run_scoped3A = tpu.sem_alloc : memref<!tpu.dma_semaphore, #tpu.memory_space<semaphore_mem>>
      tpu.enqueue_dma source(%arg4 : memref<512xf32, #tpu.memory_space<hbm>>) target(%arg19 : memref<512xf32, #tpu.memory_space<vmem>>) target_semaphore(%run_scoped3A : memref<!tpu.dma_semaphore, #tpu.memory_space<semaphore_mem>>)
      tpu.wait_dma2 semaphore(%run_scoped3A : memref<!tpu.dma_semaphore, #tpu.memory_space<semaphore_mem>>) src(%arg4 : memref<512xf32, #tpu.memory_space<hbm>>) dst(%arg19 : memref<512xf32, #tpu.memory_space<vmem>>)
      tpu.yield
    }) : () -> ()
    %get3A = arith.constant 0 : index
    %get3A_7 = tpu.vector_load %arg19[%get3A] {strides = array<i32>} : memref<512xf32, #tpu.memory_space<vmem>>, vector<16xf32>,
    %get3A_8 = vector.shape_cast %get3A_7 : vector<16xf32> to vector<16xf32>
    %get3A_9 = arith.constant 16 : index
    %get3A_10 = tpu.vector_load %arg19[%get3A_9] {strides = array<i32>} : memref<512xf32, #tpu.memory_space<vmem>>, vector<16xf32>,
    %get3A_11 = vector.shape_cast %get3A_10 : vector<16xf32> to vector<16xf32>
    %max3A = arith.maximumf %get3A_8, %get3A_11 : vector<16xf32>
    %get3A_12 = arith.constant 32 : index
    %get3A_13 = tpu.vector_load %arg19[%get3A_12] {strides = array<i32>} : memref<512xf32, #tpu.memory_space<vmem>>, vector<16xf32>,
    %get3A_14 = vector.shape_cast %get3A_13 : vector<16xf32> to vector<16xf32>
    %max3A_15 = arith.maximumf %max3A, %get3A_14 : vector<16xf32>
    %get3A_16 = arith.constant 48 : index
    %get3A_17 = tpu.vector_load %arg19[%get3A_16] {strides = array<i32>} : memref<512xf32, #tpu.memory_space<vmem>>, vector<16xf32>,
    %get3A_18 = vector.shape_cast %get3A_17 : vector<16xf32> to vector<16xf32>
    %max3A_19 = arith.maximumf %max3A_15, %get3A_18 : vector<16xf32>
    %get3A_20 = arith.constant 64 : index
    %get3A_21 = tpu.vector_load %arg19[%get3A_20] {strides = array<i32>} : memref<512xf32, #tpu.memory_space<vmem>>, vector<16xf32>,
    %get3A_22 = vector.shape_cast %get3A_21 : vector<16xf32> to vector<16xf32>
    %max3A_23 = arith.maximumf %max3A_19, %get3A_22 : vector<16xf32>
    %get3A_24 = arith.constant 80 : index
    %get3A_25 = tpu.vector_load %arg19[%get3A_24] {strides = array<i32>} : memref<512xf32, #tpu.memory_space<vmem>>, vector<16xf32>,
    %get3A_26 = vector.shape_cast %get3A_25 : vector<16xf32> to vector<16xf32>
    %max3A_27 = arith.maximumf %max3A_23, %get3A_26 : vector<16xf32>
    %get3A_28 = arith.constant 96 : index
    %get3A_29 = tpu.vector_load %arg19[%get3A_28] {strides = array<i32>} : memref<512xf32, #tpu.memory_space<vmem>>, vector<16xf32>,
    %get3A_30 = vector.shape_cast %get3A_29 : vector<16xf32> to vector<16xf32>
    %max3A_31 = arith.maximumf %max3A_27, %get3A_30 : vector<16xf32>
    %get3A_32 = arith.constant 112 : index
    %get3A_33 = tpu.vector_load %arg19[%get3A_32] {strides = array<i32>} : memref<512xf32, #tpu.memory_space<vmem>>, vector<16xf32>,
    %get3A_34 = vector.shape_cast %get3A_33 : vector<16xf32> to vector<16xf32>
    %max3A_35 = arith.maximumf %max3A_31, %get3A_34 : vector<16xf32>
    %get3A_36 = arith.constant 128 : index
    %get3A_37 = tpu.vector_load %arg19[%get3A_36] {strides = array<i32>} : memref<512xf32, #tpu.memory_space<vmem>>, vector<16xf32>,
    %get3A_38 = vector.shape_cast %get3A_37 : vector<16xf32> to vector<16xf32>
    %max3A_39 = arith.maximumf %max3A_35, %get3A_38 : vector<16xf32>
    %get3A_40 = arith.constant 144 : index
    %get3A_41 = tpu.vector_load %arg19[%get3A_40] {strides = array<i32>} : memref<512xf32, #tpu.memory_space<vmem>>, vector<16xf32>,
    %get3A_42 = vector.shape_cast %get3A_41 : vector<16xf32> to vector<16xf32>
    %max3A_43 = arith.maximumf %max3A_39, %get3A_42 : vector<16xf32>
    %get3A_44 = arith.constant 160 : index
    %get3A_45 = tpu.vector_load %arg19[%get3A_44] {strides = array<i32>} : memref<512xf32, #tpu.memory_space<vmem>>, vector<16xf32>,
    %get3A_46 = vector.shape_cast %get3A_45 : vector<16xf32> to vector<16xf32>
    %max3A_47 = arith.maximumf %max3A_43, %get3A_46 : vector<16xf32>
    %get3A_48 = arith.constant 176 : index
    %get3A_49 = tpu.vector_load %arg19[%get3A_48] {strides = array<i32>} : memref<512xf32, #tpu.memory_space<vmem>>, vector<16xf32>,
    %get3A_50 = vector.shape_cast %get3A_49 : vector<16xf32> to vector<16xf32>
    %max3A_51 = arith.maximumf %max3A_47, %get3A_50 : vector<16xf32>
    %get3A_52 = arith.constant 192 : index
    %get3A_53 = tpu.vector_load %arg19[%get3A_52] {strides = array<i32>} : memref<512xf32, #tpu.memory_space<vmem>>, vector<16xf32>,
    %get3A_54 = vector.shape_cast %get3A_53 : vector<16xf32> to vector<16xf32>
    %max3A_55 = arith.maximumf %max3A_51, %get3A_54 : vector<16xf32>
    %get3A_56 = arith.constant 208 : index
    %get3A_57 = tpu.vector_load %arg19[%get3A_56] {strides = array<i32>} : memref<512xf32, #tpu.memory_space<vmem>>, vector<16xf32>,
    %get3A_58 = vector.shape_cast %get3A_57 : vector<16xf32> to vector<16xf32>
    %max3A_59 = arith.maximumf %max3A_55, %get3A_58 : vector<16xf32>
    %get3A_60 = arith.constant 224 : index
    %get3A_61 = tpu.vector_load %arg19[%get3A_60] {strides = array<i32>} : memref<512xf32, #tpu.memory_space<vmem>>, vector<16xf32>,
    %get3A_62 = vector.shape_cast %get3A_61 : vector<16xf32> to vector<16xf32>
    %max3A_63 = arith.maximumf %max3A_59, %get3A_62 : vector<16xf32>
    %get3A_64 = arith.constant 240 : index
    %get3A_65 = tpu.vector_load %arg19[%get3A_64] {strides = array<i32>} : memref<512xf32, #tpu.memory_space<vmem>>, vector<16xf32>,
    %get3A_66 = vector.shape_cast %get3A_65 : vector<16xf32> to vector<16xf32>
    %max3A_67 = arith.maximumf %max3A_63, %get3A_66 : vector<16xf32>
    %get3A_68 = arith.constant 256 : index
    %get3A_69 = tpu.vector_load %arg19[%get3A_68] {strides = array<i32>} : memref<512xf32, #tpu.memory_space<vmem>>, vector<16xf32>,
    %get3A_70 = vector.shape_cast %get3A_69 : vector<16xf32> to vector<16xf32>
    %max3A_71 = arith.maximumf %max3A_67, %get3A_70 : vector<16xf32>
    %get3A_72 = arith.constant 272 : index
    %get3A_73 = tpu.vector_load %arg19[%get3A_72] {strides = array<i32>} : memref<512xf32, #tpu.memory_space<vmem>>, vector<16xf32>,
    %get3A_74 = vector.shape_cast %get3A_73 : vector<16xf32> to vector<16xf32>
    %max3A_75 = arith.maximumf %max3A_71, %get3A_74 : vector<16xf32>
    %get3A_76 = arith.constant 288 : index
    %get3A_77 = tpu.vector_load %arg19[%get3A_76] {strides = array<i32>} : memref<512xf32, #tpu.memory_space<vmem>>, vector<16xf32>,
    %get3A_78 = vector.shape_cast %get3A_77 : vector<16xf32> to vector<16xf32>
    %max3A_79 = arith.maximumf %max3A_75, %get3A_78 : vector<16xf32>
    %get3A_80 = arith.constant 304 : index
    %get3A_81 = tpu.vector_load %arg19[%get3A_80] {strides = array<i32>} : memref<512xf32, #tpu.memory_space<vmem>>, vector<16xf32>,
    %get3A_82 = vector.shape_cast %get3A_81 : vector<16xf32> to vector<16xf32>
    %max3A_83 = arith.maximumf %max3A_79, %get3A_82 : vector<16xf32>
    %get3A_84 = arith.constant 320 : index
    %get3A_85 = tpu.vector_load %arg19[%get3A_84] {strides = array<i32>} : memref<512xf32, #tpu.memory_space<vmem>>, vector<16xf32>,
    %get3A_86 = vector.shape_cast %get3A_85 : vector<16xf32> to vector<16xf32>
    %max3A_87 = arith.maximumf %max3A_83, %get3A_86 : vector<16xf32>
    %get3A_88 = arith.constant 336 : index
    %get3A_89 = tpu.vector_load %arg19[%get3A_88] {strides = array<i32>} : memref<512xf32, #tpu.memory_space<vmem>>, vector<16xf32>,
    %get3A_90 = vector.shape_cast %get3A_89 : vector<16xf32> to vector<16xf32>
    %max3A_91 = arith.maximumf %max3A_87, %get3A_90 : vector<16xf32>
    %get3A_92 = arith.constant 352 : index
    %get3A_93 = tpu.vector_load %arg19[%get3A_92] {strides = array<i32>} : memref<512xf32, #tpu.memory_space<vmem>>, vector<16xf32>,
    %get3A_94 = vector.shape_cast %get3A_93 : vector<16xf32> to vector<16xf32>
    %max3A_95 = arith.maximumf %max3A_91, %get3A_94 : vector<16xf32>
    %get3A_96 = arith.constant 368 : index
    %get3A_97 = tpu.vector_load %arg19[%get3A_96] {strides = array<i32>} : memref<512xf32, #tpu.memory_space<vmem>>, vector<16xf32>,
    %get3A_98 = vector.shape_cast %get3A_97 : vector<16xf32> to vector<16xf32>
    %max3A_99 = arith.maximumf %max3A_95, %get3A_98 : vector<16xf32>
    %get3A_100 = arith.constant 384 : index
    %get3A_101 = tpu.vector_load %arg19[%get3A_100] {strides = array<i32>} : memref<512xf32, #tpu.memory_space<vmem>>, vector<16xf32>,
    %get3A_102 = vector.shape_cast %get3A_101 : vector<16xf32> to vector<16xf32>
    %max3A_103 = arith.maximumf %max3A_99, %get3A_102 : vector<16xf32>
    %get3A_104 = arith.constant 400 : index
    %get3A_105 = tpu.vector_load %arg19[%get3A_104] {strides = array<i32>} : memref<512xf32, #tpu.memory_space<vmem>>, vector<16xf32>,
    %get3A_106 = vector.shape_cast %get3A_105 : vector<16xf32> to vector<16xf32>
    %max3A_107 = arith.maximumf %max3A_103, %get3A_106 : vector<16xf32>
    %get3A_108 = arith.constant 416 : index
    %get3A_109 = tpu.vector_load %arg19[%get3A_108] {strides = array<i32>} : memref<512xf32, #tpu.memory_space<vmem>>, vector<16xf32>,
    %get3A_110 = vector.shape_cast %get3A_109 : vector<16xf32> to vector<16xf32>
    %max3A_111 = arith.maximumf %max3A_107, %get3A_110 : vector<16xf32>
    %get3A_112 = arith.constant 432 : index
    %get3A_113 = tpu.vector_load %arg19[%get3A_112] {strides = array<i32>} : memref<512xf32, #tpu.memory_space<vmem>>, vector<16xf32>,
    %get3A_114 = vector.shape_cast %get3A_113 : vector<16xf32> to vector<16xf32>
    %max3A_115 = arith.maximumf %max3A_111, %get3A_114 : vector<16xf32>
    %get3A_116 = arith.constant 448 : index
    %get3A_117 = tpu.vector_load %arg19[%get3A_116] {strides = array<i32>} : memref<512xf32, #tpu.memory_space<vmem>>, vector<16xf32>,
    %get3A_118 = vector.shape_cast %get3A_117 : vector<16xf32> to vector<16xf32>
    %max3A_119 = arith.maximumf %max3A_115, %get3A_118 : vector<16xf32>
    %get3A_120 = arith.constant 464 : index
    %get3A_121 = tpu.vector_load %arg19[%get3A_120] {strides = array<i32>} : memref<512xf32, #tpu.memory_space<vmem>>, vector<16xf32>,
    %get3A_122 = vector.shape_cast %get3A_121 : vector<16xf32> to vector<16xf32>
    %max3A_123 = arith.maximumf %max3A_119, %get3A_122 : vector<16xf32>
    %get3A_124 = arith.constant 480 : index
    %get3A_125 = tpu.vector_load %arg19[%get3A_124] {strides = array<i32>} : memref<512xf32, #tpu.memory_space<vmem>>, vector<16xf32>,
    %get3A_126 = vector.shape_cast %get3A_125 : vector<16xf32> to vector<16xf32>
    %max3A_127 = arith.maximumf %max3A_123, %get3A_126 : vector<16xf32>
    %get3A_128 = arith.constant 496 : index
    %get3A_129 = tpu.vector_load %arg19[%get3A_128] {strides = array<i32>} : memref<512xf32, #tpu.memory_space<vmem>>, vector<16xf32>,
    %get3A_130 = vector.shape_cast %get3A_129 : vector<16xf32> to vector<16xf32>
    %max3A_131 = arith.maximumf %max3A_127, %get3A_130 : vector<16xf32>
    %iota3A = tpu.iota {dimensions = array<i32: 0>} : vector<16xi32>
    %xor3A = arith.constant 8 : i32
    %xor3A_132 = vector.broadcast %xor3A : i32 to vector<16xi32>
    %xor3A_133 = arith.xori %iota3A, %xor3A_132 : vector<16xi32>
    %lt3A = arith.constant 0 : i32
    %lt3A_134 = vector.broadcast %lt3A : i32 to vector<16xi32>
    %lt3A_135 = arith.cmpi slt, %xor3A_133, %lt3A_134 : vector<16xi32>
    %add3A_136 = arith.constant 16 : i32
    %add3A_137 = vector.broadcast %add3A_136 : i32 to vector<16xi32>
    %add3A_138 = arith.addi %xor3A_133, %add3A_137 : vector<16xi32>
    %select_n3A = arith.select %lt3A_135, %add3A_138, %xor3A_133 : vector<16xi1>, vector<16xi32>
    %broadcast_in_dim3A = vector.shape_cast %select_n3A : vector<16xi32> to vector<16x1xi32>
    %gather3A = vector.shape_cast %broadcast_in_dim3A : vector<16x1xi32> to vector<16xi32>
    %gather3A_139 = tpu.dynamic_gather %max3A_131[%gather3A] in [0] : vector<16xf32>, vector<16xi32> -> vector<16xf32>
    %max3A_140 = arith.maximumf %max3A_131, %gather3A_139 : vector<16xf32>
    %xor3A_141 = arith.constant 4 : i32
    %xor3A_142 = vector.broadcast %xor3A_141 : i32 to vector<16xi32>
    %xor3A_143 = arith.xori %iota3A, %xor3A_142 : vector<16xi32>
    %lt3A_144 = arith.constant 0 : i32
    %lt3A_145 = vector.broadcast %lt3A_144 : i32 to vector<16xi32>
    %lt3A_146 = arith.cmpi slt, %xor3A_143, %lt3A_145 : vector<16xi32>
    %add3A_147 = arith.constant 16 : i32
    %add3A_148 = vector.broadcast %add3A_147 : i32 to vector<16xi32>
    %add3A_149 = arith.addi %xor3A_143, %add3A_148 : vector<16xi32>
    %select_n3A_150 = arith.select %lt3A_146, %add3A_149, %xor3A_143 : vector<16xi1>, vector<16xi32>
    %broadcast_in_dim3A_151 = vector.shape_cast %select_n3A_150 : vector<16xi32> to vector<16x1xi32>
    %gather3A_152 = vector.shape_cast %broadcast_in_dim3A_151 : vector<16x1xi32> to vector<16xi32>
    %gather3A_153 = tpu.dynamic_gather %max3A_140[%gather3A_152] in [0] : vector<16xf32>, vector<16xi32> -> vector<16xf32>
    %max3A_154 = arith.maximumf %max3A_140, %gather3A_153 : vector<16xf32>
    %xor3A_155 = arith.constant 2 : i32
    %xor3A_156 = vector.broadcast %xor3A_155 : i32 to vector<16xi32>
    %xor3A_157 = arith.xori %iota3A, %xor3A_156 : vector<16xi32>
    %lt3A_158 = arith.constant 0 : i32
    %lt3A_159 = vector.broadcast %lt3A_158 : i32 to vector<16xi32>
    %lt3A_160 = arith.cmpi slt, %xor3A_157, %lt3A_159 : vector<16xi32>
    %add3A_161 = arith.constant 16 : i32
    %add3A_162 = vector.broadcast %add3A_161 : i32 to vector<16xi32>
    %add3A_163 = arith.addi %xor3A_157, %add3A_162 : vector<16xi32>
    %select_n3A_164 = arith.select %lt3A_160, %add3A_163, %xor3A_157 : vector<16xi1>, vector<16xi32>
    %broadcast_in_dim3A_165 = vector.shape_cast %select_n3A_164 : vector<16xi32> to vector<16x1xi32>
    %gather3A_166 = vector.shape_cast %broadcast_in_dim3A_165 : vector<16x1xi32> to vector<16xi32>
    %gather3A_167 = tpu.dynamic_gather %max3A_154[%gather3A_166] in [0] : vector<16xf32>, vector<16xi32> -> vector<16xf32>
    %max3A_168 = arith.maximumf %max3A_154, %gather3A_167 : vector<16xf32>
    %xor3A_169 = arith.constant 1 : i32
    %xor3A_170 = vector.broadcast %xor3A_169 : i32 to vector<16xi32>
    %xor3A_171 = arith.xori %iota3A, %xor3A_170 : vector<16xi32>
    %lt3A_172 = arith.constant 0 : i32
    %lt3A_173 = vector.broadcast %lt3A_172 : i32 to vector<16xi32>
    %lt3A_174 = arith.cmpi slt, %xor3A_171, %lt3A_173 : vector<16xi32>
    %add3A_175 = arith.constant 16 : i32
    %add3A_176 = vector.broadcast %add3A_175 : i32 to vector<16xi32>
    %add3A_177 = arith.addi %xor3A_171, %add3A_176 : vector<16xi32>
    %select_n3A_178 = arith.select %lt3A_174, %add3A_177, %xor3A_171 : vector<16xi1>, vector<16xi32>
    %broadcast_in_dim3A_179 = vector.shape_cast %select_n3A_178 : vector<16xi32> to vector<16x1xi32>
    %gather3A_180 = vector.shape_cast %broadcast_in_dim3A_179 : vector<16x1xi32> to vector<16xi32>
    %gather3A_181 = tpu.dynamic_gather %max3A_168[%gather3A_180] in [0] : vector<16xf32>, vector<16xi32> -> vector<16xf32>
    %max3A_182 = arith.maximumf %max3A_168, %gather3A_181 : vector<16xf32>
    %barrier3A = arith.constant 0 : index
    tpu.barrier barrier_id(%barrier3A)
    %dma_start3A = arith.constant 0 : i32
    %dma_start3A_183 = tpu.memref_slice %arg17[%dma_start3A] : memref<5120xi32, #tpu.memory_space<vmem>> -> memref<64xi32, #tpu.memory_space<vmem>>
    %dma_start3A_184 = arith.constant 0 : i32
    %dma_start3A_185 = arith.constant 0 : i32
    %dma_start3A_186 = tpu.memref_slice %arg2[%dma_start3A_184, %dma_start3A_185] : memref<10000x128xf32, #tpu.memory_space<hbm>> -> memref<10000x128xf32, #tpu.memory_space<hbm>>
    tpu.enqueue_indirect_dma source(%dma_start3A_186 : memref<10000x128xf32, #tpu.memory_space<hbm>>) target(%arg11 : memref<64x128xf32, #tpu.memory_space<vmem>>) offsets(%dma_start3A_183 : memref<64xi32, #tpu.memory_space<vmem>>) semaphore(%arg20 : memref<!tpu.dma_semaphore, #tpu.memory_space<semaphore_mem>>)
    %add3A_187 = arith.constant 0 : i32
    %add3A_188 = arith.addi %multiple_of3A, %add3A_187 : i32
    %mul3A_189 = arith.constant 1024 : i32
    %mul3A_190 = arith.muli %add3A_188, %mul3A_189 : i32
    %dma_start3A_191 = tpu.memref_slice %arg3[%mul3A_190] : memref<2621440xf32, #tpu.memory_space<hbm>> -> memref<1024xf32, #tpu.memory_space<hbm>>
    %dma_start3A_192 = tpu.memref_slice %arg3[%mul3A_190] : memref<2621440xf32, #tpu.memory_space<hbm>> -> memref<1024xf32, #tpu.memory_space<hbm>>
    tpu.enqueue_dma source(%dma_start3A_192 : memref<1024xf32, #tpu.memory_space<hbm>>) target(%arg15 : memref<1024xf32, #tpu.memory_space<vmem>>) target_semaphore(%arg20 : memref<!tpu.dma_semaphore, #tpu.memory_space<semaphore_mem>>)
    %dma_start3A_193 = arith.constant 64 : i32
    %dma_start3A_194 = tpu.memref_slice %arg17[%dma_start3A_193] : memref<5120xi32, #tpu.memory_space<vmem>> -> memref<64xi32, #tpu.memory_space<vmem>>
    %dma_start3A_195 = arith.constant 0 : i32
    %dma_start3A_196 = arith.constant 0 : i32
    %dma_start3A_197 = tpu.memref_slice %arg2[%dma_start3A_195, %dma_start3A_196] : memref<10000x128xf32, #tpu.memory_space<hbm>> -> memref<10000x128xf32, #tpu.memory_space<hbm>>
    tpu.enqueue_indirect_dma source(%dma_start3A_197 : memref<10000x128xf32, #tpu.memory_space<hbm>>) target(%arg12 : memref<64x128xf32, #tpu.memory_space<vmem>>) offsets(%dma_start3A_194 : memref<64xi32, #tpu.memory_space<vmem>>) semaphore(%arg21 : memref<!tpu.dma_semaphore, #tpu.memory_space<semaphore_mem>>)
    %add3A_198 = arith.constant 1 : i32
    %add3A_199 = arith.addi %multiple_of3A, %add3A_198 : i32
    %mul3A_200 = arith.constant 1024 : i32
    %mul3A_201 = arith.muli %add3A_199, %mul3A_200 : i32
    %dma_start3A_202 = tpu.memref_slice %arg3[%mul3A_201] : memref<2621440xf32, #tpu.memory_space<hbm>> -> memref<1024xf32, #tpu.memory_space<hbm>>
    %dma_start3A_203 = tpu.memref_slice %arg3[%mul3A_201] : memref<2621440xf32, #tpu.memory_space<hbm>> -> memref<1024xf32, #tpu.memory_space<hbm>>
    tpu.enqueue_dma source(%dma_start3A_203 : memref<1024xf32, #tpu.memory_space<hbm>>) target(%arg16 : memref<1024xf32, #tpu.memory_space<vmem>>) target_semaphore(%arg21 : memref<!tpu.dma_semaphore, #tpu.memory_space<semaphore_mem>>)
    %scan3A = arith.constant 0 : i32
    %scan3A_204 = arith.constant 0 : i32
    %scan3A_205 = arith.constant 40 : i32
    %scan3A_206 = arith.addi %scan3A_204, %scan3A_205 : i32
    %scan3A_207 = arith.constant 1 : i32
    scf.for %scan3A_241 = %scan3A_204 to %scan3A_206 step %scan3A_207  : i32 {
      %mul3A_242 = arith.constant 2 : i32
      %mul3A_243 = arith.muli %mul3A_242, %scan3A_241 : i32
      %add3A_244 = arith.constant 1 : i32
      %add3A_245 = arith.addi %mul3A_243, %add3A_244 : i32
      %gt3A = arith.constant 0 : i32
      %gt3A_246 = arith.cmpi sgt, %scan3A_241, %gt3A : i32
      %convert_element_type3A_247 = arith.extui %gt3A_246 : i1 to i32
      %cond3A_248 = arith.constant 0 : i32
      %cond3A_249 = arith.cmpi ne, %convert_element_type3A_247, %cond3A_248 : i32
      scf.if %cond3A_249 {
        %dma_wait3A_306 = arith.constant 0 : i32
        %dma_wait3A_307 = tpu.memref_slice %arg18[%mul3A_243, %dma_wait3A_306] : memref<80x64xi32, #tpu.memory_space<vmem>> -> memref<1x64xi32, #tpu.memory_space<vmem>>
        %dma_wait3A_308 = tpu.memref_squeeze %dma_wait3A_307 : memref<1x64xi32, #tpu.memory_space<vmem>> -> memref<64xi32, #tpu.memory_space<vmem>>
        %dma_wait3A_309 = arith.constant 0 : i32
        %dma_wait3A_310 = arith.constant 0 : i32
        %dma_wait3A_311 = tpu.memref_slice %arg10[%dma_wait3A_309, %dma_wait3A_310] : memref<10016x128xf32, #tpu.memory_space<vmem_shared>> -> memref<10016x128xf32, #tpu.memory_space<vmem_shared>>
        tpu.wait_indirect_dma semaphore(%arg22 : memref<!tpu.dma_semaphore, #tpu.memory_space<semaphore_mem>>) src(%arg13 : memref<64x128xf32, #tpu.memory_space<vmem>>) dst(%dma_wait3A_311 : memref<10016x128xf32, #tpu.memory_space<vmem_shared>>)
        %dma_wait3A_312 = arith.constant 0 : i32
        %dma_wait3A_313 = tpu.memref_slice %arg18[%add3A_245, %dma_wait3A_312] : memref<80x64xi32, #tpu.memory_space<vmem>> -> memref<1x64xi32, #tpu.memory_space<vmem>>
        %dma_wait3A_314 = tpu.memref_squeeze %dma_wait3A_313 : memref<1x64xi32, #tpu.memory_space<vmem>> -> memref<64xi32, #tpu.memory_space<vmem>>
        %dma_wait3A_315 = arith.constant 0 : i32
        %dma_wait3A_316 = arith.constant 0 : i32
        %dma_wait3A_317 = tpu.memref_slice %arg10[%dma_wait3A_315, %dma_wait3A_316] : memref<10016x128xf32, #tpu.memory_space<vmem_shared>> -> memref<10016x128xf32, #tpu.memory_space<vmem_shared>>
        tpu.wait_indirect_dma semaphore(%arg23 : memref<!tpu.dma_semaphore, #tpu.memory_space<semaphore_mem>>) src(%arg14 : memref<64x128xf32, #tpu.memory_space<vmem>>) dst(%dma_wait3A_317 : memref<10016x128xf32, #tpu.memory_space<vmem_shared>>)
      } else {
      }
      %mul3A_250 = arith.constant 64 : i32
      %mul3A_251 = arith.muli %mul3A_243, %mul3A_250 : i32
      %dma_wait3A_252 = tpu.memref_slice %arg17[%mul3A_251] : memref<5120xi32, #tpu.memory_space<vmem>> -> memref<64xi32, #tpu.memory_space<vmem>>
      %dma_wait3A_253 = arith.constant 0 : i32
      %dma_wait3A_254 = arith.constant 0 : i32
      %dma_wait3A_255 = tpu.memref_slice %arg2[%dma_wait3A_253, %dma_wait3A_254] : memref<10000x128xf32, #tpu.memory_space<hbm>> -> memref<10000x128xf32, #tpu.memory_space<hbm>>
      tpu.wait_indirect_dma semaphore(%arg20 : memref<!tpu.dma_semaphore, #tpu.memory_space<semaphore_mem>>) src(%dma_wait3A_255 : memref<10000x128xf32, #tpu.memory_space<hbm>>) dst(%arg11 : memref<64x128xf32, #tpu.memory_space<vmem>>)
      %add3A_256 = arith.addi %multiple_of3A, %mul3A_243 : i32
      %mul3A_257 = arith.constant 1024 : i32
      %mul3A_258 = arith.muli %add3A_256, %mul3A_257 : i32
      %dma_wait3A_259 = tpu.memref_slice %arg3[%mul3A_258] : memref<2621440xf32, #tpu.memory_space<hbm>> -> memref<1024xf32, #tpu.memory_space<hbm>>
      %dma_wait3A_260 = tpu.memref_slice %arg3[%mul3A_258] : memref<2621440xf32, #tpu.memory_space<hbm>> -> memref<1024xf32, #tpu.memory_space<hbm>>
      tpu.wait_dma2 semaphore(%arg20 : memref<!tpu.dma_semaphore, #tpu.memory_space<semaphore_mem>>) src(%dma_wait3A_260 : memref<1024xf32, #tpu.memory_space<hbm>>) dst(%arg15 : memref<1024xf32, #tpu.memory_space<vmem>>)
      %scan3A_261 = arith.constant 0 : i32
      %scan3A_262 = arith.constant 0 : i32
      %scan3A_263 = arith.constant 64 : i32
      %scan3A_264 = arith.addi %scan3A_262, %scan3A_263 : i32
      %scan3A_265 = arith.constant 1 : i32
      scf.for %scan3A_306 = %scan3A_262 to %scan3A_264 step %scan3A_265  : i32 {
        %mul3A_307 = arith.constant 16 : i32
        %mul3A_308 = arith.muli %scan3A_306, %mul3A_307 : i32
        %get3A_309 = arith.index_cast %mul3A_308 : i32 to index
        %get3A_310 = tpu.vector_load %arg15[%get3A_309] {strides = array<i32>} : memref<1024xf32, #tpu.memory_space<vmem>>, vector<16xf32>,
        %get3A_311 = vector.shape_cast %get3A_310 : vector<16xf32> to vector<16xf32>
        %sub3A = arith.subf %get3A_311, %max3A_182 : vector<16xf32>
        %exp3A = math.exp %sub3A : vector<16xf32>
        %broadcast_in_dim3A_312 = arith.constant 4 : i32
        %broadcast_in_dim3A_313 = vector.broadcast %broadcast_in_dim3A_312 : i32 to vector<16xi32>
        %lt3A_314 = arith.constant 0 : i32
        %lt3A_315 = vector.broadcast %lt3A_314 : i32 to vector<16xi32>
        %lt3A_316 = arith.cmpi slt, %broadcast_in_dim3A_313, %lt3A_315 : vector<16xi32>
        %add3A_317 = arith.constant 16 : i32
        %add3A_318 = vector.broadcast %add3A_317 : i32 to vector<16xi32>
        %add3A_319 = arith.addi %broadcast_in_dim3A_313, %add3A_318 : vector<16xi32>
        %select_n3A_320 = arith.select %lt3A_316, %add3A_319, %broadcast_in_dim3A_313 : vector<16xi1>, vector<16xi32>
        %broadcast_in_dim3A_321 = vector.shape_cast %select_n3A_320 : vector<16xi32> to vector<16x1xi32>
        %gather3A_322 = vector.shape_cast %broadcast_in_dim3A_321 : vector<16x1xi32> to vector<16xi32>
        %gather3A_323 = tpu.dynamic_gather %exp3A[%gather3A_322] in [0] : vector<16xf32>, vector<16xi32> -> vector<16xf32>
        %get3A_324 = arith.index_cast %scan3A_306 : i32 to index
        %get3A_325 = arith.constant 0 : index
        %get3A_326 = tpu.vector_load %arg11[%get3A_324, %get3A_325] {strides = array<i32>} : memref<64x128xf32, #tpu.memory_space<vmem>>, vector<1x16xf32>,
        %get3A_327 = vector.shape_cast %get3A_326 : vector<1x16xf32> to vector<16xf32>
        %mul3A_328 = arith.mulf %get3A_327, %gather3A_323 : vector<16xf32>
        %get3A_329 = arith.index_cast %scan3A_306 : i32 to index
        %get3A_330 = arith.constant 16 : index
        %get3A_331 = tpu.vector_load %arg11[%get3A_329, %get3A_330] {strides = array<i32>} : memref<64x128xf32, #tpu.memory_space<vmem>>, vector<1x16xf32>,
        %get3A_332 = vector.shape_cast %get3A_331 : vector<1x16xf32> to vector<16xf32>
        %mul3A_333 = arith.mulf %get3A_332, %gather3A_323 : vector<16xf32>
        %swap3A = arith.index_cast %scan3A_306 : i32 to index
        %swap3A_334 = arith.constant 0 : index
        %swap3A_335 = tpu.vector_load %arg13[%swap3A, %swap3A_334] {strides = array<i32>} : memref<64x128xf32, #tpu.memory_space<vmem>>, vector<1x16xf32>,
        %swap3A_336 = vector.shape_cast %swap3A_335 : vector<1x16xf32> to vector<16xf32>
        %swap3A_337 = vector.shape_cast %mul3A_328 : vector<16xf32> to vector<1x16xf32>
        tpu.vector_store %arg13[%swap3A, %swap3A_334], %swap3A_337 {strides = array<i32>} : memref<64x128xf32, #tpu.memory_space<vmem>>, vector<1x16xf32>,
        %swap3A_338 = arith.index_cast %scan3A_306 : i32 to index
        %swap3A_339 = arith.constant 16 : index
        %swap3A_340 = tpu.vector_load %arg13[%swap3A_338, %swap3A_339] {strides = array<i32>} : memref<64x128xf32, #tpu.memory_space<vmem>>, vector<1x16xf32>,
        %swap3A_341 = vector.shape_cast %swap3A_340 : vector<1x16xf32> to vector<16xf32>
        %swap3A_342 = vector.shape_cast %mul3A_333 : vector<16xf32> to vector<1x16xf32>
        tpu.vector_store %arg13[%swap3A_338, %swap3A_339], %swap3A_342 {strides = array<i32>} : memref<64x128xf32, #tpu.memory_space<vmem>>, vector<1x16xf32>,
        %broadcast_in_dim3A_343 = arith.constant 5 : i32
        %broadcast_in_dim3A_344 = vector.broadcast %broadcast_in_dim3A_343 : i32 to vector<16xi32>
        %lt3A_345 = arith.constant 0 : i32
        %lt3A_346 = vector.broadcast %lt3A_345 : i32 to vector<16xi32>
        %lt3A_347 = arith.cmpi slt, %broadcast_in_dim3A_344, %lt3A_346 : vector<16xi32>
        %add3A_348 = arith.constant 16 : i32
        %add3A_349 = vector.broadcast %add3A_348 : i32 to vector<16xi32>
        %add3A_350 = arith.addi %broadcast_in_dim3A_344, %add3A_349 : vector<16xi32>
        %select_n3A_351 = arith.select %lt3A_347, %add3A_350, %broadcast_in_dim3A_344 : vector<16xi1>, vector<16xi32>
        %broadcast_in_dim3A_352 = vector.shape_cast %select_n3A_351 : vector<16xi32> to vector<16x1xi32>
        %gather3A_353 = vector.shape_cast %broadcast_in_dim3A_352 : vector<16x1xi32> to vector<16xi32>
        %gather3A_354 = tpu.dynamic_gather %exp3A[%gather3A_353] in [0] : vector<16xf32>, vector<16xi32> -> vector<16xf32>
        %get3A_355 = arith.index_cast %scan3A_306 : i32 to index
        %get3A_356 = arith.constant 32 : index
        %get3A_357 = tpu.vector_load %arg11[%get3A_355, %get3A_356] {strides = array<i32>} : memref<64x128xf32, #tpu.memory_space<vmem>>, vector<1x16xf32>,
        %get3A_358 = vector.shape_cast %get3A_357 : vector<1x16xf32> to vector<16xf32>
        %mul3A_359 = arith.mulf %get3A_358, %gather3A_354 : vector<16xf32>
        %get3A_360 = arith.index_cast %scan3A_306 : i32 to index
        %get3A_361 = arith.constant 48 : index
        %get3A_362 = tpu.vector_load %arg11[%get3A_360, %get3A_361] {strides = array<i32>} : memref<64x128xf32, #tpu.memory_space<vmem>>, vector<1x16xf32>,
        %get3A_363 = vector.shape_cast %get3A_362 : vector<1x16xf32> to vector<16xf32>
        %mul3A_364 = arith.mulf %get3A_363, %gather3A_354 : vector<16xf32>
        %swap3A_365 = arith.index_cast %scan3A_306 : i32 to index
        %swap3A_366 = arith.constant 32 : index
        %swap3A_367 = tpu.vector_load %arg13[%swap3A_365, %swap3A_366] {strides = array<i32>} : memref<64x128xf32, #tpu.memory_space<vmem>>, vector<1x16xf32>,
        %swap3A_368 = vector.shape_cast %swap3A_367 : vector<1x16xf32> to vector<16xf32>
        %swap3A_369 = vector.shape_cast %mul3A_359 : vector<16xf32> to vector<1x16xf32>
        tpu.vector_store %arg13[%swap3A_365, %swap3A_366], %swap3A_369 {strides = array<i32>} : memref<64x128xf32, #tpu.memory_space<vmem>>, vector<1x16xf32>,
        %swap3A_370 = arith.index_cast %scan3A_306 : i32 to index
        %swap3A_371 = arith.constant 48 : index
        %swap3A_372 = tpu.vector_load %arg13[%swap3A_370, %swap3A_371] {strides = array<i32>} : memref<64x128xf32, #tpu.memory_space<vmem>>, vector<1x16xf32>,
        %swap3A_373 = vector.shape_cast %swap3A_372 : vector<1x16xf32> to vector<16xf32>
        %swap3A_374 = vector.shape_cast %mul3A_364 : vector<16xf32> to vector<1x16xf32>
        tpu.vector_store %arg13[%swap3A_370, %swap3A_371], %swap3A_374 {strides = array<i32>} : memref<64x128xf32, #tpu.memory_space<vmem>>, vector<1x16xf32>,
        %broadcast_in_dim3A_375 = arith.constant 6 : i32
        %broadcast_in_dim3A_376 = vector.broadcast %broadcast_in_dim3A_375 : i32 to vector<16xi32>
        %lt3A_377 = arith.constant 0 : i32
        %lt3A_378 = vector.broadcast %lt3A_377 : i32 to vector<16xi32>
        %lt3A_379 = arith.cmpi slt, %broadcast_in_dim3A_376, %lt3A_378 : vector<16xi32>
        %add3A_380 = arith.constant 16 : i32
        %add3A_381 = vector.broadcast %add3A_380 : i32 to vector<16xi32>
        %add3A_382 = arith.addi %broadcast_in_dim3A_376, %add3A_381 : vector<16xi32>
        %select_n3A_383 = arith.select %lt3A_379, %add3A_382, %broadcast_in_dim3A_376 : vector<16xi1>, vector<16xi32>
        %broadcast_in_dim3A_384 = vector.shape_cast %select_n3A_383 : vector<16xi32> to vector<16x1xi32>
        %gather3A_385 = vector.shape_cast %broadcast_in_dim3A_384 : vector<16x1xi32> to vector<16xi32>
        %gather3A_386 = tpu.dynamic_gather %exp3A[%gather3A_385] in [0] : vector<16xf32>, vector<16xi32> -> vector<16xf32>
        %get3A_387 = arith.index_cast %scan3A_306 : i32 to index
        %get3A_388 = arith.constant 64 : index
        %get3A_389 = tpu.vector_load %arg11[%get3A_387, %get3A_388] {strides = array<i32>} : memref<64x128xf32, #tpu.memory_space<vmem>>, vector<1x16xf32>,
        %get3A_390 = vector.shape_cast %get3A_389 : vector<1x16xf32> to vector<16xf32>
        %mul3A_391 = arith.mulf %get3A_390, %gather3A_386 : vector<16xf32>
        %get3A_392 = arith.index_cast %scan3A_306 : i32 to index
        %get3A_393 = arith.constant 80 : index
        %get3A_394 = tpu.vector_load %arg11[%get3A_392, %get3A_393] {strides = array<i32>} : memref<64x128xf32, #tpu.memory_space<vmem>>, vector<1x16xf32>,
        %get3A_395 = vector.shape_cast %get3A_394 : vector<1x16xf32> to vector<16xf32>
        %mul3A_396 = arith.mulf %get3A_395, %gather3A_386 : vector<16xf32>
        %swap3A_397 = arith.index_cast %scan3A_306 : i32 to index
        %swap3A_398 = arith.constant 64 : index
        %swap3A_399 = tpu.vector_load %arg13[%swap3A_397, %swap3A_398] {strides = array<i32>} : memref<64x128xf32, #tpu.memory_space<vmem>>, vector<1x16xf32>,
        %swap3A_400 = vector.shape_cast %swap3A_399 : vector<1x16xf32> to vector<16xf32>
        %swap3A_401 = vector.shape_cast %mul3A_391 : vector<16xf32> to vector<1x16xf32>
        tpu.vector_store %arg13[%swap3A_397, %swap3A_398], %swap3A_401 {strides = array<i32>} : memref<64x128xf32, #tpu.memory_space<vmem>>, vector<1x16xf32>,
        %swap3A_402 = arith.index_cast %scan3A_306 : i32 to index
        %swap3A_403 = arith.constant 80 : index
        %swap3A_404 = tpu.vector_load %arg13[%swap3A_402, %swap3A_403] {strides = array<i32>} : memref<64x128xf32, #tpu.memory_space<vmem>>, vector<1x16xf32>,
        %swap3A_405 = vector.shape_cast %swap3A_404 : vector<1x16xf32> to vector<16xf32>
        %swap3A_406 = vector.shape_cast %mul3A_396 : vector<16xf32> to vector<1x16xf32>
        tpu.vector_store %arg13[%swap3A_402, %swap3A_403], %swap3A_406 {strides = array<i32>} : memref<64x128xf32, #tpu.memory_space<vmem>>, vector<1x16xf32>,
        %broadcast_in_dim3A_407 = arith.constant 7 : i32
        %broadcast_in_dim3A_408 = vector.broadcast %broadcast_in_dim3A_407 : i32 to vector<16xi32>
        %lt3A_409 = arith.constant 0 : i32
        %lt3A_410 = vector.broadcast %lt3A_409 : i32 to vector<16xi32>
        %lt3A_411 = arith.cmpi slt, %broadcast_in_dim3A_408, %lt3A_410 : vector<16xi32>
        %add3A_412 = arith.constant 16 : i32
        %add3A_413 = vector.broadcast %add3A_412 : i32 to vector<16xi32>
        %add3A_414 = arith.addi %broadcast_in_dim3A_408, %add3A_413 : vector<16xi32>
        %select_n3A_415 = arith.select %lt3A_411, %add3A_414, %broadcast_in_dim3A_408 : vector<16xi1>, vector<16xi32>
        %broadcast_in_dim3A_416 = vector.shape_cast %select_n3A_415 : vector<16xi32> to vector<16x1xi32>
        %gather3A_417 = vector.shape_cast %broadcast_in_dim3A_416 : vector<16x1xi32> to vector<16xi32>
        %gather3A_418 = tpu.dynamic_gather %exp3A[%gather3A_417] in [0] : vector<16xf32>, vector<16xi32> -> vector<16xf32>
        %get3A_419 = arith.index_cast %scan3A_306 : i32 to index
        %get3A_420 = arith.constant 96 : index
        %get3A_421 = tpu.vector_load %arg11[%get3A_419, %get3A_420] {strides = array<i32>} : memref<64x128xf32, #tpu.memory_space<vmem>>, vector<1x16xf32>,
        %get3A_422 = vector.shape_cast %get3A_421 : vector<1x16xf32> to vector<16xf32>
        %mul3A_423 = arith.mulf %get3A_422, %gather3A_418 : vector<16xf32>
        %get3A_424 = arith.index_cast %scan3A_306 : i32 to index
        %get3A_425 = arith.constant 112 : index
        %get3A_426 = tpu.vector_load %arg11[%get3A_424, %get3A_425] {strides = array<i32>} : memref<64x128xf32, #tpu.memory_space<vmem>>, vector<1x16xf32>,
        %get3A_427 = vector.shape_cast %get3A_426 : vector<1x16xf32> to vector<16xf32>
        %mul3A_428 = arith.mulf %get3A_427, %gather3A_418 : vector<16xf32>
        %swap3A_429 = arith.index_cast %scan3A_306 : i32 to index
        %swap3A_430 = arith.constant 96 : index
        %swap3A_431 = tpu.vector_load %arg13[%swap3A_429, %swap3A_430] {strides = array<i32>} : memref<64x128xf32, #tpu.memory_space<vmem>>, vector<1x16xf32>,
        %swap3A_432 = vector.shape_cast %swap3A_431 : vector<1x16xf32> to vector<16xf32>
        %swap3A_433 = vector.shape_cast %mul3A_423 : vector<16xf32> to vector<1x16xf32>
        tpu.vector_store %arg13[%swap3A_429, %swap3A_430], %swap3A_433 {strides = array<i32>} : memref<64x128xf32, #tpu.memory_space<vmem>>, vector<1x16xf32>,
        %swap3A_434 = arith.index_cast %scan3A_306 : i32 to index
        %swap3A_435 = arith.constant 112 : index
        %swap3A_436 = tpu.vector_load %arg13[%swap3A_434, %swap3A_435] {strides = array<i32>} : memref<64x128xf32, #tpu.memory_space<vmem>>, vector<1x16xf32>,
        %swap3A_437 = vector.shape_cast %swap3A_436 : vector<1x16xf32> to vector<16xf32>
        %swap3A_438 = vector.shape_cast %mul3A_428 : vector<16xf32> to vector<1x16xf32>
        tpu.vector_store %arg13[%swap3A_434, %swap3A_435], %swap3A_438 {strides = array<i32>} : memref<64x128xf32, #tpu.memory_space<vmem>>, vector<1x16xf32>,
      }
      %scan3A_266 = arith.constant 64 : i32
      %dma_start3A_267 = arith.constant 0 : i32
      %dma_start3A_268 = tpu.memref_slice %arg18[%mul3A_243, %dma_start3A_267] : memref<80x64xi32, #tpu.memory_space<vmem>> -> memref<1x64xi32, #tpu.memory_space<vmem>>
      %dma_start3A_269 = tpu.memref_squeeze %dma_start3A_268 : memref<1x64xi32, #tpu.memory_space<vmem>> -> memref<64xi32, #tpu.memory_space<vmem>>
      %dma_start3A_270 = arith.constant 0 : i32
      %dma_start3A_271 = arith.constant 0 : i32
      %dma_start3A_272 = tpu.memref_slice %arg10[%dma_start3A_270, %dma_start3A_271] : memref<10016x128xf32, #tpu.memory_space<vmem_shared>> -> memref<10016x128xf32, #tpu.memory_space<vmem_shared>>
      tpu.enqueue_indirect_dma source(%arg13 : memref<64x128xf32, #tpu.memory_space<vmem>>) target(%dma_start3A_272 : memref<10016x128xf32, #tpu.memory_space<vmem_shared>>) offsets(%dma_start3A_269 : memref<64xi32, #tpu.memory_space<vmem>>) semaphore(%arg22 : memref<!tpu.dma_semaphore, #tpu.memory_space<semaphore_mem>>) {add = true}
      %lt3A_273 = arith.constant 39 : i32
      %lt3A_274 = arith.cmpi slt, %scan3A_241, %lt3A_273 : i32
      %convert_element_type3A_275 = arith.extui %lt3A_274 : i1 to i32
      %cond3A_276 = arith.constant 0 : i32
      %cond3A_277 = arith.cmpi ne, %convert_element_type3A_275, %cond3A_276 : i32
      scf.if %cond3A_277 {
        %add3A_306 = arith.constant 2 : i32
        %add3A_307 = arith.addi %mul3A_243, %add3A_306 : i32
        %mul3A_308 = arith.constant 64 : i32
        %mul3A_309 = arith.muli %add3A_307, %mul3A_308 : i32
        %dma_start3A_310 = tpu.memref_slice %arg17[%mul3A_309] : memref<5120xi32, #tpu.memory_space<vmem>> -> memref<64xi32, #tpu.memory_space<vmem>>
        %dma_start3A_311 = arith.constant 0 : i32
        %dma_start3A_312 = arith.constant 0 : i32
        %dma_start3A_313 = tpu.memref_slice %arg2[%dma_start3A_311, %dma_start3A_312] : memref<10000x128xf32, #tpu.memory_space<hbm>> -> memref<10000x128xf32, #tpu.memory_space<hbm>>
        tpu.enqueue_indirect_dma source(%dma_start3A_313 : memref<10000x128xf32, #tpu.memory_space<hbm>>) target(%arg11 : memref<64x128xf32, #tpu.memory_space<vmem>>) offsets(%dma_start3A_310 : memref<64xi32, #tpu.memory_space<vmem>>) semaphore(%arg20 : memref<!tpu.dma_semaphore, #tpu.memory_space<semaphore_mem>>)
        %add3A_314 = arith.addi %multiple_of3A, %add3A_307 : i32
        %mul3A_315 = arith.constant 1024 : i32
        %mul3A_316 = arith.muli %add3A_314, %mul3A_315 : i32
        %dma_start3A_317 = tpu.memref_slice %arg3[%mul3A_316] : memref<2621440xf32, #tpu.memory_space<hbm>> -> memref<1024xf32, #tpu.memory_space<hbm>>
        %dma_start3A_318 = tpu.memref_slice %arg3[%mul3A_316] : memref<2621440xf32, #tpu.memory_space<hbm>> -> memref<1024xf32, #tpu.memory_space<hbm>>
        tpu.enqueue_dma source(%dma_start3A_318 : memref<1024xf32, #tpu.memory_space<hbm>>) target(%arg15 : memref<1024xf32, #tpu.memory_space<vmem>>) target_semaphore(%arg20 : memref<!tpu.dma_semaphore, #tpu.memory_space<semaphore_mem>>)
      } else {
      }
      %mul3A_278 = arith.constant 64 : i32
      %mul3A_279 = arith.muli %add3A_245, %mul3A_278 : i32
      %dma_wait3A_280 = tpu.memref_slice %arg17[%mul3A_279] : memref<5120xi32, #tpu.memory_space<vmem>> -> memref<64xi32, #tpu.memory_space<vmem>>
      %dma_wait3A_281 = arith.constant 0 : i32
      %dma_wait3A_282 = arith.constant 0 : i32
      %dma_wait3A_283 = tpu.memref_slice %arg2[%dma_wait3A_281, %dma_wait3A_282] : memref<10000x128xf32, #tpu.memory_space<hbm>> -> memref<10000x128xf32, #tpu.memory_space<hbm>>
      tpu.wait_indirect_dma semaphore(%arg21 : memref<!tpu.dma_semaphore, #tpu.memory_space<semaphore_mem>>) src(%dma_wait3A_283 : memref<10000x128xf32, #tpu.memory_space<hbm>>) dst(%arg12 : memref<64x128xf32, #tpu.memory_space<vmem>>)
      %add3A_284 = arith.addi %multiple_of3A, %add3A_245 : i32
      %mul3A_285 = arith.constant 1024 : i32
      %mul3A_286 = arith.muli %add3A_284, %mul3A_285 : i32
      %dma_wait3A_287 = tpu.memref_slice %arg3[%mul3A_286] : memref<2621440xf32, #tpu.memory_space<hbm>> -> memref<1024xf32, #tpu.memory_space<hbm>>
      %dma_wait3A_288 = tpu.memref_slice %arg3[%mul3A_286] : memref<2621440xf32, #tpu.memory_space<hbm>> -> memref<1024xf32, #tpu.memory_space<hbm>>
      tpu.wait_dma2 semaphore(%arg21 : memref<!tpu.dma_semaphore, #tpu.memory_space<semaphore_mem>>) src(%dma_wait3A_288 : memref<1024xf32, #tpu.memory_space<hbm>>) dst(%arg16 : memref<1024xf32, #tpu.memory_space<vmem>>)
      %scan3A_289 = arith.constant 0 : i32
      %scan3A_290 = arith.constant 0 : i32
      %scan3A_291 = arith.constant 64 : i32
      %scan3A_292 = arith.addi %scan3A_290, %scan3A_291 : i32
      %scan3A_293 = arith.constant 1 : i32
      scf.for %scan3A_306 = %scan3A_290 to %scan3A_292 step %scan3A_293  : i32 {
        %mul3A_307 = arith.constant 16 : i32
        %mul3A_308 = arith.muli %scan3A_306, %mul3A_307 : i32
        %get3A_309 = arith.index_cast %mul3A_308 : i32 to index
        %get3A_310 = tpu.vector_load %arg16[%get3A_309] {strides = array<i32>} : memref<1024xf32, #tpu.memory_space<vmem>>, vector<16xf32>,
        %get3A_311 = vector.shape_cast %get3A_310 : vector<16xf32> to vector<16xf32>
        %sub3A = arith.subf %get3A_311, %max3A_182 : vector<16xf32>
        %exp3A = math.exp %sub3A : vector<16xf32>
        %broadcast_in_dim3A_312 = arith.constant 4 : i32
        %broadcast_in_dim3A_313 = vector.broadcast %broadcast_in_dim3A_312 : i32 to vector<16xi32>
        %lt3A_314 = arith.constant 0 : i32
        %lt3A_315 = vector.broadcast %lt3A_314 : i32 to vector<16xi32>
        %lt3A_316 = arith.cmpi slt, %broadcast_in_dim3A_313, %lt3A_315 : vector<16xi32>
        %add3A_317 = arith.constant 16 : i32
        %add3A_318 = vector.broadcast %add3A_317 : i32 to vector<16xi32>
        %add3A_319 = arith.addi %broadcast_in_dim3A_313, %add3A_318 : vector<16xi32>
        %select_n3A_320 = arith.select %lt3A_316, %add3A_319, %broadcast_in_dim3A_313 : vector<16xi1>, vector<16xi32>
        %broadcast_in_dim3A_321 = vector.shape_cast %select_n3A_320 : vector<16xi32> to vector<16x1xi32>
        %gather3A_322 = vector.shape_cast %broadcast_in_dim3A_321 : vector<16x1xi32> to vector<16xi32>
        %gather3A_323 = tpu.dynamic_gather %exp3A[%gather3A_322] in [0] : vector<16xf32>, vector<16xi32> -> vector<16xf32>
        %get3A_324 = arith.index_cast %scan3A_306 : i32 to index
        %get3A_325 = arith.constant 0 : index
        %get3A_326 = tpu.vector_load %arg12[%get3A_324, %get3A_325] {strides = array<i32>} : memref<64x128xf32, #tpu.memory_space<vmem>>, vector<1x16xf32>,
        %get3A_327 = vector.shape_cast %get3A_326 : vector<1x16xf32> to vector<16xf32>
        %mul3A_328 = arith.mulf %get3A_327, %gather3A_323 : vector<16xf32>
        %get3A_329 = arith.index_cast %scan3A_306 : i32 to index
        %get3A_330 = arith.constant 16 : index
        %get3A_331 = tpu.vector_load %arg12[%get3A_329, %get3A_330] {strides = array<i32>} : memref<64x128xf32, #tpu.memory_space<vmem>>, vector<1x16xf32>,
        %get3A_332 = vector.shape_cast %get3A_331 : vector<1x16xf32> to vector<16xf32>
        %mul3A_333 = arith.mulf %get3A_332, %gather3A_323 : vector<16xf32>
        %swap3A = arith.index_cast %scan3A_306 : i32 to index
        %swap3A_334 = arith.constant 0 : index
        %swap3A_335 = tpu.vector_load %arg14[%swap3A, %swap3A_334] {strides = array<i32>} : memref<64x128xf32, #tpu.memory_space<vmem>>, vector<1x16xf32>,
        %swap3A_336 = vector.shape_cast %swap3A_335 : vector<1x16xf32> to vector<16xf32>
        %swap3A_337 = vector.shape_cast %mul3A_328 : vector<16xf32> to vector<1x16xf32>
        tpu.vector_store %arg14[%swap3A, %swap3A_334], %swap3A_337 {strides = array<i32>} : memref<64x128xf32, #tpu.memory_space<vmem>>, vector<1x16xf32>,
        %swap3A_338 = arith.index_cast %scan3A_306 : i32 to index
        %swap3A_339 = arith.constant 16 : index
        %swap3A_340 = tpu.vector_load %arg14[%swap3A_338, %swap3A_339] {strides = array<i32>} : memref<64x128xf32, #tpu.memory_space<vmem>>, vector<1x16xf32>,
        %swap3A_341 = vector.shape_cast %swap3A_340 : vector<1x16xf32> to vector<16xf32>
        %swap3A_342 = vector.shape_cast %mul3A_333 : vector<16xf32> to vector<1x16xf32>
        tpu.vector_store %arg14[%swap3A_338, %swap3A_339], %swap3A_342 {strides = array<i32>} : memref<64x128xf32, #tpu.memory_space<vmem>>, vector<1x16xf32>,
        %broadcast_in_dim3A_343 = arith.constant 5 : i32
        %broadcast_in_dim3A_344 = vector.broadcast %broadcast_in_dim3A_343 : i32 to vector<16xi32>
        %lt3A_345 = arith.constant 0 : i32
        %lt3A_346 = vector.broadcast %lt3A_345 : i32 to vector<16xi32>
        %lt3A_347 = arith.cmpi slt, %broadcast_in_dim3A_344, %lt3A_346 : vector<16xi32>
        %add3A_348 = arith.constant 16 : i32
        %add3A_349 = vector.broadcast %add3A_348 : i32 to vector<16xi32>
        %add3A_350 = arith.addi %broadcast_in_dim3A_344, %add3A_349 : vector<16xi32>
        %select_n3A_351 = arith.select %lt3A_347, %add3A_350, %broadcast_in_dim3A_344 : vector<16xi1>, vector<16xi32>
        %broadcast_in_dim3A_352 = vector.shape_cast %select_n3A_351 : vector<16xi32> to vector<16x1xi32>
        %gather3A_353 = vector.shape_cast %broadcast_in_dim3A_352 : vector<16x1xi32> to vector<16xi32>
        %gather3A_354 = tpu.dynamic_gather %exp3A[%gather3A_353] in [0] : vector<16xf32>, vector<16xi32> -> vector<16xf32>
        %get3A_355 = arith.index_cast %scan3A_306 : i32 to index
        %get3A_356 = arith.constant 32 : index
        %get3A_357 = tpu.vector_load %arg12[%get3A_355, %get3A_356] {strides = array<i32>} : memref<64x128xf32, #tpu.memory_space<vmem>>, vector<1x16xf32>,
        %get3A_358 = vector.shape_cast %get3A_357 : vector<1x16xf32> to vector<16xf32>
        %mul3A_359 = arith.mulf %get3A_358, %gather3A_354 : vector<16xf32>
        %get3A_360 = arith.index_cast %scan3A_306 : i32 to index
        %get3A_361 = arith.constant 48 : index
        %get3A_362 = tpu.vector_load %arg12[%get3A_360, %get3A_361] {strides = array<i32>} : memref<64x128xf32, #tpu.memory_space<vmem>>, vector<1x16xf32>,
        %get3A_363 = vector.shape_cast %get3A_362 : vector<1x16xf32> to vector<16xf32>
        %mul3A_364 = arith.mulf %get3A_363, %gather3A_354 : vector<16xf32>
        %swap3A_365 = arith.index_cast %scan3A_306 : i32 to index
        %swap3A_366 = arith.constant 32 : index
        %swap3A_367 = tpu.vector_load %arg14[%swap3A_365, %swap3A_366] {strides = array<i32>} : memref<64x128xf32, #tpu.memory_space<vmem>>, vector<1x16xf32>,
        %swap3A_368 = vector.shape_cast %swap3A_367 : vector<1x16xf32> to vector<16xf32>
        %swap3A_369 = vector.shape_cast %mul3A_359 : vector<16xf32> to vector<1x16xf32>
        tpu.vector_store %arg14[%swap3A_365, %swap3A_366], %swap3A_369 {strides = array<i32>} : memref<64x128xf32, #tpu.memory_space<vmem>>, vector<1x16xf32>,
        %swap3A_370 = arith.index_cast %scan3A_306 : i32 to index
        %swap3A_371 = arith.constant 48 : index
        %swap3A_372 = tpu.vector_load %arg14[%swap3A_370, %swap3A_371] {strides = array<i32>} : memref<64x128xf32, #tpu.memory_space<vmem>>, vector<1x16xf32>,
        %swap3A_373 = vector.shape_cast %swap3A_372 : vector<1x16xf32> to vector<16xf32>
        %swap3A_374 = vector.shape_cast %mul3A_364 : vector<16xf32> to vector<1x16xf32>
        tpu.vector_store %arg14[%swap3A_370, %swap3A_371], %swap3A_374 {strides = array<i32>} : memref<64x128xf32, #tpu.memory_space<vmem>>, vector<1x16xf32>,
        %broadcast_in_dim3A_375 = arith.constant 6 : i32
        %broadcast_in_dim3A_376 = vector.broadcast %broadcast_in_dim3A_375 : i32 to vector<16xi32>
        %lt3A_377 = arith.constant 0 : i32
        %lt3A_378 = vector.broadcast %lt3A_377 : i32 to vector<16xi32>
        %lt3A_379 = arith.cmpi slt, %broadcast_in_dim3A_376, %lt3A_378 : vector<16xi32>
        %add3A_380 = arith.constant 16 : i32
        %add3A_381 = vector.broadcast %add3A_380 : i32 to vector<16xi32>
        %add3A_382 = arith.addi %broadcast_in_dim3A_376, %add3A_381 : vector<16xi32>
        %select_n3A_383 = arith.select %lt3A_379, %add3A_382, %broadcast_in_dim3A_376 : vector<16xi1>, vector<16xi32>
        %broadcast_in_dim3A_384 = vector.shape_cast %select_n3A_383 : vector<16xi32> to vector<16x1xi32>
        %gather3A_385 = vector.shape_cast %broadcast_in_dim3A_384 : vector<16x1xi32> to vector<16xi32>
        %gather3A_386 = tpu.dynamic_gather %exp3A[%gather3A_385] in [0] : vector<16xf32>, vector<16xi32> -> vector<16xf32>
        %get3A_387 = arith.index_cast %scan3A_306 : i32 to index
        %get3A_388 = arith.constant 64 : index
        %get3A_389 = tpu.vector_load %arg12[%get3A_387, %get3A_388] {strides = array<i32>} : memref<64x128xf32, #tpu.memory_space<vmem>>, vector<1x16xf32>,
        %get3A_390 = vector.shape_cast %get3A_389 : vector<1x16xf32> to vector<16xf32>
        %mul3A_391 = arith.mulf %get3A_390, %gather3A_386 : vector<16xf32>
        %get3A_392 = arith.index_cast %scan3A_306 : i32 to index
        %get3A_393 = arith.constant 80 : index
        %get3A_394 = tpu.vector_load %arg12[%get3A_392, %get3A_393] {strides = array<i32>} : memref<64x128xf32, #tpu.memory_space<vmem>>, vector<1x16xf32>,
        %get3A_395 = vector.shape_cast %get3A_394 : vector<1x16xf32> to vector<16xf32>
        %mul3A_396 = arith.mulf %get3A_395, %gather3A_386 : vector<16xf32>
        %swap3A_397 = arith.index_cast %scan3A_306 : i32 to index
        %swap3A_398 = arith.constant 64 : index
        %swap3A_399 = tpu.vector_load %arg14[%swap3A_397, %swap3A_398] {strides = array<i32>} : memref<64x128xf32, #tpu.memory_space<vmem>>, vector<1x16xf32>,
        %swap3A_400 = vector.shape_cast %swap3A_399 : vector<1x16xf32> to vector<16xf32>
        %swap3A_401 = vector.shape_cast %mul3A_391 : vector<16xf32> to vector<1x16xf32>
        tpu.vector_store %arg14[%swap3A_397, %swap3A_398], %swap3A_401 {strides = array<i32>} : memref<64x128xf32, #tpu.memory_space<vmem>>, vector<1x16xf32>,
        %swap3A_402 = arith.index_cast %scan3A_306 : i32 to index
        %swap3A_403 = arith.constant 80 : index
        %swap3A_404 = tpu.vector_load %arg14[%swap3A_402, %swap3A_403] {strides = array<i32>} : memref<64x128xf32, #tpu.memory_space<vmem>>, vector<1x16xf32>,
        %swap3A_405 = vector.shape_cast %swap3A_404 : vector<1x16xf32> to vector<16xf32>
        %swap3A_406 = vector.shape_cast %mul3A_396 : vector<16xf32> to vector<1x16xf32>
        tpu.vector_store %arg14[%swap3A_402, %swap3A_403], %swap3A_406 {strides = array<i32>} : memref<64x128xf32, #tpu.memory_space<vmem>>, vector<1x16xf32>,
        %broadcast_in_dim3A_407 = arith.constant 7 : i32
        %broadcast_in_dim3A_408 = vector.broadcast %broadcast_in_dim3A_407 : i32 to vector<16xi32>
        %lt3A_409 = arith.constant 0 : i32
        %lt3A_410 = vector.broadcast %lt3A_409 : i32 to vector<16xi32>
        %lt3A_411 = arith.cmpi slt, %broadcast_in_dim3A_408, %lt3A_410 : vector<16xi32>
        %add3A_412 = arith.constant 16 : i32
        %add3A_413 = vector.broadcast %add3A_412 : i32 to vector<16xi32>
        %add3A_414 = arith.addi %broadcast_in_dim3A_408, %add3A_413 : vector<16xi32>
        %select_n3A_415 = arith.select %lt3A_411, %add3A_414, %broadcast_in_dim3A_408 : vector<16xi1>, vector<16xi32>
        %broadcast_in_dim3A_416 = vector.shape_cast %select_n3A_415 : vector<16xi32> to vector<16x1xi32>
        %gather3A_417 = vector.shape_cast %broadcast_in_dim3A_416 : vector<16x1xi32> to vector<16xi32>
        %gather3A_418 = tpu.dynamic_gather %exp3A[%gather3A_417] in [0] : vector<16xf32>, vector<16xi32> -> vector<16xf32>
        %get3A_419 = arith.index_cast %scan3A_306 : i32 to index
        %get3A_420 = arith.constant 96 : index
        %get3A_421 = tpu.vector_load %arg12[%get3A_419, %get3A_420] {strides = array<i32>} : memref<64x128xf32, #tpu.memory_space<vmem>>, vector<1x16xf32>,
        %get3A_422 = vector.shape_cast %get3A_421 : vector<1x16xf32> to vector<16xf32>
        %mul3A_423 = arith.mulf %get3A_422, %gather3A_418 : vector<16xf32>
        %get3A_424 = arith.index_cast %scan3A_306 : i32 to index
        %get3A_425 = arith.constant 112 : index
        %get3A_426 = tpu.vector_load %arg12[%get3A_424, %get3A_425] {strides = array<i32>} : memref<64x128xf32, #tpu.memory_space<vmem>>, vector<1x16xf32>,
        %get3A_427 = vector.shape_cast %get3A_426 : vector<1x16xf32> to vector<16xf32>
        %mul3A_428 = arith.mulf %get3A_427, %gather3A_418 : vector<16xf32>
        %swap3A_429 = arith.index_cast %scan3A_306 : i32 to index
        %swap3A_430 = arith.constant 96 : index
        %swap3A_431 = tpu.vector_load %arg14[%swap3A_429, %swap3A_430] {strides = array<i32>} : memref<64x128xf32, #tpu.memory_space<vmem>>, vector<1x16xf32>,
        %swap3A_432 = vector.shape_cast %swap3A_431 : vector<1x16xf32> to vector<16xf32>
        %swap3A_433 = vector.shape_cast %mul3A_423 : vector<16xf32> to vector<1x16xf32>
        tpu.vector_store %arg14[%swap3A_429, %swap3A_430], %swap3A_433 {strides = array<i32>} : memref<64x128xf32, #tpu.memory_space<vmem>>, vector<1x16xf32>,
        %swap3A_434 = arith.index_cast %scan3A_306 : i32 to index
        %swap3A_435 = arith.constant 112 : index
        %swap3A_436 = tpu.vector_load %arg14[%swap3A_434, %swap3A_435] {strides = array<i32>} : memref<64x128xf32, #tpu.memory_space<vmem>>, vector<1x16xf32>,
        %swap3A_437 = vector.shape_cast %swap3A_436 : vector<1x16xf32> to vector<16xf32>
        %swap3A_438 = vector.shape_cast %mul3A_428 : vector<16xf32> to vector<1x16xf32>
        tpu.vector_store %arg14[%swap3A_434, %swap3A_435], %swap3A_438 {strides = array<i32>} : memref<64x128xf32, #tpu.memory_space<vmem>>, vector<1x16xf32>,
      }
      %scan3A_294 = arith.constant 64 : i32
      %dma_start3A_295 = arith.constant 0 : i32
      %dma_start3A_296 = tpu.memref_slice %arg18[%add3A_245, %dma_start3A_295] : memref<80x64xi32, #tpu.memory_space<vmem>> -> memref<1x64xi32, #tpu.memory_space<vmem>>
      %dma_start3A_297 = tpu.memref_squeeze %dma_start3A_296 : memref<1x64xi32, #tpu.memory_space<vmem>> -> memref<64xi32, #tpu.memory_space<vmem>>
      %dma_start3A_298 = arith.constant 0 : i32
      %dma_start3A_299 = arith.constant 0 : i32
      %dma_start3A_300 = tpu.memref_slice %arg10[%dma_start3A_298, %dma_start3A_299] : memref<10016x128xf32, #tpu.memory_space<vmem_shared>> -> memref<10016x128xf32, #tpu.memory_space<vmem_shared>>
      tpu.enqueue_indirect_dma source(%arg14 : memref<64x128xf32, #tpu.memory_space<vmem>>) target(%dma_start3A_300 : memref<10016x128xf32, #tpu.memory_space<vmem_shared>>) offsets(%dma_start3A_297 : memref<64xi32, #tpu.memory_space<vmem>>) semaphore(%arg23 : memref<!tpu.dma_semaphore, #tpu.memory_space<semaphore_mem>>) {add = true}
      %lt3A_301 = arith.constant 39 : i32
      %lt3A_302 = arith.cmpi slt, %scan3A_241, %lt3A_301 : i32
      %convert_element_type3A_303 = arith.extui %lt3A_302 : i1 to i32
      %cond3A_304 = arith.constant 0 : i32
      %cond3A_305 = arith.cmpi ne, %convert_element_type3A_303, %cond3A_304 : i32
      scf.if %cond3A_305 {
        %add3A_306 = arith.constant 2 : i32
        %add3A_307 = arith.addi %add3A_245, %add3A_306 : i32
        %mul3A_308 = arith.constant 64 : i32
        %mul3A_309 = arith.muli %add3A_307, %mul3A_308 : i32
        %dma_start3A_310 = tpu.memref_slice %arg17[%mul3A_309] : memref<5120xi32, #tpu.memory_space<vmem>> -> memref<64xi32, #tpu.memory_space<vmem>>
        %dma_start3A_311 = arith.constant 0 : i32
        %dma_start3A_312 = arith.constant 0 : i32
        %dma_start3A_313 = tpu.memref_slice %arg2[%dma_start3A_311, %dma_start3A_312] : memref<10000x128xf32, #tpu.memory_space<hbm>> -> memref<10000x128xf32, #tpu.memory_space<hbm>>
        tpu.enqueue_indirect_dma source(%dma_start3A_313 : memref<10000x128xf32, #tpu.memory_space<hbm>>) target(%arg12 : memref<64x128xf32, #tpu.memory_space<vmem>>) offsets(%dma_start3A_310 : memref<64xi32, #tpu.memory_space<vmem>>) semaphore(%arg21 : memref<!tpu.dma_semaphore, #tpu.memory_space<semaphore_mem>>)
        %add3A_314 = arith.addi %multiple_of3A, %add3A_307 : i32
        %mul3A_315 = arith.constant 1024 : i32
        %mul3A_316 = arith.muli %add3A_314, %mul3A_315 : i32
        %dma_start3A_317 = tpu.memref_slice %arg3[%mul3A_316] : memref<2621440xf32, #tpu.memory_space<hbm>> -> memref<1024xf32, #tpu.memory_space<hbm>>
        %dma_start3A_318 = tpu.memref_slice %arg3[%mul3A_316] : memref<2621440xf32, #tpu.memory_space<hbm>> -> memref<1024xf32, #tpu.memory_space<hbm>>
        tpu.enqueue_dma source(%dma_start3A_318 : memref<1024xf32, #tpu.memory_space<hbm>>) target(%arg16 : memref<1024xf32, #tpu.memory_space<vmem>>) target_semaphore(%arg21 : memref<!tpu.dma_semaphore, #tpu.memory_space<semaphore_mem>>)
      } else {
      }
    }
    %scan3A_208 = arith.constant 40 : i32
    %dma_wait3A = arith.constant 0 : i32
    %dma_wait3A_209 = arith.constant 0 : i32
    %dma_wait3A_210 = tpu.memref_slice %arg18[%dma_wait3A, %dma_wait3A_209] : memref<80x64xi32, #tpu.memory_space<vmem>> -> memref<1x64xi32, #tpu.memory_space<vmem>>
    %dma_wait3A_211 = tpu.memref_squeeze %dma_wait3A_210 : memref<1x64xi32, #tpu.memory_space<vmem>> -> memref<64xi32, #tpu.memory_space<vmem>>
    %dma_wait3A_212 = arith.constant 0 : i32
    %dma_wait3A_213 = arith.constant 0 : i32
    %dma_wait3A_214 = tpu.memref_slice %arg10[%dma_wait3A_212, %dma_wait3A_213] : memref<10016x128xf32, #tpu.memory_space<vmem_shared>> -> memref<10016x128xf32, #tpu.memory_space<vmem_shared>>
    tpu.wait_indirect_dma semaphore(%arg22 : memref<!tpu.dma_semaphore, #tpu.memory_space<semaphore_mem>>) src(%arg13 : memref<64x128xf32, #tpu.memory_space<vmem>>) dst(%dma_wait3A_214 : memref<10016x128xf32, #tpu.memory_space<vmem_shared>>)
    %dma_wait3A_215 = arith.constant 1 : i32
    %dma_wait3A_216 = arith.constant 0 : i32
    %dma_wait3A_217 = tpu.memref_slice %arg18[%dma_wait3A_215, %dma_wait3A_216] : memref<80x64xi32, #tpu.memory_space<vmem>> -> memref<1x64xi32, #tpu.memory_space<vmem>>
    %dma_wait3A_218 = tpu.memref_squeeze %dma_wait3A_217 : memref<1x64xi32, #tpu.memory_space<vmem>> -> memref<64xi32, #tpu.memory_space<vmem>>
    %dma_wait3A_219 = arith.constant 0 : i32
    %dma_wait3A_220 = arith.constant 0 : i32
    %dma_wait3A_221 = tpu.memref_slice %arg10[%dma_wait3A_219, %dma_wait3A_220] : memref<10016x128xf32, #tpu.memory_space<vmem_shared>> -> memref<10016x128xf32, #tpu.memory_space<vmem_shared>>
    tpu.wait_indirect_dma semaphore(%arg23 : memref<!tpu.dma_semaphore, #tpu.memory_space<semaphore_mem>>) src(%arg14 : memref<64x128xf32, #tpu.memory_space<vmem>>) dst(%dma_wait3A_221 : memref<10016x128xf32, #tpu.memory_space<vmem_shared>>)
    %barrier3A_222 = arith.constant 0 : index
    tpu.barrier barrier_id(%barrier3A_222)
    %mul3A_223 = arith.constant 1000 : i32
    %mul3A_224 = arith.muli %arg1, %mul3A_223 : i32
    %multiple_of3A_225 = tpu.assume_multiple %mul3A_224, 8 : i32
    %eq3A_226 = arith.constant 0 : i32
    %eq3A_227 = arith.cmpi eq, %arg0, %eq3A_226 : i32
    %lt3A_228 = arith.constant 10 : i32
    %lt3A_229 = arith.cmpi slt, %arg1, %lt3A_228 : i32
    %and3A = arith.andi %eq3A_227, %lt3A_229 : i1
    %convert_element_type3A_230 = arith.extui %and3A : i1 to i32
    %cond3A_231 = arith.constant 0 : i32
    %cond3A_232 = arith.cmpi ne, %convert_element_type3A_230, %cond3A_231 : i32
    scf.if %cond3A_232 {
      "tpu.region"() ({
        %run_scoped3A = tpu.sem_alloc : memref<!tpu.dma_semaphore, #tpu.memory_space<semaphore_mem>>
        %dma_start3A_241 = arith.constant 0 : i32
        %dma_start3A_242 = tpu.memref_slice %arg8[%multiple_of3A_225, %dma_start3A_241] : memref<10000x128xf32, #tpu.memory_space<hbm>> -> memref<1000x128xf32, #tpu.memory_space<hbm>>
        %dma_start3A_243 = arith.constant 0 : i32
        %dma_start3A_244 = tpu.memref_slice %arg10[%multiple_of3A_225, %dma_start3A_243] : memref<10016x128xf32, #tpu.memory_space<vmem_shared>> -> memref<1000x128xf32, #tpu.memory_space<vmem_shared>>
        tpu.enqueue_dma source(%dma_start3A_244 : memref<1000x128xf32, #tpu.memory_space<vmem_shared>>) target(%dma_start3A_242 : memref<1000x128xf32, #tpu.memory_space<hbm>>) target_semaphore(%run_scoped3A : memref<!tpu.dma_semaphore, #tpu.memory_space<semaphore_mem>>)
        %dma_wait3A_245 = arith.constant 0 : i32
        %dma_wait3A_246 = tpu.memref_slice %arg8[%multiple_of3A_225, %dma_wait3A_245] : memref<10000x128xf32, #tpu.memory_space<hbm>> -> memref<1000x128xf32, #tpu.memory_space<hbm>>
        %dma_wait3A_247 = arith.constant 0 : i32
        %dma_wait3A_248 = tpu.memref_slice %arg10[%multiple_of3A_225, %dma_wait3A_247] : memref<10016x128xf32, #tpu.memory_space<vmem_shared>> -> memref<1000x128xf32, #tpu.memory_space<vmem_shared>>
        tpu.wait_dma2 semaphore(%run_scoped3A : memref<!tpu.dma_semaphore, #tpu.memory_space<semaphore_mem>>) src(%dma_wait3A_248 : memref<1000x128xf32, #tpu.memory_space<vmem_shared>>) dst(%dma_wait3A_246 : memref<1000x128xf32, #tpu.memory_space<hbm>>)
        tpu.yield
      }) : () -> ()
    } else {
    }
    %eq3A_233 = arith.constant 1 : i32
    %eq3A_234 = arith.cmpi eq, %arg0, %eq3A_233 : i32
    %lt3A_235 = arith.constant 10 : i32
    %lt3A_236 = arith.cmpi slt, %arg1, %lt3A_235 : i32
    %and3A_237 = arith.andi %eq3A_234, %lt3A_236 : i1
    %convert_element_type3A_238 = arith.extui %and3A_237 : i1 to i32
    %cond3A_239 = arith.constant 0 : i32
    %cond3A_240 = arith.cmpi ne, %convert_element_type3A_238, %cond3A_239 : i32
    scf.if %cond3A_240 {
      "tpu.region"() ({
        %run_scoped3A = tpu.sem_alloc : memref<!tpu.dma_semaphore, #tpu.memory_space<semaphore_mem>>
        %dma_start3A_241 = arith.constant 0 : i32
        %dma_start3A_242 = tpu.memref_slice %arg9[%multiple_of3A_225, %dma_start3A_241] : memref<10000x128xf32, #tpu.memory_space<hbm>> -> memref<1000x128xf32, #tpu.memory_space<hbm>>
        %dma_start3A_243 = arith.constant 0 : i32
        %dma_start3A_244 = tpu.memref_slice %arg10[%multiple_of3A_225, %dma_start3A_243] : memref<10016x128xf32, #tpu.memory_space<vmem_shared>> -> memref<1000x128xf32, #tpu.memory_space<vmem_shared>>
        tpu.enqueue_dma source(%dma_start3A_244 : memref<1000x128xf32, #tpu.memory_space<vmem_shared>>) target(%dma_start3A_242 : memref<1000x128xf32, #tpu.memory_space<hbm>>) target_semaphore(%run_scoped3A : memref<!tpu.dma_semaphore, #tpu.memory_space<semaphore_mem>>)
        %dma_wait3A_245 = arith.constant 0 : i32
        %dma_wait3A_246 = tpu.memref_slice %arg9[%multiple_of3A_225, %dma_wait3A_245] : memref<10000x128xf32, #tpu.memory_space<hbm>> -> memref<1000x128xf32, #tpu.memory_space<hbm>>
        %dma_wait3A_247 = arith.constant 0 : i32
        %dma_wait3A_248 = tpu.memref_slice %arg10[%multiple_of3A_225, %dma_wait3A_247] : memref<10016x128xf32, #tpu.memory_space<vmem_shared>> -> memref<1000x128xf32, #tpu.memory_space<vmem_shared>>
        tpu.wait_dma2 semaphore(%run_scoped3A : memref<!tpu.dma_semaphore, #tpu.memory_space<semaphore_mem>>) src(%dma_wait3A_248 : memref<1000x128xf32, #tpu.memory_space<vmem_shared>>) dst(%dma_wait3A_246 : memref<1000x128xf32, #tpu.memory_space<hbm>>)
        tpu.yield
      }) : () -> ()
    } else {
    }
    return
  }
}

#map = affine_map<(d0, d1) -> (0, 0)>
#map1 = affine_map<(d0, d1) -> (0)>
module attributes {stable_mosaic.version = 14 : i64} {
  func.func @_agg_body(%arg0: i32, %arg1: i32, %arg2: memref<10000x128xf32, #tpu.memory_space<hbm>>, %arg3: memref<2621440xf32, #tpu.memory_space<hbm>>, %arg4: memref<512xf32, #tpu.memory_space<hbm>>, %arg5: memref<163840xi32, #tpu.memory_space<hbm>>, %arg6: memref<2560x64xi32, #tpu.memory_space<hbm>>, %arg7: memref<10016x128xf32, #tpu.memory_space<hbm>>, %arg8: memref<10000x128xf32, #tpu.memory_space<hbm>>, %arg9: memref<10000x128xf32, #tpu.memory_space<hbm>>, %arg10: memref<10016x128xf32, #tpu.memory_space<vmem_shared>>, %arg11: memref<64x128xf32, #tpu.memory_space<vmem>>, %arg12: memref<64x128xf32, #tpu.memory_space<vmem>>, %arg13: memref<64x128xf32, #tpu.memory_space<vmem>>, %arg14: memref<64x128xf32, #tpu.memory_space<vmem>>, %arg15: memref<1024xf32, #tpu.memory_space<vmem>>, %arg16: memref<1024xf32, #tpu.memory_space<vmem>>, %arg17: memref<5120xi32, #tpu.memory_space<vmem>>, %arg18: memref<80x64xi32, #tpu.memory_space<vmem>>, %arg19: memref<512xf32, #tpu.memory_space<vmem>>, %arg20: memref<!tpu.dma_semaphore, #tpu.memory_space<semaphore_mem>>, %arg21: memref<!tpu.dma_semaphore, #tpu.memory_space<semaphore_mem>>, %arg22: memref<!tpu.dma_semaphore, #tpu.memory_space<semaphore_mem>>, %arg23: memref<!tpu.dma_semaphore, #tpu.memory_space<semaphore_mem>>) attributes {dimension_semantics = [#tpu.dimension_semantics<core_parallel>, #tpu.dimension_semantics<subcore_parallel>], iteration_bounds = array<i64: 2, 16>, scalar_prefetch = 0 : i64, scratch_operands = 14 : i64, tpu.core_type = #tpu.core_type<sc_vector_subcore>, window_params = [{transform_indices = #map}, {transform_indices = #map1}, {transform_indices = #map1}, {transform_indices = #map1}, {transform_indices = #map}, {transform_indices = #map}, {transform_indices = #map}, {transform_indices = #map}]} {
    %mul3A = arith.constant 16 : i32
    %mul3A_0 = arith.muli %arg0, %mul3A : i32
    %add3A = arith.addi %mul3A_0, %arg1 : i32
    %mul3A_1 = arith.constant 80 : i32
    %mul3A_2 = arith.muli %add3A, %mul3A_1 : i32
    %multiple_of3A = tpu.assume_multiple %mul3A_2, 8 : i32
    %eq3A = arith.constant 0 : i32
    %eq3A_3 = arith.cmpi eq, %arg1, %eq3A : i32
    %convert_element_type3A = arith.extui %eq3A_3 : i1 to i32
    %cond3A = arith.constant 0 : i32
    %cond3A_4 = arith.cmpi ne, %convert_element_type3A, %cond3A : i32
    scf.if %cond3A_4 {
      "tpu.region"() ({
        %run_scoped3A = tpu.sem_alloc : memref<!tpu.dma_semaphore, #tpu.memory_space<semaphore_mem>>
        tpu.enqueue_dma source(%arg7 : memref<10016x128xf32, #tpu.memory_space<hbm>>) target(%arg10 : memref<10016x128xf32, #tpu.memory_space<vmem_shared>>) target_semaphore(%run_scoped3A : memref<!tpu.dma_semaphore, #tpu.memory_space<semaphore_mem>>)
        tpu.wait_dma2 semaphore(%run_scoped3A : memref<!tpu.dma_semaphore, #tpu.memory_space<semaphore_mem>>) src(%arg7 : memref<10016x128xf32, #tpu.memory_space<hbm>>) dst(%arg10 : memref<10016x128xf32, #tpu.memory_space<vmem_shared>>)
        tpu.yield
      }) : () -> ()
    } else {
    }
    %mul3A_5 = arith.constant 64 : i32
    %mul3A_6 = arith.muli %multiple_of3A, %mul3A_5 : i32
    "tpu.region"() ({
      %run_scoped3A = tpu.sem_alloc : memref<!tpu.dma_semaphore, #tpu.memory_space<semaphore_mem>>
      %dma_start3A_241 = tpu.memref_slice %arg5[%mul3A_6] : memref<163840xi32, #tpu.memory_space<hbm>> -> memref<5120xi32, #tpu.memory_space<hbm>>
      %dma_start3A_242 = tpu.memref_slice %arg5[%mul3A_6] : memref<163840xi32, #tpu.memory_space<hbm>> -> memref<5120xi32, #tpu.memory_space<hbm>>
      tpu.enqueue_dma source(%dma_start3A_242 : memref<5120xi32, #tpu.memory_space<hbm>>) target(%arg17 : memref<5120xi32, #tpu.memory_space<vmem>>) target_semaphore(%run_scoped3A : memref<!tpu.dma_semaphore, #tpu.memory_space<semaphore_mem>>)
      %dma_wait3A_243 = tpu.memref_slice %arg5[%mul3A_6] : memref<163840xi32, #tpu.memory_space<hbm>> -> memref<5120xi32, #tpu.memory_space<hbm>>
      %dma_wait3A_244 = tpu.memref_slice %arg5[%mul3A_6] : memref<163840xi32, #tpu.memory_space<hbm>> -> memref<5120xi32, #tpu.memory_space<hbm>>
      tpu.wait_dma2 semaphore(%run_scoped3A : memref<!tpu.dma_semaphore, #tpu.memory_space<semaphore_mem>>) src(%dma_wait3A_244 : memref<5120xi32, #tpu.memory_space<hbm>>) dst(%arg17 : memref<5120xi32, #tpu.memory_space<vmem>>)
      tpu.yield
    }) : () -> ()
    "tpu.region"() ({
      %run_scoped3A = tpu.sem_alloc : memref<!tpu.dma_semaphore, #tpu.memory_space<semaphore_mem>>
      %dma_start3A_241 = arith.constant 0 : i32
      %dma_start3A_242 = tpu.memref_slice %arg6[%multiple_of3A, %dma_start3A_241] : memref<2560x64xi32, #tpu.memory_space<hbm>> -> memref<80x64xi32, #tpu.memory_space<hbm>>
      %dma_start3A_243 = arith.constant 0 : i32
      %dma_start3A_244 = tpu.memref_slice %arg6[%multiple_of3A, %dma_start3A_243] : memref<2560x64xi32, #tpu.memory_space<hbm>> -> memref<80x64xi32, #tpu.memory_space<hbm>>
      tpu.enqueue_dma source(%dma_start3A_244 : memref<80x64xi32, #tpu.memory_space<hbm>>) target(%arg18 : memref<80x64xi32, #tpu.memory_space<vmem>>) target_semaphore(%run_scoped3A : memref<!tpu.dma_semaphore, #tpu.memory_space<semaphore_mem>>)
      %dma_wait3A_245 = arith.constant 0 : i32
      %dma_wait3A_246 = tpu.memref_slice %arg6[%multiple_of3A, %dma_wait3A_245] : memref<2560x64xi32, #tpu.memory_space<hbm>> -> memref<80x64xi32, #tpu.memory_space<hbm>>
      %dma_wait3A_247 = arith.constant 0 : i32
      %dma_wait3A_248 = tpu.memref_slice %arg6[%multiple_of3A, %dma_wait3A_247] : memref<2560x64xi32, #tpu.memory_space<hbm>> -> memref<80x64xi32, #tpu.memory_space<hbm>>
      tpu.wait_dma2 semaphore(%run_scoped3A : memref<!tpu.dma_semaphore, #tpu.memory_space<semaphore_mem>>) src(%dma_wait3A_248 : memref<80x64xi32, #tpu.memory_space<hbm>>) dst(%arg18 : memref<80x64xi32, #tpu.memory_space<vmem>>)
      tpu.yield
    }) : () -> ()
    "tpu.region"() ({
      %run_scoped3A = tpu.sem_alloc : memref<!tpu.dma_semaphore, #tpu.memory_space<semaphore_mem>>
      tpu.enqueue_dma source(%arg4 : memref<512xf32, #tpu.memory_space<hbm>>) target(%arg19 : memref<512xf32, #tpu.memory_space<vmem>>) target_semaphore(%run_scoped3A : memref<!tpu.dma_semaphore, #tpu.memory_space<semaphore_mem>>)
      tpu.wait_dma2 semaphore(%run_scoped3A : memref<!tpu.dma_semaphore, #tpu.memory_space<semaphore_mem>>) src(%arg4 : memref<512xf32, #tpu.memory_space<hbm>>) dst(%arg19 : memref<512xf32, #tpu.memory_space<vmem>>)
      tpu.yield
    }) : () -> ()
    %get3A = arith.constant 0 : index
    %get3A_7 = tpu.vector_load %arg19[%get3A] {strides = array<i32>} : memref<512xf32, #tpu.memory_space<vmem>>, vector<16xf32>,
    %get3A_8 = vector.shape_cast %get3A_7 : vector<16xf32> to vector<16xf32>
    %get3A_9 = arith.constant 16 : index
    %get3A_10 = tpu.vector_load %arg19[%get3A_9] {strides = array<i32>} : memref<512xf32, #tpu.memory_space<vmem>>, vector<16xf32>,
    %get3A_11 = vector.shape_cast %get3A_10 : vector<16xf32> to vector<16xf32>
    %max3A = arith.maximumf %get3A_8, %get3A_11 : vector<16xf32>
    %get3A_12 = arith.constant 32 : index
    %get3A_13 = tpu.vector_load %arg19[%get3A_12] {strides = array<i32>} : memref<512xf32, #tpu.memory_space<vmem>>, vector<16xf32>,
    %get3A_14 = vector.shape_cast %get3A_13 : vector<16xf32> to vector<16xf32>
    %max3A_15 = arith.maximumf %max3A, %get3A_14 : vector<16xf32>
    %get3A_16 = arith.constant 48 : index
    %get3A_17 = tpu.vector_load %arg19[%get3A_16] {strides = array<i32>} : memref<512xf32, #tpu.memory_space<vmem>>, vector<16xf32>,
    %get3A_18 = vector.shape_cast %get3A_17 : vector<16xf32> to vector<16xf32>
    %max3A_19 = arith.maximumf %max3A_15, %get3A_18 : vector<16xf32>
    %get3A_20 = arith.constant 64 : index
    %get3A_21 = tpu.vector_load %arg19[%get3A_20] {strides = array<i32>} : memref<512xf32, #tpu.memory_space<vmem>>, vector<16xf32>,
    %get3A_22 = vector.shape_cast %get3A_21 : vector<16xf32> to vector<16xf32>
    %max3A_23 = arith.maximumf %max3A_19, %get3A_22 : vector<16xf32>
    %get3A_24 = arith.constant 80 : index
    %get3A_25 = tpu.vector_load %arg19[%get3A_24] {strides = array<i32>} : memref<512xf32, #tpu.memory_space<vmem>>, vector<16xf32>,
    %get3A_26 = vector.shape_cast %get3A_25 : vector<16xf32> to vector<16xf32>
    %max3A_27 = arith.maximumf %max3A_23, %get3A_26 : vector<16xf32>
    %get3A_28 = arith.constant 96 : index
    %get3A_29 = tpu.vector_load %arg19[%get3A_28] {strides = array<i32>} : memref<512xf32, #tpu.memory_space<vmem>>, vector<16xf32>,
    %get3A_30 = vector.shape_cast %get3A_29 : vector<16xf32> to vector<16xf32>
    %max3A_31 = arith.maximumf %max3A_27, %get3A_30 : vector<16xf32>
    %get3A_32 = arith.constant 112 : index
    %get3A_33 = tpu.vector_load %arg19[%get3A_32] {strides = array<i32>} : memref<512xf32, #tpu.memory_space<vmem>>, vector<16xf32>,
    %get3A_34 = vector.shape_cast %get3A_33 : vector<16xf32> to vector<16xf32>
    %max3A_35 = arith.maximumf %max3A_31, %get3A_34 : vector<16xf32>
    %get3A_36 = arith.constant 128 : index
    %get3A_37 = tpu.vector_load %arg19[%get3A_36] {strides = array<i32>} : memref<512xf32, #tpu.memory_space<vmem>>, vector<16xf32>,
    %get3A_38 = vector.shape_cast %get3A_37 : vector<16xf32> to vector<16xf32>
    %max3A_39 = arith.maximumf %max3A_35, %get3A_38 : vector<16xf32>
    %get3A_40 = arith.constant 144 : index
    %get3A_41 = tpu.vector_load %arg19[%get3A_40] {strides = array<i32>} : memref<512xf32, #tpu.memory_space<vmem>>, vector<16xf32>,
    %get3A_42 = vector.shape_cast %get3A_41 : vector<16xf32> to vector<16xf32>
    %max3A_43 = arith.maximumf %max3A_39, %get3A_42 : vector<16xf32>
    %get3A_44 = arith.constant 160 : index
    %get3A_45 = tpu.vector_load %arg19[%get3A_44] {strides = array<i32>} : memref<512xf32, #tpu.memory_space<vmem>>, vector<16xf32>,
    %get3A_46 = vector.shape_cast %get3A_45 : vector<16xf32> to vector<16xf32>
    %max3A_47 = arith.maximumf %max3A_43, %get3A_46 : vector<16xf32>
    %get3A_48 = arith.constant 176 : index
    %get3A_49 = tpu.vector_load %arg19[%get3A_48] {strides = array<i32>} : memref<512xf32, #tpu.memory_space<vmem>>, vector<16xf32>,
    %get3A_50 = vector.shape_cast %get3A_49 : vector<16xf32> to vector<16xf32>
    %max3A_51 = arith.maximumf %max3A_47, %get3A_50 : vector<16xf32>
    %get3A_52 = arith.constant 192 : index
    %get3A_53 = tpu.vector_load %arg19[%get3A_52] {strides = array<i32>} : memref<512xf32, #tpu.memory_space<vmem>>, vector<16xf32>,
    %get3A_54 = vector.shape_cast %get3A_53 : vector<16xf32> to vector<16xf32>
    %max3A_55 = arith.maximumf %max3A_51, %get3A_54 : vector<16xf32>
    %get3A_56 = arith.constant 208 : index
    %get3A_57 = tpu.vector_load %arg19[%get3A_56] {strides = array<i32>} : memref<512xf32, #tpu.memory_space<vmem>>, vector<16xf32>,
    %get3A_58 = vector.shape_cast %get3A_57 : vector<16xf32> to vector<16xf32>
    %max3A_59 = arith.maximumf %max3A_55, %get3A_58 : vector<16xf32>
    %get3A_60 = arith.constant 224 : index
    %get3A_61 = tpu.vector_load %arg19[%get3A_60] {strides = array<i32>} : memref<512xf32, #tpu.memory_space<vmem>>, vector<16xf32>,
    %get3A_62 = vector.shape_cast %get3A_61 : vector<16xf32> to vector<16xf32>
    %max3A_63 = arith.maximumf %max3A_59, %get3A_62 : vector<16xf32>
    %get3A_64 = arith.constant 240 : index
    %get3A_65 = tpu.vector_load %arg19[%get3A_64] {strides = array<i32>} : memref<512xf32, #tpu.memory_space<vmem>>, vector<16xf32>,
    %get3A_66 = vector.shape_cast %get3A_65 : vector<16xf32> to vector<16xf32>
    %max3A_67 = arith.maximumf %max3A_63, %get3A_66 : vector<16xf32>
    %get3A_68 = arith.constant 256 : index
    %get3A_69 = tpu.vector_load %arg19[%get3A_68] {strides = array<i32>} : memref<512xf32, #tpu.memory_space<vmem>>, vector<16xf32>,
    %get3A_70 = vector.shape_cast %get3A_69 : vector<16xf32> to vector<16xf32>
    %max3A_71 = arith.maximumf %max3A_67, %get3A_70 : vector<16xf32>
    %get3A_72 = arith.constant 272 : index
    %get3A_73 = tpu.vector_load %arg19[%get3A_72] {strides = array<i32>} : memref<512xf32, #tpu.memory_space<vmem>>, vector<16xf32>,
    %get3A_74 = vector.shape_cast %get3A_73 : vector<16xf32> to vector<16xf32>
    %max3A_75 = arith.maximumf %max3A_71, %get3A_74 : vector<16xf32>
    %get3A_76 = arith.constant 288 : index
    %get3A_77 = tpu.vector_load %arg19[%get3A_76] {strides = array<i32>} : memref<512xf32, #tpu.memory_space<vmem>>, vector<16xf32>,
    %get3A_78 = vector.shape_cast %get3A_77 : vector<16xf32> to vector<16xf32>
    %max3A_79 = arith.maximumf %max3A_75, %get3A_78 : vector<16xf32>
    %get3A_80 = arith.constant 304 : index
    %get3A_81 = tpu.vector_load %arg19[%get3A_80] {strides = array<i32>} : memref<512xf32, #tpu.memory_space<vmem>>, vector<16xf32>,
    %get3A_82 = vector.shape_cast %get3A_81 : vector<16xf32> to vector<16xf32>
    %max3A_83 = arith.maximumf %max3A_79, %get3A_82 : vector<16xf32>
    %get3A_84 = arith.constant 320 : index
    %get3A_85 = tpu.vector_load %arg19[%get3A_84] {strides = array<i32>} : memref<512xf32, #tpu.memory_space<vmem>>, vector<16xf32>,
    %get3A_86 = vector.shape_cast %get3A_85 : vector<16xf32> to vector<16xf32>
    %max3A_87 = arith.maximumf %max3A_83, %get3A_86 : vector<16xf32>
    %get3A_88 = arith.constant 336 : index
    %get3A_89 = tpu.vector_load %arg19[%get3A_88] {strides = array<i32>} : memref<512xf32, #tpu.memory_space<vmem>>, vector<16xf32>,
    %get3A_90 = vector.shape_cast %get3A_89 : vector<16xf32> to vector<16xf32>
    %max3A_91 = arith.maximumf %max3A_87, %get3A_90 : vector<16xf32>
    %get3A_92 = arith.constant 352 : index
    %get3A_93 = tpu.vector_load %arg19[%get3A_92] {strides = array<i32>} : memref<512xf32, #tpu.memory_space<vmem>>, vector<16xf32>,
    %get3A_94 = vector.shape_cast %get3A_93 : vector<16xf32> to vector<16xf32>
    %max3A_95 = arith.maximumf %max3A_91, %get3A_94 : vector<16xf32>
    %get3A_96 = arith.constant 368 : index
    %get3A_97 = tpu.vector_load %arg19[%get3A_96] {strides = array<i32>} : memref<512xf32, #tpu.memory_space<vmem>>, vector<16xf32>,
    %get3A_98 = vector.shape_cast %get3A_97 : vector<16xf32> to vector<16xf32>
    %max3A_99 = arith.maximumf %max3A_95, %get3A_98 : vector<16xf32>
    %get3A_100 = arith.constant 384 : index
    %get3A_101 = tpu.vector_load %arg19[%get3A_100] {strides = array<i32>} : memref<512xf32, #tpu.memory_space<vmem>>, vector<16xf32>,
    %get3A_102 = vector.shape_cast %get3A_101 : vector<16xf32> to vector<16xf32>
    %max3A_103 = arith.maximumf %max3A_99, %get3A_102 : vector<16xf32>
    %get3A_104 = arith.constant 400 : index
    %get3A_105 = tpu.vector_load %arg19[%get3A_104] {strides = array<i32>} : memref<512xf32, #tpu.memory_space<vmem>>, vector<16xf32>,
    %get3A_106 = vector.shape_cast %get3A_105 : vector<16xf32> to vector<16xf32>
    %max3A_107 = arith.maximumf %max3A_103, %get3A_106 : vector<16xf32>
    %get3A_108 = arith.constant 416 : index
    %get3A_109 = tpu.vector_load %arg19[%get3A_108] {strides = array<i32>} : memref<512xf32, #tpu.memory_space<vmem>>, vector<16xf32>,
    %get3A_110 = vector.shape_cast %get3A_109 : vector<16xf32> to vector<16xf32>
    %max3A_111 = arith.maximumf %max3A_107, %get3A_110 : vector<16xf32>
    %get3A_112 = arith.constant 432 : index
    %get3A_113 = tpu.vector_load %arg19[%get3A_112] {strides = array<i32>} : memref<512xf32, #tpu.memory_space<vmem>>, vector<16xf32>,
    %get3A_114 = vector.shape_cast %get3A_113 : vector<16xf32> to vector<16xf32>
    %max3A_115 = arith.maximumf %max3A_111, %get3A_114 : vector<16xf32>
    %get3A_116 = arith.constant 448 : index
    %get3A_117 = tpu.vector_load %arg19[%get3A_116] {strides = array<i32>} : memref<512xf32, #tpu.memory_space<vmem>>, vector<16xf32>,
    %get3A_118 = vector.shape_cast %get3A_117 : vector<16xf32> to vector<16xf32>
    %max3A_119 = arith.maximumf %max3A_115, %get3A_118 : vector<16xf32>
    %get3A_120 = arith.constant 464 : index
    %get3A_121 = tpu.vector_load %arg19[%get3A_120] {strides = array<i32>} : memref<512xf32, #tpu.memory_space<vmem>>, vector<16xf32>,
    %get3A_122 = vector.shape_cast %get3A_121 : vector<16xf32> to vector<16xf32>
    %max3A_123 = arith.maximumf %max3A_119, %get3A_122 : vector<16xf32>
    %get3A_124 = arith.constant 480 : index
    %get3A_125 = tpu.vector_load %arg19[%get3A_124] {strides = array<i32>} : memref<512xf32, #tpu.memory_space<vmem>>, vector<16xf32>,
    %get3A_126 = vector.shape_cast %get3A_125 : vector<16xf32> to vector<16xf32>
    %max3A_127 = arith.maximumf %max3A_123, %get3A_126 : vector<16xf32>
    %get3A_128 = arith.constant 496 : index
    %get3A_129 = tpu.vector_load %arg19[%get3A_128] {strides = array<i32>} : memref<512xf32, #tpu.memory_space<vmem>>, vector<16xf32>,
    %get3A_130 = vector.shape_cast %get3A_129 : vector<16xf32> to vector<16xf32>
    %max3A_131 = arith.maximumf %max3A_127, %get3A_130 : vector<16xf32>
    %iota3A = tpu.iota {dimensions = array<i32: 0>} : vector<16xi32>
    %xor3A = arith.constant 8 : i32
    %xor3A_132 = vector.broadcast %xor3A : i32 to vector<16xi32>
    %xor3A_133 = arith.xori %iota3A, %xor3A_132 : vector<16xi32>
    %lt3A = arith.constant 0 : i32
    %lt3A_134 = vector.broadcast %lt3A : i32 to vector<16xi32>
    %lt3A_135 = arith.cmpi slt, %xor3A_133, %lt3A_134 : vector<16xi32>
    %add3A_136 = arith.constant 16 : i32
    %add3A_137 = vector.broadcast %add3A_136 : i32 to vector<16xi32>
    %add3A_138 = arith.addi %xor3A_133, %add3A_137 : vector<16xi32>
    %select_n3A = arith.select %lt3A_135, %add3A_138, %xor3A_133 : vector<16xi1>, vector<16xi32>
    %broadcast_in_dim3A = vector.shape_cast %select_n3A : vector<16xi32> to vector<16x1xi32>
    %gather3A = vector.shape_cast %broadcast_in_dim3A : vector<16x1xi32> to vector<16xi32>
    %gather3A_139 = tpu.dynamic_gather %max3A_131[%gather3A] in [0] : vector<16xf32>, vector<16xi32> -> vector<16xf32>
    %max3A_140 = arith.maximumf %max3A_131, %gather3A_139 : vector<16xf32>
    %xor3A_141 = arith.constant 4 : i32
    %xor3A_142 = vector.broadcast %xor3A_141 : i32 to vector<16xi32>
    %xor3A_143 = arith.xori %iota3A, %xor3A_142 : vector<16xi32>
    %lt3A_144 = arith.constant 0 : i32
    %lt3A_145 = vector.broadcast %lt3A_144 : i32 to vector<16xi32>
    %lt3A_146 = arith.cmpi slt, %xor3A_143, %lt3A_145 : vector<16xi32>
    %add3A_147 = arith.constant 16 : i32
    %add3A_148 = vector.broadcast %add3A_147 : i32 to vector<16xi32>
    %add3A_149 = arith.addi %xor3A_143, %add3A_148 : vector<16xi32>
    %select_n3A_150 = arith.select %lt3A_146, %add3A_149, %xor3A_143 : vector<16xi1>, vector<16xi32>
    %broadcast_in_dim3A_151 = vector.shape_cast %select_n3A_150 : vector<16xi32> to vector<16x1xi32>
    %gather3A_152 = vector.shape_cast %broadcast_in_dim3A_151 : vector<16x1xi32> to vector<16xi32>
    %gather3A_153 = tpu.dynamic_gather %max3A_140[%gather3A_152] in [0] : vector<16xf32>, vector<16xi32> -> vector<16xf32>
    %max3A_154 = arith.maximumf %max3A_140, %gather3A_153 : vector<16xf32>
    %xor3A_155 = arith.constant 2 : i32
    %xor3A_156 = vector.broadcast %xor3A_155 : i32 to vector<16xi32>
    %xor3A_157 = arith.xori %iota3A, %xor3A_156 : vector<16xi32>
    %lt3A_158 = arith.constant 0 : i32
    %lt3A_159 = vector.broadcast %lt3A_158 : i32 to vector<16xi32>
    %lt3A_160 = arith.cmpi slt, %xor3A_157, %lt3A_159 : vector<16xi32>
    %add3A_161 = arith.constant 16 : i32
    %add3A_162 = vector.broadcast %add3A_161 : i32 to vector<16xi32>
    %add3A_163 = arith.addi %xor3A_157, %add3A_162 : vector<16xi32>
    %select_n3A_164 = arith.select %lt3A_160, %add3A_163, %xor3A_157 : vector<16xi1>, vector<16xi32>
    %broadcast_in_dim3A_165 = vector.shape_cast %select_n3A_164 : vector<16xi32> to vector<16x1xi32>
    %gather3A_166 = vector.shape_cast %broadcast_in_dim3A_165 : vector<16x1xi32> to vector<16xi32>
    %gather3A_167 = tpu.dynamic_gather %max3A_154[%gather3A_166] in [0] : vector<16xf32>, vector<16xi32> -> vector<16xf32>
    %max3A_168 = arith.maximumf %max3A_154, %gather3A_167 : vector<16xf32>
    %xor3A_169 = arith.constant 1 : i32
    %xor3A_170 = vector.broadcast %xor3A_169 : i32 to vector<16xi32>
    %xor3A_171 = arith.xori %iota3A, %xor3A_170 : vector<16xi32>
    %lt3A_172 = arith.constant 0 : i32
    %lt3A_173 = vector.broadcast %lt3A_172 : i32 to vector<16xi32>
    %lt3A_174 = arith.cmpi slt, %xor3A_171, %lt3A_173 : vector<16xi32>
    %add3A_175 = arith.constant 16 : i32
    %add3A_176 = vector.broadcast %add3A_175 : i32 to vector<16xi32>
    %add3A_177 = arith.addi %xor3A_171, %add3A_176 : vector<16xi32>
    %select_n3A_178 = arith.select %lt3A_174, %add3A_177, %xor3A_171 : vector<16xi1>, vector<16xi32>
    %broadcast_in_dim3A_179 = vector.shape_cast %select_n3A_178 : vector<16xi32> to vector<16x1xi32>
    %gather3A_180 = vector.shape_cast %broadcast_in_dim3A_179 : vector<16x1xi32> to vector<16xi32>
    %gather3A_181 = tpu.dynamic_gather %max3A_168[%gather3A_180] in [0] : vector<16xf32>, vector<16xi32> -> vector<16xf32>
    %max3A_182 = arith.maximumf %max3A_168, %gather3A_181 : vector<16xf32>
    %barrier3A = arith.constant 0 : index
    tpu.barrier barrier_id(%barrier3A)
    %dma_start3A = arith.constant 0 : i32
    %dma_start3A_183 = tpu.memref_slice %arg17[%dma_start3A] : memref<5120xi32, #tpu.memory_space<vmem>> -> memref<64xi32, #tpu.memory_space<vmem>>
    %dma_start3A_184 = arith.constant 0 : i32
    %dma_start3A_185 = arith.constant 0 : i32
    %dma_start3A_186 = tpu.memref_slice %arg2[%dma_start3A_184, %dma_start3A_185] : memref<10000x128xf32, #tpu.memory_space<hbm>> -> memref<10000x128xf32, #tpu.memory_space<hbm>>
    tpu.enqueue_indirect_dma source(%dma_start3A_186 : memref<10000x128xf32, #tpu.memory_space<hbm>>) target(%arg11 : memref<64x128xf32, #tpu.memory_space<vmem>>) offsets(%dma_start3A_183 : memref<64xi32, #tpu.memory_space<vmem>>) semaphore(%arg20 : memref<!tpu.dma_semaphore, #tpu.memory_space<semaphore_mem>>)
    %add3A_187 = arith.constant 0 : i32
    %add3A_188 = arith.addi %multiple_of3A, %add3A_187 : i32
    %mul3A_189 = arith.constant 1024 : i32
    %mul3A_190 = arith.muli %add3A_188, %mul3A_189 : i32
    %dma_start3A_191 = tpu.memref_slice %arg3[%mul3A_190] : memref<2621440xf32, #tpu.memory_space<hbm>> -> memref<1024xf32, #tpu.memory_space<hbm>>
    %dma_start3A_192 = tpu.memref_slice %arg3[%mul3A_190] : memref<2621440xf32, #tpu.memory_space<hbm>> -> memref<1024xf32, #tpu.memory_space<hbm>>
    tpu.enqueue_dma source(%dma_start3A_192 : memref<1024xf32, #tpu.memory_space<hbm>>) target(%arg15 : memref<1024xf32, #tpu.memory_space<vmem>>) target_semaphore(%arg20 : memref<!tpu.dma_semaphore, #tpu.memory_space<semaphore_mem>>)
    %dma_start3A_193 = arith.constant 64 : i32
    %dma_start3A_194 = tpu.memref_slice %arg17[%dma_start3A_193] : memref<5120xi32, #tpu.memory_space<vmem>> -> memref<64xi32, #tpu.memory_space<vmem>>
    %dma_start3A_195 = arith.constant 0 : i32
    %dma_start3A_196 = arith.constant 0 : i32
    %dma_start3A_197 = tpu.memref_slice %arg2[%dma_start3A_195, %dma_start3A_196] : memref<10000x128xf32, #tpu.memory_space<hbm>> -> memref<10000x128xf32, #tpu.memory_space<hbm>>
    tpu.enqueue_indirect_dma source(%dma_start3A_197 : memref<10000x128xf32, #tpu.memory_space<hbm>>) target(%arg12 : memref<64x128xf32, #tpu.memory_space<vmem>>) offsets(%dma_start3A_194 : memref<64xi32, #tpu.memory_space<vmem>>) semaphore(%arg21 : memref<!tpu.dma_semaphore, #tpu.memory_space<semaphore_mem>>)
    %add3A_198 = arith.constant 1 : i32
    %add3A_199 = arith.addi %multiple_of3A, %add3A_198 : i32
    %mul3A_200 = arith.constant 1024 : i32
    %mul3A_201 = arith.muli %add3A_199, %mul3A_200 : i32
    %dma_start3A_202 = tpu.memref_slice %arg3[%mul3A_201] : memref<2621440xf32, #tpu.memory_space<hbm>> -> memref<1024xf32, #tpu.memory_space<hbm>>
    %dma_start3A_203 = tpu.memref_slice %arg3[%mul3A_201] : memref<2621440xf32, #tpu.memory_space<hbm>> -> memref<1024xf32, #tpu.memory_space<hbm>>
    tpu.enqueue_dma source(%dma_start3A_203 : memref<1024xf32, #tpu.memory_space<hbm>>) target(%arg16 : memref<1024xf32, #tpu.memory_space<vmem>>) target_semaphore(%arg21 : memref<!tpu.dma_semaphore, #tpu.memory_space<semaphore_mem>>)
    %scan3A = arith.constant 0 : i32
    %scan3A_204 = arith.constant 0 : i32
    %scan3A_205 = arith.constant 40 : i32
    %scan3A_206 = arith.addi %scan3A_204, %scan3A_205 : i32
    %scan3A_207 = arith.constant 1 : i32
    scf.for %scan3A_241 = %scan3A_204 to %scan3A_206 step %scan3A_207  : i32 {
      %mul3A_242 = arith.constant 2 : i32
      %mul3A_243 = arith.muli %mul3A_242, %scan3A_241 : i32
      %add3A_244 = arith.constant 1 : i32
      %add3A_245 = arith.addi %mul3A_243, %add3A_244 : i32
      %gt3A = arith.constant 0 : i32
      %gt3A_246 = arith.cmpi sgt, %scan3A_241, %gt3A : i32
      %convert_element_type3A_247 = arith.extui %gt3A_246 : i1 to i32
      %cond3A_248 = arith.constant 0 : i32
      %cond3A_249 = arith.cmpi ne, %convert_element_type3A_247, %cond3A_248 : i32
      scf.if %cond3A_249 {
        %dma_wait3A_306 = arith.constant 0 : i32
        %dma_wait3A_307 = tpu.memref_slice %arg18[%mul3A_243, %dma_wait3A_306] : memref<80x64xi32, #tpu.memory_space<vmem>> -> memref<1x64xi32, #tpu.memory_space<vmem>>
        %dma_wait3A_308 = tpu.memref_squeeze %dma_wait3A_307 : memref<1x64xi32, #tpu.memory_space<vmem>> -> memref<64xi32, #tpu.memory_space<vmem>>
        %dma_wait3A_309 = arith.constant 0 : i32
        %dma_wait3A_310 = arith.constant 0 : i32
        %dma_wait3A_311 = tpu.memref_slice %arg10[%dma_wait3A_309, %dma_wait3A_310] : memref<10016x128xf32, #tpu.memory_space<vmem_shared>> -> memref<10016x128xf32, #tpu.memory_space<vmem_shared>>
        tpu.wait_indirect_dma semaphore(%arg22 : memref<!tpu.dma_semaphore, #tpu.memory_space<semaphore_mem>>) src(%arg13 : memref<64x128xf32, #tpu.memory_space<vmem>>) dst(%dma_wait3A_311 : memref<10016x128xf32, #tpu.memory_space<vmem_shared>>)
        %dma_wait3A_312 = arith.constant 0 : i32
        %dma_wait3A_313 = tpu.memref_slice %arg18[%add3A_245, %dma_wait3A_312] : memref<80x64xi32, #tpu.memory_space<vmem>> -> memref<1x64xi32, #tpu.memory_space<vmem>>
        %dma_wait3A_314 = tpu.memref_squeeze %dma_wait3A_313 : memref<1x64xi32, #tpu.memory_space<vmem>> -> memref<64xi32, #tpu.memory_space<vmem>>
        %dma_wait3A_315 = arith.constant 0 : i32
        %dma_wait3A_316 = arith.constant 0 : i32
        %dma_wait3A_317 = tpu.memref_slice %arg10[%dma_wait3A_315, %dma_wait3A_316] : memref<10016x128xf32, #tpu.memory_space<vmem_shared>> -> memref<10016x128xf32, #tpu.memory_space<vmem_shared>>
        tpu.wait_indirect_dma semaphore(%arg23 : memref<!tpu.dma_semaphore, #tpu.memory_space<semaphore_mem>>) src(%arg14 : memref<64x128xf32, #tpu.memory_space<vmem>>) dst(%dma_wait3A_317 : memref<10016x128xf32, #tpu.memory_space<vmem_shared>>)
      } else {
      }
      %mul3A_250 = arith.constant 64 : i32
      %mul3A_251 = arith.muli %mul3A_243, %mul3A_250 : i32
      %dma_wait3A_252 = tpu.memref_slice %arg17[%mul3A_251] : memref<5120xi32, #tpu.memory_space<vmem>> -> memref<64xi32, #tpu.memory_space<vmem>>
      %dma_wait3A_253 = arith.constant 0 : i32
      %dma_wait3A_254 = arith.constant 0 : i32
      %dma_wait3A_255 = tpu.memref_slice %arg2[%dma_wait3A_253, %dma_wait3A_254] : memref<10000x128xf32, #tpu.memory_space<hbm>> -> memref<10000x128xf32, #tpu.memory_space<hbm>>
      tpu.wait_indirect_dma semaphore(%arg20 : memref<!tpu.dma_semaphore, #tpu.memory_space<semaphore_mem>>) src(%dma_wait3A_255 : memref<10000x128xf32, #tpu.memory_space<hbm>>) dst(%arg11 : memref<64x128xf32, #tpu.memory_space<vmem>>)
      %add3A_256 = arith.addi %multiple_of3A, %mul3A_243 : i32
      %mul3A_257 = arith.constant 1024 : i32
      %mul3A_258 = arith.muli %add3A_256, %mul3A_257 : i32
      %dma_wait3A_259 = tpu.memref_slice %arg3[%mul3A_258] : memref<2621440xf32, #tpu.memory_space<hbm>> -> memref<1024xf32, #tpu.memory_space<hbm>>
      %dma_wait3A_260 = tpu.memref_slice %arg3[%mul3A_258] : memref<2621440xf32, #tpu.memory_space<hbm>> -> memref<1024xf32, #tpu.memory_space<hbm>>
      tpu.wait_dma2 semaphore(%arg20 : memref<!tpu.dma_semaphore, #tpu.memory_space<semaphore_mem>>) src(%dma_wait3A_260 : memref<1024xf32, #tpu.memory_space<hbm>>) dst(%arg15 : memref<1024xf32, #tpu.memory_space<vmem>>)
      %scan3A_261 = arith.constant 0 : i32
      %scan3A_262 = arith.constant 0 : i32
      %scan3A_263 = arith.constant 64 : i32
      %scan3A_264 = arith.addi %scan3A_262, %scan3A_263 : i32
      %scan3A_265 = arith.constant 1 : i32
      scf.for %scan3A_306 = %scan3A_262 to %scan3A_264 step %scan3A_265  : i32 {
        %mul3A_307 = arith.constant 16 : i32
        %mul3A_308 = arith.muli %scan3A_306, %mul3A_307 : i32
        %get3A_309 = arith.index_cast %mul3A_308 : i32 to index
        %get3A_310 = tpu.vector_load %arg15[%get3A_309] {strides = array<i32>} : memref<1024xf32, #tpu.memory_space<vmem>>, vector<16xf32>,
        %get3A_311 = vector.shape_cast %get3A_310 : vector<16xf32> to vector<16xf32>
        %sub3A = arith.subf %get3A_311, %max3A_182 : vector<16xf32>
        %exp3A = math.exp %sub3A : vector<16xf32>
        %broadcast_in_dim3A_312 = arith.constant 0 : i32
        %broadcast_in_dim3A_313 = vector.broadcast %broadcast_in_dim3A_312 : i32 to vector<16xi32>
        %lt3A_314 = arith.constant 0 : i32
        %lt3A_315 = vector.broadcast %lt3A_314 : i32 to vector<16xi32>
        %lt3A_316 = arith.cmpi slt, %broadcast_in_dim3A_313, %lt3A_315 : vector<16xi32>
        %add3A_317 = arith.constant 16 : i32
        %add3A_318 = vector.broadcast %add3A_317 : i32 to vector<16xi32>
        %add3A_319 = arith.addi %broadcast_in_dim3A_313, %add3A_318 : vector<16xi32>
        %select_n3A_320 = arith.select %lt3A_316, %add3A_319, %broadcast_in_dim3A_313 : vector<16xi1>, vector<16xi32>
        %broadcast_in_dim3A_321 = vector.shape_cast %select_n3A_320 : vector<16xi32> to vector<16x1xi32>
        %gather3A_322 = vector.shape_cast %broadcast_in_dim3A_321 : vector<16x1xi32> to vector<16xi32>
        %gather3A_323 = tpu.dynamic_gather %exp3A[%gather3A_322] in [0] : vector<16xf32>, vector<16xi32> -> vector<16xf32>
        %get3A_324 = arith.index_cast %scan3A_306 : i32 to index
        %get3A_325 = arith.constant 0 : index
        %get3A_326 = tpu.vector_load %arg11[%get3A_324, %get3A_325] {strides = array<i32>} : memref<64x128xf32, #tpu.memory_space<vmem>>, vector<1x16xf32>,
        %get3A_327 = vector.shape_cast %get3A_326 : vector<1x16xf32> to vector<16xf32>
        %mul3A_328 = arith.mulf %get3A_327, %gather3A_323 : vector<16xf32>
        %get3A_329 = arith.index_cast %scan3A_306 : i32 to index
        %get3A_330 = arith.constant 16 : index
        %get3A_331 = tpu.vector_load %arg11[%get3A_329, %get3A_330] {strides = array<i32>} : memref<64x128xf32, #tpu.memory_space<vmem>>, vector<1x16xf32>,
        %get3A_332 = vector.shape_cast %get3A_331 : vector<1x16xf32> to vector<16xf32>
        %mul3A_333 = arith.mulf %get3A_332, %gather3A_323 : vector<16xf32>
        %swap3A = arith.index_cast %scan3A_306 : i32 to index
        %swap3A_334 = arith.constant 0 : index
        %swap3A_335 = tpu.vector_load %arg13[%swap3A, %swap3A_334] {strides = array<i32>} : memref<64x128xf32, #tpu.memory_space<vmem>>, vector<1x16xf32>,
        %swap3A_336 = vector.shape_cast %swap3A_335 : vector<1x16xf32> to vector<16xf32>
        %swap3A_337 = vector.shape_cast %mul3A_328 : vector<16xf32> to vector<1x16xf32>
        tpu.vector_store %arg13[%swap3A, %swap3A_334], %swap3A_337 {strides = array<i32>} : memref<64x128xf32, #tpu.memory_space<vmem>>, vector<1x16xf32>,
        %swap3A_338 = arith.index_cast %scan3A_306 : i32 to index
        %swap3A_339 = arith.constant 16 : index
        %swap3A_340 = tpu.vector_load %arg13[%swap3A_338, %swap3A_339] {strides = array<i32>} : memref<64x128xf32, #tpu.memory_space<vmem>>, vector<1x16xf32>,
        %swap3A_341 = vector.shape_cast %swap3A_340 : vector<1x16xf32> to vector<16xf32>
        %swap3A_342 = vector.shape_cast %mul3A_333 : vector<16xf32> to vector<1x16xf32>
        tpu.vector_store %arg13[%swap3A_338, %swap3A_339], %swap3A_342 {strides = array<i32>} : memref<64x128xf32, #tpu.memory_space<vmem>>, vector<1x16xf32>,
        %broadcast_in_dim3A_343 = arith.constant 1 : i32
        %broadcast_in_dim3A_344 = vector.broadcast %broadcast_in_dim3A_343 : i32 to vector<16xi32>
        %lt3A_345 = arith.constant 0 : i32
        %lt3A_346 = vector.broadcast %lt3A_345 : i32 to vector<16xi32>
        %lt3A_347 = arith.cmpi slt, %broadcast_in_dim3A_344, %lt3A_346 : vector<16xi32>
        %add3A_348 = arith.constant 16 : i32
        %add3A_349 = vector.broadcast %add3A_348 : i32 to vector<16xi32>
        %add3A_350 = arith.addi %broadcast_in_dim3A_344, %add3A_349 : vector<16xi32>
        %select_n3A_351 = arith.select %lt3A_347, %add3A_350, %broadcast_in_dim3A_344 : vector<16xi1>, vector<16xi32>
        %broadcast_in_dim3A_352 = vector.shape_cast %select_n3A_351 : vector<16xi32> to vector<16x1xi32>
        %gather3A_353 = vector.shape_cast %broadcast_in_dim3A_352 : vector<16x1xi32> to vector<16xi32>
        %gather3A_354 = tpu.dynamic_gather %exp3A[%gather3A_353] in [0] : vector<16xf32>, vector<16xi32> -> vector<16xf32>
        %get3A_355 = arith.index_cast %scan3A_306 : i32 to index
        %get3A_356 = arith.constant 32 : index
        %get3A_357 = tpu.vector_load %arg11[%get3A_355, %get3A_356] {strides = array<i32>} : memref<64x128xf32, #tpu.memory_space<vmem>>, vector<1x16xf32>,
        %get3A_358 = vector.shape_cast %get3A_357 : vector<1x16xf32> to vector<16xf32>
        %mul3A_359 = arith.mulf %get3A_358, %gather3A_354 : vector<16xf32>
        %get3A_360 = arith.index_cast %scan3A_306 : i32 to index
        %get3A_361 = arith.constant 48 : index
        %get3A_362 = tpu.vector_load %arg11[%get3A_360, %get3A_361] {strides = array<i32>} : memref<64x128xf32, #tpu.memory_space<vmem>>, vector<1x16xf32>,
        %get3A_363 = vector.shape_cast %get3A_362 : vector<1x16xf32> to vector<16xf32>
        %mul3A_364 = arith.mulf %get3A_363, %gather3A_354 : vector<16xf32>
        %swap3A_365 = arith.index_cast %scan3A_306 : i32 to index
        %swap3A_366 = arith.constant 32 : index
        %swap3A_367 = tpu.vector_load %arg13[%swap3A_365, %swap3A_366] {strides = array<i32>} : memref<64x128xf32, #tpu.memory_space<vmem>>, vector<1x16xf32>,
        %swap3A_368 = vector.shape_cast %swap3A_367 : vector<1x16xf32> to vector<16xf32>
        %swap3A_369 = vector.shape_cast %mul3A_359 : vector<16xf32> to vector<1x16xf32>
        tpu.vector_store %arg13[%swap3A_365, %swap3A_366], %swap3A_369 {strides = array<i32>} : memref<64x128xf32, #tpu.memory_space<vmem>>, vector<1x16xf32>,
        %swap3A_370 = arith.index_cast %scan3A_306 : i32 to index
        %swap3A_371 = arith.constant 48 : index
        %swap3A_372 = tpu.vector_load %arg13[%swap3A_370, %swap3A_371] {strides = array<i32>} : memref<64x128xf32, #tpu.memory_space<vmem>>, vector<1x16xf32>,
        %swap3A_373 = vector.shape_cast %swap3A_372 : vector<1x16xf32> to vector<16xf32>
        %swap3A_374 = vector.shape_cast %mul3A_364 : vector<16xf32> to vector<1x16xf32>
        tpu.vector_store %arg13[%swap3A_370, %swap3A_371], %swap3A_374 {strides = array<i32>} : memref<64x128xf32, #tpu.memory_space<vmem>>, vector<1x16xf32>,
        %broadcast_in_dim3A_375 = arith.constant 2 : i32
        %broadcast_in_dim3A_376 = vector.broadcast %broadcast_in_dim3A_375 : i32 to vector<16xi32>
        %lt3A_377 = arith.constant 0 : i32
        %lt3A_378 = vector.broadcast %lt3A_377 : i32 to vector<16xi32>
        %lt3A_379 = arith.cmpi slt, %broadcast_in_dim3A_376, %lt3A_378 : vector<16xi32>
        %add3A_380 = arith.constant 16 : i32
        %add3A_381 = vector.broadcast %add3A_380 : i32 to vector<16xi32>
        %add3A_382 = arith.addi %broadcast_in_dim3A_376, %add3A_381 : vector<16xi32>
        %select_n3A_383 = arith.select %lt3A_379, %add3A_382, %broadcast_in_dim3A_376 : vector<16xi1>, vector<16xi32>
        %broadcast_in_dim3A_384 = vector.shape_cast %select_n3A_383 : vector<16xi32> to vector<16x1xi32>
        %gather3A_385 = vector.shape_cast %broadcast_in_dim3A_384 : vector<16x1xi32> to vector<16xi32>
        %gather3A_386 = tpu.dynamic_gather %exp3A[%gather3A_385] in [0] : vector<16xf32>, vector<16xi32> -> vector<16xf32>
        %get3A_387 = arith.index_cast %scan3A_306 : i32 to index
        %get3A_388 = arith.constant 64 : index
        %get3A_389 = tpu.vector_load %arg11[%get3A_387, %get3A_388] {strides = array<i32>} : memref<64x128xf32, #tpu.memory_space<vmem>>, vector<1x16xf32>,
        %get3A_390 = vector.shape_cast %get3A_389 : vector<1x16xf32> to vector<16xf32>
        %mul3A_391 = arith.mulf %get3A_390, %gather3A_386 : vector<16xf32>
        %get3A_392 = arith.index_cast %scan3A_306 : i32 to index
        %get3A_393 = arith.constant 80 : index
        %get3A_394 = tpu.vector_load %arg11[%get3A_392, %get3A_393] {strides = array<i32>} : memref<64x128xf32, #tpu.memory_space<vmem>>, vector<1x16xf32>,
        %get3A_395 = vector.shape_cast %get3A_394 : vector<1x16xf32> to vector<16xf32>
        %mul3A_396 = arith.mulf %get3A_395, %gather3A_386 : vector<16xf32>
        %swap3A_397 = arith.index_cast %scan3A_306 : i32 to index
        %swap3A_398 = arith.constant 64 : index
        %swap3A_399 = tpu.vector_load %arg13[%swap3A_397, %swap3A_398] {strides = array<i32>} : memref<64x128xf32, #tpu.memory_space<vmem>>, vector<1x16xf32>,
        %swap3A_400 = vector.shape_cast %swap3A_399 : vector<1x16xf32> to vector<16xf32>
        %swap3A_401 = vector.shape_cast %mul3A_391 : vector<16xf32> to vector<1x16xf32>
        tpu.vector_store %arg13[%swap3A_397, %swap3A_398], %swap3A_401 {strides = array<i32>} : memref<64x128xf32, #tpu.memory_space<vmem>>, vector<1x16xf32>,
        %swap3A_402 = arith.index_cast %scan3A_306 : i32 to index
        %swap3A_403 = arith.constant 80 : index
        %swap3A_404 = tpu.vector_load %arg13[%swap3A_402, %swap3A_403] {strides = array<i32>} : memref<64x128xf32, #tpu.memory_space<vmem>>, vector<1x16xf32>,
        %swap3A_405 = vector.shape_cast %swap3A_404 : vector<1x16xf32> to vector<16xf32>
        %swap3A_406 = vector.shape_cast %mul3A_396 : vector<16xf32> to vector<1x16xf32>
        tpu.vector_store %arg13[%swap3A_402, %swap3A_403], %swap3A_406 {strides = array<i32>} : memref<64x128xf32, #tpu.memory_space<vmem>>, vector<1x16xf32>,
        %broadcast_in_dim3A_407 = arith.constant 3 : i32
        %broadcast_in_dim3A_408 = vector.broadcast %broadcast_in_dim3A_407 : i32 to vector<16xi32>
        %lt3A_409 = arith.constant 0 : i32
        %lt3A_410 = vector.broadcast %lt3A_409 : i32 to vector<16xi32>
        %lt3A_411 = arith.cmpi slt, %broadcast_in_dim3A_408, %lt3A_410 : vector<16xi32>
        %add3A_412 = arith.constant 16 : i32
        %add3A_413 = vector.broadcast %add3A_412 : i32 to vector<16xi32>
        %add3A_414 = arith.addi %broadcast_in_dim3A_408, %add3A_413 : vector<16xi32>
        %select_n3A_415 = arith.select %lt3A_411, %add3A_414, %broadcast_in_dim3A_408 : vector<16xi1>, vector<16xi32>
        %broadcast_in_dim3A_416 = vector.shape_cast %select_n3A_415 : vector<16xi32> to vector<16x1xi32>
        %gather3A_417 = vector.shape_cast %broadcast_in_dim3A_416 : vector<16x1xi32> to vector<16xi32>
        %gather3A_418 = tpu.dynamic_gather %exp3A[%gather3A_417] in [0] : vector<16xf32>, vector<16xi32> -> vector<16xf32>
        %get3A_419 = arith.index_cast %scan3A_306 : i32 to index
        %get3A_420 = arith.constant 96 : index
        %get3A_421 = tpu.vector_load %arg11[%get3A_419, %get3A_420] {strides = array<i32>} : memref<64x128xf32, #tpu.memory_space<vmem>>, vector<1x16xf32>,
        %get3A_422 = vector.shape_cast %get3A_421 : vector<1x16xf32> to vector<16xf32>
        %mul3A_423 = arith.mulf %get3A_422, %gather3A_418 : vector<16xf32>
        %get3A_424 = arith.index_cast %scan3A_306 : i32 to index
        %get3A_425 = arith.constant 112 : index
        %get3A_426 = tpu.vector_load %arg11[%get3A_424, %get3A_425] {strides = array<i32>} : memref<64x128xf32, #tpu.memory_space<vmem>>, vector<1x16xf32>,
        %get3A_427 = vector.shape_cast %get3A_426 : vector<1x16xf32> to vector<16xf32>
        %mul3A_428 = arith.mulf %get3A_427, %gather3A_418 : vector<16xf32>
        %swap3A_429 = arith.index_cast %scan3A_306 : i32 to index
        %swap3A_430 = arith.constant 96 : index
        %swap3A_431 = tpu.vector_load %arg13[%swap3A_429, %swap3A_430] {strides = array<i32>} : memref<64x128xf32, #tpu.memory_space<vmem>>, vector<1x16xf32>,
        %swap3A_432 = vector.shape_cast %swap3A_431 : vector<1x16xf32> to vector<16xf32>
        %swap3A_433 = vector.shape_cast %mul3A_423 : vector<16xf32> to vector<1x16xf32>
        tpu.vector_store %arg13[%swap3A_429, %swap3A_430], %swap3A_433 {strides = array<i32>} : memref<64x128xf32, #tpu.memory_space<vmem>>, vector<1x16xf32>,
        %swap3A_434 = arith.index_cast %scan3A_306 : i32 to index
        %swap3A_435 = arith.constant 112 : index
        %swap3A_436 = tpu.vector_load %arg13[%swap3A_434, %swap3A_435] {strides = array<i32>} : memref<64x128xf32, #tpu.memory_space<vmem>>, vector<1x16xf32>,
        %swap3A_437 = vector.shape_cast %swap3A_436 : vector<1x16xf32> to vector<16xf32>
        %swap3A_438 = vector.shape_cast %mul3A_428 : vector<16xf32> to vector<1x16xf32>
        tpu.vector_store %arg13[%swap3A_434, %swap3A_435], %swap3A_438 {strides = array<i32>} : memref<64x128xf32, #tpu.memory_space<vmem>>, vector<1x16xf32>,
      }
      %scan3A_266 = arith.constant 64 : i32
      %dma_start3A_267 = arith.constant 0 : i32
      %dma_start3A_268 = tpu.memref_slice %arg18[%mul3A_243, %dma_start3A_267] : memref<80x64xi32, #tpu.memory_space<vmem>> -> memref<1x64xi32, #tpu.memory_space<vmem>>
      %dma_start3A_269 = tpu.memref_squeeze %dma_start3A_268 : memref<1x64xi32, #tpu.memory_space<vmem>> -> memref<64xi32, #tpu.memory_space<vmem>>
      %dma_start3A_270 = arith.constant 0 : i32
      %dma_start3A_271 = arith.constant 0 : i32
      %dma_start3A_272 = tpu.memref_slice %arg10[%dma_start3A_270, %dma_start3A_271] : memref<10016x128xf32, #tpu.memory_space<vmem_shared>> -> memref<10016x128xf32, #tpu.memory_space<vmem_shared>>
      tpu.enqueue_indirect_dma source(%arg13 : memref<64x128xf32, #tpu.memory_space<vmem>>) target(%dma_start3A_272 : memref<10016x128xf32, #tpu.memory_space<vmem_shared>>) offsets(%dma_start3A_269 : memref<64xi32, #tpu.memory_space<vmem>>) semaphore(%arg22 : memref<!tpu.dma_semaphore, #tpu.memory_space<semaphore_mem>>) {add = true}
      %lt3A_273 = arith.constant 39 : i32
      %lt3A_274 = arith.cmpi slt, %scan3A_241, %lt3A_273 : i32
      %convert_element_type3A_275 = arith.extui %lt3A_274 : i1 to i32
      %cond3A_276 = arith.constant 0 : i32
      %cond3A_277 = arith.cmpi ne, %convert_element_type3A_275, %cond3A_276 : i32
      scf.if %cond3A_277 {
        %add3A_306 = arith.constant 2 : i32
        %add3A_307 = arith.addi %mul3A_243, %add3A_306 : i32
        %mul3A_308 = arith.constant 64 : i32
        %mul3A_309 = arith.muli %add3A_307, %mul3A_308 : i32
        %dma_start3A_310 = tpu.memref_slice %arg17[%mul3A_309] : memref<5120xi32, #tpu.memory_space<vmem>> -> memref<64xi32, #tpu.memory_space<vmem>>
        %dma_start3A_311 = arith.constant 0 : i32
        %dma_start3A_312 = arith.constant 0 : i32
        %dma_start3A_313 = tpu.memref_slice %arg2[%dma_start3A_311, %dma_start3A_312] : memref<10000x128xf32, #tpu.memory_space<hbm>> -> memref<10000x128xf32, #tpu.memory_space<hbm>>
        tpu.enqueue_indirect_dma source(%dma_start3A_313 : memref<10000x128xf32, #tpu.memory_space<hbm>>) target(%arg11 : memref<64x128xf32, #tpu.memory_space<vmem>>) offsets(%dma_start3A_310 : memref<64xi32, #tpu.memory_space<vmem>>) semaphore(%arg20 : memref<!tpu.dma_semaphore, #tpu.memory_space<semaphore_mem>>)
        %add3A_314 = arith.addi %multiple_of3A, %add3A_307 : i32
        %mul3A_315 = arith.constant 1024 : i32
        %mul3A_316 = arith.muli %add3A_314, %mul3A_315 : i32
        %dma_start3A_317 = tpu.memref_slice %arg3[%mul3A_316] : memref<2621440xf32, #tpu.memory_space<hbm>> -> memref<1024xf32, #tpu.memory_space<hbm>>
        %dma_start3A_318 = tpu.memref_slice %arg3[%mul3A_316] : memref<2621440xf32, #tpu.memory_space<hbm>> -> memref<1024xf32, #tpu.memory_space<hbm>>
        tpu.enqueue_dma source(%dma_start3A_318 : memref<1024xf32, #tpu.memory_space<hbm>>) target(%arg15 : memref<1024xf32, #tpu.memory_space<vmem>>) target_semaphore(%arg20 : memref<!tpu.dma_semaphore, #tpu.memory_space<semaphore_mem>>)
      } else {
      }
      %mul3A_278 = arith.constant 64 : i32
      %mul3A_279 = arith.muli %add3A_245, %mul3A_278 : i32
      %dma_wait3A_280 = tpu.memref_slice %arg17[%mul3A_279] : memref<5120xi32, #tpu.memory_space<vmem>> -> memref<64xi32, #tpu.memory_space<vmem>>
      %dma_wait3A_281 = arith.constant 0 : i32
      %dma_wait3A_282 = arith.constant 0 : i32
      %dma_wait3A_283 = tpu.memref_slice %arg2[%dma_wait3A_281, %dma_wait3A_282] : memref<10000x128xf32, #tpu.memory_space<hbm>> -> memref<10000x128xf32, #tpu.memory_space<hbm>>
      tpu.wait_indirect_dma semaphore(%arg21 : memref<!tpu.dma_semaphore, #tpu.memory_space<semaphore_mem>>) src(%dma_wait3A_283 : memref<10000x128xf32, #tpu.memory_space<hbm>>) dst(%arg12 : memref<64x128xf32, #tpu.memory_space<vmem>>)
      %add3A_284 = arith.addi %multiple_of3A, %add3A_245 : i32
      %mul3A_285 = arith.constant 1024 : i32
      %mul3A_286 = arith.muli %add3A_284, %mul3A_285 : i32
      %dma_wait3A_287 = tpu.memref_slice %arg3[%mul3A_286] : memref<2621440xf32, #tpu.memory_space<hbm>> -> memref<1024xf32, #tpu.memory_space<hbm>>
      %dma_wait3A_288 = tpu.memref_slice %arg3[%mul3A_286] : memref<2621440xf32, #tpu.memory_space<hbm>> -> memref<1024xf32, #tpu.memory_space<hbm>>
      tpu.wait_dma2 semaphore(%arg21 : memref<!tpu.dma_semaphore, #tpu.memory_space<semaphore_mem>>) src(%dma_wait3A_288 : memref<1024xf32, #tpu.memory_space<hbm>>) dst(%arg16 : memref<1024xf32, #tpu.memory_space<vmem>>)
      %scan3A_289 = arith.constant 0 : i32
      %scan3A_290 = arith.constant 0 : i32
      %scan3A_291 = arith.constant 64 : i32
      %scan3A_292 = arith.addi %scan3A_290, %scan3A_291 : i32
      %scan3A_293 = arith.constant 1 : i32
      scf.for %scan3A_306 = %scan3A_290 to %scan3A_292 step %scan3A_293  : i32 {
        %mul3A_307 = arith.constant 16 : i32
        %mul3A_308 = arith.muli %scan3A_306, %mul3A_307 : i32
        %get3A_309 = arith.index_cast %mul3A_308 : i32 to index
        %get3A_310 = tpu.vector_load %arg16[%get3A_309] {strides = array<i32>} : memref<1024xf32, #tpu.memory_space<vmem>>, vector<16xf32>,
        %get3A_311 = vector.shape_cast %get3A_310 : vector<16xf32> to vector<16xf32>
        %sub3A = arith.subf %get3A_311, %max3A_182 : vector<16xf32>
        %exp3A = math.exp %sub3A : vector<16xf32>
        %broadcast_in_dim3A_312 = arith.constant 0 : i32
        %broadcast_in_dim3A_313 = vector.broadcast %broadcast_in_dim3A_312 : i32 to vector<16xi32>
        %lt3A_314 = arith.constant 0 : i32
        %lt3A_315 = vector.broadcast %lt3A_314 : i32 to vector<16xi32>
        %lt3A_316 = arith.cmpi slt, %broadcast_in_dim3A_313, %lt3A_315 : vector<16xi32>
        %add3A_317 = arith.constant 16 : i32
        %add3A_318 = vector.broadcast %add3A_317 : i32 to vector<16xi32>
        %add3A_319 = arith.addi %broadcast_in_dim3A_313, %add3A_318 : vector<16xi32>
        %select_n3A_320 = arith.select %lt3A_316, %add3A_319, %broadcast_in_dim3A_313 : vector<16xi1>, vector<16xi32>
        %broadcast_in_dim3A_321 = vector.shape_cast %select_n3A_320 : vector<16xi32> to vector<16x1xi32>
        %gather3A_322 = vector.shape_cast %broadcast_in_dim3A_321 : vector<16x1xi32> to vector<16xi32>
        %gather3A_323 = tpu.dynamic_gather %exp3A[%gather3A_322] in [0] : vector<16xf32>, vector<16xi32> -> vector<16xf32>
        %get3A_324 = arith.index_cast %scan3A_306 : i32 to index
        %get3A_325 = arith.constant 0 : index
        %get3A_326 = tpu.vector_load %arg12[%get3A_324, %get3A_325] {strides = array<i32>} : memref<64x128xf32, #tpu.memory_space<vmem>>, vector<1x16xf32>,
        %get3A_327 = vector.shape_cast %get3A_326 : vector<1x16xf32> to vector<16xf32>
        %mul3A_328 = arith.mulf %get3A_327, %gather3A_323 : vector<16xf32>
        %get3A_329 = arith.index_cast %scan3A_306 : i32 to index
        %get3A_330 = arith.constant 16 : index
        %get3A_331 = tpu.vector_load %arg12[%get3A_329, %get3A_330] {strides = array<i32>} : memref<64x128xf32, #tpu.memory_space<vmem>>, vector<1x16xf32>,
        %get3A_332 = vector.shape_cast %get3A_331 : vector<1x16xf32> to vector<16xf32>
        %mul3A_333 = arith.mulf %get3A_332, %gather3A_323 : vector<16xf32>
        %swap3A = arith.index_cast %scan3A_306 : i32 to index
        %swap3A_334 = arith.constant 0 : index
        %swap3A_335 = tpu.vector_load %arg14[%swap3A, %swap3A_334] {strides = array<i32>} : memref<64x128xf32, #tpu.memory_space<vmem>>, vector<1x16xf32>,
        %swap3A_336 = vector.shape_cast %swap3A_335 : vector<1x16xf32> to vector<16xf32>
        %swap3A_337 = vector.shape_cast %mul3A_328 : vector<16xf32> to vector<1x16xf32>
        tpu.vector_store %arg14[%swap3A, %swap3A_334], %swap3A_337 {strides = array<i32>} : memref<64x128xf32, #tpu.memory_space<vmem>>, vector<1x16xf32>,
        %swap3A_338 = arith.index_cast %scan3A_306 : i32 to index
        %swap3A_339 = arith.constant 16 : index
        %swap3A_340 = tpu.vector_load %arg14[%swap3A_338, %swap3A_339] {strides = array<i32>} : memref<64x128xf32, #tpu.memory_space<vmem>>, vector<1x16xf32>,
        %swap3A_341 = vector.shape_cast %swap3A_340 : vector<1x16xf32> to vector<16xf32>
        %swap3A_342 = vector.shape_cast %mul3A_333 : vector<16xf32> to vector<1x16xf32>
        tpu.vector_store %arg14[%swap3A_338, %swap3A_339], %swap3A_342 {strides = array<i32>} : memref<64x128xf32, #tpu.memory_space<vmem>>, vector<1x16xf32>,
        %broadcast_in_dim3A_343 = arith.constant 1 : i32
        %broadcast_in_dim3A_344 = vector.broadcast %broadcast_in_dim3A_343 : i32 to vector<16xi32>
        %lt3A_345 = arith.constant 0 : i32
        %lt3A_346 = vector.broadcast %lt3A_345 : i32 to vector<16xi32>
        %lt3A_347 = arith.cmpi slt, %broadcast_in_dim3A_344, %lt3A_346 : vector<16xi32>
        %add3A_348 = arith.constant 16 : i32
        %add3A_349 = vector.broadcast %add3A_348 : i32 to vector<16xi32>
        %add3A_350 = arith.addi %broadcast_in_dim3A_344, %add3A_349 : vector<16xi32>
        %select_n3A_351 = arith.select %lt3A_347, %add3A_350, %broadcast_in_dim3A_344 : vector<16xi1>, vector<16xi32>
        %broadcast_in_dim3A_352 = vector.shape_cast %select_n3A_351 : vector<16xi32> to vector<16x1xi32>
        %gather3A_353 = vector.shape_cast %broadcast_in_dim3A_352 : vector<16x1xi32> to vector<16xi32>
        %gather3A_354 = tpu.dynamic_gather %exp3A[%gather3A_353] in [0] : vector<16xf32>, vector<16xi32> -> vector<16xf32>
        %get3A_355 = arith.index_cast %scan3A_306 : i32 to index
        %get3A_356 = arith.constant 32 : index
        %get3A_357 = tpu.vector_load %arg12[%get3A_355, %get3A_356] {strides = array<i32>} : memref<64x128xf32, #tpu.memory_space<vmem>>, vector<1x16xf32>,
        %get3A_358 = vector.shape_cast %get3A_357 : vector<1x16xf32> to vector<16xf32>
        %mul3A_359 = arith.mulf %get3A_358, %gather3A_354 : vector<16xf32>
        %get3A_360 = arith.index_cast %scan3A_306 : i32 to index
        %get3A_361 = arith.constant 48 : index
        %get3A_362 = tpu.vector_load %arg12[%get3A_360, %get3A_361] {strides = array<i32>} : memref<64x128xf32, #tpu.memory_space<vmem>>, vector<1x16xf32>,
        %get3A_363 = vector.shape_cast %get3A_362 : vector<1x16xf32> to vector<16xf32>
        %mul3A_364 = arith.mulf %get3A_363, %gather3A_354 : vector<16xf32>
        %swap3A_365 = arith.index_cast %scan3A_306 : i32 to index
        %swap3A_366 = arith.constant 32 : index
        %swap3A_367 = tpu.vector_load %arg14[%swap3A_365, %swap3A_366] {strides = array<i32>} : memref<64x128xf32, #tpu.memory_space<vmem>>, vector<1x16xf32>,
        %swap3A_368 = vector.shape_cast %swap3A_367 : vector<1x16xf32> to vector<16xf32>
        %swap3A_369 = vector.shape_cast %mul3A_359 : vector<16xf32> to vector<1x16xf32>
        tpu.vector_store %arg14[%swap3A_365, %swap3A_366], %swap3A_369 {strides = array<i32>} : memref<64x128xf32, #tpu.memory_space<vmem>>, vector<1x16xf32>,
        %swap3A_370 = arith.index_cast %scan3A_306 : i32 to index
        %swap3A_371 = arith.constant 48 : index
        %swap3A_372 = tpu.vector_load %arg14[%swap3A_370, %swap3A_371] {strides = array<i32>} : memref<64x128xf32, #tpu.memory_space<vmem>>, vector<1x16xf32>,
        %swap3A_373 = vector.shape_cast %swap3A_372 : vector<1x16xf32> to vector<16xf32>
        %swap3A_374 = vector.shape_cast %mul3A_364 : vector<16xf32> to vector<1x16xf32>
        tpu.vector_store %arg14[%swap3A_370, %swap3A_371], %swap3A_374 {strides = array<i32>} : memref<64x128xf32, #tpu.memory_space<vmem>>, vector<1x16xf32>,
        %broadcast_in_dim3A_375 = arith.constant 2 : i32
        %broadcast_in_dim3A_376 = vector.broadcast %broadcast_in_dim3A_375 : i32 to vector<16xi32>
        %lt3A_377 = arith.constant 0 : i32
        %lt3A_378 = vector.broadcast %lt3A_377 : i32 to vector<16xi32>
        %lt3A_379 = arith.cmpi slt, %broadcast_in_dim3A_376, %lt3A_378 : vector<16xi32>
        %add3A_380 = arith.constant 16 : i32
        %add3A_381 = vector.broadcast %add3A_380 : i32 to vector<16xi32>
        %add3A_382 = arith.addi %broadcast_in_dim3A_376, %add3A_381 : vector<16xi32>
        %select_n3A_383 = arith.select %lt3A_379, %add3A_382, %broadcast_in_dim3A_376 : vector<16xi1>, vector<16xi32>
        %broadcast_in_dim3A_384 = vector.shape_cast %select_n3A_383 : vector<16xi32> to vector<16x1xi32>
        %gather3A_385 = vector.shape_cast %broadcast_in_dim3A_384 : vector<16x1xi32> to vector<16xi32>
        %gather3A_386 = tpu.dynamic_gather %exp3A[%gather3A_385] in [0] : vector<16xf32>, vector<16xi32> -> vector<16xf32>
        %get3A_387 = arith.index_cast %scan3A_306 : i32 to index
        %get3A_388 = arith.constant 64 : index
        %get3A_389 = tpu.vector_load %arg12[%get3A_387, %get3A_388] {strides = array<i32>} : memref<64x128xf32, #tpu.memory_space<vmem>>, vector<1x16xf32>,
        %get3A_390 = vector.shape_cast %get3A_389 : vector<1x16xf32> to vector<16xf32>
        %mul3A_391 = arith.mulf %get3A_390, %gather3A_386 : vector<16xf32>
        %get3A_392 = arith.index_cast %scan3A_306 : i32 to index
        %get3A_393 = arith.constant 80 : index
        %get3A_394 = tpu.vector_load %arg12[%get3A_392, %get3A_393] {strides = array<i32>} : memref<64x128xf32, #tpu.memory_space<vmem>>, vector<1x16xf32>,
        %get3A_395 = vector.shape_cast %get3A_394 : vector<1x16xf32> to vector<16xf32>
        %mul3A_396 = arith.mulf %get3A_395, %gather3A_386 : vector<16xf32>
        %swap3A_397 = arith.index_cast %scan3A_306 : i32 to index
        %swap3A_398 = arith.constant 64 : index
        %swap3A_399 = tpu.vector_load %arg14[%swap3A_397, %swap3A_398] {strides = array<i32>} : memref<64x128xf32, #tpu.memory_space<vmem>>, vector<1x16xf32>,
        %swap3A_400 = vector.shape_cast %swap3A_399 : vector<1x16xf32> to vector<16xf32>
        %swap3A_401 = vector.shape_cast %mul3A_391 : vector<16xf32> to vector<1x16xf32>
        tpu.vector_store %arg14[%swap3A_397, %swap3A_398], %swap3A_401 {strides = array<i32>} : memref<64x128xf32, #tpu.memory_space<vmem>>, vector<1x16xf32>,
        %swap3A_402 = arith.index_cast %scan3A_306 : i32 to index
        %swap3A_403 = arith.constant 80 : index
        %swap3A_404 = tpu.vector_load %arg14[%swap3A_402, %swap3A_403] {strides = array<i32>} : memref<64x128xf32, #tpu.memory_space<vmem>>, vector<1x16xf32>,
        %swap3A_405 = vector.shape_cast %swap3A_404 : vector<1x16xf32> to vector<16xf32>
        %swap3A_406 = vector.shape_cast %mul3A_396 : vector<16xf32> to vector<1x16xf32>
        tpu.vector_store %arg14[%swap3A_402, %swap3A_403], %swap3A_406 {strides = array<i32>} : memref<64x128xf32, #tpu.memory_space<vmem>>, vector<1x16xf32>,
        %broadcast_in_dim3A_407 = arith.constant 3 : i32
        %broadcast_in_dim3A_408 = vector.broadcast %broadcast_in_dim3A_407 : i32 to vector<16xi32>
        %lt3A_409 = arith.constant 0 : i32
        %lt3A_410 = vector.broadcast %lt3A_409 : i32 to vector<16xi32>
        %lt3A_411 = arith.cmpi slt, %broadcast_in_dim3A_408, %lt3A_410 : vector<16xi32>
        %add3A_412 = arith.constant 16 : i32
        %add3A_413 = vector.broadcast %add3A_412 : i32 to vector<16xi32>
        %add3A_414 = arith.addi %broadcast_in_dim3A_408, %add3A_413 : vector<16xi32>
        %select_n3A_415 = arith.select %lt3A_411, %add3A_414, %broadcast_in_dim3A_408 : vector<16xi1>, vector<16xi32>
        %broadcast_in_dim3A_416 = vector.shape_cast %select_n3A_415 : vector<16xi32> to vector<16x1xi32>
        %gather3A_417 = vector.shape_cast %broadcast_in_dim3A_416 : vector<16x1xi32> to vector<16xi32>
        %gather3A_418 = tpu.dynamic_gather %exp3A[%gather3A_417] in [0] : vector<16xf32>, vector<16xi32> -> vector<16xf32>
        %get3A_419 = arith.index_cast %scan3A_306 : i32 to index
        %get3A_420 = arith.constant 96 : index
        %get3A_421 = tpu.vector_load %arg12[%get3A_419, %get3A_420] {strides = array<i32>} : memref<64x128xf32, #tpu.memory_space<vmem>>, vector<1x16xf32>,
        %get3A_422 = vector.shape_cast %get3A_421 : vector<1x16xf32> to vector<16xf32>
        %mul3A_423 = arith.mulf %get3A_422, %gather3A_418 : vector<16xf32>
        %get3A_424 = arith.index_cast %scan3A_306 : i32 to index
        %get3A_425 = arith.constant 112 : index
        %get3A_426 = tpu.vector_load %arg12[%get3A_424, %get3A_425] {strides = array<i32>} : memref<64x128xf32, #tpu.memory_space<vmem>>, vector<1x16xf32>,
        %get3A_427 = vector.shape_cast %get3A_426 : vector<1x16xf32> to vector<16xf32>
        %mul3A_428 = arith.mulf %get3A_427, %gather3A_418 : vector<16xf32>
        %swap3A_429 = arith.index_cast %scan3A_306 : i32 to index
        %swap3A_430 = arith.constant 96 : index
        %swap3A_431 = tpu.vector_load %arg14[%swap3A_429, %swap3A_430] {strides = array<i32>} : memref<64x128xf32, #tpu.memory_space<vmem>>, vector<1x16xf32>,
        %swap3A_432 = vector.shape_cast %swap3A_431 : vector<1x16xf32> to vector<16xf32>
        %swap3A_433 = vector.shape_cast %mul3A_423 : vector<16xf32> to vector<1x16xf32>
        tpu.vector_store %arg14[%swap3A_429, %swap3A_430], %swap3A_433 {strides = array<i32>} : memref<64x128xf32, #tpu.memory_space<vmem>>, vector<1x16xf32>,
        %swap3A_434 = arith.index_cast %scan3A_306 : i32 to index
        %swap3A_435 = arith.constant 112 : index
        %swap3A_436 = tpu.vector_load %arg14[%swap3A_434, %swap3A_435] {strides = array<i32>} : memref<64x128xf32, #tpu.memory_space<vmem>>, vector<1x16xf32>,
        %swap3A_437 = vector.shape_cast %swap3A_436 : vector<1x16xf32> to vector<16xf32>
        %swap3A_438 = vector.shape_cast %mul3A_428 : vector<16xf32> to vector<1x16xf32>
        tpu.vector_store %arg14[%swap3A_434, %swap3A_435], %swap3A_438 {strides = array<i32>} : memref<64x128xf32, #tpu.memory_space<vmem>>, vector<1x16xf32>,
      }
      %scan3A_294 = arith.constant 64 : i32
      %dma_start3A_295 = arith.constant 0 : i32
      %dma_start3A_296 = tpu.memref_slice %arg18[%add3A_245, %dma_start3A_295] : memref<80x64xi32, #tpu.memory_space<vmem>> -> memref<1x64xi32, #tpu.memory_space<vmem>>
      %dma_start3A_297 = tpu.memref_squeeze %dma_start3A_296 : memref<1x64xi32, #tpu.memory_space<vmem>> -> memref<64xi32, #tpu.memory_space<vmem>>
      %dma_start3A_298 = arith.constant 0 : i32
      %dma_start3A_299 = arith.constant 0 : i32
      %dma_start3A_300 = tpu.memref_slice %arg10[%dma_start3A_298, %dma_start3A_299] : memref<10016x128xf32, #tpu.memory_space<vmem_shared>> -> memref<10016x128xf32, #tpu.memory_space<vmem_shared>>
      tpu.enqueue_indirect_dma source(%arg14 : memref<64x128xf32, #tpu.memory_space<vmem>>) target(%dma_start3A_300 : memref<10016x128xf32, #tpu.memory_space<vmem_shared>>) offsets(%dma_start3A_297 : memref<64xi32, #tpu.memory_space<vmem>>) semaphore(%arg23 : memref<!tpu.dma_semaphore, #tpu.memory_space<semaphore_mem>>) {add = true}
      %lt3A_301 = arith.constant 39 : i32
      %lt3A_302 = arith.cmpi slt, %scan3A_241, %lt3A_301 : i32
      %convert_element_type3A_303 = arith.extui %lt3A_302 : i1 to i32
      %cond3A_304 = arith.constant 0 : i32
      %cond3A_305 = arith.cmpi ne, %convert_element_type3A_303, %cond3A_304 : i32
      scf.if %cond3A_305 {
        %add3A_306 = arith.constant 2 : i32
        %add3A_307 = arith.addi %add3A_245, %add3A_306 : i32
        %mul3A_308 = arith.constant 64 : i32
        %mul3A_309 = arith.muli %add3A_307, %mul3A_308 : i32
        %dma_start3A_310 = tpu.memref_slice %arg17[%mul3A_309] : memref<5120xi32, #tpu.memory_space<vmem>> -> memref<64xi32, #tpu.memory_space<vmem>>
        %dma_start3A_311 = arith.constant 0 : i32
        %dma_start3A_312 = arith.constant 0 : i32
        %dma_start3A_313 = tpu.memref_slice %arg2[%dma_start3A_311, %dma_start3A_312] : memref<10000x128xf32, #tpu.memory_space<hbm>> -> memref<10000x128xf32, #tpu.memory_space<hbm>>
        tpu.enqueue_indirect_dma source(%dma_start3A_313 : memref<10000x128xf32, #tpu.memory_space<hbm>>) target(%arg12 : memref<64x128xf32, #tpu.memory_space<vmem>>) offsets(%dma_start3A_310 : memref<64xi32, #tpu.memory_space<vmem>>) semaphore(%arg21 : memref<!tpu.dma_semaphore, #tpu.memory_space<semaphore_mem>>)
        %add3A_314 = arith.addi %multiple_of3A, %add3A_307 : i32
        %mul3A_315 = arith.constant 1024 : i32
        %mul3A_316 = arith.muli %add3A_314, %mul3A_315 : i32
        %dma_start3A_317 = tpu.memref_slice %arg3[%mul3A_316] : memref<2621440xf32, #tpu.memory_space<hbm>> -> memref<1024xf32, #tpu.memory_space<hbm>>
        %dma_start3A_318 = tpu.memref_slice %arg3[%mul3A_316] : memref<2621440xf32, #tpu.memory_space<hbm>> -> memref<1024xf32, #tpu.memory_space<hbm>>
        tpu.enqueue_dma source(%dma_start3A_318 : memref<1024xf32, #tpu.memory_space<hbm>>) target(%arg16 : memref<1024xf32, #tpu.memory_space<vmem>>) target_semaphore(%arg21 : memref<!tpu.dma_semaphore, #tpu.memory_space<semaphore_mem>>)
      } else {
      }
    }
    %scan3A_208 = arith.constant 40 : i32
    %dma_wait3A = arith.constant 0 : i32
    %dma_wait3A_209 = arith.constant 0 : i32
    %dma_wait3A_210 = tpu.memref_slice %arg18[%dma_wait3A, %dma_wait3A_209] : memref<80x64xi32, #tpu.memory_space<vmem>> -> memref<1x64xi32, #tpu.memory_space<vmem>>
    %dma_wait3A_211 = tpu.memref_squeeze %dma_wait3A_210 : memref<1x64xi32, #tpu.memory_space<vmem>> -> memref<64xi32, #tpu.memory_space<vmem>>
    %dma_wait3A_212 = arith.constant 0 : i32
    %dma_wait3A_213 = arith.constant 0 : i32
    %dma_wait3A_214 = tpu.memref_slice %arg10[%dma_wait3A_212, %dma_wait3A_213] : memref<10016x128xf32, #tpu.memory_space<vmem_shared>> -> memref<10016x128xf32, #tpu.memory_space<vmem_shared>>
    tpu.wait_indirect_dma semaphore(%arg22 : memref<!tpu.dma_semaphore, #tpu.memory_space<semaphore_mem>>) src(%arg13 : memref<64x128xf32, #tpu.memory_space<vmem>>) dst(%dma_wait3A_214 : memref<10016x128xf32, #tpu.memory_space<vmem_shared>>)
    %dma_wait3A_215 = arith.constant 1 : i32
    %dma_wait3A_216 = arith.constant 0 : i32
    %dma_wait3A_217 = tpu.memref_slice %arg18[%dma_wait3A_215, %dma_wait3A_216] : memref<80x64xi32, #tpu.memory_space<vmem>> -> memref<1x64xi32, #tpu.memory_space<vmem>>
    %dma_wait3A_218 = tpu.memref_squeeze %dma_wait3A_217 : memref<1x64xi32, #tpu.memory_space<vmem>> -> memref<64xi32, #tpu.memory_space<vmem>>
    %dma_wait3A_219 = arith.constant 0 : i32
    %dma_wait3A_220 = arith.constant 0 : i32
    %dma_wait3A_221 = tpu.memref_slice %arg10[%dma_wait3A_219, %dma_wait3A_220] : memref<10016x128xf32, #tpu.memory_space<vmem_shared>> -> memref<10016x128xf32, #tpu.memory_space<vmem_shared>>
    tpu.wait_indirect_dma semaphore(%arg23 : memref<!tpu.dma_semaphore, #tpu.memory_space<semaphore_mem>>) src(%arg14 : memref<64x128xf32, #tpu.memory_space<vmem>>) dst(%dma_wait3A_221 : memref<10016x128xf32, #tpu.memory_space<vmem_shared>>)
    %barrier3A_222 = arith.constant 0 : index
    tpu.barrier barrier_id(%barrier3A_222)
    %mul3A_223 = arith.constant 1000 : i32
    %mul3A_224 = arith.muli %arg1, %mul3A_223 : i32
    %multiple_of3A_225 = tpu.assume_multiple %mul3A_224, 8 : i32
    %eq3A_226 = arith.constant 0 : i32
    %eq3A_227 = arith.cmpi eq, %arg0, %eq3A_226 : i32
    %lt3A_228 = arith.constant 10 : i32
    %lt3A_229 = arith.cmpi slt, %arg1, %lt3A_228 : i32
    %and3A = arith.andi %eq3A_227, %lt3A_229 : i1
    %convert_element_type3A_230 = arith.extui %and3A : i1 to i32
    %cond3A_231 = arith.constant 0 : i32
    %cond3A_232 = arith.cmpi ne, %convert_element_type3A_230, %cond3A_231 : i32
    scf.if %cond3A_232 {
      "tpu.region"() ({
        %run_scoped3A = tpu.sem_alloc : memref<!tpu.dma_semaphore, #tpu.memory_space<semaphore_mem>>
        %dma_start3A_241 = arith.constant 0 : i32
        %dma_start3A_242 = tpu.memref_slice %arg8[%multiple_of3A_225, %dma_start3A_241] : memref<10000x128xf32, #tpu.memory_space<hbm>> -> memref<1000x128xf32, #tpu.memory_space<hbm>>
        %dma_start3A_243 = arith.constant 0 : i32
        %dma_start3A_244 = tpu.memref_slice %arg10[%multiple_of3A_225, %dma_start3A_243] : memref<10016x128xf32, #tpu.memory_space<vmem_shared>> -> memref<1000x128xf32, #tpu.memory_space<vmem_shared>>
        tpu.enqueue_dma source(%dma_start3A_244 : memref<1000x128xf32, #tpu.memory_space<vmem_shared>>) target(%dma_start3A_242 : memref<1000x128xf32, #tpu.memory_space<hbm>>) target_semaphore(%run_scoped3A : memref<!tpu.dma_semaphore, #tpu.memory_space<semaphore_mem>>)
        %dma_wait3A_245 = arith.constant 0 : i32
        %dma_wait3A_246 = tpu.memref_slice %arg8[%multiple_of3A_225, %dma_wait3A_245] : memref<10000x128xf32, #tpu.memory_space<hbm>> -> memref<1000x128xf32, #tpu.memory_space<hbm>>
        %dma_wait3A_247 = arith.constant 0 : i32
        %dma_wait3A_248 = tpu.memref_slice %arg10[%multiple_of3A_225, %dma_wait3A_247] : memref<10016x128xf32, #tpu.memory_space<vmem_shared>> -> memref<1000x128xf32, #tpu.memory_space<vmem_shared>>
        tpu.wait_dma2 semaphore(%run_scoped3A : memref<!tpu.dma_semaphore, #tpu.memory_space<semaphore_mem>>) src(%dma_wait3A_248 : memref<1000x128xf32, #tpu.memory_space<vmem_shared>>) dst(%dma_wait3A_246 : memref<1000x128xf32, #tpu.memory_space<hbm>>)
        tpu.yield
      }) : () -> ()
    } else {
    }
    %eq3A_233 = arith.constant 1 : i32
    %eq3A_234 = arith.cmpi eq, %arg0, %eq3A_233 : i32
    %lt3A_235 = arith.constant 10 : i32
    %lt3A_236 = arith.cmpi slt, %arg1, %lt3A_235 : i32
    %and3A_237 = arith.andi %eq3A_234, %lt3A_236 : i1
    %convert_element_type3A_238 = arith.extui %and3A_237 : i1 to i32
    %cond3A_239 = arith.constant 0 : i32
    %cond3A_240 = arith.cmpi ne, %convert_element_type3A_238, %cond3A_239 : i32
    scf.if %cond3A_240 {
      "tpu.region"() ({
        %run_scoped3A = tpu.sem_alloc : memref<!tpu.dma_semaphore, #tpu.memory_space<semaphore_mem>>
        %dma_start3A_241 = arith.constant 0 : i32
        %dma_start3A_242 = tpu.memref_slice %arg9[%multiple_of3A_225, %dma_start3A_241] : memref<10000x128xf32, #tpu.memory_space<hbm>> -> memref<1000x128xf32, #tpu.memory_space<hbm>>
        %dma_start3A_243 = arith.constant 0 : i32
        %dma_start3A_244 = tpu.memref_slice %arg10[%multiple_of3A_225, %dma_start3A_243] : memref<10016x128xf32, #tpu.memory_space<vmem_shared>> -> memref<1000x128xf32, #tpu.memory_space<vmem_shared>>
        tpu.enqueue_dma source(%dma_start3A_244 : memref<1000x128xf32, #tpu.memory_space<vmem_shared>>) target(%dma_start3A_242 : memref<1000x128xf32, #tpu.memory_space<hbm>>) target_semaphore(%run_scoped3A : memref<!tpu.dma_semaphore, #tpu.memory_space<semaphore_mem>>)
        %dma_wait3A_245 = arith.constant 0 : i32
        %dma_wait3A_246 = tpu.memref_slice %arg9[%multiple_of3A_225, %dma_wait3A_245] : memref<10000x128xf32, #tpu.memory_space<hbm>> -> memref<1000x128xf32, #tpu.memory_space<hbm>>
        %dma_wait3A_247 = arith.constant 0 : i32
        %dma_wait3A_248 = tpu.memref_slice %arg10[%multiple_of3A_225, %dma_wait3A_247] : memref<10016x128xf32, #tpu.memory_space<vmem_shared>> -> memref<1000x128xf32, #tpu.memory_space<vmem_shared>>
        tpu.wait_dma2 semaphore(%run_scoped3A : memref<!tpu.dma_semaphore, #tpu.memory_space<semaphore_mem>>) src(%dma_wait3A_248 : memref<1000x128xf32, #tpu.memory_space<vmem_shared>>) dst(%dma_wait3A_246 : memref<1000x128xf32, #tpu.memory_space<hbm>>)
        tpu.yield
      }) : () -> ()
    } else {
    }
    return
  }
}

#map = affine_map<(d0, d1) -> (0)>
#map1 = affine_map<(d0, d1) -> (0, 0)>
module attributes {stable_mosaic.version = 14 : i64} {
  func.func @_denom_body(%arg0: i32, %arg1: i32, %arg2: memref<2621440xf32, #tpu.memory_space<hbm>>, %arg3: memref<2560x64xi32, #tpu.memory_space<hbm>>, %arg4: memref<512xf32, #tpu.memory_space<hbm>>, %arg5: memref<10016x128xf32, #tpu.memory_space<hbm>>, %arg6: memref<10000x128xf32, #tpu.memory_space<hbm>>, %arg7: memref<10000x128xf32, #tpu.memory_space<hbm>>, %arg8: memref<10016x128xf32, #tpu.memory_space<vmem_shared>>, %arg9: memref<1024xf32, #tpu.memory_space<vmem>>, %arg10: memref<1024xf32, #tpu.memory_space<vmem>>, %arg11: memref<64x128xf32, #tpu.memory_space<vmem>>, %arg12: memref<64x128xf32, #tpu.memory_space<vmem>>, %arg13: memref<80x64xi32, #tpu.memory_space<vmem>>, %arg14: memref<512xf32, #tpu.memory_space<vmem>>, %arg15: memref<!tpu.dma_semaphore, #tpu.memory_space<semaphore_mem>>, %arg16: memref<!tpu.dma_semaphore, #tpu.memory_space<semaphore_mem>>, %arg17: memref<!tpu.dma_semaphore, #tpu.memory_space<semaphore_mem>>, %arg18: memref<!tpu.dma_semaphore, #tpu.memory_space<semaphore_mem>>) attributes {dimension_semantics = [#tpu.dimension_semantics<core_parallel>, #tpu.dimension_semantics<subcore_parallel>], iteration_bounds = array<i64: 2, 16>, scalar_prefetch = 0 : i64, scratch_operands = 11 : i64, tpu.core_type = #tpu.core_type<sc_vector_subcore>, window_params = [{transform_indices = #map}, {transform_indices = #map1}, {transform_indices = #map}, {transform_indices = #map1}, {transform_indices = #map1}, {transform_indices = #map1}]} {
    %mul3A = arith.constant 16 : i32
    %mul3A_0 = arith.muli %arg0, %mul3A : i32
    %add3A = arith.addi %mul3A_0, %arg1 : i32
    %mul3A_1 = arith.constant 80 : i32
    %mul3A_2 = arith.muli %add3A, %mul3A_1 : i32
    %multiple_of3A = tpu.assume_multiple %mul3A_2, 8 : i32
    %iota3A = tpu.iota {dimensions = array<i32: 0>} : vector<16xi32>
    %eq3A = arith.constant 0 : i32
    %eq3A_3 = arith.cmpi eq, %arg1, %eq3A : i32
    %convert_element_type3A = arith.extui %eq3A_3 : i1 to i32
    %cond3A = arith.constant 0 : i32
    %cond3A_4 = arith.cmpi ne, %convert_element_type3A, %cond3A : i32
    scf.if %cond3A_4 {
      "tpu.region"() ({
        %run_scoped3A = tpu.sem_alloc : memref<!tpu.dma_semaphore, #tpu.memory_space<semaphore_mem>>
        tpu.enqueue_dma source(%arg5 : memref<10016x128xf32, #tpu.memory_space<hbm>>) target(%arg8 : memref<10016x128xf32, #tpu.memory_space<vmem_shared>>) target_semaphore(%run_scoped3A : memref<!tpu.dma_semaphore, #tpu.memory_space<semaphore_mem>>)
        tpu.wait_dma2 semaphore(%run_scoped3A : memref<!tpu.dma_semaphore, #tpu.memory_space<semaphore_mem>>) src(%arg5 : memref<10016x128xf32, #tpu.memory_space<hbm>>) dst(%arg8 : memref<10016x128xf32, #tpu.memory_space<vmem_shared>>)
        tpu.yield
      }) : () -> ()
    } else {
    }
    "tpu.region"() ({
      %run_scoped3A = tpu.sem_alloc : memref<!tpu.dma_semaphore, #tpu.memory_space<semaphore_mem>>
      %dma_start3A_230 = arith.constant 0 : i32
      %dma_start3A_231 = arith.constant 0 : i32
      %dma_start3A_232 = tpu.memref_slice %arg5[%dma_start3A_230, %dma_start3A_231] : memref<10016x128xf32, #tpu.memory_space<hbm>> -> memref<64x128xf32, #tpu.memory_space<hbm>>
      %dma_start3A_233 = arith.constant 0 : i32
      %dma_start3A_234 = arith.constant 0 : i32
      %dma_start3A_235 = tpu.memref_slice %arg5[%dma_start3A_233, %dma_start3A_234] : memref<10016x128xf32, #tpu.memory_space<hbm>> -> memref<64x128xf32, #tpu.memory_space<hbm>>
      tpu.enqueue_dma source(%dma_start3A_235 : memref<64x128xf32, #tpu.memory_space<hbm>>) target(%arg11 : memref<64x128xf32, #tpu.memory_space<vmem>>) target_semaphore(%run_scoped3A : memref<!tpu.dma_semaphore, #tpu.memory_space<semaphore_mem>>)
      %dma_wait3A_236 = arith.constant 0 : i32
      %dma_wait3A_237 = arith.constant 0 : i32
      %dma_wait3A_238 = tpu.memref_slice %arg5[%dma_wait3A_236, %dma_wait3A_237] : memref<10016x128xf32, #tpu.memory_space<hbm>> -> memref<64x128xf32, #tpu.memory_space<hbm>>
      %dma_wait3A_239 = arith.constant 0 : i32
      %dma_wait3A_240 = arith.constant 0 : i32
      %dma_wait3A_241 = tpu.memref_slice %arg5[%dma_wait3A_239, %dma_wait3A_240] : memref<10016x128xf32, #tpu.memory_space<hbm>> -> memref<64x128xf32, #tpu.memory_space<hbm>>
      tpu.wait_dma2 semaphore(%run_scoped3A : memref<!tpu.dma_semaphore, #tpu.memory_space<semaphore_mem>>) src(%dma_wait3A_241 : memref<64x128xf32, #tpu.memory_space<hbm>>) dst(%arg11 : memref<64x128xf32, #tpu.memory_space<vmem>>)
      tpu.yield
    }) : () -> ()
    "tpu.region"() ({
      %run_scoped3A = tpu.sem_alloc : memref<!tpu.dma_semaphore, #tpu.memory_space<semaphore_mem>>
      %dma_start3A_230 = arith.constant 0 : i32
      %dma_start3A_231 = arith.constant 0 : i32
      %dma_start3A_232 = tpu.memref_slice %arg5[%dma_start3A_230, %dma_start3A_231] : memref<10016x128xf32, #tpu.memory_space<hbm>> -> memref<64x128xf32, #tpu.memory_space<hbm>>
      %dma_start3A_233 = arith.constant 0 : i32
      %dma_start3A_234 = arith.constant 0 : i32
      %dma_start3A_235 = tpu.memref_slice %arg5[%dma_start3A_233, %dma_start3A_234] : memref<10016x128xf32, #tpu.memory_space<hbm>> -> memref<64x128xf32, #tpu.memory_space<hbm>>
      tpu.enqueue_dma source(%dma_start3A_235 : memref<64x128xf32, #tpu.memory_space<hbm>>) target(%arg12 : memref<64x128xf32, #tpu.memory_space<vmem>>) target_semaphore(%run_scoped3A : memref<!tpu.dma_semaphore, #tpu.memory_space<semaphore_mem>>)
      %dma_wait3A_236 = arith.constant 0 : i32
      %dma_wait3A_237 = arith.constant 0 : i32
      %dma_wait3A_238 = tpu.memref_slice %arg5[%dma_wait3A_236, %dma_wait3A_237] : memref<10016x128xf32, #tpu.memory_space<hbm>> -> memref<64x128xf32, #tpu.memory_space<hbm>>
      %dma_wait3A_239 = arith.constant 0 : i32
      %dma_wait3A_240 = arith.constant 0 : i32
      %dma_wait3A_241 = tpu.memref_slice %arg5[%dma_wait3A_239, %dma_wait3A_240] : memref<10016x128xf32, #tpu.memory_space<hbm>> -> memref<64x128xf32, #tpu.memory_space<hbm>>
      tpu.wait_dma2 semaphore(%run_scoped3A : memref<!tpu.dma_semaphore, #tpu.memory_space<semaphore_mem>>) src(%dma_wait3A_241 : memref<64x128xf32, #tpu.memory_space<hbm>>) dst(%arg12 : memref<64x128xf32, #tpu.memory_space<vmem>>)
      tpu.yield
    }) : () -> ()
    "tpu.region"() ({
      %run_scoped3A = tpu.sem_alloc : memref<!tpu.dma_semaphore, #tpu.memory_space<semaphore_mem>>
      %dma_start3A_230 = arith.constant 0 : i32
      %dma_start3A_231 = tpu.memref_slice %arg3[%multiple_of3A, %dma_start3A_230] : memref<2560x64xi32, #tpu.memory_space<hbm>> -> memref<80x64xi32, #tpu.memory_space<hbm>>
      %dma_start3A_232 = arith.constant 0 : i32
      %dma_start3A_233 = tpu.memref_slice %arg3[%multiple_of3A, %dma_start3A_232] : memref<2560x64xi32, #tpu.memory_space<hbm>> -> memref<80x64xi32, #tpu.memory_space<hbm>>
      tpu.enqueue_dma source(%dma_start3A_233 : memref<80x64xi32, #tpu.memory_space<hbm>>) target(%arg13 : memref<80x64xi32, #tpu.memory_space<vmem>>) target_semaphore(%run_scoped3A : memref<!tpu.dma_semaphore, #tpu.memory_space<semaphore_mem>>)
      %dma_wait3A_234 = arith.constant 0 : i32
      %dma_wait3A_235 = tpu.memref_slice %arg3[%multiple_of3A, %dma_wait3A_234] : memref<2560x64xi32, #tpu.memory_space<hbm>> -> memref<80x64xi32, #tpu.memory_space<hbm>>
      %dma_wait3A_236 = arith.constant 0 : i32
      %dma_wait3A_237 = tpu.memref_slice %arg3[%multiple_of3A, %dma_wait3A_236] : memref<2560x64xi32, #tpu.memory_space<hbm>> -> memref<80x64xi32, #tpu.memory_space<hbm>>
      tpu.wait_dma2 semaphore(%run_scoped3A : memref<!tpu.dma_semaphore, #tpu.memory_space<semaphore_mem>>) src(%dma_wait3A_237 : memref<80x64xi32, #tpu.memory_space<hbm>>) dst(%arg13 : memref<80x64xi32, #tpu.memory_space<vmem>>)
      tpu.yield
    }) : () -> ()
    "tpu.region"() ({
      %run_scoped3A = tpu.sem_alloc : memref<!tpu.dma_semaphore, #tpu.memory_space<semaphore_mem>>
      tpu.enqueue_dma source(%arg4 : memref<512xf32, #tpu.memory_space<hbm>>) target(%arg14 : memref<512xf32, #tpu.memory_space<vmem>>) target_semaphore(%run_scoped3A : memref<!tpu.dma_semaphore, #tpu.memory_space<semaphore_mem>>)
      tpu.wait_dma2 semaphore(%run_scoped3A : memref<!tpu.dma_semaphore, #tpu.memory_space<semaphore_mem>>) src(%arg4 : memref<512xf32, #tpu.memory_space<hbm>>) dst(%arg14 : memref<512xf32, #tpu.memory_space<vmem>>)
      tpu.yield
    }) : () -> ()
    %get3A = arith.constant 0 : index
    %get3A_5 = tpu.vector_load %arg14[%get3A] {strides = array<i32>} : memref<512xf32, #tpu.memory_space<vmem>>, vector<16xf32>,
    %get3A_6 = vector.shape_cast %get3A_5 : vector<16xf32> to vector<16xf32>
    %get3A_7 = arith.constant 16 : index
    %get3A_8 = tpu.vector_load %arg14[%get3A_7] {strides = array<i32>} : memref<512xf32, #tpu.memory_space<vmem>>, vector<16xf32>,
    %get3A_9 = vector.shape_cast %get3A_8 : vector<16xf32> to vector<16xf32>
    %max3A = arith.maximumf %get3A_6, %get3A_9 : vector<16xf32>
    %get3A_10 = arith.constant 32 : index
    %get3A_11 = tpu.vector_load %arg14[%get3A_10] {strides = array<i32>} : memref<512xf32, #tpu.memory_space<vmem>>, vector<16xf32>,
    %get3A_12 = vector.shape_cast %get3A_11 : vector<16xf32> to vector<16xf32>
    %max3A_13 = arith.maximumf %max3A, %get3A_12 : vector<16xf32>
    %get3A_14 = arith.constant 48 : index
    %get3A_15 = tpu.vector_load %arg14[%get3A_14] {strides = array<i32>} : memref<512xf32, #tpu.memory_space<vmem>>, vector<16xf32>,
    %get3A_16 = vector.shape_cast %get3A_15 : vector<16xf32> to vector<16xf32>
    %max3A_17 = arith.maximumf %max3A_13, %get3A_16 : vector<16xf32>
    %get3A_18 = arith.constant 64 : index
    %get3A_19 = tpu.vector_load %arg14[%get3A_18] {strides = array<i32>} : memref<512xf32, #tpu.memory_space<vmem>>, vector<16xf32>,
    %get3A_20 = vector.shape_cast %get3A_19 : vector<16xf32> to vector<16xf32>
    %max3A_21 = arith.maximumf %max3A_17, %get3A_20 : vector<16xf32>
    %get3A_22 = arith.constant 80 : index
    %get3A_23 = tpu.vector_load %arg14[%get3A_22] {strides = array<i32>} : memref<512xf32, #tpu.memory_space<vmem>>, vector<16xf32>,
    %get3A_24 = vector.shape_cast %get3A_23 : vector<16xf32> to vector<16xf32>
    %max3A_25 = arith.maximumf %max3A_21, %get3A_24 : vector<16xf32>
    %get3A_26 = arith.constant 96 : index
    %get3A_27 = tpu.vector_load %arg14[%get3A_26] {strides = array<i32>} : memref<512xf32, #tpu.memory_space<vmem>>, vector<16xf32>,
    %get3A_28 = vector.shape_cast %get3A_27 : vector<16xf32> to vector<16xf32>
    %max3A_29 = arith.maximumf %max3A_25, %get3A_28 : vector<16xf32>
    %get3A_30 = arith.constant 112 : index
    %get3A_31 = tpu.vector_load %arg14[%get3A_30] {strides = array<i32>} : memref<512xf32, #tpu.memory_space<vmem>>, vector<16xf32>,
    %get3A_32 = vector.shape_cast %get3A_31 : vector<16xf32> to vector<16xf32>
    %max3A_33 = arith.maximumf %max3A_29, %get3A_32 : vector<16xf32>
    %get3A_34 = arith.constant 128 : index
    %get3A_35 = tpu.vector_load %arg14[%get3A_34] {strides = array<i32>} : memref<512xf32, #tpu.memory_space<vmem>>, vector<16xf32>,
    %get3A_36 = vector.shape_cast %get3A_35 : vector<16xf32> to vector<16xf32>
    %max3A_37 = arith.maximumf %max3A_33, %get3A_36 : vector<16xf32>
    %get3A_38 = arith.constant 144 : index
    %get3A_39 = tpu.vector_load %arg14[%get3A_38] {strides = array<i32>} : memref<512xf32, #tpu.memory_space<vmem>>, vector<16xf32>,
    %get3A_40 = vector.shape_cast %get3A_39 : vector<16xf32> to vector<16xf32>
    %max3A_41 = arith.maximumf %max3A_37, %get3A_40 : vector<16xf32>
    %get3A_42 = arith.constant 160 : index
    %get3A_43 = tpu.vector_load %arg14[%get3A_42] {strides = array<i32>} : memref<512xf32, #tpu.memory_space<vmem>>, vector<16xf32>,
    %get3A_44 = vector.shape_cast %get3A_43 : vector<16xf32> to vector<16xf32>
    %max3A_45 = arith.maximumf %max3A_41, %get3A_44 : vector<16xf32>
    %get3A_46 = arith.constant 176 : index
    %get3A_47 = tpu.vector_load %arg14[%get3A_46] {strides = array<i32>} : memref<512xf32, #tpu.memory_space<vmem>>, vector<16xf32>,
    %get3A_48 = vector.shape_cast %get3A_47 : vector<16xf32> to vector<16xf32>
    %max3A_49 = arith.maximumf %max3A_45, %get3A_48 : vector<16xf32>
    %get3A_50 = arith.constant 192 : index
    %get3A_51 = tpu.vector_load %arg14[%get3A_50] {strides = array<i32>} : memref<512xf32, #tpu.memory_space<vmem>>, vector<16xf32>,
    %get3A_52 = vector.shape_cast %get3A_51 : vector<16xf32> to vector<16xf32>
    %max3A_53 = arith.maximumf %max3A_49, %get3A_52 : vector<16xf32>
    %get3A_54 = arith.constant 208 : index
    %get3A_55 = tpu.vector_load %arg14[%get3A_54] {strides = array<i32>} : memref<512xf32, #tpu.memory_space<vmem>>, vector<16xf32>,
    %get3A_56 = vector.shape_cast %get3A_55 : vector<16xf32> to vector<16xf32>
    %max3A_57 = arith.maximumf %max3A_53, %get3A_56 : vector<16xf32>
    %get3A_58 = arith.constant 224 : index
    %get3A_59 = tpu.vector_load %arg14[%get3A_58] {strides = array<i32>} : memref<512xf32, #tpu.memory_space<vmem>>, vector<16xf32>,
    %get3A_60 = vector.shape_cast %get3A_59 : vector<16xf32> to vector<16xf32>
    %max3A_61 = arith.maximumf %max3A_57, %get3A_60 : vector<16xf32>
    %get3A_62 = arith.constant 240 : index
    %get3A_63 = tpu.vector_load %arg14[%get3A_62] {strides = array<i32>} : memref<512xf32, #tpu.memory_space<vmem>>, vector<16xf32>,
    %get3A_64 = vector.shape_cast %get3A_63 : vector<16xf32> to vector<16xf32>
    %max3A_65 = arith.maximumf %max3A_61, %get3A_64 : vector<16xf32>
    %get3A_66 = arith.constant 256 : index
    %get3A_67 = tpu.vector_load %arg14[%get3A_66] {strides = array<i32>} : memref<512xf32, #tpu.memory_space<vmem>>, vector<16xf32>,
    %get3A_68 = vector.shape_cast %get3A_67 : vector<16xf32> to vector<16xf32>
    %max3A_69 = arith.maximumf %max3A_65, %get3A_68 : vector<16xf32>
    %get3A_70 = arith.constant 272 : index
    %get3A_71 = tpu.vector_load %arg14[%get3A_70] {strides = array<i32>} : memref<512xf32, #tpu.memory_space<vmem>>, vector<16xf32>,
    %get3A_72 = vector.shape_cast %get3A_71 : vector<16xf32> to vector<16xf32>
    %max3A_73 = arith.maximumf %max3A_69, %get3A_72 : vector<16xf32>
    %get3A_74 = arith.constant 288 : index
    %get3A_75 = tpu.vector_load %arg14[%get3A_74] {strides = array<i32>} : memref<512xf32, #tpu.memory_space<vmem>>, vector<16xf32>,
    %get3A_76 = vector.shape_cast %get3A_75 : vector<16xf32> to vector<16xf32>
    %max3A_77 = arith.maximumf %max3A_73, %get3A_76 : vector<16xf32>
    %get3A_78 = arith.constant 304 : index
    %get3A_79 = tpu.vector_load %arg14[%get3A_78] {strides = array<i32>} : memref<512xf32, #tpu.memory_space<vmem>>, vector<16xf32>,
    %get3A_80 = vector.shape_cast %get3A_79 : vector<16xf32> to vector<16xf32>
    %max3A_81 = arith.maximumf %max3A_77, %get3A_80 : vector<16xf32>
    %get3A_82 = arith.constant 320 : index
    %get3A_83 = tpu.vector_load %arg14[%get3A_82] {strides = array<i32>} : memref<512xf32, #tpu.memory_space<vmem>>, vector<16xf32>,
    %get3A_84 = vector.shape_cast %get3A_83 : vector<16xf32> to vector<16xf32>
    %max3A_85 = arith.maximumf %max3A_81, %get3A_84 : vector<16xf32>
    %get3A_86 = arith.constant 336 : index
    %get3A_87 = tpu.vector_load %arg14[%get3A_86] {strides = array<i32>} : memref<512xf32, #tpu.memory_space<vmem>>, vector<16xf32>,
    %get3A_88 = vector.shape_cast %get3A_87 : vector<16xf32> to vector<16xf32>
    %max3A_89 = arith.maximumf %max3A_85, %get3A_88 : vector<16xf32>
    %get3A_90 = arith.constant 352 : index
    %get3A_91 = tpu.vector_load %arg14[%get3A_90] {strides = array<i32>} : memref<512xf32, #tpu.memory_space<vmem>>, vector<16xf32>,
    %get3A_92 = vector.shape_cast %get3A_91 : vector<16xf32> to vector<16xf32>
    %max3A_93 = arith.maximumf %max3A_89, %get3A_92 : vector<16xf32>
    %get3A_94 = arith.constant 368 : index
    %get3A_95 = tpu.vector_load %arg14[%get3A_94] {strides = array<i32>} : memref<512xf32, #tpu.memory_space<vmem>>, vector<16xf32>,
    %get3A_96 = vector.shape_cast %get3A_95 : vector<16xf32> to vector<16xf32>
    %max3A_97 = arith.maximumf %max3A_93, %get3A_96 : vector<16xf32>
    %get3A_98 = arith.constant 384 : index
    %get3A_99 = tpu.vector_load %arg14[%get3A_98] {strides = array<i32>} : memref<512xf32, #tpu.memory_space<vmem>>, vector<16xf32>,
    %get3A_100 = vector.shape_cast %get3A_99 : vector<16xf32> to vector<16xf32>
    %max3A_101 = arith.maximumf %max3A_97, %get3A_100 : vector<16xf32>
    %get3A_102 = arith.constant 400 : index
    %get3A_103 = tpu.vector_load %arg14[%get3A_102] {strides = array<i32>} : memref<512xf32, #tpu.memory_space<vmem>>, vector<16xf32>,
    %get3A_104 = vector.shape_cast %get3A_103 : vector<16xf32> to vector<16xf32>
    %max3A_105 = arith.maximumf %max3A_101, %get3A_104 : vector<16xf32>
    %get3A_106 = arith.constant 416 : index
    %get3A_107 = tpu.vector_load %arg14[%get3A_106] {strides = array<i32>} : memref<512xf32, #tpu.memory_space<vmem>>, vector<16xf32>,
    %get3A_108 = vector.shape_cast %get3A_107 : vector<16xf32> to vector<16xf32>
    %max3A_109 = arith.maximumf %max3A_105, %get3A_108 : vector<16xf32>
    %get3A_110 = arith.constant 432 : index
    %get3A_111 = tpu.vector_load %arg14[%get3A_110] {strides = array<i32>} : memref<512xf32, #tpu.memory_space<vmem>>, vector<16xf32>,
    %get3A_112 = vector.shape_cast %get3A_111 : vector<16xf32> to vector<16xf32>
    %max3A_113 = arith.maximumf %max3A_109, %get3A_112 : vector<16xf32>
    %get3A_114 = arith.constant 448 : index
    %get3A_115 = tpu.vector_load %arg14[%get3A_114] {strides = array<i32>} : memref<512xf32, #tpu.memory_space<vmem>>, vector<16xf32>,
    %get3A_116 = vector.shape_cast %get3A_115 : vector<16xf32> to vector<16xf32>
    %max3A_117 = arith.maximumf %max3A_113, %get3A_116 : vector<16xf32>
    %get3A_118 = arith.constant 464 : index
    %get3A_119 = tpu.vector_load %arg14[%get3A_118] {strides = array<i32>} : memref<512xf32, #tpu.memory_space<vmem>>, vector<16xf32>,
    %get3A_120 = vector.shape_cast %get3A_119 : vector<16xf32> to vector<16xf32>
    %max3A_121 = arith.maximumf %max3A_117, %get3A_120 : vector<16xf32>
    %get3A_122 = arith.constant 480 : index
    %get3A_123 = tpu.vector_load %arg14[%get3A_122] {strides = array<i32>} : memref<512xf32, #tpu.memory_space<vmem>>, vector<16xf32>,
    %get3A_124 = vector.shape_cast %get3A_123 : vector<16xf32> to vector<16xf32>
    %max3A_125 = arith.maximumf %max3A_121, %get3A_124 : vector<16xf32>
    %get3A_126 = arith.constant 496 : index
    %get3A_127 = tpu.vector_load %arg14[%get3A_126] {strides = array<i32>} : memref<512xf32, #tpu.memory_space<vmem>>, vector<16xf32>,
    %get3A_128 = vector.shape_cast %get3A_127 : vector<16xf32> to vector<16xf32>
    %max3A_129 = arith.maximumf %max3A_125, %get3A_128 : vector<16xf32>
    %iota3A_130 = tpu.iota {dimensions = array<i32: 0>} : vector<16xi32>
    %xor3A = arith.constant 8 : i32
    %xor3A_131 = vector.broadcast %xor3A : i32 to vector<16xi32>
    %xor3A_132 = arith.xori %iota3A_130, %xor3A_131 : vector<16xi32>
    %lt3A = arith.constant 0 : i32
    %lt3A_133 = vector.broadcast %lt3A : i32 to vector<16xi32>
    %lt3A_134 = arith.cmpi slt, %xor3A_132, %lt3A_133 : vector<16xi32>
    %add3A_135 = arith.constant 16 : i32
    %add3A_136 = vector.broadcast %add3A_135 : i32 to vector<16xi32>
    %add3A_137 = arith.addi %xor3A_132, %add3A_136 : vector<16xi32>
    %select_n3A = arith.select %lt3A_134, %add3A_137, %xor3A_132 : vector<16xi1>, vector<16xi32>
    %broadcast_in_dim3A = vector.shape_cast %select_n3A : vector<16xi32> to vector<16x1xi32>
    %gather3A = vector.shape_cast %broadcast_in_dim3A : vector<16x1xi32> to vector<16xi32>
    %gather3A_138 = tpu.dynamic_gather %max3A_129[%gather3A] in [0] : vector<16xf32>, vector<16xi32> -> vector<16xf32>
    %max3A_139 = arith.maximumf %max3A_129, %gather3A_138 : vector<16xf32>
    %xor3A_140 = arith.constant 4 : i32
    %xor3A_141 = vector.broadcast %xor3A_140 : i32 to vector<16xi32>
    %xor3A_142 = arith.xori %iota3A_130, %xor3A_141 : vector<16xi32>
    %lt3A_143 = arith.constant 0 : i32
    %lt3A_144 = vector.broadcast %lt3A_143 : i32 to vector<16xi32>
    %lt3A_145 = arith.cmpi slt, %xor3A_142, %lt3A_144 : vector<16xi32>
    %add3A_146 = arith.constant 16 : i32
    %add3A_147 = vector.broadcast %add3A_146 : i32 to vector<16xi32>
    %add3A_148 = arith.addi %xor3A_142, %add3A_147 : vector<16xi32>
    %select_n3A_149 = arith.select %lt3A_145, %add3A_148, %xor3A_142 : vector<16xi1>, vector<16xi32>
    %broadcast_in_dim3A_150 = vector.shape_cast %select_n3A_149 : vector<16xi32> to vector<16x1xi32>
    %gather3A_151 = vector.shape_cast %broadcast_in_dim3A_150 : vector<16x1xi32> to vector<16xi32>
    %gather3A_152 = tpu.dynamic_gather %max3A_139[%gather3A_151] in [0] : vector<16xf32>, vector<16xi32> -> vector<16xf32>
    %max3A_153 = arith.maximumf %max3A_139, %gather3A_152 : vector<16xf32>
    %xor3A_154 = arith.constant 2 : i32
    %xor3A_155 = vector.broadcast %xor3A_154 : i32 to vector<16xi32>
    %xor3A_156 = arith.xori %iota3A_130, %xor3A_155 : vector<16xi32>
    %lt3A_157 = arith.constant 0 : i32
    %lt3A_158 = vector.broadcast %lt3A_157 : i32 to vector<16xi32>
    %lt3A_159 = arith.cmpi slt, %xor3A_156, %lt3A_158 : vector<16xi32>
    %add3A_160 = arith.constant 16 : i32
    %add3A_161 = vector.broadcast %add3A_160 : i32 to vector<16xi32>
    %add3A_162 = arith.addi %xor3A_156, %add3A_161 : vector<16xi32>
    %select_n3A_163 = arith.select %lt3A_159, %add3A_162, %xor3A_156 : vector<16xi1>, vector<16xi32>
    %broadcast_in_dim3A_164 = vector.shape_cast %select_n3A_163 : vector<16xi32> to vector<16x1xi32>
    %gather3A_165 = vector.shape_cast %broadcast_in_dim3A_164 : vector<16x1xi32> to vector<16xi32>
    %gather3A_166 = tpu.dynamic_gather %max3A_153[%gather3A_165] in [0] : vector<16xf32>, vector<16xi32> -> vector<16xf32>
    %max3A_167 = arith.maximumf %max3A_153, %gather3A_166 : vector<16xf32>
    %xor3A_168 = arith.constant 1 : i32
    %xor3A_169 = vector.broadcast %xor3A_168 : i32 to vector<16xi32>
    %xor3A_170 = arith.xori %iota3A_130, %xor3A_169 : vector<16xi32>
    %lt3A_171 = arith.constant 0 : i32
    %lt3A_172 = vector.broadcast %lt3A_171 : i32 to vector<16xi32>
    %lt3A_173 = arith.cmpi slt, %xor3A_170, %lt3A_172 : vector<16xi32>
    %add3A_174 = arith.constant 16 : i32
    %add3A_175 = vector.broadcast %add3A_174 : i32 to vector<16xi32>
    %add3A_176 = arith.addi %xor3A_170, %add3A_175 : vector<16xi32>
    %select_n3A_177 = arith.select %lt3A_173, %add3A_176, %xor3A_170 : vector<16xi1>, vector<16xi32>
    %broadcast_in_dim3A_178 = vector.shape_cast %select_n3A_177 : vector<16xi32> to vector<16x1xi32>
    %gather3A_179 = vector.shape_cast %broadcast_in_dim3A_178 : vector<16x1xi32> to vector<16xi32>
    %gather3A_180 = tpu.dynamic_gather %max3A_167[%gather3A_179] in [0] : vector<16xf32>, vector<16xi32> -> vector<16xf32>
    %max3A_181 = arith.maximumf %max3A_167, %gather3A_180 : vector<16xf32>
    %barrier3A = arith.constant 0 : index
    tpu.barrier barrier_id(%barrier3A)
    %add3A_182 = arith.constant 0 : i32
    %add3A_183 = arith.addi %multiple_of3A, %add3A_182 : i32
    %mul3A_184 = arith.constant 1024 : i32
    %mul3A_185 = arith.muli %add3A_183, %mul3A_184 : i32
    %dma_start3A = tpu.memref_slice %arg2[%mul3A_185] : memref<2621440xf32, #tpu.memory_space<hbm>> -> memref<1024xf32, #tpu.memory_space<hbm>>
    %dma_start3A_186 = tpu.memref_slice %arg2[%mul3A_185] : memref<2621440xf32, #tpu.memory_space<hbm>> -> memref<1024xf32, #tpu.memory_space<hbm>>
    tpu.enqueue_dma source(%dma_start3A_186 : memref<1024xf32, #tpu.memory_space<hbm>>) target(%arg9 : memref<1024xf32, #tpu.memory_space<vmem>>) target_semaphore(%arg15 : memref<!tpu.dma_semaphore, #tpu.memory_space<semaphore_mem>>)
    %add3A_187 = arith.constant 1 : i32
    %add3A_188 = arith.addi %multiple_of3A, %add3A_187 : i32
    %mul3A_189 = arith.constant 1024 : i32
    %mul3A_190 = arith.muli %add3A_188, %mul3A_189 : i32
    %dma_start3A_191 = tpu.memref_slice %arg2[%mul3A_190] : memref<2621440xf32, #tpu.memory_space<hbm>> -> memref<1024xf32, #tpu.memory_space<hbm>>
    %dma_start3A_192 = tpu.memref_slice %arg2[%mul3A_190] : memref<2621440xf32, #tpu.memory_space<hbm>> -> memref<1024xf32, #tpu.memory_space<hbm>>
    tpu.enqueue_dma source(%dma_start3A_192 : memref<1024xf32, #tpu.memory_space<hbm>>) target(%arg10 : memref<1024xf32, #tpu.memory_space<vmem>>) target_semaphore(%arg16 : memref<!tpu.dma_semaphore, #tpu.memory_space<semaphore_mem>>)
    %scan3A = arith.constant 0 : i32
    %scan3A_193 = arith.constant 0 : i32
    %scan3A_194 = arith.constant 40 : i32
    %scan3A_195 = arith.addi %scan3A_193, %scan3A_194 : i32
    %scan3A_196 = arith.constant 1 : i32
    scf.for %scan3A_230 = %scan3A_193 to %scan3A_195 step %scan3A_196  : i32 {
      %mul3A_231 = arith.constant 2 : i32
      %mul3A_232 = arith.muli %mul3A_231, %scan3A_230 : i32
      %add3A_233 = arith.constant 1 : i32
      %add3A_234 = arith.addi %mul3A_232, %add3A_233 : i32
      %gt3A = arith.constant 0 : i32
      %gt3A_235 = arith.cmpi sgt, %scan3A_230, %gt3A : i32
      %convert_element_type3A_236 = arith.extui %gt3A_235 : i1 to i32
      %cond3A_237 = arith.constant 0 : i32
      %cond3A_238 = arith.cmpi ne, %convert_element_type3A_236, %cond3A_237 : i32
      scf.if %cond3A_238 {
        %dma_wait3A_283 = arith.constant 0 : i32
        %dma_wait3A_284 = tpu.memref_slice %arg13[%mul3A_232, %dma_wait3A_283] : memref<80x64xi32, #tpu.memory_space<vmem>> -> memref<1x64xi32, #tpu.memory_space<vmem>>
        %dma_wait3A_285 = tpu.memref_squeeze %dma_wait3A_284 : memref<1x64xi32, #tpu.memory_space<vmem>> -> memref<64xi32, #tpu.memory_space<vmem>>
        %dma_wait3A_286 = arith.constant 0 : i32
        %dma_wait3A_287 = arith.constant 0 : i32
        %dma_wait3A_288 = tpu.memref_slice %arg8[%dma_wait3A_286, %dma_wait3A_287] : memref<10016x128xf32, #tpu.memory_space<vmem_shared>> -> memref<10016x128xf32, #tpu.memory_space<vmem_shared>>
        tpu.wait_indirect_dma semaphore(%arg17 : memref<!tpu.dma_semaphore, #tpu.memory_space<semaphore_mem>>) src(%arg11 : memref<64x128xf32, #tpu.memory_space<vmem>>) dst(%dma_wait3A_288 : memref<10016x128xf32, #tpu.memory_space<vmem_shared>>)
        %dma_wait3A_289 = arith.constant 0 : i32
        %dma_wait3A_290 = tpu.memref_slice %arg13[%add3A_234, %dma_wait3A_289] : memref<80x64xi32, #tpu.memory_space<vmem>> -> memref<1x64xi32, #tpu.memory_space<vmem>>
        %dma_wait3A_291 = tpu.memref_squeeze %dma_wait3A_290 : memref<1x64xi32, #tpu.memory_space<vmem>> -> memref<64xi32, #tpu.memory_space<vmem>>
        %dma_wait3A_292 = arith.constant 0 : i32
        %dma_wait3A_293 = arith.constant 0 : i32
        %dma_wait3A_294 = tpu.memref_slice %arg8[%dma_wait3A_292, %dma_wait3A_293] : memref<10016x128xf32, #tpu.memory_space<vmem_shared>> -> memref<10016x128xf32, #tpu.memory_space<vmem_shared>>
        tpu.wait_indirect_dma semaphore(%arg18 : memref<!tpu.dma_semaphore, #tpu.memory_space<semaphore_mem>>) src(%arg12 : memref<64x128xf32, #tpu.memory_space<vmem>>) dst(%dma_wait3A_294 : memref<10016x128xf32, #tpu.memory_space<vmem_shared>>)
      } else {
      }
      %add3A_239 = arith.addi %multiple_of3A, %mul3A_232 : i32
      %mul3A_240 = arith.constant 1024 : i32
      %mul3A_241 = arith.muli %add3A_239, %mul3A_240 : i32
      %dma_wait3A_242 = tpu.memref_slice %arg2[%mul3A_241] : memref<2621440xf32, #tpu.memory_space<hbm>> -> memref<1024xf32, #tpu.memory_space<hbm>>
      %dma_wait3A_243 = tpu.memref_slice %arg2[%mul3A_241] : memref<2621440xf32, #tpu.memory_space<hbm>> -> memref<1024xf32, #tpu.memory_space<hbm>>
      tpu.wait_dma2 semaphore(%arg15 : memref<!tpu.dma_semaphore, #tpu.memory_space<semaphore_mem>>) src(%dma_wait3A_243 : memref<1024xf32, #tpu.memory_space<hbm>>) dst(%arg9 : memref<1024xf32, #tpu.memory_space<vmem>>)
      %scan3A_244 = arith.constant 0 : i32
      %scan3A_245 = arith.constant 0 : i32
      %scan3A_246 = arith.constant 64 : i32
      %scan3A_247 = arith.addi %scan3A_245, %scan3A_246 : i32
      %scan3A_248 = arith.constant 1 : i32
      scf.for %scan3A_283 = %scan3A_245 to %scan3A_247 step %scan3A_248  : i32 {
        %mul3A_284 = arith.constant 16 : i32
        %mul3A_285 = arith.muli %scan3A_283, %mul3A_284 : i32
        %get3A_286 = arith.index_cast %mul3A_285 : i32 to index
        %get3A_287 = tpu.vector_load %arg9[%get3A_286] {strides = array<i32>} : memref<1024xf32, #tpu.memory_space<vmem>>, vector<16xf32>,
        %get3A_288 = vector.shape_cast %get3A_287 : vector<16xf32> to vector<16xf32>
        %lt3A_289 = arith.constant 8 : i32
        %lt3A_290 = vector.broadcast %lt3A_289 : i32 to vector<16xi32>
        %lt3A_291 = arith.cmpi slt, %iota3A, %lt3A_290 : vector<16xi32>
        %sub3A = arith.subf %get3A_288, %max3A_181 : vector<16xf32>
        %exp3A = math.exp %sub3A : vector<16xf32>
        %jit3A = arith.constant 0.000000e+00 : f32
        %broadcast_in_dim3A_292 = vector.broadcast %jit3A : f32 to vector<16xf32>
        %select_n3A_293 = arith.select %lt3A_291, %exp3A, %broadcast_in_dim3A_292 : vector<16xi1>, vector<16xf32>
        %swap3A = arith.index_cast %scan3A_283 : i32 to index
        %swap3A_294 = arith.constant 0 : index
        %swap3A_295 = tpu.vector_load %arg11[%swap3A, %swap3A_294] {strides = array<i32>} : memref<64x128xf32, #tpu.memory_space<vmem>>, vector<1x16xf32>,
        %swap3A_296 = vector.shape_cast %swap3A_295 : vector<1x16xf32> to vector<16xf32>
        %swap3A_297 = vector.shape_cast %select_n3A_293 : vector<16xf32> to vector<1x16xf32>
        tpu.vector_store %arg11[%swap3A, %swap3A_294], %swap3A_297 {strides = array<i32>} : memref<64x128xf32, #tpu.memory_space<vmem>>, vector<1x16xf32>,
      }
      %scan3A_249 = arith.constant 64 : i32
      %dma_start3A_250 = arith.constant 0 : i32
      %dma_start3A_251 = tpu.memref_slice %arg13[%mul3A_232, %dma_start3A_250] : memref<80x64xi32, #tpu.memory_space<vmem>> -> memref<1x64xi32, #tpu.memory_space<vmem>>
      %dma_start3A_252 = tpu.memref_squeeze %dma_start3A_251 : memref<1x64xi32, #tpu.memory_space<vmem>> -> memref<64xi32, #tpu.memory_space<vmem>>
      %dma_start3A_253 = arith.constant 0 : i32
      %dma_start3A_254 = arith.constant 0 : i32
      %dma_start3A_255 = tpu.memref_slice %arg8[%dma_start3A_253, %dma_start3A_254] : memref<10016x128xf32, #tpu.memory_space<vmem_shared>> -> memref<10016x128xf32, #tpu.memory_space<vmem_shared>>
      tpu.enqueue_indirect_dma source(%arg11 : memref<64x128xf32, #tpu.memory_space<vmem>>) target(%dma_start3A_255 : memref<10016x128xf32, #tpu.memory_space<vmem_shared>>) offsets(%dma_start3A_252 : memref<64xi32, #tpu.memory_space<vmem>>) semaphore(%arg17 : memref<!tpu.dma_semaphore, #tpu.memory_space<semaphore_mem>>) {add = true}
      %lt3A_256 = arith.constant 39 : i32
      %lt3A_257 = arith.cmpi slt, %scan3A_230, %lt3A_256 : i32
      %convert_element_type3A_258 = arith.extui %lt3A_257 : i1 to i32
      %cond3A_259 = arith.constant 0 : i32
      %cond3A_260 = arith.cmpi ne, %convert_element_type3A_258, %cond3A_259 : i32
      scf.if %cond3A_260 {
        %add3A_283 = arith.constant 2 : i32
        %add3A_284 = arith.addi %mul3A_232, %add3A_283 : i32
        %add3A_285 = arith.addi %multiple_of3A, %add3A_284 : i32
        %mul3A_286 = arith.constant 1024 : i32
        %mul3A_287 = arith.muli %add3A_285, %mul3A_286 : i32
        %dma_start3A_288 = tpu.memref_slice %arg2[%mul3A_287] : memref<2621440xf32, #tpu.memory_space<hbm>> -> memref<1024xf32, #tpu.memory_space<hbm>>
        %dma_start3A_289 = tpu.memref_slice %arg2[%mul3A_287] : memref<2621440xf32, #tpu.memory_space<hbm>> -> memref<1024xf32, #tpu.memory_space<hbm>>
        tpu.enqueue_dma source(%dma_start3A_289 : memref<1024xf32, #tpu.memory_space<hbm>>) target(%arg9 : memref<1024xf32, #tpu.memory_space<vmem>>) target_semaphore(%arg15 : memref<!tpu.dma_semaphore, #tpu.memory_space<semaphore_mem>>)
      } else {
      }
      %add3A_261 = arith.addi %multiple_of3A, %add3A_234 : i32
      %mul3A_262 = arith.constant 1024 : i32
      %mul3A_263 = arith.muli %add3A_261, %mul3A_262 : i32
      %dma_wait3A_264 = tpu.memref_slice %arg2[%mul3A_263] : memref<2621440xf32, #tpu.memory_space<hbm>> -> memref<1024xf32, #tpu.memory_space<hbm>>
      %dma_wait3A_265 = tpu.memref_slice %arg2[%mul3A_263] : memref<2621440xf32, #tpu.memory_space<hbm>> -> memref<1024xf32, #tpu.memory_space<hbm>>
      tpu.wait_dma2 semaphore(%arg16 : memref<!tpu.dma_semaphore, #tpu.memory_space<semaphore_mem>>) src(%dma_wait3A_265 : memref<1024xf32, #tpu.memory_space<hbm>>) dst(%arg10 : memref<1024xf32, #tpu.memory_space<vmem>>)
      %scan3A_266 = arith.constant 0 : i32
      %scan3A_267 = arith.constant 0 : i32
      %scan3A_268 = arith.constant 64 : i32
      %scan3A_269 = arith.addi %scan3A_267, %scan3A_268 : i32
      %scan3A_270 = arith.constant 1 : i32
      scf.for %scan3A_283 = %scan3A_267 to %scan3A_269 step %scan3A_270  : i32 {
        %mul3A_284 = arith.constant 16 : i32
        %mul3A_285 = arith.muli %scan3A_283, %mul3A_284 : i32
        %get3A_286 = arith.index_cast %mul3A_285 : i32 to index
        %get3A_287 = tpu.vector_load %arg10[%get3A_286] {strides = array<i32>} : memref<1024xf32, #tpu.memory_space<vmem>>, vector<16xf32>,
        %get3A_288 = vector.shape_cast %get3A_287 : vector<16xf32> to vector<16xf32>
        %lt3A_289 = arith.constant 8 : i32
        %lt3A_290 = vector.broadcast %lt3A_289 : i32 to vector<16xi32>
        %lt3A_291 = arith.cmpi slt, %iota3A, %lt3A_290 : vector<16xi32>
        %sub3A = arith.subf %get3A_288, %max3A_181 : vector<16xf32>
        %exp3A = math.exp %sub3A : vector<16xf32>
        %jit3A = arith.constant 0.000000e+00 : f32
        %broadcast_in_dim3A_292 = vector.broadcast %jit3A : f32 to vector<16xf32>
        %select_n3A_293 = arith.select %lt3A_291, %exp3A, %broadcast_in_dim3A_292 : vector<16xi1>, vector<16xf32>
        %swap3A = arith.index_cast %scan3A_283 : i32 to index
        %swap3A_294 = arith.constant 0 : index
        %swap3A_295 = tpu.vector_load %arg12[%swap3A, %swap3A_294] {strides = array<i32>} : memref<64x128xf32, #tpu.memory_space<vmem>>, vector<1x16xf32>,
        %swap3A_296 = vector.shape_cast %swap3A_295 : vector<1x16xf32> to vector<16xf32>
        %swap3A_297 = vector.shape_cast %select_n3A_293 : vector<16xf32> to vector<1x16xf32>
        tpu.vector_store %arg12[%swap3A, %swap3A_294], %swap3A_297 {strides = array<i32>} : memref<64x128xf32, #tpu.memory_space<vmem>>, vector<1x16xf32>,
      }
      %scan3A_271 = arith.constant 64 : i32
      %dma_start3A_272 = arith.constant 0 : i32
      %dma_start3A_273 = tpu.memref_slice %arg13[%add3A_234, %dma_start3A_272] : memref<80x64xi32, #tpu.memory_space<vmem>> -> memref<1x64xi32, #tpu.memory_space<vmem>>
      %dma_start3A_274 = tpu.memref_squeeze %dma_start3A_273 : memref<1x64xi32, #tpu.memory_space<vmem>> -> memref<64xi32, #tpu.memory_space<vmem>>
      %dma_start3A_275 = arith.constant 0 : i32
      %dma_start3A_276 = arith.constant 0 : i32
      %dma_start3A_277 = tpu.memref_slice %arg8[%dma_start3A_275, %dma_start3A_276] : memref<10016x128xf32, #tpu.memory_space<vmem_shared>> -> memref<10016x128xf32, #tpu.memory_space<vmem_shared>>
      tpu.enqueue_indirect_dma source(%arg12 : memref<64x128xf32, #tpu.memory_space<vmem>>) target(%dma_start3A_277 : memref<10016x128xf32, #tpu.memory_space<vmem_shared>>) offsets(%dma_start3A_274 : memref<64xi32, #tpu.memory_space<vmem>>) semaphore(%arg18 : memref<!tpu.dma_semaphore, #tpu.memory_space<semaphore_mem>>) {add = true}
      %lt3A_278 = arith.constant 39 : i32
      %lt3A_279 = arith.cmpi slt, %scan3A_230, %lt3A_278 : i32
      %convert_element_type3A_280 = arith.extui %lt3A_279 : i1 to i32
      %cond3A_281 = arith.constant 0 : i32
      %cond3A_282 = arith.cmpi ne, %convert_element_type3A_280, %cond3A_281 : i32
      scf.if %cond3A_282 {
        %add3A_283 = arith.constant 2 : i32
        %add3A_284 = arith.addi %add3A_234, %add3A_283 : i32
        %add3A_285 = arith.addi %multiple_of3A, %add3A_284 : i32
        %mul3A_286 = arith.constant 1024 : i32
        %mul3A_287 = arith.muli %add3A_285, %mul3A_286 : i32
        %dma_start3A_288 = tpu.memref_slice %arg2[%mul3A_287] : memref<2621440xf32, #tpu.memory_space<hbm>> -> memref<1024xf32, #tpu.memory_space<hbm>>
        %dma_start3A_289 = tpu.memref_slice %arg2[%mul3A_287] : memref<2621440xf32, #tpu.memory_space<hbm>> -> memref<1024xf32, #tpu.memory_space<hbm>>
        tpu.enqueue_dma source(%dma_start3A_289 : memref<1024xf32, #tpu.memory_space<hbm>>) target(%arg10 : memref<1024xf32, #tpu.memory_space<vmem>>) target_semaphore(%arg16 : memref<!tpu.dma_semaphore, #tpu.memory_space<semaphore_mem>>)
      } else {
      }
    }
    %scan3A_197 = arith.constant 40 : i32
    %dma_wait3A = arith.constant 0 : i32
    %dma_wait3A_198 = arith.constant 0 : i32
    %dma_wait3A_199 = tpu.memref_slice %arg13[%dma_wait3A, %dma_wait3A_198] : memref<80x64xi32, #tpu.memory_space<vmem>> -> memref<1x64xi32, #tpu.memory_space<vmem>>
    %dma_wait3A_200 = tpu.memref_squeeze %dma_wait3A_199 : memref<1x64xi32, #tpu.memory_space<vmem>> -> memref<64xi32, #tpu.memory_space<vmem>>
    %dma_wait3A_201 = arith.constant 0 : i32
    %dma_wait3A_202 = arith.constant 0 : i32
    %dma_wait3A_203 = tpu.memref_slice %arg8[%dma_wait3A_201, %dma_wait3A_202] : memref<10016x128xf32, #tpu.memory_space<vmem_shared>> -> memref<10016x128xf32, #tpu.memory_space<vmem_shared>>
    tpu.wait_indirect_dma semaphore(%arg17 : memref<!tpu.dma_semaphore, #tpu.memory_space<semaphore_mem>>) src(%arg11 : memref<64x128xf32, #tpu.memory_space<vmem>>) dst(%dma_wait3A_203 : memref<10016x128xf32, #tpu.memory_space<vmem_shared>>)
    %dma_wait3A_204 = arith.constant 1 : i32
    %dma_wait3A_205 = arith.constant 0 : i32
    %dma_wait3A_206 = tpu.memref_slice %arg13[%dma_wait3A_204, %dma_wait3A_205] : memref<80x64xi32, #tpu.memory_space<vmem>> -> memref<1x64xi32, #tpu.memory_space<vmem>>
    %dma_wait3A_207 = tpu.memref_squeeze %dma_wait3A_206 : memref<1x64xi32, #tpu.memory_space<vmem>> -> memref<64xi32, #tpu.memory_space<vmem>>
    %dma_wait3A_208 = arith.constant 0 : i32
    %dma_wait3A_209 = arith.constant 0 : i32
    %dma_wait3A_210 = tpu.memref_slice %arg8[%dma_wait3A_208, %dma_wait3A_209] : memref<10016x128xf32, #tpu.memory_space<vmem_shared>> -> memref<10016x128xf32, #tpu.memory_space<vmem_shared>>
    tpu.wait_indirect_dma semaphore(%arg18 : memref<!tpu.dma_semaphore, #tpu.memory_space<semaphore_mem>>) src(%arg12 : memref<64x128xf32, #tpu.memory_space<vmem>>) dst(%dma_wait3A_210 : memref<10016x128xf32, #tpu.memory_space<vmem_shared>>)
    %barrier3A_211 = arith.constant 0 : index
    tpu.barrier barrier_id(%barrier3A_211)
    %mul3A_212 = arith.constant 1000 : i32
    %mul3A_213 = arith.muli %arg1, %mul3A_212 : i32
    %multiple_of3A_214 = tpu.assume_multiple %mul3A_213, 8 : i32
    %eq3A_215 = arith.constant 0 : i32
    %eq3A_216 = arith.cmpi eq, %arg0, %eq3A_215 : i32
    %lt3A_217 = arith.constant 10 : i32
    %lt3A_218 = arith.cmpi slt, %arg1, %lt3A_217 : i32
    %and3A = arith.andi %eq3A_216, %lt3A_218 : i1
    %convert_element_type3A_219 = arith.extui %and3A : i1 to i32
    %cond3A_220 = arith.constant 0 : i32
    %cond3A_221 = arith.cmpi ne, %convert_element_type3A_219, %cond3A_220 : i32
    scf.if %cond3A_221 {
      "tpu.region"() ({
        %run_scoped3A = tpu.sem_alloc : memref<!tpu.dma_semaphore, #tpu.memory_space<semaphore_mem>>
        %dma_start3A_230 = arith.constant 0 : i32
        %dma_start3A_231 = tpu.memref_slice %arg6[%multiple_of3A_214, %dma_start3A_230] : memref<10000x128xf32, #tpu.memory_space<hbm>> -> memref<1000x128xf32, #tpu.memory_space<hbm>>
        %dma_start3A_232 = arith.constant 0 : i32
        %dma_start3A_233 = tpu.memref_slice %arg8[%multiple_of3A_214, %dma_start3A_232] : memref<10016x128xf32, #tpu.memory_space<vmem_shared>> -> memref<1000x128xf32, #tpu.memory_space<vmem_shared>>
        tpu.enqueue_dma source(%dma_start3A_233 : memref<1000x128xf32, #tpu.memory_space<vmem_shared>>) target(%dma_start3A_231 : memref<1000x128xf32, #tpu.memory_space<hbm>>) target_semaphore(%run_scoped3A : memref<!tpu.dma_semaphore, #tpu.memory_space<semaphore_mem>>)
        %dma_wait3A_234 = arith.constant 0 : i32
        %dma_wait3A_235 = tpu.memref_slice %arg6[%multiple_of3A_214, %dma_wait3A_234] : memref<10000x128xf32, #tpu.memory_space<hbm>> -> memref<1000x128xf32, #tpu.memory_space<hbm>>
        %dma_wait3A_236 = arith.constant 0 : i32
        %dma_wait3A_237 = tpu.memref_slice %arg8[%multiple_of3A_214, %dma_wait3A_236] : memref<10016x128xf32, #tpu.memory_space<vmem_shared>> -> memref<1000x128xf32, #tpu.memory_space<vmem_shared>>
        tpu.wait_dma2 semaphore(%run_scoped3A : memref<!tpu.dma_semaphore, #tpu.memory_space<semaphore_mem>>) src(%dma_wait3A_237 : memref<1000x128xf32, #tpu.memory_space<vmem_shared>>) dst(%dma_wait3A_235 : memref<1000x128xf32, #tpu.memory_space<hbm>>)
        tpu.yield
      }) : () -> ()
    } else {
    }
    %eq3A_222 = arith.constant 1 : i32
    %eq3A_223 = arith.cmpi eq, %arg0, %eq3A_222 : i32
    %lt3A_224 = arith.constant 10 : i32
    %lt3A_225 = arith.cmpi slt, %arg1, %lt3A_224 : i32
    %and3A_226 = arith.andi %eq3A_223, %lt3A_225 : i1
    %convert_element_type3A_227 = arith.extui %and3A_226 : i1 to i32
    %cond3A_228 = arith.constant 0 : i32
    %cond3A_229 = arith.cmpi ne, %convert_element_type3A_227, %cond3A_228 : i32
    scf.if %cond3A_229 {
      "tpu.region"() ({
        %run_scoped3A = tpu.sem_alloc : memref<!tpu.dma_semaphore, #tpu.memory_space<semaphore_mem>>
        %dma_start3A_230 = arith.constant 0 : i32
        %dma_start3A_231 = tpu.memref_slice %arg7[%multiple_of3A_214, %dma_start3A_230] : memref<10000x128xf32, #tpu.memory_space<hbm>> -> memref<1000x128xf32, #tpu.memory_space<hbm>>
        %dma_start3A_232 = arith.constant 0 : i32
        %dma_start3A_233 = tpu.memref_slice %arg8[%multiple_of3A_214, %dma_start3A_232] : memref<10016x128xf32, #tpu.memory_space<vmem_shared>> -> memref<1000x128xf32, #tpu.memory_space<vmem_shared>>
        tpu.enqueue_dma source(%dma_start3A_233 : memref<1000x128xf32, #tpu.memory_space<vmem_shared>>) target(%dma_start3A_231 : memref<1000x128xf32, #tpu.memory_space<hbm>>) target_semaphore(%run_scoped3A : memref<!tpu.dma_semaphore, #tpu.memory_space<semaphore_mem>>)
        %dma_wait3A_234 = arith.constant 0 : i32
        %dma_wait3A_235 = tpu.memref_slice %arg7[%multiple_of3A_214, %dma_wait3A_234] : memref<10000x128xf32, #tpu.memory_space<hbm>> -> memref<1000x128xf32, #tpu.memory_space<hbm>>
        %dma_wait3A_236 = arith.constant 0 : i32
        %dma_wait3A_237 = tpu.memref_slice %arg8[%multiple_of3A_214, %dma_wait3A_236] : memref<10016x128xf32, #tpu.memory_space<vmem_shared>> -> memref<1000x128xf32, #tpu.memory_space<vmem_shared>>
        tpu.wait_dma2 semaphore(%run_scoped3A : memref<!tpu.dma_semaphore, #tpu.memory_space<semaphore_mem>>) src(%dma_wait3A_237 : memref<1000x128xf32, #tpu.memory_space<vmem_shared>>) dst(%dma_wait3A_235 : memref<1000x128xf32, #tpu.memory_space<hbm>>)
        tpu.yield
      }) : () -> ()
    } else {
    }
    return
  }
}

module attributes {stable_mosaic.version = 14 : i64} {
  func.func @_proj_block(%arg0: i32, %arg1: memref<2000x256xf32, #tpu.memory_space<vmem>>, %arg2: memref<2000x256xf32, #tpu.memory_space<vmem>>, %arg3: memref<256x256xf32, #tpu.memory_space<vmem>>, %arg4: memref<256x256xf32, #tpu.memory_space<vmem>>, %arg5: memref<256x256xf32, #tpu.memory_space<vmem>>, %arg6: memref<2000x256xf32, #tpu.memory_space<vmem>>, %arg7: memref<2000x256xf32, #tpu.memory_space<vmem>>, %arg8: memref<2000x128xf32, #tpu.memory_space<vmem>>, %arg9: memref<2000x128xf32, #tpu.memory_space<vmem>>) attributes {dimension_semantics = [#tpu.dimension_semantics<arbitrary>], iteration_bounds = array<i64: 5>, scalar_prefetch = 0 : i64, scratch_operands = 0 : i64, tpu.core_type = #tpu.core_type<tc>, window_params = [{transform_indices = @transform_0, window_bounds = array<i64: 2000, 256>}, {transform_indices = @transform_1, window_bounds = array<i64: 2000, 256>}, {pipeline_mode = #tpu.pipeline_mode<synchronous>, transform_indices = @transform_2, window_bounds = array<i64: 256, 256>}, {pipeline_mode = #tpu.pipeline_mode<synchronous>, transform_indices = @transform_3, window_bounds = array<i64: 256, 256>}, {pipeline_mode = #tpu.pipeline_mode<synchronous>, transform_indices = @transform_4, window_bounds = array<i64: 256, 256>}, {transform_indices = @transform_5, window_bounds = array<i64: 2000, 256>}, {transform_indices = @transform_6, window_bounds = array<i64: 2000, 256>}, {transform_indices = @transform_7, window_bounds = array<i64: 2000, 128>}, {transform_indices = @transform_8, window_bounds = array<i64: 2000, 128>}]} {
    %get3A = arith.constant 0 : index
    %get3A_0 = arith.constant 0 : index
    %get3A_1 = vector.load %arg1[%get3A, %get3A_0] : memref<2000x256xf32, #tpu.memory_space<vmem>>, vector<2000x256xf32>
    %get3A_2 = arith.constant 0 : index
    %get3A_3 = arith.constant 0 : index
    %get3A_4 = vector.load %arg3[%get3A_2, %get3A_3] : memref<256x256xf32, #tpu.memory_space<vmem>>, vector<256x256xf32>
    %dot_general3A = arith.constant dense<0.000000e+00> : vector<2000x256xf32>
    %dot_general3A_5 = tpu.matmul %get3A_1, %get3A_4, %dot_general3A {dimension_numbers = #tpu.dot_dimension_numbers<[1], [0], [0], [1], [0, 0, 1, 1], [], []>, transpose_lhs_hint = false} : vector<2000x256xf32>, vector<256x256xf32>, vector<2000x256xf32> -> vector<2000x256xf32>
    %swap3A = arith.constant 0 : index
    %swap3A_6 = arith.constant 0 : index
    %swap3A_7 = vector.load %arg6[%swap3A, %swap3A_6] : memref<2000x256xf32, #tpu.memory_space<vmem>>, vector<2000x256xf32>
    tpu.vector_store %arg6[%swap3A, %swap3A_6], %dot_general3A_5 {strides = array<i32>} : memref<2000x256xf32, #tpu.memory_space<vmem>>, vector<2000x256xf32>,
    %get3A_8 = arith.constant 0 : index
    %get3A_9 = arith.constant 0 : index
    %get3A_10 = vector.load %arg2[%get3A_8, %get3A_9] : memref<2000x256xf32, #tpu.memory_space<vmem>>, vector<2000x256xf32>
    %get3A_11 = arith.constant 0 : index
    %get3A_12 = arith.constant 0 : index
    %get3A_13 = vector.load %arg4[%get3A_11, %get3A_12] : memref<256x256xf32, #tpu.memory_space<vmem>>, vector<256x256xf32>
    %dot_general3A_14 = arith.constant dense<0.000000e+00> : vector<2000x256xf32>
    %dot_general3A_15 = tpu.matmul %get3A_10, %get3A_13, %dot_general3A_14 {dimension_numbers = #tpu.dot_dimension_numbers<[1], [0], [0], [1], [0, 0, 1, 1], [], []>, transpose_lhs_hint = false} : vector<2000x256xf32>, vector<256x256xf32>, vector<2000x256xf32> -> vector<2000x256xf32>
    %mul3A = arith.constant 0.176776692 : f32
    %mul3A_16 = vector.broadcast %mul3A : f32 to vector<2000x256xf32>
    %mul3A_17 = arith.mulf %dot_general3A_15, %mul3A_16 : vector<2000x256xf32>
    %swap3A_18 = arith.constant 0 : index
    %swap3A_19 = arith.constant 0 : index
    %swap3A_20 = vector.load %arg7[%swap3A_18, %swap3A_19] : memref<2000x256xf32, #tpu.memory_space<vmem>>, vector<2000x256xf32>
    tpu.vector_store %arg7[%swap3A_18, %swap3A_19], %mul3A_17 {strides = array<i32>} : memref<2000x256xf32, #tpu.memory_space<vmem>>, vector<2000x256xf32>,
    %get3A_21 = arith.constant 0 : index
    %get3A_22 = arith.constant 0 : index
    %get3A_23 = vector.load %arg2[%get3A_21, %get3A_22] : memref<2000x256xf32, #tpu.memory_space<vmem>>, vector<2000x256xf32>
    %get3A_24 = arith.constant 0 : index
    %get3A_25 = arith.constant 0 : index
    %get3A_26 = vector.load %arg5[%get3A_24, %get3A_25] : memref<256x256xf32, #tpu.memory_space<vmem>>, vector<256x256xf32>
    %dot_general3A_27 = arith.constant dense<0.000000e+00> : vector<2000x256xf32>
    %dot_general3A_28 = tpu.matmul %get3A_23, %get3A_26, %dot_general3A_27 {dimension_numbers = #tpu.dot_dimension_numbers<[1], [0], [0], [1], [0, 0, 1, 1], [], []>, transpose_lhs_hint = false} : vector<2000x256xf32>, vector<256x256xf32>, vector<2000x256xf32> -> vector<2000x256xf32>
    %slice3A = vector.extract_strided_slice %dot_general3A_28 {offsets = [0, 0], sizes = [2000, 128], strides = [1, 1]} : vector<2000x256xf32> to vector<2000x128xf32>
    %swap3A_29 = arith.constant 0 : index
    %swap3A_30 = arith.constant 0 : index
    %swap3A_31 = vector.load %arg8[%swap3A_29, %swap3A_30] : memref<2000x128xf32, #tpu.memory_space<vmem>>, vector<2000x128xf32>
    tpu.vector_store %arg8[%swap3A_29, %swap3A_30], %slice3A {strides = array<i32>} : memref<2000x128xf32, #tpu.memory_space<vmem>>, vector<2000x128xf32>,
    %slice3A_32 = vector.extract_strided_slice %dot_general3A_28 {offsets = [0, 128], sizes = [2000, 128], strides = [1, 1]} : vector<2000x256xf32> to vector<2000x128xf32>
    %swap3A_33 = arith.constant 0 : index
    %swap3A_34 = arith.constant 0 : index
    %swap3A_35 = vector.load %arg9[%swap3A_33, %swap3A_34] : memref<2000x128xf32, #tpu.memory_space<vmem>>, vector<2000x128xf32>
    tpu.vector_store %arg9[%swap3A_33, %swap3A_34], %slice3A_32 {strides = array<i32>} : memref<2000x128xf32, #tpu.memory_space<vmem>>, vector<2000x128xf32>,
    return
  }
  func.func @transform_0(%arg0: i32) -> (i32, i32) {
    %c0_i32 = arith.constant 0 : i32
    %c0_i32_0 = arith.constant 0 : i32
    return %arg0, %c0_i32 : i32, i32
  }
  func.func @transform_1(%arg0: i32) -> (i32, i32) {
    %c0_i32 = arith.constant 0 : i32
    %c0_i32_0 = arith.constant 0 : i32
    return %arg0, %c0_i32 : i32, i32
  }
  func.func @transform_2(%arg0: i32) -> (i32, i32) {
    %c0_i32 = arith.constant 0 : i32
    %c0_i32_0 = arith.constant 0 : i32
    %c0_i32_1 = arith.constant 0 : i32
    return %c0_i32, %c0_i32_0 : i32, i32
  }
  func.func @transform_3(%arg0: i32) -> (i32, i32) {
    %c0_i32 = arith.constant 0 : i32
    %c0_i32_0 = arith.constant 0 : i32
    %c0_i32_1 = arith.constant 0 : i32
    return %c0_i32, %c0_i32_0 : i32, i32
  }
  func.func @transform_4(%arg0: i32) -> (i32, i32) {
    %c0_i32 = arith.constant 0 : i32
    %c0_i32_0 = arith.constant 0 : i32
    %c0_i32_1 = arith.constant 0 : i32
    return %c0_i32, %c0_i32_0 : i32, i32
  }
  func.func @transform_5(%arg0: i32) -> (i32, i32) {
    %c0_i32 = arith.constant 0 : i32
    %c0_i32_0 = arith.constant 0 : i32
    return %arg0, %c0_i32 : i32, i32
  }
  func.func @transform_6(%arg0: i32) -> (i32, i32) {
    %c0_i32 = arith.constant 0 : i32
    %c0_i32_0 = arith.constant 0 : i32
    return %arg0, %c0_i32 : i32, i32
  }
  func.func @transform_7(%arg0: i32) -> (i32, i32) {
    %c0_i32 = arith.constant 0 : i32
    %c0_i32_0 = arith.constant 0 : i32
    return %arg0, %c0_i32 : i32, i32
  }
  func.func @transform_8(%arg0: i32) -> (i32, i32) {
    %c0_i32 = arith.constant 0 : i32
    %c0_i32_0 = arith.constant 0 : i32
    return %arg0, %c0_i32 : i32, i32
  }
}

module attributes {stable_mosaic.version = 14 : i64} {
  func.func @_post_block(%arg0: i32, %arg1: memref<1000x128xf32, #tpu.memory_space<vmem>>, %arg2: memref<1000x128xf32, #tpu.memory_space<vmem>>, %arg3: memref<1000x128xf32, #tpu.memory_space<vmem>>, %arg4: memref<1000x128xf32, #tpu.memory_space<vmem>>, %arg5: memref<1000x128xf32, #tpu.memory_space<vmem>>, %arg6: memref<1000x128xf32, #tpu.memory_space<vmem>>, %arg7: memref<1000x256xf32, #tpu.memory_space<vmem>>, %arg8: memref<256x256xf32, #tpu.memory_space<vmem>>, %arg9: memref<256x1024xf32, #tpu.memory_space<vmem>>, %arg10: memref<1x1024xf32, #tpu.memory_space<vmem>>, %arg11: memref<1024x256xf32, #tpu.memory_space<vmem>>, %arg12: memref<1x256xf32, #tpu.memory_space<vmem>>, %arg13: memref<1x256xf32, #tpu.memory_space<vmem>>, %arg14: memref<1x256xf32, #tpu.memory_space<vmem>>, %arg15: memref<1x256xf32, #tpu.memory_space<vmem>>, %arg16: memref<1x256xf32, #tpu.memory_space<vmem>>, %arg17: memref<1000x256xf32, #tpu.memory_space<vmem>>) attributes {dimension_semantics = [#tpu.dimension_semantics<arbitrary>], iteration_bounds = array<i64: 10>, scalar_prefetch = 0 : i64, scratch_operands = 0 : i64, tpu.core_type = #tpu.core_type<tc>, window_params = [{transform_indices = @transform_0, window_bounds = array<i64: 1000, 128>}, {transform_indices = @transform_1, window_bounds = array<i64: 1000, 128>}, {transform_indices = @transform_2, window_bounds = array<i64: 1000, 128>}, {transform_indices = @transform_3, window_bounds = array<i64: 1000, 128>}, {transform_indices = @transform_4, window_bounds = array<i64: 1000, 128>}, {transform_indices = @transform_5, window_bounds = array<i64: 1000, 128>}, {transform_indices = @transform_6, window_bounds = array<i64: 1000, 256>}, {pipeline_mode = #tpu.pipeline_mode<synchronous>, transform_indices = @transform_7, window_bounds = array<i64: 256, 256>}, {pipeline_mode = #tpu.pipeline_mode<synchronous>, transform_indices = @transform_8, window_bounds = array<i64: 256, 1024>}, {pipeline_mode = #tpu.pipeline_mode<synchronous>, transform_indices = @transform_9, window_bounds = array<i64: 1, 1024>}, {pipeline_mode = #tpu.pipeline_mode<synchronous>, transform_indices = @transform_10, window_bounds = array<i64: 1024, 256>}, {pipeline_mode = #tpu.pipeline_mode<synchronous>, transform_indices = @transform_11, window_bounds = array<i64: 1, 256>}, {pipeline_mode = #tpu.pipeline_mode<synchronous>, transform_indices = @transform_12, window_bounds = array<i64: 1, 256>}, {pipeline_mode = #tpu.pipeline_mode<synchronous>, transform_indices = @transform_13, window_bounds = array<i64: 1, 256>}, {pipeline_mode = #tpu.pipeline_mode<synchronous>, transform_indices = @transform_14, window_bounds = array<i64: 1, 256>}, {pipeline_mode = #tpu.pipeline_mode<synchronous>, transform_indices = @transform_15, window_bounds = array<i64: 1, 256>}, {transform_indices = @transform_16, window_bounds = array<i64: 1000, 256>}]} {
    %get3A = arith.constant 0 : index
    %get3A_0 = arith.constant 0 : index
    %get3A_1 = vector.load %arg1[%get3A, %get3A_0] : memref<1000x128xf32, #tpu.memory_space<vmem>>, vector<1000x128xf32>
    %get3A_2 = arith.constant 0 : index
    %get3A_3 = arith.constant 0 : index
    %get3A_4 = vector.load %arg2[%get3A_2, %get3A_3] : memref<1000x128xf32, #tpu.memory_space<vmem>>, vector<1000x128xf32>
    %add3A = arith.addf %get3A_1, %get3A_4 : vector<1000x128xf32>
    %get3A_5 = arith.constant 0 : index
    %get3A_6 = arith.constant 0 : index
    %get3A_7 = vector.load %arg3[%get3A_5, %get3A_6] : memref<1000x128xf32, #tpu.memory_space<vmem>>, vector<1000x128xf32>
    %get3A_8 = arith.constant 0 : index
    %get3A_9 = arith.constant 0 : index
    %get3A_10 = vector.load %arg4[%get3A_8, %get3A_9] : memref<1000x128xf32, #tpu.memory_space<vmem>>, vector<1000x128xf32>
    %add3A_11 = arith.addf %get3A_7, %get3A_10 : vector<1000x128xf32>
    %get3A_12 = arith.constant 0 : index
    %get3A_13 = arith.constant 0 : index
    %get3A_14 = vector.load %arg5[%get3A_12, %get3A_13] : memref<1000x128xf32, #tpu.memory_space<vmem>>, vector<1000x128xf32>
    %get3A_15 = arith.constant 0 : index
    %get3A_16 = arith.constant 0 : index
    %get3A_17 = vector.load %arg6[%get3A_15, %get3A_16] : memref<1000x128xf32, #tpu.memory_space<vmem>>, vector<1000x128xf32>
    %add3A_18 = arith.addf %get3A_14, %get3A_17 : vector<1000x128xf32>
    %add3A_19 = arith.constant 9.99999971E-10 : f32
    %add3A_20 = vector.broadcast %add3A_19 : f32 to vector<1000x128xf32>
    %add3A_21 = arith.addf %add3A_18, %add3A_20 : vector<1000x128xf32>
    %slice3A = vector.extract_strided_slice %add3A_21 {offsets = [0, 0], sizes = [1000, 1], strides = [1, 1]} : vector<1000x128xf32> to vector<1000x1xf32>
    %broadcast_in_dim3A = vector.shape_cast %slice3A : vector<1000x1xf32> to vector<1000x1xf32>
    %broadcast_in_dim3A_22 = vector.broadcast %broadcast_in_dim3A : vector<1000x1xf32> to vector<1000x32xf32>
    %slice3A_23 = vector.extract_strided_slice %add3A_21 {offsets = [0, 1], sizes = [1000, 1], strides = [1, 1]} : vector<1000x128xf32> to vector<1000x1xf32>
    %broadcast_in_dim3A_24 = vector.shape_cast %slice3A_23 : vector<1000x1xf32> to vector<1000x1xf32>
    %broadcast_in_dim3A_25 = vector.broadcast %broadcast_in_dim3A_24 : vector<1000x1xf32> to vector<1000x32xf32>
    %slice3A_26 = vector.extract_strided_slice %add3A_21 {offsets = [0, 2], sizes = [1000, 1], strides = [1, 1]} : vector<1000x128xf32> to vector<1000x1xf32>
    %broadcast_in_dim3A_27 = vector.shape_cast %slice3A_26 : vector<1000x1xf32> to vector<1000x1xf32>
    %broadcast_in_dim3A_28 = vector.broadcast %broadcast_in_dim3A_27 : vector<1000x1xf32> to vector<1000x32xf32>
    %slice3A_29 = vector.extract_strided_slice %add3A_21 {offsets = [0, 3], sizes = [1000, 1], strides = [1, 1]} : vector<1000x128xf32> to vector<1000x1xf32>
    %broadcast_in_dim3A_30 = vector.shape_cast %slice3A_29 : vector<1000x1xf32> to vector<1000x1xf32>
    %broadcast_in_dim3A_31 = vector.broadcast %broadcast_in_dim3A_30 : vector<1000x1xf32> to vector<1000x32xf32>
    %slice3A_32 = vector.extract_strided_slice %add3A_21 {offsets = [0, 4], sizes = [1000, 1], strides = [1, 1]} : vector<1000x128xf32> to vector<1000x1xf32>
    %broadcast_in_dim3A_33 = vector.shape_cast %slice3A_32 : vector<1000x1xf32> to vector<1000x1xf32>
    %broadcast_in_dim3A_34 = vector.broadcast %broadcast_in_dim3A_33 : vector<1000x1xf32> to vector<1000x32xf32>
    %slice3A_35 = vector.extract_strided_slice %add3A_21 {offsets = [0, 5], sizes = [1000, 1], strides = [1, 1]} : vector<1000x128xf32> to vector<1000x1xf32>
    %broadcast_in_dim3A_36 = vector.shape_cast %slice3A_35 : vector<1000x1xf32> to vector<1000x1xf32>
    %broadcast_in_dim3A_37 = vector.broadcast %broadcast_in_dim3A_36 : vector<1000x1xf32> to vector<1000x32xf32>
    %slice3A_38 = vector.extract_strided_slice %add3A_21 {offsets = [0, 6], sizes = [1000, 1], strides = [1, 1]} : vector<1000x128xf32> to vector<1000x1xf32>
    %broadcast_in_dim3A_39 = vector.shape_cast %slice3A_38 : vector<1000x1xf32> to vector<1000x1xf32>
    %broadcast_in_dim3A_40 = vector.broadcast %broadcast_in_dim3A_39 : vector<1000x1xf32> to vector<1000x32xf32>
    %slice3A_41 = vector.extract_strided_slice %add3A_21 {offsets = [0, 7], sizes = [1000, 1], strides = [1, 1]} : vector<1000x128xf32> to vector<1000x1xf32>
    %broadcast_in_dim3A_42 = vector.shape_cast %slice3A_41 : vector<1000x1xf32> to vector<1000x1xf32>
    %broadcast_in_dim3A_43 = vector.broadcast %broadcast_in_dim3A_42 : vector<1000x1xf32> to vector<1000x32xf32>
    %concatenate3A = tpu.concatenate %broadcast_in_dim3A_22, %broadcast_in_dim3A_25, %broadcast_in_dim3A_28, %broadcast_in_dim3A_31, %broadcast_in_dim3A_34, %broadcast_in_dim3A_37, %broadcast_in_dim3A_40, %broadcast_in_dim3A_43 in 1 : vector<1000x32xf32>, vector<1000x32xf32>, vector<1000x32xf32>, vector<1000x32xf32>, vector<1000x32xf32>, vector<1000x32xf32>, vector<1000x32xf32>, vector<1000x32xf32> -> vector<1000x256xf32>
    %slice3A_44 = vector.extract_strided_slice %concatenate3A {offsets = [0, 0], sizes = [1000, 128], strides = [1, 1]} : vector<1000x256xf32> to vector<1000x128xf32>
    %div3A = arith.divf %add3A, %slice3A_44 : vector<1000x128xf32>
    %slice3A_45 = vector.extract_strided_slice %concatenate3A {offsets = [0, 128], sizes = [1000, 128], strides = [1, 1]} : vector<1000x256xf32> to vector<1000x128xf32>
    %div3A_46 = arith.divf %add3A_11, %slice3A_45 : vector<1000x128xf32>
    %concatenate3A_47 = tpu.concatenate %div3A, %div3A_46 in 1 : vector<1000x128xf32>, vector<1000x128xf32> -> vector<1000x256xf32>
    %get3A_48 = arith.constant 0 : index
    %get3A_49 = arith.constant 0 : index
    %get3A_50 = vector.load %arg8[%get3A_48, %get3A_49] : memref<256x256xf32, #tpu.memory_space<vmem>>, vector<256x256xf32>
    %dot_general3A = arith.constant dense<0.000000e+00> : vector<1000x256xf32>
    %dot_general3A_51 = tpu.matmul %concatenate3A_47, %get3A_50, %dot_general3A {dimension_numbers = #tpu.dot_dimension_numbers<[1], [0], [0], [1], [0, 0, 1, 1], [], []>, transpose_lhs_hint = false} : vector<1000x256xf32>, vector<256x256xf32>, vector<1000x256xf32> -> vector<1000x256xf32>
    %get3A_52 = arith.constant 0 : index
    %get3A_53 = arith.constant 0 : index
    %get3A_54 = vector.load %arg7[%get3A_52, %get3A_53] : memref<1000x256xf32, #tpu.memory_space<vmem>>, vector<1000x256xf32>
    %add3A_55 = arith.addf %get3A_54, %dot_general3A_51 : vector<1000x256xf32>
    %reduce_sum3A = arith.constant dense<0.000000e+00> : vector<1000xf32>
    %reduce_sum3A_56 = vector.multi_reduction <add>, %add3A_55, %reduce_sum3A [1] : vector<1000x256xf32> to vector<1000xf32>
    %broadcast_in_dim3A_57 = vector.shape_cast %reduce_sum3A_56 : vector<1000xf32> to vector<1000x1xf32>
    %div3A_58 = arith.constant 2.560000e+02 : f32
    %div3A_59 = vector.broadcast %div3A_58 : f32 to vector<1000x1xf32>
    %div3A_60 = arith.divf %broadcast_in_dim3A_57, %div3A_59 : vector<1000x1xf32>
    %sub3A = vector.broadcast %div3A_60 : vector<1000x1xf32> to vector<1000x256xf32>
    %sub3A_61 = arith.subf %add3A_55, %sub3A : vector<1000x256xf32>
    %integer_pow3A = arith.mulf %sub3A_61, %sub3A_61 : vector<1000x256xf32>
    %reduce_sum3A_62 = arith.constant dense<0.000000e+00> : vector<1000xf32>
    %reduce_sum3A_63 = vector.multi_reduction <add>, %integer_pow3A, %reduce_sum3A_62 [1] : vector<1000x256xf32> to vector<1000xf32>
    %broadcast_in_dim3A_64 = vector.shape_cast %reduce_sum3A_63 : vector<1000xf32> to vector<1000x1xf32>
    %div3A_65 = arith.constant 2.560000e+02 : f32
    %div3A_66 = vector.broadcast %div3A_65 : f32 to vector<1000x1xf32>
    %div3A_67 = arith.divf %broadcast_in_dim3A_64, %div3A_66 : vector<1000x1xf32>
    %sub3A_68 = vector.broadcast %div3A_60 : vector<1000x1xf32> to vector<1000x256xf32>
    %sub3A_69 = arith.subf %add3A_55, %sub3A_68 : vector<1000x256xf32>
    %add3A_70 = arith.constant 9.99999974E-6 : f32
    %add3A_71 = vector.broadcast %add3A_70 : f32 to vector<1000x1xf32>
    %add3A_72 = arith.addf %div3A_67, %add3A_71 : vector<1000x1xf32>
    %sqrt3A = math.sqrt %add3A_72 : vector<1000x1xf32>
    %div3A_73 = vector.broadcast %sqrt3A : vector<1000x1xf32> to vector<1000x256xf32>
    %div3A_74 = arith.divf %sub3A_69, %div3A_73 : vector<1000x256xf32>
    %get3A_75 = arith.constant 0 : index
    %get3A_76 = arith.constant 0 : index
    %get3A_77 = vector.load %arg13[%get3A_75, %get3A_76] : memref<1x256xf32, #tpu.memory_space<vmem>>, vector<1x256xf32>
    %mul3A = vector.broadcast %get3A_77 : vector<1x256xf32> to vector<1000x256xf32>
    %mul3A_78 = arith.mulf %div3A_74, %mul3A : vector<1000x256xf32>
    %get3A_79 = arith.constant 0 : index
    %get3A_80 = arith.constant 0 : index
    %get3A_81 = vector.load %arg14[%get3A_79, %get3A_80] : memref<1x256xf32, #tpu.memory_space<vmem>>, vector<1x256xf32>
    %add3A_82 = vector.broadcast %get3A_81 : vector<1x256xf32> to vector<1000x256xf32>
    %add3A_83 = arith.addf %mul3A_78, %add3A_82 : vector<1000x256xf32>
    %get3A_84 = arith.constant 0 : index
    %get3A_85 = arith.constant 0 : index
    %get3A_86 = vector.load %arg9[%get3A_84, %get3A_85] : memref<256x1024xf32, #tpu.memory_space<vmem>>, vector<256x1024xf32>
    %dot_general3A_87 = arith.constant dense<0.000000e+00> : vector<1000x1024xf32>
    %dot_general3A_88 = tpu.matmul %add3A_83, %get3A_86, %dot_general3A_87 {dimension_numbers = #tpu.dot_dimension_numbers<[1], [0], [0], [1], [0, 0, 1, 1], [], []>, transpose_lhs_hint = false} : vector<1000x256xf32>, vector<256x1024xf32>, vector<1000x1024xf32> -> vector<1000x1024xf32>
    %get3A_89 = arith.constant 0 : index
    %get3A_90 = arith.constant 0 : index
    %get3A_91 = vector.load %arg10[%get3A_89, %get3A_90] : memref<1x1024xf32, #tpu.memory_space<vmem>>, vector<1x1024xf32>
    %add3A_92 = vector.broadcast %get3A_91 : vector<1x1024xf32> to vector<1000x1024xf32>
    %add3A_93 = arith.addf %dot_general3A_88, %add3A_92 : vector<1000x1024xf32>
    %max3A = arith.constant 0.000000e+00 : f32
    %max3A_94 = vector.broadcast %max3A : f32 to vector<1000x1024xf32>
    %max3A_95 = arith.maximumf %add3A_93, %max3A_94 : vector<1000x1024xf32>
    %get3A_96 = arith.constant 0 : index
    %get3A_97 = arith.constant 0 : index
    %get3A_98 = vector.load %arg11[%get3A_96, %get3A_97] : memref<1024x256xf32, #tpu.memory_space<vmem>>, vector<1024x256xf32>
    %dot_general3A_99 = arith.constant dense<0.000000e+00> : vector<1000x256xf32>
    %dot_general3A_100 = tpu.matmul %max3A_95, %get3A_98, %dot_general3A_99 {dimension_numbers = #tpu.dot_dimension_numbers<[1], [0], [0], [1], [0, 0, 1, 1], [], []>, transpose_lhs_hint = false} : vector<1000x1024xf32>, vector<1024x256xf32>, vector<1000x256xf32> -> vector<1000x256xf32>
    %get3A_101 = arith.constant 0 : index
    %get3A_102 = arith.constant 0 : index
    %get3A_103 = vector.load %arg12[%get3A_101, %get3A_102] : memref<1x256xf32, #tpu.memory_space<vmem>>, vector<1x256xf32>
    %add3A_104 = vector.broadcast %get3A_103 : vector<1x256xf32> to vector<1000x256xf32>
    %add3A_105 = arith.addf %dot_general3A_100, %add3A_104 : vector<1000x256xf32>
    %add3A_106 = arith.addf %add3A_83, %add3A_105 : vector<1000x256xf32>
    %reduce_sum3A_107 = arith.constant dense<0.000000e+00> : vector<1000xf32>
    %reduce_sum3A_108 = vector.multi_reduction <add>, %add3A_106, %reduce_sum3A_107 [1] : vector<1000x256xf32> to vector<1000xf32>
    %broadcast_in_dim3A_109 = vector.shape_cast %reduce_sum3A_108 : vector<1000xf32> to vector<1000x1xf32>
    %div3A_110 = arith.constant 2.560000e+02 : f32
    %div3A_111 = vector.broadcast %div3A_110 : f32 to vector<1000x1xf32>
    %div3A_112 = arith.divf %broadcast_in_dim3A_109, %div3A_111 : vector<1000x1xf32>
    %sub3A_113 = vector.broadcast %div3A_112 : vector<1000x1xf32> to vector<1000x256xf32>
    %sub3A_114 = arith.subf %add3A_106, %sub3A_113 : vector<1000x256xf32>
    %integer_pow3A_115 = arith.mulf %sub3A_114, %sub3A_114 : vector<1000x256xf32>
    %reduce_sum3A_116 = arith.constant dense<0.000000e+00> : vector<1000xf32>
    %reduce_sum3A_117 = vector.multi_reduction <add>, %integer_pow3A_115, %reduce_sum3A_116 [1] : vector<1000x256xf32> to vector<1000xf32>
    %broadcast_in_dim3A_118 = vector.shape_cast %reduce_sum3A_117 : vector<1000xf32> to vector<1000x1xf32>
    %div3A_119 = arith.constant 2.560000e+02 : f32
    %div3A_120 = vector.broadcast %div3A_119 : f32 to vector<1000x1xf32>
    %div3A_121 = arith.divf %broadcast_in_dim3A_118, %div3A_120 : vector<1000x1xf32>
    %sub3A_122 = vector.broadcast %div3A_112 : vector<1000x1xf32> to vector<1000x256xf32>
    %sub3A_123 = arith.subf %add3A_106, %sub3A_122 : vector<1000x256xf32>
    %add3A_124 = arith.constant 9.99999974E-6 : f32
    %add3A_125 = vector.broadcast %add3A_124 : f32 to vector<1000x1xf32>
    %add3A_126 = arith.addf %div3A_121, %add3A_125 : vector<1000x1xf32>
    %sqrt3A_127 = math.sqrt %add3A_126 : vector<1000x1xf32>
    %div3A_128 = vector.broadcast %sqrt3A_127 : vector<1000x1xf32> to vector<1000x256xf32>
    %div3A_129 = arith.divf %sub3A_123, %div3A_128 : vector<1000x256xf32>
    %get3A_130 = arith.constant 0 : index
    %get3A_131 = arith.constant 0 : index
    %get3A_132 = vector.load %arg15[%get3A_130, %get3A_131] : memref<1x256xf32, #tpu.memory_space<vmem>>, vector<1x256xf32>
    %mul3A_133 = vector.broadcast %get3A_132 : vector<1x256xf32> to vector<1000x256xf32>
    %mul3A_134 = arith.mulf %div3A_129, %mul3A_133 : vector<1000x256xf32>
    %get3A_135 = arith.constant 0 : index
    %get3A_136 = arith.constant 0 : index
    %get3A_137 = vector.load %arg16[%get3A_135, %get3A_136] : memref<1x256xf32, #tpu.memory_space<vmem>>, vector<1x256xf32>
    %add3A_138 = vector.broadcast %get3A_137 : vector<1x256xf32> to vector<1000x256xf32>
    %add3A_139 = arith.addf %mul3A_134, %add3A_138 : vector<1000x256xf32>
    %swap3A = arith.constant 0 : index
    %swap3A_140 = arith.constant 0 : index
    %swap3A_141 = vector.load %arg17[%swap3A, %swap3A_140] : memref<1000x256xf32, #tpu.memory_space<vmem>>, vector<1000x256xf32>
    tpu.vector_store %arg17[%swap3A, %swap3A_140], %add3A_139 {strides = array<i32>} : memref<1000x256xf32, #tpu.memory_space<vmem>>, vector<1000x256xf32>,
    return
  }
  func.func @transform_0(%arg0: i32) -> (i32, i32) {
    %c0_i32 = arith.constant 0 : i32
    %c0_i32_0 = arith.constant 0 : i32
    return %arg0, %c0_i32 : i32, i32
  }
  func.func @transform_1(%arg0: i32) -> (i32, i32) {
    %c0_i32 = arith.constant 0 : i32
    %c0_i32_0 = arith.constant 0 : i32
    return %arg0, %c0_i32 : i32, i32
  }
  func.func @transform_2(%arg0: i32) -> (i32, i32) {
    %c0_i32 = arith.constant 0 : i32
    %c0_i32_0 = arith.constant 0 : i32
    return %arg0, %c0_i32 : i32, i32
  }
  func.func @transform_3(%arg0: i32) -> (i32, i32) {
    %c0_i32 = arith.constant 0 : i32
    %c0_i32_0 = arith.constant 0 : i32
    return %arg0, %c0_i32 : i32, i32
  }
  func.func @transform_4(%arg0: i32) -> (i32, i32) {
    %c0_i32 = arith.constant 0 : i32
    %c0_i32_0 = arith.constant 0 : i32
    return %arg0, %c0_i32 : i32, i32
  }
  func.func @transform_5(%arg0: i32) -> (i32, i32) {
    %c0_i32 = arith.constant 0 : i32
    %c0_i32_0 = arith.constant 0 : i32
    return %arg0, %c0_i32 : i32, i32
  }
  func.func @transform_6(%arg0: i32) -> (i32, i32) {
    %c0_i32 = arith.constant 0 : i32
    %c0_i32_0 = arith.constant 0 : i32
    return %arg0, %c0_i32 : i32, i32
  }
  func.func @transform_7(%arg0: i32) -> (i32, i32) {
    %c0_i32 = arith.constant 0 : i32
    %c0_i32_0 = arith.constant 0 : i32
    %c0_i32_1 = arith.constant 0 : i32
    return %c0_i32, %c0_i32_0 : i32, i32
  }
  func.func @transform_8(%arg0: i32) -> (i32, i32) {
    %c0_i32 = arith.constant 0 : i32
    %c0_i32_0 = arith.constant 0 : i32
    %c0_i32_1 = arith.constant 0 : i32
    return %c0_i32, %c0_i32_0 : i32, i32
  }
  func.func @transform_9(%arg0: i32) -> (i32, i32) {
    %c0_i32 = arith.constant 0 : i32
    %c0_i32_0 = arith.constant 0 : i32
    %c0_i32_1 = arith.constant 0 : i32
    return %c0_i32, %c0_i32_0 : i32, i32
  }
  func.func @transform_10(%arg0: i32) -> (i32, i32) {
    %c0_i32 = arith.constant 0 : i32
    %c0_i32_0 = arith.constant 0 : i32
    %c0_i32_1 = arith.constant 0 : i32
    return %c0_i32, %c0_i32_0 : i32, i32
  }
  func.func @transform_11(%arg0: i32) -> (i32, i32) {
    %c0_i32 = arith.constant 0 : i32
    %c0_i32_0 = arith.constant 0 : i32
    %c0_i32_1 = arith.constant 0 : i32
    return %c0_i32, %c0_i32_0 : i32, i32
  }
  func.func @transform_12(%arg0: i32) -> (i32, i32) {
    %c0_i32 = arith.constant 0 : i32
    %c0_i32_0 = arith.constant 0 : i32
    %c0_i32_1 = arith.constant 0 : i32
    return %c0_i32, %c0_i32_0 : i32, i32
  }
  func.func @transform_13(%arg0: i32) -> (i32, i32) {
    %c0_i32 = arith.constant 0 : i32
    %c0_i32_0 = arith.constant 0 : i32
    %c0_i32_1 = arith.constant 0 : i32
    return %c0_i32, %c0_i32_0 : i32, i32
  }
  func.func @transform_14(%arg0: i32) -> (i32, i32) {
    %c0_i32 = arith.constant 0 : i32
    %c0_i32_0 = arith.constant 0 : i32
    %c0_i32_1 = arith.constant 0 : i32
    return %c0_i32, %c0_i32_0 : i32, i32
  }
  func.func @transform_15(%arg0: i32) -> (i32, i32) {
    %c0_i32 = arith.constant 0 : i32
    %c0_i32_0 = arith.constant 0 : i32
    %c0_i32_1 = arith.constant 0 : i32
    return %c0_i32, %c0_i32_0 : i32, i32
  }
  func.func @transform_16(%arg0: i32) -> (i32, i32) {
    %c0_i32 = arith.constant 0 : i32
    %c0_i32_0 = arith.constant 0 : i32
    return %arg0, %c0_i32 : i32, i32
  }
}

</mosaic_0001>

<sc_bundles>
// kernel: kernel.11.cloned.1.call-start
scs
__scs_entry_jumppad:
0x0: {  	(pc) =	sbr.rel $0x88, $3  }
0x1: {  	(tag) =	ssettag $0x0;
	lr =	simm.s32 $0x1  }
0x2: {  	[smem:$0x3F92] =	sst lr;
	_ =	strace $0xD0000000  }
0x3: {  	_ = 	snop  }
0x4: {  	_ = 	snop  }
0x5: {  	_ = 	snop  }
0x6: {  	_ = 	snop  }
0x7: {  	_ = 	snop  }
__scs_overlays_trampoline_lowered:
0x8: {  	[smem:$0x3FA1] =	sst s0  }
0x9: {  	[smem:$0x3FA2] =	sst s1  }
0xa: {  	[smem:$0x3FA3] =	sst s2  }
0xb: {  	[smem:$0x3FA4] =	sst s3  }
0xc: {  	[smem:$0x3FA5] =	sst s4  }
0xd: {  	[smem:$0x3FA6] =	sst s5  }
0xe: {  	[smem:$0x3FA7] =	sst s6  }
0xf: {  	[smem:$0x3FA8] =	sst s7  }
0x10: {  	[smem:$0x3FA9] =	sst s8  }
0x11: {  	[smem:$0x3FAA] =	sst s9;
	s0 =	simm.s32 @!p0 $0x0  }
0x12: {  	s1 =	sld [smem:$0x3F90];
	s0 =	simm.s32 @p0 $0x1  }
0x13: {  	[smem:$0x3FAB] =	sst s0;
	s0 =	simm.s32 @!p1 $0x0  }
0x14: {  	s2 =	sld [smem:$0x3F8F];
	s0 =	simm.s32 @p1 $0x1  }
0x15: {  	[smem:$0x3FAC] =	sst s0;
	s0 =	simm.s32 @!p2 $0x0  }
0x16: {  	s3 =	sld [smem:$0x3FDB];
	s0 =	simm.s32 @p2 $0x1  }
0x17: {  	s4 =	simm.s32 $0x1BF5;
	[smem:$0x3FAE] =	sst s0  }
0x18: {  	s0 =	sld [smem:$0x3F91];
	_ =	swait.ge [sflag:s4], $0x0  }
0x19: {  	s7 =	sld [smem:$0x3F92]  }
0x1a: {  	s8 =	sadd.s32 $0xFFFFE003, lr  }
0x1b: {  	s9 =	sadd.s32 $0xFFFFFEF7, lr;
	s5 =	simm.s32 $0xFFFFFFFF;
	p2 =	slt.u32 s8, $0xFFFFF086  }
0x1c: {  	p1 =	slt.u32 s9, $0xF7A;
	s5 =	simm.s32 @!p2 $0x0  }
0x1d: {  	s5 =	simm.s32 @p1 $0x1;
	p0 =	seq.s32 s7, s2  }
0x1e: {  	s7 =	smul.u32 @!p0 $0xF7A, s2;
	p2 =	seq.s32 @!p0 s5, $0x0  }
0x1f: {  	s9 =	smul.u32 $0xF7A, s1;
	s8 =	simm.s32 @!p0 $0x1BF5;
	p2 =	por !p2, p0  }
0x20: {  	[sflag:s8] =	ssyncset.s32 @!p0 $0xFFFFF086;
	s6 =	sadd.s32 @!p0 s3, s7;
	s7 =	simm.s32 @!p0 $0x108  }
0x21: {  	s3 =	sadd.s32 s3, s9;
	s6 =	sadd.s32 @!p0 $0x88, s6;
	s7 =	simm.s32 @p2 $0x1082  }
0x22: {  	[simem:s7], [sflag:s8] =	dma.local @!p0 [hbm:s6], $0xF7A  }
0x23: {  	s9 =	sor.u32 $0xD0000000, s2;
	s6 =	simm.s32 $0x108;
	_ =	swait.ge @!p0 [sflag:s8], $0x0  }
0x24: {  	s3 =	sadd.s32 $0x88, s3;
	s6 =	simm.s32 @!p1 $0x1082;
	[sflag:s4] =	ssyncset.s32 $0xFFFFF086  }
0x25: {  	[simem:s6], [sflag:s4] =	dma.local [hbm:s3], $0xF7A  }
0x26: {  	[smem:$0x3F92] =	sst s1;
	(tag) =	ssettag s2;
	_ =	strace s9  }
0x27: {  	s1 =	sld [smem:$0x3FA2]  }
0x28: {  	s2 =	sld [smem:$0x3FA3]  }
0x29: {  	s4 =	sld [smem:$0x3FA5]  }
0x2a: {  	p0 =	seq.s32 s5, $0x0;
	s5 =	sld [smem:$0x3FA6]  }
0x2b: {  	s6 =	sld [smem:$0x3FA7]  }
0x2c: {  	s7 =	sld [smem:$0x3FA8]  }
0x2d: {  	s3 =	simm.s32 $0x108;
	s8 =	sld [smem:$0x3FA9]  }
0x2e: {  	s3 =	simm.s32 @!p0 $0x1082;
	s9 =	sld [smem:$0x3FAA]  }
0x2f: {  	lr =	sadd.s32 s0, s3;
	s0 =	sld [smem:$0x3FA1]  }
0x30: {  	s3 =	sld [smem:$0x3FA4]  }
0x31: {  	[smem:$0x3FAD] =	sst s10  }
0x32: {  	s10 =	sld [smem:$0x3FAB];
	_ =	sdelay $0x3  }
0x33: {  	p0 =	seq.s32 s10, $0x1;
	s10 =	sld [smem:$0x3FAD];
	_ =	sdelay $0x3  }
0x34: {  	[smem:$0x3FAD] =	sst s10  }
0x35: {  	s10 =	sld [smem:$0x3FAC];
	_ =	sdelay $0x3  }
0x36: {  	p1 =	seq.s32 s10, $0x1;
	s10 =	sld [smem:$0x3FAD];
	_ =	sdelay $0x3  }
0x37: {  	[smem:$0x3FAD] =	sst s10  }
0x38: {  	s10 =	sld [smem:$0x3FAE]  }
0x39: {  	_ = 	snop;
	(pc) =	sbr.ind lr, $3  }
0x3a: {  	_ = 	snop  }
0x3b: {  	_ = 	snop  }
0x3c: {  	p2 =	seq.s32 s10, $0x1;
	s10 =	sld [smem:$0x3FAD]  }
0x3d: {  	_ =	shalt  }
0x3e: {  	_ =	shalt  }
0x3f: {  	_ =	shalt  }
0x40: {  	_ =	shalt  }
0x41: {  	_ =	shalt  }
0x42: {  	_ =	shalt  }
0x43: {  	_ =	shalt  }
0x44: {  	_ =	shalt  }
0x45: {  	_ =	shalt  }
0x46: {  	_ =	shalt  }
0x47: {  	_ =	shalt  }
0x48: {  	_ =	shalt  }
0x49: {  	_ =	shalt  }
0x4a: {  	_ =	shalt  }
0x4b: {  	_ =	shalt  }
0x4c: {  	_ =	shalt  }
0x4d: {  	_ =	shalt  }
0x4e: {  	_ =	shalt  }
0x4f: {  	_ =	shalt  }
0x50: {  	_ =	shalt  }
0x51: {  	_ =	shalt  }
0x52: {  	_ =	shalt  }
0x53: {  	_ =	shalt  }
0x54: {  	_ =	shalt  }
0x55: {  	_ =	shalt  }
0x56: {  	_ =	shalt  }
0x57: {  	_ =	shalt  }
0x58: {  	_ =	shalt  }
0x59: {  	_ =	shalt  }
0x5a: {  	_ =	shalt  }
0x5b: {  	_ =	shalt  }
0x5c: {  	_ =	shalt  }
0x5d: {  	_ =	shalt  }
0x5e: {  	_ =	shalt  }
0x5f: {  	_ =	shalt  }
0x60: {  	_ =	shalt  }
0x61: {  	_ =	shalt  }
0x62: {  	_ =	shalt  }
0x63: {  	_ =	shalt  }
0x64: {  	_ =	shalt  }
0x65: {  	_ =	shalt  }
0x66: {  	_ =	shalt  }
0x67: {  	_ =	shalt  }
0x68: {  	_ =	shalt  }
0x69: {  	_ =	shalt  }
0x6a: {  	_ =	shalt  }
0x6b: {  	_ =	shalt  }
0x6c: {  	_ =	shalt  }
0x6d: {  	_ =	shalt  }
0x6e: {  	_ =	shalt  }
0x6f: {  	_ =	shalt  }
0x70: {  	_ =	shalt  }
0x71: {  	_ =	shalt  }
0x72: {  	_ =	shalt  }
0x73: {  	_ =	shalt  }
0x74: {  	_ =	shalt  }
0x75: {  	_ =	shalt  }
0x76: {  	_ =	shalt  }
0x77: {  	_ =	shalt  }
0x78: {  	_ =	shalt  }
0x79: {  	_ =	shalt  }
0x7a: {  	_ =	shalt  }
0x7b: {  	_ =	shalt  }
0x7c: {  	_ =	shalt  }
0x7d: {  	_ =	shalt  }
0x7e: {  	_ =	shalt  }
0x7f: {  	_ =	shalt  }
0x80: {  	_ =	shalt  }
0x81: {  	_ =	shalt  }
0x82: {  	_ =	shalt  }
0x83: {  	_ =	shalt  }
0x84: {  	_ =	shalt  }
0x85: {  	_ =	shalt  }
0x86: {  	_ =	shalt  }
0x87: {  	_ =	shalt  }
.Lfunc_end0:
.L_simem_size_0:
called_computation.1_lowered:
.L_overlay_start_0:
0x88: {  	s2 =	sld [smem:$0x3FD9]  }
0x89: {  	s3 =	sld [smem:$0x3FFE];
	_ =	sdelay $0x1  }
0x8a: {  	s1 =	srdreg.scid  }
0x8b: {  	s0 =	sand.u32 $0x1, s1  }
0x8c: {  	s17 =	sshll.u32 s0, $0xA;
	s2 =	sadd.s32 s3, s2  }
0x8d: {  	s2 =	sadd.s32 s2, s17  }
0x8e: {  	[smem:$0x3FB9] =	sst s2  }
0x8f: {  	_ = 	snop  }
0x90: {  	s18 =	sld [smem:$0x3FD0];
	(tm) =	ssettm $0x1  }
0x91: {  	s19 =	sld [smem:$0x3FFB];
	_ =	sdelay $0x3  }
0x92: {  	_ =	strace s19  }
0x93: {  	s2 =	sld [smem:$0x3FFC];
	_ =	sdelay $0x3  }
0x94: {  	_ =	strace s2  }
0x95: {  	s2 =	sld [smem:$0x3FFD];
	_ =	sdelay $0x3  }
0x96: {  	_ =	strace s2  }
0x97: {  	_ =	strace $0x8FFFFFFF  }
0x98: {  	s20 =	sld [smem:$0x3FDB];
	_ =	sdelay $0x1  }
0x99: {  	s4 =	simm.s32 $_scs_section_size  }
0x9a: {  	s5 =	simm.s32 $_size__tile_overlayer_lowered;
	s6 =	simm.s32 $_tile_overlayer_lowered  }
0x9b: {  	s7 =	simm.s32 $0x1BFF;
	s21 =	sshll.u32 s6, $0x1;
	s4 =	sadd.s32 s4, s20  }
0x9c: {  	s22 =	simm.s32 $0x0;
	s5 =	sshll.u32 s5, $0x1;
	s6 =	sadd.s32 s21, s4  }
0x9d: {  	[timem:s22], [sflag:s7] =	dma.local [hbm:s6], s5  }
0x9e: {  	_ =	swait.ge [sflag:s7], s5  }
0x9f: {  	s5 =	ssub.s32 $0x0, s5;
	[sflag:s7] =	ssyncset.done $0x0  }
0xa0: {  	[sflag:s7] =	ssyncadd.s32 s5;
	_ =	sdelay $0x1  }
0xa1: {  	s23 =	simm.s32 $0x1B8B  }
0xa2: {  	_ =	swait.ge [sflag:s23], $0x1  }
0xa3: {  	[sflag:s23] =	ssyncset.done $0x0  }
0xa4: {  	[sflag:s23] =	ssyncadd.s32 $0xFFFFFFFF  }
0xa5: {  	s5 =	sld [smem:$0x0]  }
0xa6: {  	s6 =	sand.u32 $0xFFFFFFFE, s1  }
0xa7: {  	p0 =	sne.s32 s1, s6  }
0xa8: {  	s6 =	sshll.u32 @p0 s6, $0xE  }
0xa9: {  	s6 =	sadd.s32 @p0 $0x11B8D, s6;
	s7 =	sshll.u32 @p0 s5, $0x11  }
0xaa: {  	s6 =	sor.u32 @p0 s7, s6  }
0xab: {  	[sflag:s6] =	ssyncadd.remote.s32 @p0 $0x1;
	_ =	sdelay $0x1  }
0xac: {  	s6 =	simm.s32 @p0 $0x1B8D  }
0xad: {  	_ =	swait.eq @p0 [sflag:s6], $0x1  }
0xae: {  	[sflag:s6] =	ssyncadd.s32 @p0 $0xFFFFFFFF  }
0xaf: {  	s7 =	sshll.u32 @!p0 s1, $0xE  }
0xb0: {  	s7 =	sor.u32 @!p0 $0x4000, s7;
	s6 =	simm.s32 @!p0 $0x1B8D  }
0xb1: {  	s5 =	sshll.u32 @!p0 s5, $0x11;
	s7 =	sadd.s32 @!p0 $0x11B8D, s7;
	_ =	swait.eq @!p0 [sflag:s6], $0x1  }
0xb2: {  	s5 =	sor.u32 @!p0 s5, s7;
	[sflag:s6] =	ssyncadd.s32 @!p0 $0xFFFFFFFF  }
0xb3: {  	s25 =	simm.s32 $0x1B8E;
	s24 =	sld [smem:$0x3FFE];
	[sflag:s5] =	ssyncadd.remote.s32 @!p0 $0x1  }
0xb4: {  	s26 =	simm.s32 $execute0_lowered;
	[smem:$0x3FD2] =	sst s25  }
0xb5: {  	s6 =	sshll.u32 s26, $0x1;
	_ =	strace $0x8000004F;
	[dreg:$0x1] =	wrdreg $0xFFFFFFFF  }
0xb6: {  	s28 =	simm.s32 $_size_execute0_lowered;
	s4 =	sadd.s32 s4, s6;
	[dreg:$0x0] =	wrdreg $0x0  }
0xb7: {  	s6 =	sshll.u32 s28, $0x1;
	[dreg:$0x2] =	wrdreg s4  }
0xb8: {  	[dreg:$0x3] =	wrdreg s6  }
0xb9: {  	[dreg:$0x4] =	wrdreg $0xC0  }
0xba: {  	_ =	task [dreg:s22], $0x5FFFF  }
0xbb: {  	[dreg:$0x1] =	wrdreg $0xFFFFFFFF  }
0xbc: {  	[dreg:$0x0] =	wrdreg $0x60  }
0xbd: {  	[dreg:$0x2] =	wrdreg s24  }
0xbe: {  	[dreg:$0x3] =	wrdreg s18  }
0xbf: {  	[dreg:$0x4] =	wrdreg $0x0  }
0xc0: {  	[dreg:$0x5] =	wrdreg $0x9  }
0xc1: {  	_ =	task.clear_ibuf [dreg:s22], $0x6FFFF;
	_ =	strace $0x9000004F  }
0xc2: {  	s29 =	simm.s32 $0x9;
	_ =	strace $0x80000051  }
0xc3: {  	_ =	swait.ge [sflag:s29], $0x1  }
0xc4: {  	[sflag:s29] =	ssyncadd.s32 $0xFFFFFFFF  }
0xc5: {  	_ =	strace $0x90000051  }
0xc6: {  	_ =	sfence  }
0xc7: {  	s30 =	sld [smem:$0x0];
	_ =	sdelay $0x2  }
0xc8: {  	s31 =	sshll.u32 s1, $0xD;
	s1 =	sshrl.u32 s1, $0x2  }
0xc9: {  	s4 =	sand.u32 $0x4000, s31;
	s1 =	sadd.s32 s1, s30  }
0xca: {  	s0 =	sor.u32 s4, s0;
	s1 =	sshll.u32 s1, $0x11  }
0xcb: {  	s0 =	sor.u32 s1, s0  }
0xcc: {  	s0 =	sadd.s32 $0x8F2B, s0  }
0xcd: {  	[sflag:s0] =	ssyncadd.remote.s32 $0x1  }
0xce: {  	_ =	sfence.sel $0xFFFF  }
0xcf: {  	[dreg:$0x0] =	wrdreg $0xFFFFFFFF;
	(pc) =	sbr.abs _section_cstart, $3  }
0xd0: {  	[dreg:$0x1] =	wrdreg $0xFFFFFFFF  }
0xd1: {  	_ =	task.clear_ibuf [dreg:s22], $0x2FFFF;
	_ =	strace $0x9FFFFFFF  }
0xd2: {  	(tm) =	ssettm $0x7FFFFFFF  }
0xd3: {  	_ =	shalt  }
tec
execute0_lowered:
.L_overlay_start_1:
0x0: {  	(tag) =	ssettag $0x1  }
0x1: {  	s0 =	rddreg [dreg:$0x0]  }
0x2: {  	s2 =	srdreg.scid;
	s1 =	rddreg [dreg:$0x1]  }
0x3: {  	s3 =	stileid.u32;
	s4 =	simm.s32 $0x0;
	s17 =	simm.s32 $0x14100  }
0x4: {  	s18 =	simm.s32 $0x5;
	s19 =	simm.s32 $0x16100;
	s23 =	simm.s32 $0x13D00  }
0x5: {  	s28 =	simm.s32 $0x3;
	s6 =	sand.u32 $0x1, s2;
	s2 =	rddreg [dreg:$0x2]  }
0x6: {  	s29 =	simm.s32 $0x4;
	s30 =	simm.s32 $0x0;
	[smem:$0x7FF] =	sst s4  }
0x7: {  	s9 =	smul.u32 $0x3E80, s3;
	s24 =	sadd.s32 $0xFA800, s0;
	p1 =	slt.u32 s3, $0xA  }
0x8: {  	s31 =	smul.u32 $0x7D000, s3;
	s5 =	sshll.u32 s6, $0x4;
	_ =	strace $0x80000050  }
0x9: {  	v0 =	vimm.s32 $0xFEDCBA98;
	v1 =	vimm.s32 $0x76543210;
	s10 =	ssub.s32 $0x2, s6;
	[dreg:$0x4] =	wrdreg s24;
	p0 =	seq.s32 s6, $0x0  }
0xa: {  	v2 =	vimm.s32 $0xBA98FEDC;
	v3 =	vimm.s32 $0x32107654;
	v4 =	vimm.s32 $0xDCFE98BA;
	p2 =	seq.s32 s6, $0x1;
	s24 =	simm.s32 $0x1;
	s8 =	sor.u32 s3, s5  }
0xb: {  	v5 =	vimm.s32 $0x54761032;
	v6 =	vimm.s32 $0xEFCDAB89;
	s5 =	sadd.s32 $0xAA800, s0;
	s25 =	sshrl.u32 s10, $0x1;
	s7 =	smul.u32 $0x500, s8  }
0xc: {  	v7 =	vimm.s32 $0x67452301;
	v0 =	vunpack.c.l.s4.s8 v0;
	v1 =	vunpack.c.l.s4.s8 v1;
	p0 =	por !p0, !p1;
	s14 =	sshrl.u32 s31, $0x2;
	s11 =	smul.u32 $0x2800, s8  }
0xd: {  	v2 =	vunpack.c.l.s4.s8 v2;
	v3 =	vunpack.c.l.s4.s8 v3;
	v4 =	vunpack.c.l.s4.s8 v4;
	p1 =	por !p1, !p2;
	s15 =	ssub.s32 s10, s25;
	s26 =	smul.u32 $0x50, s8  }
0xe: {  	v5 =	vunpack.c.l.s4.s8 v5;
	v6 =	vunpack.c.l.s4.s8 v6;
	v7 =	vunpack.c.l.s4.s8 v7;
	p0 =	por !p0, !p0;
	s14 =	sadd.s32 s14, s2;
	p2 =	por !p1, !p1  }
.Ltmp0:
0xf: {  	v0 =	vunpack.c.0.s8.s32 v0;
	v1 =	vunpack.c.0.s8.s32 v1;
	v2 =	vunpack.c.0.s8.s32 v2;
	p1 =	sne.s32 s3, $0x0;
	s25 =	simm.s32 $0x40;
	(pc) =	sbr.rel .LBB2_1-.Ltmp0, $4  }
0x10: {  	v3 =	vunpack.c.0.s8.s32 v3;
	v4 =	vunpack.c.0.s8.s32 v4;
	v5 =	vunpack.c.0.s8.s32 v5;
	s15 =	smax.u32 s15, $0x1;
	s16 =	sshrl.u32 @!p1 s2, $0x3;
	s12 =	sadd.s32 s7, s0  }
0x11: {  	v6 =	vunpack.c.0.s8.s32 v6;
	v7 =	vunpack.c.0.s8.s32 v7;
	v0 =	vand.u32 $0xF, v0;
	s0 =	sadd.s32 s9, s0;
	s7 =	sadd.s32 s5, s11;
	s10 =	sor.u32 $0x2, s26  }
0x12: {  	s11 =	sor.u32 $0x3, s26;
	v0 =	vcombine.low v0, v1;
	v1 =	vcombine.low v3, v2;
	s26 =	simm.s32 $0x2;
	s8 =	sadd.s32 $0xFAA00, s12  }
0x13: {  	vm0 =	vmmov $0xff;
	v2 =	vcombine.low v5, v4;
	v3 =	vcombine.low v7, v6;
	s9 =	sadd.s32 $0x80, s7;
	s12 =	sadd.s32 $0x17A000, s0;
	s13 =	sadd.s32 $0x1A1200, s0  }
.LBB2_8:
0x14: {  	_ =	swait.ge [sflag:s28], $0x2000  }
0x15: {  	[sflag:s28] =	ssyncset.done $0x0  }
0x16: {  	[sflag:s28] =	ssyncadd.s32 $0xFFFFE000  }
0x17: {  	_ =	swait.ge [sflag:s29], $0x2000  }
0x18: {  	[sflag:s29] =	ssyncset.done $0x0  }
0x19: {  	s0 =	sshll.u32 @p0 s3, $0x6;
	[sflag:s29] =	ssyncadd.s32 $0xFFFFE000  }
0x1a: {  	s6 =	sshrl.u32 @p0 s14, $0x3;
	s0 =	sor.u32 @p0 $0x1C05, s0;
	[bflag:$0x0] =	sbarrier.arrive $0xFFFF  }
0x1b: {  	[hbm:s12], [sflag:s0] =	dma.local @p0 [spmem:s6], $0x3E80  }
0x1c: {  	s0 =	simm.s32 @p0 $0x5  }
0x1d: {  	s30 =	sadd.s32 $0x1, s30;
	_ =	swait.ge @p0 [sflag:s0], $0x3E80  }
0x1e: {  	p3 =	sne.s32 s30, s15;
	s6 =	sshll.u32 @p2 s3, $0x6;
	[sflag:s0] =	ssyncset.done @p0 $0x0  }
0x1f: {  	[sflag:s0] =	ssyncadd.s32 @p0 $0xFFFFC180;
	s0 =	sor.u32 @p2 $0x1C05, s6;
	s6 =	sshrl.u32 @p2 s14, $0x3  }
0x20: {  	[hbm:s13], [sflag:s0] =	dma.local @p2 [spmem:s6], $0x3E80  }
.Ltmp1:
0x21: {  	_ = 	snop;
	(pc) =	sbr.rel @!p3 .LBB2_9-.Ltmp1, $4  }
0x22: {  	s0 =	simm.s32 @p2 $0x5  }
0x23: {  	_ =	swait.ge @p2 [sflag:s0], $0x3E80  }
0x24: {  	[sflag:s0] =	ssyncset.done @p2 $0x0  }
0x25: {  	[sflag:s0] =	ssyncadd.s32 @p2 $0xFFFFC180  }
.LBB2_1:
0x26: {  	s0 =	simm.s32 @!p1 $0x1C05  }
0x27: {  	[spmem:s16], [sflag:s0] =	dma.local @!p1 [hbm:s1], $0x27200  }
0x28: {  	s0 =	simm.s32 @!p1 $0x5  }
0x29: {  	_ =	swait.ge @!p1 [sflag:s0], $0x27200  }
0x2a: {  	[sflag:s0] =	ssyncset.done @!p1 $0x0  }
0x2b: {  	[sflag:s0] =	ssyncadd.s32 @!p1 $0xFFFD8E00  }
0x2c: {  	[tilespmem:s17], [sflag:$0x5] =	stream.linear.gather [hbm4b:s1+s4], $0x2000, $0x38;
	[tilespmem:$0x1AB00] =	vst v63  }
0x2d: {  	_ =	swait.ge [sflag:s18], $0x2000  }
0x2e: {  	[sflag:s18] =	ssyncset.done $0x0  }
0x2f: {  	[sflag:s18] =	ssyncadd.s32 $0xFFFFE000  }
0x30: {  	[tilespmem:s19], [sflag:$0x5] =	stream.linear.gather [hbm4b:s1+s4], $0x2000, $0x38;
	[tilespmem:$0x1AB00] =	vst v63  }
0x31: {  	_ =	swait.ge [sflag:s18], $0x2000  }
0x32: {  	[sflag:s18] =	ssyncset.done $0x0  }
0x33: {  	s20 =	simm.s32 $0x18100;
	[sflag:s18] =	ssyncadd.s32 $0xFFFFE000  }
0x34: {  	[tilespmem:s20], [sflag:$0x5] =	stream.linear.gather [hbm4b:s8+s4], $0x2800, $0x38;
	[tilespmem:$0x1AB00] =	vst v63  }
0x35: {  	_ =	swait.ge [sflag:s18], $0x2800  }
0x36: {  	[sflag:s18] =	ssyncset.done $0x0  }
0x37: {  	s6 =	simm.s32 $0x1A900;
	s21 =	rddreg [dreg:$0x4];
	[sflag:s18] =	ssyncadd.s32 $0xFFFFD800  }
0x38: {  	[tilespmem:s6], [sflag:$0x5] =	stream.linear.gather [hbm4b:s21+s4], $0x200, $0x38;
	[tilespmem:$0x1AB00] =	vst v63  }
0x39: {  	_ =	swait.ge [sflag:s18], $0x200  }
0x3a: {  	[sflag:s18] =	ssyncset.done $0x0  }
0x3b: {  	[sflag:s18] =	ssyncadd.s32 $0xFFFFFE00  }
0x3c: {  	v4 =	vld [tilespmem:$0x1A900]  }
0x3d: {  	v5 =	vld [tilespmem:$0x1A910]  }
0x3e: {  	v6 =	vld [tilespmem:$0x1A920]  }
0x3f: {  	v7 =	vld [tilespmem:$0x1A930]  }
0x40: {  	v8 =	vld [tilespmem:$0x1A940]  }
0x41: {  	v9 =	vld [tilespmem:$0x1A950]  }
0x42: {  	v4 =	vmax.f32 v4, v5;
	v5 =	vld [tilespmem:$0x1A960]  }
0x43: {  	v4 =	vmax.f32 v4, v6;
	v6 =	vld [tilespmem:$0x1A970]  }
0x44: {  	v4 =	vmax.f32 v4, v7;
	v7 =	vld [tilespmem:$0x1A980]  }
0x45: {  	v54 =	vld [tilespmem:$0x1A990];
	v4 =	vmax.f32 v4, v8  }
0x46: {  	v55 =	vld [tilespmem:$0x1A9A0];
	v4 =	vmax.f32 v4, v9  }
0x47: {  	v4 =	vmax.f32 v4, v5;
	v5 =	vld [tilespmem:$0x1A9B0]  }
0x48: {  	v4 =	vmax.f32 v4, v6;
	v6 =	vld [tilespmem:$0x1A9C0]  }
0x49: {  	v4 =	vmax.f32 v4, v7;
	v7 =	vld [tilespmem:$0x1A9D0]  }
0x4a: {  	v56 =	vld [tilespmem:$0x1A9E0];
	v4 =	vmax.f32 v4, v54  }
0x4b: {  	v57 =	vld [tilespmem:$0x1A9F0];
	v4 =	vmax.f32 v4, v55  }
0x4c: {  	v4 =	vmax.f32 v4, v5;
	v5 =	vld [tilespmem:$0x1AA00]  }
0x4d: {  	v4 =	vmax.f32 v4, v6;
	v6 =	vld [tilespmem:$0x1AA10]  }
0x4e: {  	v4 =	vmax.f32 v4, v7;
	v7 =	vld [tilespmem:$0x1AA20]  }
0x4f: {  	v58 =	vld [tilespmem:$0x1AA30];
	v4 =	vmax.f32 v4, v56  }
0x50: {  	v59 =	vld [tilespmem:$0x1AA40];
	v4 =	vmax.f32 v4, v57  }
0x51: {  	v4 =	vmax.f32 v4, v5;
	v5 =	vld [tilespmem:$0x1AA50]  }
0x52: {  	v4 =	vmax.f32 v4, v6;
	v6 =	vld [tilespmem:$0x1AA60]  }
0x53: {  	v4 =	vmax.f32 v4, v7;
	v7 =	vld [tilespmem:$0x1AA70]  }
0x54: {  	v60 =	vld [tilespmem:$0x1AA80];
	v4 =	vmax.f32 v4, v58  }
0x55: {  	v61 =	vld [tilespmem:$0x1AA90];
	v4 =	vmax.f32 v4, v59  }
0x56: {  	v4 =	vmax.f32 v4, v5;
	v5 =	vld [tilespmem:$0x1AAA0]  }
0x57: {  	v4 =	vmax.f32 v4, v6;
	v6 =	vld [tilespmem:$0x1AAB0]  }
0x58: {  	v4 =	vmax.f32 v4, v7;
	v7 =	vld [tilespmem:$0x1AAC0]  }
0x59: {  	v62 =	vld [tilespmem:$0x1AAD0];
	v4 =	vmax.f32 v4, v60  }
0x5a: {  	v63 =	vld [tilespmem:$0x1AAE0];
	v4 =	vmax.f32 v4, v61  }
0x5b: {  	v4 =	vmax.f32 v4, v5;
	v5 =	vld [tilespmem:$0x1AAF0]  }
0x5c: {  	v4 =	vmax.f32 v4, v6  }
0x5d: {  	v4 =	vmax.f32 v4, v7  }
0x5e: {  	v4 =	vmax.f32 v4, v62  }
0x5f: {  	v4 =	vmax.f32 v4, v63  }
0x60: {  	v4 =	vmax.f32 v4, v5  }
0x61: {  	v5 =	vperm.xlane v4, v0;
	_ =	sdelay $0x1  }
0x62: {  	v4 =	vmax.f32 v4, v5  }
0x63: {  	v5 =	vperm.xlane v4, v1;
	_ =	sdelay $0x1  }
0x64: {  	v4 =	vmax.f32 v4, v5  }
0x65: {  	v5 =	vperm.xlane v4, v2;
	_ =	sdelay $0x1  }
0x66: {  	s22 =	simm.s32 $0x13900;
	[bflag:$0x0] =	sbarrier.arrive $0xFFFF;
	v4 =	vmax.f32 v4, v5  }
0x67: {  	[tilespmem:s22], [sflag:$0x1] =	stream.linear.gather [hbm4b:s7+s4], $0x400, $0x38;
	v5 =	vperm.xlane v4, v3;
	[tilespmem:$0x1AB00] =	vst v63  }
0x68: {  	s31 =	simm.s32 $0x0  }
0x69: {  	[tilespmem:s23], [sflag:$0x2] =	stream.linear.gather [hbm4b:s9+s4], $0x400, $0x38;
	v4 =	vmax.f32 v4, v5;
	[tilespmem:$0x1AB00] =	vst v63  }
.LBB2_2:
0x6a: {  	p3 =	seq.s32 s31, $0x0  }
0x6b: {  	s0 =	simm.s32 @!p3 $0x3  }
0x6c: {  	_ =	swait.ge @!p3 [sflag:s0], $0x2000  }
0x6d: {  	[sflag:s0] =	ssyncset.done @!p3 $0x0  }
0x6e: {  	[sflag:s0] =	ssyncadd.s32 @!p3 $0xFFFFE000;
	s0 =	simm.s32 @!p3 $0x4  }
0x6f: {  	_ =	swait.ge @!p3 [sflag:s0], $0x2000  }
0x70: {  	[sflag:s0] =	ssyncset.done @!p3 $0x0  }
0x71: {  	[sflag:s0] =	ssyncadd.s32 @!p3 $0xFFFFE000  }
0x72: {  	_ =	swait.ge [sflag:s24], $0x400  }
0x73: {  	[sflag:s24] =	ssyncset.done $0x0  }
0x74: {  	s22 =	simm.s32 $0x0;
	[sflag:s24] =	ssyncadd.s32 $0xFFFFFC00  }
0x75: {  	v5 =	vld [tilespmem:s22+$0x13900];
	_ =	sdelay $0x4  }
0x76: {  	v5 =	vsub.f32 v5, v4;
	_ =	sdelay $0x1  }
0x77: {  	v5 =	vmul.f32 $1.442695020e+00, v5;
	_ =	sdelay $0x1  }
0x78: {  	(erf) = vpow2.f32 v5;
	_ =	sdelay $0x8  }
0x79: {  	v5 =	vpop (erf)  }
0x7a: {  	s20 =	simm.s32 $0x14100;
	v5 =	vnsel vm0, $0x0, v5  }
0x7b: {  	s21 =	simm.s32 $0x80;
	s0 =	sshll.u32 s31, $0x1;
	s22 =	simm.s32 $0x10;
	[tilespmem:s20+$0x0] =	vst v5  }
.LBB2_3:
0x7c: {  	p3 =	sne.s32 s21, $0xFC0;
	v5 =	vld [tilespmem:s22+$0x13900];
	_ =	sdelay $0x4  }
0x7d: {  	v5 =	vsub.f32 v5, v4;
	_ =	sdelay $0x1  }
0x7e: {  	v5 =	vmul.f32 $1.442695020e+00, v5;
	_ =	sdelay $0x1  }
0x7f: {  	(erf) = vpow2.f32 v5;
	_ =	sdelay $0x6  }
.Ltmp2:
0x80: {  	(pc) =	sbr.rel @p3 .LBB2_3-.Ltmp2, $4  }
0x81: {  	_ = 	snop  }
0x82: {  	v5 =	vpop (erf)  }
0x83: {  	s20 =	sadd.s32 $0x80, s20;
	v5 =	vnsel vm0, $0x0, v5  }
0x84: {  	s22 =	sshra.s32 s21, $0x2;
	s21 =	sadd.s32 $0x40, s21;
	[tilespmem:s20+$0x0] =	vst v5  }
0x85: {  	v5 =	vld [tilespmem:s22+$0x13900];
	_ =	sdelay $0x4  }
0x86: {  	v5 =	vsub.f32 v5, v4;
	_ =	sdelay $0x1  }
0x87: {  	v5 =	vmul.f32 $1.442695020e+00, v5;
	_ =	sdelay $0x1  }
0x88: {  	(erf) = vpow2.f32 v5;
	_ =	sdelay $0x8  }
0x89: {  	s6 =	sshll.u32 s31, $0x8;
	v5 =	vpop (erf)  }
0x8a: {  	s21 =	sadd.s32 $0x80, s20;
	s20 =	sand.u32 $0x3FFFFF00, s6;
	v5 =	vnsel vm0, $0x0, v5  }
0x8b: {  	p3 =	seq.s32 s31, $0x27;
	s6 =	sadd.s32 $0x18100, s20;
	[tilespmem:s21+$0x0] =	vst v5  }
0x8c: {  	[spmem:s2] =	stream.indirect.scatter.add.f32 [tilespmem:s17], [sflag:$0x3], $0x80, s6, s25, $0xb8;
	[tilespmem:$0x1AB00] =	vst v63  }
0x8d: {  	s6 =	sadd.s32 @!p3 s0, s10  }
0x8e: {  	s6 =	sshll.u32 @!p3 s6, $0x7  }
0x8f: {  	s6 =	sand.u32 @!p3 $0x1FFFFF00, s6  }
0x90: {  	s22 =	simm.s32 @!p3 $0x13900;
	s21 =	simm.s32 @!p3 $0x0;
	s6 =	sadd.s32 @!p3 s5, s6  }
0x91: {  	[tilespmem:s22], [sflag:$0x1] =	stream.linear.gather @!p3 [hbm4b:s6+s21], $0x400, $0x38;
	[tilespmem:$0x1AB00] =	vst v63  }
0x92: {  	_ =	swait.ge [sflag:s26], $0x400  }
0x93: {  	[sflag:s26] =	ssyncset.done $0x0  }
0x94: {  	s22 =	simm.s32 $0x0;
	[sflag:s26] =	ssyncadd.s32 $0xFFFFFC00  }
0x95: {  	v5 =	vld [tilespmem:s22+$0x13D00];
	_ =	sdelay $0x4  }
0x96: {  	v5 =	vsub.f32 v5, v4;
	_ =	sdelay $0x1  }
0x97: {  	v5 =	vmul.f32 $1.442695020e+00, v5;
	_ =	sdelay $0x1  }
0x98: {  	(erf) = vpow2.f32 v5;
	_ =	sdelay $0x8  }
0x99: {  	v5 =	vpop (erf)  }
0x9a: {  	s21 =	simm.s32 $0x16100;
	v5 =	vnsel vm0, $0x0, v5  }
0x9b: {  	s6 =	simm.s32 $0x10;
	s22 =	simm.s32 $0x80;
	[tilespmem:s21+$0x0] =	vst v5  }
.LBB2_5:
0x9c: {  	p4 =	sne.s32 s22, $0xFC0;
	v5 =	vld [tilespmem:s6+$0x13D00];
	_ =	sdelay $0x4  }
0x9d: {  	v5 =	vsub.f32 v5, v4;
	_ =	sdelay $0x1  }
0x9e: {  	v5 =	vmul.f32 $1.442695020e+00, v5;
	_ =	sdelay $0x1  }
0x9f: {  	(erf) = vpow2.f32 v5;
	_ =	sdelay $0x6  }
.Ltmp3:
0xa0: {  	(pc) =	sbr.rel @p4 .LBB2_5-.Ltmp3, $4  }
0xa1: {  	_ = 	snop  }
0xa2: {  	v5 =	vpop (erf)  }
0xa3: {  	s21 =	sadd.s32 $0x80, s21;
	v5 =	vnsel vm0, $0x0, v5  }
0xa4: {  	s6 =	sshra.s32 s22, $0x2;
	s22 =	sadd.s32 $0x40, s22;
	[tilespmem:s21+$0x0] =	vst v5  }
0xa5: {  	v5 =	vld [tilespmem:s6+$0x13D00];
	_ =	sdelay $0x4  }
0xa6: {  	v5 =	vsub.f32 v5, v4;
	_ =	sdelay $0x1  }
0xa7: {  	v5 =	vmul.f32 $1.442695020e+00, v5;
	_ =	sdelay $0x1  }
0xa8: {  	(erf) = vpow2.f32 v5;
	_ =	sdelay $0x7  }
.Ltmp4:
0xa9: {  	_ = 	snop;
	(pc) =	sbr.rel @p3 .LBB2_8-.Ltmp4, $4  }
0xaa: {  	v5 =	vpop (erf)  }
0xab: {  	s21 =	sadd.s32 $0x80, s21;
	v5 =	vnsel vm0, $0x0, v5  }
0xac: {  	s22 =	sadd.s32 $0x18180, s20;
	[tilespmem:s21+$0x0] =	vst v5  }
0xad: {  	[spmem:s2] =	stream.indirect.scatter.add.f32 [tilespmem:s19], [sflag:$0x4], $0x80, s22, s25, $0xb8;
	[tilespmem:$0x1AB00] =	vst v63  }
.Ltmp5:
0xae: {  	s0 =	sadd.s32 s0, s11;
	(pc) =	sbr.rel .LBB2_2-.Ltmp5, $4  }
0xaf: {  	s0 =	sshll.u32 s0, $0x7  }
0xb0: {  	s0 =	sand.u32 $0x1FFFFF80, s0  }
0xb1: {  	s31 =	sadd.s32 $0x1, s31;
	s0 =	sadd.s32 s5, s0  }
0xb2: {  	[tilespmem:s23], [sflag:$0x2] =	stream.linear.gather [hbm4b:s0+s4], $0x400, $0x38;
	[tilespmem:$0x1AB00] =	vst v63  }
.LBB2_9:
0xb3: {  	_ =	sfence.sel $0x180000  }
0xb4: {  	[bflag:$0x0] =	sbarrier.arrive $0xFFFF  }
0xb5: {  	_ =	strace $0x90000050  }
0xb6: {  	[bflag:$0x2] =	sbarrier.arrive $0xFFFF  }
0xb7: {  	s0 =	rddreg [dreg:$0x3]  }
0xb8: {  	s0 =	sadd.s32 @!p1 $0x100000, s0  }
0xb9: {  	[sflag:s0] =	ssyncadd.tile.s32 @!p1 $0x1;
	_ =	shalt  }
.Lfunc_end2:
_tile_overlayer_lowered:
.L_overlay_start_2:
0xba: {  	(tag) =	ssettag $0x2  }
0xbb: {  	s0 =	rddreg [dreg:$0x0];
	s2 =	stileid.u32  }
0xbc: {  	s1 =	rddreg [dreg:$0x1];
	p0 =	sne.s32 s2, $0x0  }
0xbd: {  	s3 =	rddreg [dreg:$0x2];
	[bflag:$0x3] =	sbarrier.arrive $0xFFFF;
	s2 =	simm.s32 @!p0 $0x1C05  }
0xbe: {  	[timem:s3], [sflag:s2] =	dma.local @!p0 [hbm:s0], s1  }
0xbf: {  	s0 =	simm.s32 @!p0 $0x5  }
0xc0: {  	_ =	swait.ge @!p0 [sflag:s0], s1  }
0xc1: {  	s1 =	ssub.s32 @!p0 $0x0, s1;
	[sflag:s0] =	ssyncset.done @!p0 $0x0  }
0xc2: {  	[sflag:s0] =	ssyncadd.s32 @!p0 s1  }
0xc3: {  	[bflag:$0x3] =	sbarrier.arrive $0xFFFF  }
0xc4: {  	_ =	shalt  }

// kernel: kernel.14.cloned.1.call-start
scs
__scs_entry_jumppad:
0x0: {  	(pc) =	sbr.rel $0x88, $3  }
0x1: {  	(tag) =	ssettag $0x0;
	lr =	simm.s32 $0x1  }
0x2: {  	[smem:$0x3F92] =	sst lr;
	_ =	strace $0xD0000000  }
0x3: {  	_ = 	snop  }
0x4: {  	_ = 	snop  }
0x5: {  	_ = 	snop  }
0x6: {  	_ = 	snop  }
0x7: {  	_ = 	snop  }
__scs_overlays_trampoline_lowered:
0x8: {  	[smem:$0x3FA1] =	sst s0  }
0x9: {  	[smem:$0x3FA2] =	sst s1  }
0xa: {  	[smem:$0x3FA3] =	sst s2  }
0xb: {  	[smem:$0x3FA4] =	sst s3  }
0xc: {  	[smem:$0x3FA5] =	sst s4  }
0xd: {  	[smem:$0x3FA6] =	sst s5  }
0xe: {  	[smem:$0x3FA7] =	sst s6  }
0xf: {  	[smem:$0x3FA8] =	sst s7  }
0x10: {  	[smem:$0x3FA9] =	sst s8  }
0x11: {  	[smem:$0x3FAA] =	sst s9;
	s0 =	simm.s32 @!p0 $0x0  }
0x12: {  	s1 =	sld [smem:$0x3F90];
	s0 =	simm.s32 @p0 $0x1  }
0x13: {  	[smem:$0x3FAB] =	sst s0;
	s0 =	simm.s32 @!p1 $0x0  }
0x14: {  	s2 =	sld [smem:$0x3F8F];
	s0 =	simm.s32 @p1 $0x1  }
0x15: {  	[smem:$0x3FAC] =	sst s0;
	s0 =	simm.s32 @!p2 $0x0  }
0x16: {  	s3 =	sld [smem:$0x3FDB];
	s0 =	simm.s32 @p2 $0x1  }
0x17: {  	s4 =	simm.s32 $0x1BF5;
	[smem:$0x3FAE] =	sst s0  }
0x18: {  	s0 =	sld [smem:$0x3F91];
	_ =	swait.ge [sflag:s4], $0x0  }
0x19: {  	s7 =	sld [smem:$0x3F92]  }
0x1a: {  	s8 =	sadd.s32 $0xFFFFE003, lr  }
0x1b: {  	s9 =	sadd.s32 $0xFFFFFEF7, lr;
	s5 =	simm.s32 $0xFFFFFFFF;
	p2 =	slt.u32 s8, $0xFFFFF086  }
0x1c: {  	p1 =	slt.u32 s9, $0xF7A;
	s5 =	simm.s32 @!p2 $0x0  }
0x1d: {  	s5 =	simm.s32 @p1 $0x1;
	p0 =	seq.s32 s7, s2  }
0x1e: {  	s7 =	smul.u32 @!p0 $0xF7A, s2;
	p2 =	seq.s32 @!p0 s5, $0x0  }
0x1f: {  	s9 =	smul.u32 $0xF7A, s1;
	s8 =	simm.s32 @!p0 $0x1BF5;
	p2 =	por !p2, p0  }
0x20: {  	[sflag:s8] =	ssyncset.s32 @!p0 $0xFFFFF086;
	s6 =	sadd.s32 @!p0 s3, s7;
	s7 =	simm.s32 @!p0 $0x108  }
0x21: {  	s3 =	sadd.s32 s3, s9;
	s6 =	sadd.s32 @!p0 $0x88, s6;
	s7 =	simm.s32 @p2 $0x1082  }
0x22: {  	[simem:s7], [sflag:s8] =	dma.local @!p0 [hbm:s6], $0xF7A  }
0x23: {  	s9 =	sor.u32 $0xD0000000, s2;
	s6 =	simm.s32 $0x108;
	_ =	swait.ge @!p0 [sflag:s8], $0x0  }
0x24: {  	s3 =	sadd.s32 $0x88, s3;
	s6 =	simm.s32 @!p1 $0x1082;
	[sflag:s4] =	ssyncset.s32 $0xFFFFF086  }
0x25: {  	[simem:s6], [sflag:s4] =	dma.local [hbm:s3], $0xF7A  }
0x26: {  	[smem:$0x3F92] =	sst s1;
	(tag) =	ssettag s2;
	_ =	strace s9  }
0x27: {  	s1 =	sld [smem:$0x3FA2]  }
0x28: {  	s2 =	sld [smem:$0x3FA3]  }
0x29: {  	s4 =	sld [smem:$0x3FA5]  }
0x2a: {  	p0 =	seq.s32 s5, $0x0;
	s5 =	sld [smem:$0x3FA6]  }
0x2b: {  	s6 =	sld [smem:$0x3FA7]  }
0x2c: {  	s7 =	sld [smem:$0x3FA8]  }
0x2d: {  	s3 =	simm.s32 $0x108;
	s8 =	sld [smem:$0x3FA9]  }
0x2e: {  	s3 =	simm.s32 @!p0 $0x1082;
	s9 =	sld [smem:$0x3FAA]  }
0x2f: {  	lr =	sadd.s32 s0, s3;
	s0 =	sld [smem:$0x3FA1]  }
0x30: {  	s3 =	sld [smem:$0x3FA4]  }
0x31: {  	[smem:$0x3FAD] =	sst s10  }
0x32: {  	s10 =	sld [smem:$0x3FAB];
	_ =	sdelay $0x3  }
0x33: {  	p0 =	seq.s32 s10, $0x1;
	s10 =	sld [smem:$0x3FAD];
	_ =	sdelay $0x3  }
0x34: {  	[smem:$0x3FAD] =	sst s10  }
0x35: {  	s10 =	sld [smem:$0x3FAC];
	_ =	sdelay $0x3  }
0x36: {  	p1 =	seq.s32 s10, $0x1;
	s10 =	sld [smem:$0x3FAD];
	_ =	sdelay $0x3  }
0x37: {  	[smem:$0x3FAD] =	sst s10  }
0x38: {  	s10 =	sld [smem:$0x3FAE]  }
0x39: {  	_ = 	snop;
	(pc) =	sbr.ind lr, $3  }
0x3a: {  	_ = 	snop  }
0x3b: {  	_ = 	snop  }
0x3c: {  	p2 =	seq.s32 s10, $0x1;
	s10 =	sld [smem:$0x3FAD]  }
0x3d: {  	_ =	shalt  }
0x3e: {  	_ =	shalt  }
0x3f: {  	_ =	shalt  }
0x40: {  	_ =	shalt  }
0x41: {  	_ =	shalt  }
0x42: {  	_ =	shalt  }
0x43: {  	_ =	shalt  }
0x44: {  	_ =	shalt  }
0x45: {  	_ =	shalt  }
0x46: {  	_ =	shalt  }
0x47: {  	_ =	shalt  }
0x48: {  	_ =	shalt  }
0x49: {  	_ =	shalt  }
0x4a: {  	_ =	shalt  }
0x4b: {  	_ =	shalt  }
0x4c: {  	_ =	shalt  }
0x4d: {  	_ =	shalt  }
0x4e: {  	_ =	shalt  }
0x4f: {  	_ =	shalt  }
0x50: {  	_ =	shalt  }
0x51: {  	_ =	shalt  }
0x52: {  	_ =	shalt  }
0x53: {  	_ =	shalt  }
0x54: {  	_ =	shalt  }
0x55: {  	_ =	shalt  }
0x56: {  	_ =	shalt  }
0x57: {  	_ =	shalt  }
0x58: {  	_ =	shalt  }
0x59: {  	_ =	shalt  }
0x5a: {  	_ =	shalt  }
0x5b: {  	_ =	shalt  }
0x5c: {  	_ =	shalt  }
0x5d: {  	_ =	shalt  }
0x5e: {  	_ =	shalt  }
0x5f: {  	_ =	shalt  }
0x60: {  	_ =	shalt  }
0x61: {  	_ =	shalt  }
0x62: {  	_ =	shalt  }
0x63: {  	_ =	shalt  }
0x64: {  	_ =	shalt  }
0x65: {  	_ =	shalt  }
0x66: {  	_ =	shalt  }
0x67: {  	_ =	shalt  }
0x68: {  	_ =	shalt  }
0x69: {  	_ =	shalt  }
0x6a: {  	_ =	shalt  }
0x6b: {  	_ =	shalt  }
0x6c: {  	_ =	shalt  }
0x6d: {  	_ =	shalt  }
0x6e: {  	_ =	shalt  }
0x6f: {  	_ =	shalt  }
0x70: {  	_ =	shalt  }
0x71: {  	_ =	shalt  }
0x72: {  	_ =	shalt  }
0x73: {  	_ =	shalt  }
0x74: {  	_ =	shalt  }
0x75: {  	_ =	shalt  }
0x76: {  	_ =	shalt  }
0x77: {  	_ =	shalt  }
0x78: {  	_ =	shalt  }
0x79: {  	_ =	shalt  }
0x7a: {  	_ =	shalt  }
0x7b: {  	_ =	shalt  }
0x7c: {  	_ =	shalt  }
0x7d: {  	_ =	shalt  }
0x7e: {  	_ =	shalt  }
0x7f: {  	_ =	shalt  }
0x80: {  	_ =	shalt  }
0x81: {  	_ =	shalt  }
0x82: {  	_ =	shalt  }
0x83: {  	_ =	shalt  }
0x84: {  	_ =	shalt  }
0x85: {  	_ =	shalt  }
0x86: {  	_ =	shalt  }
0x87: {  	_ =	shalt  }
.Lfunc_end0:
.L_simem_size_0:
called_computation.2_lowered:
.L_overlay_start_0:
0x88: {  	s2 =	sld [smem:$0x3FD9]  }
0x89: {  	s3 =	sld [smem:$0x3FFE];
	_ =	sdelay $0x1  }
0x8a: {  	s1 =	srdreg.scid  }
0x8b: {  	s0 =	sand.u32 $0x1, s1  }
0x8c: {  	s17 =	sshll.u32 s0, $0xA;
	s2 =	sadd.s32 s3, s2  }
0x8d: {  	s2 =	sadd.s32 s2, s17  }
0x8e: {  	[smem:$0x3FB9] =	sst s2  }
0x8f: {  	_ = 	snop  }
0x90: {  	s18 =	sld [smem:$0x3FD0];
	(tm) =	ssettm $0x1  }
0x91: {  	s19 =	sld [smem:$0x3FFB];
	_ =	sdelay $0x3  }
0x92: {  	_ =	strace s19  }
0x93: {  	s2 =	sld [smem:$0x3FFC];
	_ =	sdelay $0x3  }
0x94: {  	_ =	strace s2  }
0x95: {  	s2 =	sld [smem:$0x3FFD];
	_ =	sdelay $0x3  }
0x96: {  	_ =	strace s2  }
0x97: {  	_ =	strace $0x8FFFFFFF  }
0x98: {  	s20 =	sld [smem:$0x3FDB];
	_ =	sdelay $0x1  }
0x99: {  	s4 =	simm.s32 $_scs_section_size  }
0x9a: {  	s5 =	simm.s32 $_size__tile_overlayer_lowered;
	s6 =	simm.s32 $_tile_overlayer_lowered  }
0x9b: {  	s7 =	simm.s32 $0x1BFF;
	s21 =	sshll.u32 s6, $0x1;
	s4 =	sadd.s32 s4, s20  }
0x9c: {  	s22 =	simm.s32 $0x0;
	s5 =	sshll.u32 s5, $0x1;
	s6 =	sadd.s32 s21, s4  }
0x9d: {  	[timem:s22], [sflag:s7] =	dma.local [hbm:s6], s5  }
0x9e: {  	_ =	swait.ge [sflag:s7], s5  }
0x9f: {  	s5 =	ssub.s32 $0x0, s5;
	[sflag:s7] =	ssyncset.done $0x0  }
0xa0: {  	[sflag:s7] =	ssyncadd.s32 s5;
	_ =	sdelay $0x1  }
0xa1: {  	s23 =	simm.s32 $0x1B8B  }
0xa2: {  	_ =	swait.ge [sflag:s23], $0x1  }
0xa3: {  	[sflag:s23] =	ssyncset.done $0x0  }
0xa4: {  	[sflag:s23] =	ssyncadd.s32 $0xFFFFFFFF  }
0xa5: {  	s5 =	sld [smem:$0x0]  }
0xa6: {  	s6 =	sand.u32 $0xFFFFFFFE, s1  }
0xa7: {  	p0 =	sne.s32 s1, s6  }
0xa8: {  	s6 =	sshll.u32 @p0 s6, $0xE  }
0xa9: {  	s6 =	sadd.s32 @p0 $0x11B8D, s6;
	s7 =	sshll.u32 @p0 s5, $0x11  }
0xaa: {  	s6 =	sor.u32 @p0 s7, s6  }
0xab: {  	[sflag:s6] =	ssyncadd.remote.s32 @p0 $0x1;
	_ =	sdelay $0x1  }
0xac: {  	s6 =	simm.s32 @p0 $0x1B8D  }
0xad: {  	_ =	swait.eq @p0 [sflag:s6], $0x1  }
0xae: {  	[sflag:s6] =	ssyncadd.s32 @p0 $0xFFFFFFFF  }
0xaf: {  	s7 =	sshll.u32 @!p0 s1, $0xE  }
0xb0: {  	s7 =	sor.u32 @!p0 $0x4000, s7;
	s6 =	simm.s32 @!p0 $0x1B8D  }
0xb1: {  	s5 =	sshll.u32 @!p0 s5, $0x11;
	s7 =	sadd.s32 @!p0 $0x11B8D, s7;
	_ =	swait.eq @!p0 [sflag:s6], $0x1  }
0xb2: {  	s5 =	sor.u32 @!p0 s5, s7;
	[sflag:s6] =	ssyncadd.s32 @!p0 $0xFFFFFFFF  }
0xb3: {  	s25 =	simm.s32 $0x1B8E;
	s24 =	sld [smem:$0x3FFE];
	[sflag:s5] =	ssyncadd.remote.s32 @!p0 $0x1  }
0xb4: {  	s26 =	simm.s32 $execute0_lowered;
	[smem:$0x3FD2] =	sst s25  }
0xb5: {  	s6 =	sshll.u32 s26, $0x1;
	_ =	strace $0x8000004C;
	[dreg:$0x1] =	wrdreg $0xFFFFFFFF  }
0xb6: {  	s28 =	simm.s32 $_size_execute0_lowered;
	s4 =	sadd.s32 s4, s6;
	[dreg:$0x0] =	wrdreg $0x0  }
0xb7: {  	s6 =	sshll.u32 s28, $0x1;
	[dreg:$0x2] =	wrdreg s4  }
0xb8: {  	[dreg:$0x3] =	wrdreg s6  }
0xb9: {  	[dreg:$0x4] =	wrdreg $0xC0  }
0xba: {  	_ =	task [dreg:s22], $0x5FFFF  }
0xbb: {  	[dreg:$0x1] =	wrdreg $0xFFFFFFFF  }
0xbc: {  	[dreg:$0x0] =	wrdreg $0x60  }
0xbd: {  	[dreg:$0x2] =	wrdreg s24  }
0xbe: {  	[dreg:$0x3] =	wrdreg s18  }
0xbf: {  	[dreg:$0x4] =	wrdreg $0x0  }
0xc0: {  	[dreg:$0x5] =	wrdreg $0xA  }
0xc1: {  	_ =	task.clear_ibuf [dreg:s22], $0x6FFFF;
	_ =	strace $0x9000004C  }
0xc2: {  	s29 =	simm.s32 $0xA;
	_ =	strace $0x8000004E  }
0xc3: {  	_ =	swait.ge [sflag:s29], $0x1  }
0xc4: {  	[sflag:s29] =	ssyncadd.s32 $0xFFFFFFFF  }
0xc5: {  	_ =	strace $0x9000004E  }
0xc6: {  	_ =	sfence  }
0xc7: {  	s30 =	sld [smem:$0x0];
	_ =	sdelay $0x2  }
0xc8: {  	s31 =	sshll.u32 s1, $0xD;
	s1 =	sshrl.u32 s1, $0x2  }
0xc9: {  	s4 =	sand.u32 $0x4000, s31;
	s1 =	sadd.s32 s1, s30  }
0xca: {  	s0 =	sor.u32 s4, s0;
	s1 =	sshll.u32 s1, $0x11  }
0xcb: {  	s0 =	sor.u32 s1, s0  }
0xcc: {  	s0 =	sadd.s32 $0x8F2B, s0  }
0xcd: {  	[sflag:s0] =	ssyncadd.remote.s32 $0x1  }
0xce: {  	_ =	sfence.sel $0xFFFF  }
0xcf: {  	[dreg:$0x0] =	wrdreg $0xFFFFFFFF;
	(pc) =	sbr.abs _section_cstart, $3  }
0xd0: {  	[dreg:$0x1] =	wrdreg $0xFFFFFFFF  }
0xd1: {  	_ =	task.clear_ibuf [dreg:s22], $0x2FFFF;
	_ =	strace $0x9FFFFFFF  }
0xd2: {  	(tm) =	ssettm $0x7FFFFFFF  }
0xd3: {  	_ =	shalt  }
tec
execute0_lowered:
.L_overlay_start_1:
0x0: {  	(tag) =	ssettag $0x1  }
0x1: {  	s0 =	rddreg [dreg:$0x0]  }
0x2: {  	s2 =	rddreg [dreg:$0x2]  }
0x3: {  	s1 =	srdreg.scid;
	s3 =	simm.s32 $0x0;
	s4 =	stileid.u32  }
0x4: {  	s18 =	simm.s32 $0x1C100;
	s19 =	simm.s32 $0x5;
	s22 =	simm.s32 $0x40  }
0x5: {  	s28 =	simm.s32 $0x1BD00;
	s29 =	simm.s32 $0x1;
	s30 =	simm.s32 $0x17900  }
0x6: {  	s31 =	simm.s32 $0x2;
	s20 =	simm.s32 $0x4;
	s21 =	simm.s32 $0x0  }
0x7: {  	s1 =	sand.u32 $0x1, s1;
	[smem:$0x7FF] =	sst s3;
	s11 =	smul.u32 $0x3E80, s4  }
0x8: {  	s6 =	sadd.s32 $0xAA800, s0;
	s9 =	sadd.s32 $0xFA800, s0;
	s25 =	smul.u32 $0x7D000, s4  }
0x9: {  	p1 =	slt.u32 s4, $0xA;
	s5 =	sshll.u32 s1, $0x4;
	_ =	strace $0x8000004D  }
0xa: {  	v0 =	vimm.s32 $0xFEDCBA98;
	v1 =	vimm.s32 $0x76543210;
	[dreg:$0x4] =	wrdreg s9;
	s12 =	ssub.s32 $0x2, s1;
	p0 =	seq.s32 s1, $0x0  }
0xb: {  	v2 =	vimm.s32 $0xBA98FEDC;
	v3 =	vimm.s32 $0x32107654;
	v4 =	vimm.s32 $0xDCFE98BA;
	p2 =	seq.s32 s1, $0x1;
	s1 =	simm.s32 $0x3;
	s7 =	sor.u32 s4, s5  }
0xc: {  	v5 =	vimm.s32 $0x54761032;
	v6 =	vimm.s32 $0xEFCDAB89;
	s5 =	sadd.s32 $0x5C400, s0;
	s13 =	sshrl.u32 s12, $0x1;
	p0 =	por !p0, !p1  }
0xd: {  	v7 =	vimm.s32 $0x67452301;
	v0 =	vunpack.c.l.s4.s8 v0;
	v1 =	vunpack.c.l.s4.s8 v1;
	s26 =	sshrl.u32 s25, $0x2;
	p1 =	por !p1, !p2;
	s8 =	smul.u32 $0x280, s7  }
0xe: {  	v2 =	vunpack.c.l.s4.s8 v2;
	v3 =	vunpack.c.l.s4.s8 v3;
	v4 =	vunpack.c.l.s4.s8 v4;
	s24 =	smul.u32 $0x500, s7;
	s16 =	ssub.s32 s12, s13;
	p0 =	por !p0, !p0  }
0xf: {  	v5 =	vunpack.c.l.s4.s8 v5;
	v6 =	vunpack.c.l.s4.s8 v6;
	v7 =	vunpack.c.l.s4.s8 v7;
	s13 =	sadd.s32 s26, s2;
	p2 =	por !p1, !p1;
	p1 =	sne.s32 s4, $0x0  }
0x10: {  	v0 =	vunpack.c.0.s8.s32 v0;
	v1 =	vunpack.c.0.s8.s32 v1;
	v2 =	vunpack.c.0.s8.s32 v2;
	s26 =	simm.s32 $0x15900;
	s10 =	sadd.s32 s8, s0;
	s8 =	smul.u32 $0x50, s7  }
.Ltmp0:
0x11: {  	v3 =	vunpack.c.0.s8.s32 v3;
	v4 =	vunpack.c.0.s8.s32 v4;
	v5 =	vunpack.c.0.s8.s32 v5;
	s16 =	smax.u32 s16, $0x1;
	s17 =	sshrl.u32 @!p1 s2, $0x3;
	(pc) =	sbr.rel .LBB2_1-.Ltmp0, $4  }
0x12: {  	v6 =	vunpack.c.0.s8.s32 v6;
	v7 =	vunpack.c.0.s8.s32 v7;
	v0 =	vand.u32 $0xF, v0;
	s9 =	sadd.s32 s24, s0;
	s0 =	sadd.s32 s11, s0;
	s7 =	smul.u32 $0x2800, s7  }
0x13: {  	v0 =	vcombine.low v0, v1;
	v1 =	vcombine.low v3, v2;
	s10 =	sadd.s32 $0x9200, s10;
	s9 =	sadd.s32 $0xFAA00, s9;
	s14 =	sadd.s32 $0x12BC00, s0  }
0x14: {  	v2 =	vcombine.low v5, v4;
	v3 =	vcombine.low v7, v6;
	v4 =	vimm.s32 $0x0;
	s15 =	sadd.s32 $0x152E00, s0;
	[dreg:$0x5] =	wrdreg s10;
	s11 =	sadd.s32 s6, s7  }
0x15: {  	v5 =	vimm.s32 $0x1;
	v6 =	vimm.s32 $0x2;
	v7 =	vimm.s32 $0x3;
	s0 =	simm.s32 $0x19900;
	[dreg:$0x6] =	wrdreg s9;
	s12 =	sadd.s32 $0x80, s11  }
.LBB2_8:
0x16: {  	_ =	swait.ge [sflag:s1], $0x2000  }
0x17: {  	[sflag:s1] =	ssyncset.done $0x0  }
0x18: {  	[sflag:s1] =	ssyncadd.s32 $0xFFFFE000  }
0x19: {  	_ =	swait.ge [sflag:s20], $0x2000  }
0x1a: {  	s9 =	stileid.u32;
	[sflag:s20] =	ssyncset.done $0x0  }
0x1b: {  	s4 =	sshll.u32 @p0 s9, $0x6;
	[sflag:s20] =	ssyncadd.s32 $0xFFFFE000  }
0x1c: {  	s7 =	sshrl.u32 @p0 s13, $0x3;
	s4 =	sor.u32 @p0 $0x1C05, s4;
	[bflag:$0x0] =	sbarrier.arrive $0xFFFF  }
0x1d: {  	[hbm:s14], [sflag:s4] =	dma.local @p0 [spmem:s7], $0x3E80  }
0x1e: {  	s4 =	simm.s32 @p0 $0x5  }
0x1f: {  	s21 =	sadd.s32 $0x1, s21;
	_ =	swait.ge @p0 [sflag:s4], $0x3E80  }
0x20: {  	p3 =	sne.s32 s21, s16;
	s7 =	sshll.u32 @p2 s9, $0x6;
	[sflag:s4] =	ssyncset.done @p0 $0x0  }
0x21: {  	[sflag:s4] =	ssyncadd.s32 @p0 $0xFFFFC180;
	s4 =	sor.u32 @p2 $0x1C05, s7;
	s7 =	sshrl.u32 @p2 s13, $0x3  }
0x22: {  	[hbm:s15], [sflag:s4] =	dma.local @p2 [spmem:s7], $0x3E80  }
.Ltmp1:
0x23: {  	_ = 	snop;
	(pc) =	sbr.rel @!p3 .LBB2_9-.Ltmp1, $4  }
0x24: {  	s4 =	simm.s32 @p2 $0x5  }
0x25: {  	_ =	swait.ge @p2 [sflag:s4], $0x3E80  }
0x26: {  	[sflag:s4] =	ssyncset.done @p2 $0x0  }
0x27: {  	[sflag:s4] =	ssyncadd.s32 @p2 $0xFFFFC180  }
.LBB2_1:
0x28: {  	s7 =	simm.s32 @!p1 $0x1C05;
	s4 =	rddreg [dreg:$0x1]  }
0x29: {  	[spmem:s17], [sflag:s7] =	dma.local @!p1 [hbm:s4], $0x27200  }
0x2a: {  	s7 =	simm.s32 @!p1 $0x5  }
0x2b: {  	_ =	swait.ge @!p1 [sflag:s7], $0x27200  }
0x2c: {  	[sflag:s7] =	ssyncset.done @!p1 $0x0  }
0x2d: {  	s23 =	rddreg [dreg:$0x5];
	[sflag:s7] =	ssyncadd.s32 @!p1 $0xFFFD8E00  }
0x2e: {  	[tilespmem:s18], [sflag:$0x5] =	stream.linear.gather [hbm4b:s23+s3], $0x1400, $0x38;
	[tilespmem:$0x1FF00] =	vst v63  }
0x2f: {  	_ =	swait.ge [sflag:s19], $0x1400  }
0x30: {  	[sflag:s19] =	ssyncset.done $0x0  }
0x31: {  	s25 =	simm.s32 $0x1D500;
	s24 =	rddreg [dreg:$0x6];
	[sflag:s19] =	ssyncadd.s32 $0xFFFFEC00  }
0x32: {  	[tilespmem:s25], [sflag:$0x5] =	stream.linear.gather [hbm4b:s24+s3], $0x2800, $0x38;
	[tilespmem:$0x1FF00] =	vst v63  }
0x33: {  	_ =	swait.ge [sflag:s19], $0x2800  }
0x34: {  	[sflag:s19] =	ssyncset.done $0x0  }
0x35: {  	s10 =	simm.s32 $0x1FD00;
	s9 =	rddreg [dreg:$0x4];
	[sflag:s19] =	ssyncadd.s32 $0xFFFFD800  }
0x36: {  	[tilespmem:s10], [sflag:$0x5] =	stream.linear.gather [hbm4b:s9+s3], $0x200, $0x38;
	[tilespmem:$0x1FF00] =	vst v63  }
0x37: {  	_ =	swait.ge [sflag:s19], $0x200  }
0x38: {  	[sflag:s19] =	ssyncset.done $0x0  }
0x39: {  	[sflag:s19] =	ssyncadd.s32 $0xFFFFFE00  }
0x3a: {  	v8 =	vld [tilespmem:$0x1FD00]  }
0x3b: {  	v9 =	vld [tilespmem:$0x1FD10]  }
0x3c: {  	v10 =	vld [tilespmem:$0x1FD20]  }
0x3d: {  	v11 =	vld [tilespmem:$0x1FD30]  }
0x3e: {  	v12 =	vld [tilespmem:$0x1FD40]  }
0x3f: {  	v13 =	vld [tilespmem:$0x1FD50]  }
0x40: {  	v8 =	vmax.f32 v8, v9;
	v9 =	vld [tilespmem:$0x1FD60]  }
0x41: {  	v8 =	vmax.f32 v8, v10;
	v10 =	vld [tilespmem:$0x1FD70]  }
0x42: {  	v8 =	vmax.f32 v8, v11;
	v11 =	vld [tilespmem:$0x1FD80]  }
0x43: {  	v54 =	vld [tilespmem:$0x1FD90];
	v8 =	vmax.f32 v8, v12  }
0x44: {  	v55 =	vld [tilespmem:$0x1FDA0];
	v8 =	vmax.f32 v8, v13  }
0x45: {  	v8 =	vmax.f32 v8, v9;
	v9 =	vld [tilespmem:$0x1FDB0]  }
0x46: {  	v8 =	vmax.f32 v8, v10;
	v10 =	vld [tilespmem:$0x1FDC0]  }
0x47: {  	v8 =	vmax.f32 v8, v11;
	v11 =	vld [tilespmem:$0x1FDD0]  }
0x48: {  	v56 =	vld [tilespmem:$0x1FDE0];
	v8 =	vmax.f32 v8, v54  }
0x49: {  	v57 =	vld [tilespmem:$0x1FDF0];
	v8 =	vmax.f32 v8, v55  }
0x4a: {  	v8 =	vmax.f32 v8, v9;
	v9 =	vld [tilespmem:$0x1FE00]  }
0x4b: {  	v8 =	vmax.f32 v8, v10;
	v10 =	vld [tilespmem:$0x1FE10]  }
0x4c: {  	v8 =	vmax.f32 v8, v11;
	v11 =	vld [tilespmem:$0x1FE20]  }
0x4d: {  	v58 =	vld [tilespmem:$0x1FE30];
	v8 =	vmax.f32 v8, v56  }
0x4e: {  	v59 =	vld [tilespmem:$0x1FE40];
	v8 =	vmax.f32 v8, v57  }
0x4f: {  	v8 =	vmax.f32 v8, v9;
	v9 =	vld [tilespmem:$0x1FE50]  }
0x50: {  	v8 =	vmax.f32 v8, v10;
	v10 =	vld [tilespmem:$0x1FE60]  }
0x51: {  	v8 =	vmax.f32 v8, v11;
	v11 =	vld [tilespmem:$0x1FE70]  }
0x52: {  	v60 =	vld [tilespmem:$0x1FE80];
	v8 =	vmax.f32 v8, v58  }
0x53: {  	v61 =	vld [tilespmem:$0x1FE90];
	v8 =	vmax.f32 v8, v59  }
0x54: {  	v8 =	vmax.f32 v8, v9;
	v9 =	vld [tilespmem:$0x1FEA0]  }
0x55: {  	v8 =	vmax.f32 v8, v10;
	v10 =	vld [tilespmem:$0x1FEB0]  }
0x56: {  	v8 =	vmax.f32 v8, v11;
	v11 =	vld [tilespmem:$0x1FEC0]  }
0x57: {  	v62 =	vld [tilespmem:$0x1FED0];
	v8 =	vmax.f32 v8, v60  }
0x58: {  	v63 =	vld [tilespmem:$0x1FEE0];
	v8 =	vmax.f32 v8, v61  }
0x59: {  	v8 =	vmax.f32 v8, v9;
	v9 =	vld [tilespmem:$0x1FEF0]  }
0x5a: {  	v8 =	vmax.f32 v8, v10  }
0x5b: {  	v8 =	vmax.f32 v8, v11  }
0x5c: {  	v8 =	vmax.f32 v8, v62  }
0x5d: {  	v8 =	vmax.f32 v8, v63  }
0x5e: {  	v8 =	vmax.f32 v8, v9  }
0x5f: {  	v9 =	vperm.xlane v8, v0;
	_ =	sdelay $0x1  }
0x60: {  	v8 =	vmax.f32 v8, v9  }
0x61: {  	v9 =	vperm.xlane v8, v1  }
0x62: {  	s23 =	simm.s32 $0x13900;
	[bflag:$0x0] =	sbarrier.arrive $0xFFFF  }
0x63: {  	[tilespmem:s23], [sflag:$0x1] =	stream.indirect.gather [hbm4b:s5+s22], $0x80, s18, s22, $0xb8;
	v8 =	vmax.f32 v8, v9;
	[tilespmem:$0x1FF00] =	vst v63  }
0x64: {  	s24 =	simm.s32 $0x1B900;
	v9 =	vperm.xlane v8, v2  }
0x65: {  	[tilespmem:s24], [sflag:$0x1] =	stream.linear.gather [hbm4b:s11+s3], $0x400, $0x38;
	[tilespmem:$0x1FF00] =	vst v63  }
0x66: {  	s25 =	simm.s32 $0x1C140;
	v8 =	vmax.f32 v8, v9  }
0x67: {  	[tilespmem:s26], [sflag:$0x2] =	stream.indirect.gather [hbm4b:s5+s22], $0x80, s25, s22, $0xb8;
	v9 =	vperm.xlane v8, v3;
	[tilespmem:$0x1FF00] =	vst v63  }
0x68: {  	s23 =	simm.s32 $0x0  }
0x69: {  	[tilespmem:s28], [sflag:$0x2] =	stream.linear.gather [hbm4b:s12+s3], $0x400, $0x38;
	v8 =	vmax.f32 v8, v9;
	[tilespmem:$0x1FF00] =	vst v63  }
.LBB2_2:
0x6a: {  	p3 =	seq.s32 s23, $0x0  }
0x6b: {  	s7 =	simm.s32 @!p3 $0x3  }
0x6c: {  	_ =	swait.ge @!p3 [sflag:s7], $0x2000  }
0x6d: {  	[sflag:s7] =	ssyncset.done @!p3 $0x0  }
0x6e: {  	[sflag:s7] =	ssyncadd.s32 @!p3 $0xFFFFE000;
	s7 =	simm.s32 @!p3 $0x4  }
0x6f: {  	_ =	swait.ge @!p3 [sflag:s7], $0x2000  }
0x70: {  	[sflag:s7] =	ssyncset.done @!p3 $0x0  }
0x71: {  	[sflag:s7] =	ssyncadd.s32 @!p3 $0xFFFFE000  }
0x72: {  	_ =	swait.ge [sflag:s29], $0x2000  }
0x73: {  	[sflag:s29] =	ssyncset.done $0x0  }
0x74: {  	[sflag:s29] =	ssyncadd.s32 $0xFFFFE000  }
0x75: {  	_ =	swait.ge [sflag:s29], $0x400  }
0x76: {  	[sflag:s29] =	ssyncset.done $0x0  }
0x77: {  	s7 =	simm.s32 $0x1B900;
	[sflag:s29] =	ssyncadd.s32 $0xFFFFFC00  }
0x78: {  	s24 =	sshll.u32 s23, $0x1;
	s25 =	simm.s32 $0x0;
	s9 =	simm.s32 $0x200;
	v9 =	vld [tilespmem:s7+$0x0]  }
.LBB2_3:
0x79: {  	p3 =	sne.s32 s9, $0x7E00;
	_ =	sdelay $0x3  }
0x7a: {  	v9 =	vsub.f32 v9, v8;
	_ =	sdelay $0x1  }
0x7b: {  	v9 =	vmul.f32 $1.442695020e+00, v9;
	_ =	sdelay $0x1  }
0x7c: {  	(erf) = vpow2.f32 v9;
	_ =	sdelay $0x1  }
0x7d: {  	s10 =	sshra.s32 s25, $0x2;
	s25 =	smov.u32 s9  }
0x7e: {  	v9 =	vld [tilespmem:s10+$0x13900]  }
0x7f: {  	v10 =	vld [tilespmem:s10+$0x13910]  }
0x80: {  	v11 =	vld [tilespmem:s10+$0x13920]  }
0x81: {  	v12 =	vld [tilespmem:s10+$0x13930]  }
0x82: {  	v13 =	vld [tilespmem:s10+$0x13940]  }
0x83: {  	v14 =	vld [tilespmem:s10+$0x13950]  }
0x84: {  	v15 =	vld [tilespmem:s10+$0x13960];
	v16 =	vpop (erf)  }
0x85: {  	v17 =	vperm.xlane v16, v4;
	v18 =	vperm.xlane v16, v5;
	v19 =	vld [tilespmem:s10+$0x13970]  }
0x86: {  	v20 =	vperm.xlane v16, v6;
	v16 =	vperm.xlane v16, v7  }
0x87: {  	v9 =	vmul.f32 v9, v17;
	v10 =	vmul.f32 v10, v17  }
0x88: {  	v11 =	vmul.f32 v11, v18;
	v12 =	vmul.f32 v12, v18  }
0x89: {  	[tilespmem:s10+$0x17900] =	vst v9;
	v9 =	vmul.f32 v13, v20;
	v13 =	vmul.f32 v14, v20  }
0x8a: {  	[tilespmem:s10+$0x17910] =	vst v10;
	v10 =	vmul.f32 v15, v16;
	v14 =	vmul.f32 v19, v16  }
0x8b: {  	[tilespmem:s10+$0x17920] =	vst v11  }
0x8c: {  	[tilespmem:s10+$0x17930] =	vst v12  }
.Ltmp2:
0x8d: {  	[tilespmem:s10+$0x17940] =	vst v9;
	(pc) =	sbr.rel @p3 .LBB2_3-.Ltmp2, $4  }
0x8e: {  	[tilespmem:s10+$0x17950] =	vst v13  }
0x8f: {  	[tilespmem:s10+$0x17960] =	vst v10  }
0x90: {  	s7 =	sadd.s32 $0x10, s7;
	[tilespmem:s10+$0x17970] =	vst v14  }
0x91: {  	s9 =	sadd.s32 $0x200, s9;
	v9 =	vld [tilespmem:s7+$0x0]  }
0x92: {  	_ =	sdelay $0x3  }
0x93: {  	v9 =	vsub.f32 v9, v8;
	_ =	sdelay $0x1  }
0x94: {  	v9 =	vmul.f32 $1.442695020e+00, v9;
	_ =	sdelay $0x1  }
0x95: {  	(erf) = vpow2.f32 v9;
	_ =	sdelay $0x5  }
0x96: {  	s7 =	sshra.s32 s25, $0x2  }
0x97: {  	v9 =	vld [tilespmem:s7+$0x13900]  }
0x98: {  	v10 =	vld [tilespmem:s7+$0x13910]  }
0x99: {  	v11 =	vld [tilespmem:s7+$0x13920];
	v12 =	vpop (erf)  }
0x9a: {  	v15 =	vld [tilespmem:s7+$0x13940];
	v14 =	vperm.xlane v12, v4  }
0x9b: {  	v13 =	vld [tilespmem:s7+$0x13930]  }
0x9c: {  	v16 =	vld [tilespmem:s7+$0x13950];
	v17 =	vperm.xlane v12, v5;
	v9 =	vmul.f32 v9, v14  }
0x9d: {  	v18 =	vld [tilespmem:s7+$0x13960];
	v19 =	vperm.xlane v12, v6;
	v10 =	vmul.f32 v10, v14  }
0x9e: {  	v62 =	vld [tilespmem:s7+$0x13970];
	v11 =	vmul.f32 v11, v17;
	[tilespmem:s7+$0x17900] =	vst v9  }
0x9f: {  	v63 =	vmul.f32 v15, v19;
	[tilespmem:s7+$0x17910] =	vst v10  }
0xa0: {  	v9 =	vmul.f32 v13, v17;
	v10 =	vperm.xlane v12, v7;
	[tilespmem:s7+$0x17920] =	vst v11  }
0xa1: {  	v11 =	vmul.f32 v16, v19;
	[tilespmem:s7+$0x17940] =	vst v63  }
0xa2: {  	[tilespmem:s7+$0x17930] =	vst v9;
	v9 =	vmul.f32 v18, v10  }
0xa3: {  	s9 =	sshll.u32 s23, $0x8;
	v10 =	vmul.f32 v62, v10;
	[tilespmem:s7+$0x17950] =	vst v11  }
0xa4: {  	p3 =	seq.s32 s23, $0x27;
	s25 =	sand.u32 $0x3FFFFF00, s9;
	[tilespmem:s7+$0x17960] =	vst v9  }
0xa5: {  	s10 =	sadd.s32 $0x1D500, s25;
	[tilespmem:s7+$0x17970] =	vst v10;
	s7 =	sadd.s32 @!p3 $0x2, s24  }
0xa6: {  	[spmem:s2] =	stream.indirect.scatter.add.f32 [tilespmem:s30], [sflag:$0x3], $0x80, s10, s22, $0xb8;
	[tilespmem:$0x1FF00] =	vst v63  }
0xa7: {  	s9 =	sshll.u32 @!p3 s7, $0x6  }
0xa8: {  	s9 =	sand.u32 @!p3 $0x3FFFFFC0, s9  }
0xa9: {  	s4 =	simm.s32 @!p3 $0x13900;
	s10 =	simm.s32 @!p3 $0x40;
	s9 =	sadd.s32 @!p3 $0x1C100, s9  }
0xaa: {  	[tilespmem:s4], [sflag:$0x1] =	stream.indirect.gather @!p3 [hbm4b:s5+s10], $0x80, s9, s10, $0xb8;
	[tilespmem:$0x1FF00] =	vst v63  }
0xab: {  	s4 =	sadd.s32 @!p3 s8, s7  }
0xac: {  	s4 =	sshll.u32 @!p3 s4, $0x7  }
0xad: {  	s4 =	sand.u32 @!p3 $0x1FFFFF00, s4  }
0xae: {  	s7 =	simm.s32 @!p3 $0x0;
	s9 =	simm.s32 @!p3 $0x1B900;
	s4 =	sadd.s32 @!p3 s6, s4  }
0xaf: {  	[tilespmem:s9], [sflag:$0x1] =	stream.linear.gather @!p3 [hbm4b:s4+s7], $0x400, $0x38;
	[tilespmem:$0x1FF00] =	vst v63  }
0xb0: {  	_ =	swait.ge [sflag:s31], $0x2000  }
0xb1: {  	[sflag:s31] =	ssyncset.done $0x0  }
0xb2: {  	[sflag:s31] =	ssyncadd.s32 $0xFFFFE000  }
0xb3: {  	_ =	swait.ge [sflag:s31], $0x400  }
0xb4: {  	[sflag:s31] =	ssyncset.done $0x0  }
0xb5: {  	s9 =	simm.s32 $0x1BD00;
	[sflag:s31] =	ssyncadd.s32 $0xFFFFFC00  }
0xb6: {  	s10 =	simm.s32 $0x200;
	s7 =	simm.s32 $0x0;
	v9 =	vld [tilespmem:s9+$0x0]  }
.LBB2_5:
0xb7: {  	p4 =	sne.s32 s10, $0x7E00;
	_ =	sdelay $0x3  }
0xb8: {  	v9 =	vsub.f32 v9, v8;
	_ =	sdelay $0x1  }
0xb9: {  	v9 =	vmul.f32 $1.442695020e+00, v9;
	_ =	sdelay $0x1  }
0xba: {  	(erf) = vpow2.f32 v9;
	_ =	sdelay $0x1  }
0xbb: {  	s4 =	sshra.s32 s7, $0x2;
	s7 =	smov.u32 s10  }
0xbc: {  	v9 =	vld [tilespmem:s4+$0x15900]  }
0xbd: {  	v10 =	vld [tilespmem:s4+$0x15910]  }
0xbe: {  	v11 =	vld [tilespmem:s4+$0x15920]  }
0xbf: {  	v12 =	vld [tilespmem:s4+$0x15930]  }
0xc0: {  	v13 =	vld [tilespmem:s4+$0x15940]  }
0xc1: {  	v14 =	vld [tilespmem:s4+$0x15950]  }
0xc2: {  	v15 =	vld [tilespmem:s4+$0x15960];
	v16 =	vpop (erf)  }
0xc3: {  	v17 =	vperm.xlane v16, v4;
	v18 =	vperm.xlane v16, v5;
	v19 =	vld [tilespmem:s4+$0x15970]  }
0xc4: {  	v20 =	vperm.xlane v16, v6;
	v16 =	vperm.xlane v16, v7  }
0xc5: {  	v9 =	vmul.f32 v9, v17;
	v10 =	vmul.f32 v10, v17  }
0xc6: {  	v11 =	vmul.f32 v11, v18;
	v12 =	vmul.f32 v12, v18  }
0xc7: {  	[tilespmem:s4+$0x19900] =	vst v9;
	v9 =	vmul.f32 v13, v20;
	v13 =	vmul.f32 v14, v20  }
0xc8: {  	[tilespmem:s4+$0x19910] =	vst v10;
	v10 =	vmul.f32 v15, v16;
	v14 =	vmul.f32 v19, v16  }
0xc9: {  	[tilespmem:s4+$0x19920] =	vst v11  }
0xca: {  	[tilespmem:s4+$0x19930] =	vst v12  }
.Ltmp3:
0xcb: {  	[tilespmem:s4+$0x19940] =	vst v9;
	(pc) =	sbr.rel @p4 .LBB2_5-.Ltmp3, $4  }
0xcc: {  	[tilespmem:s4+$0x19950] =	vst v13  }
0xcd: {  	[tilespmem:s4+$0x19960] =	vst v10  }
0xce: {  	s9 =	sadd.s32 $0x10, s9;
	[tilespmem:s4+$0x19970] =	vst v14  }
0xcf: {  	s10 =	sadd.s32 $0x200, s10;
	v9 =	vld [tilespmem:s9+$0x0]  }
0xd0: {  	_ =	sdelay $0x3  }
0xd1: {  	v9 =	vsub.f32 v9, v8;
	_ =	sdelay $0x1  }
0xd2: {  	v9 =	vmul.f32 $1.442695020e+00, v9;
	_ =	sdelay $0x1  }
0xd3: {  	(erf) = vpow2.f32 v9;
	_ =	sdelay $0x5  }
0xd4: {  	s4 =	sshra.s32 s7, $0x2  }
0xd5: {  	v9 =	vld [tilespmem:s4+$0x15900]  }
0xd6: {  	v10 =	vld [tilespmem:s4+$0x15910]  }
0xd7: {  	v11 =	vld [tilespmem:s4+$0x15920];
	v12 =	vpop (erf)  }
0xd8: {  	v15 =	vld [tilespmem:s4+$0x15940];
	v14 =	vperm.xlane v12, v4  }
0xd9: {  	v13 =	vld [tilespmem:s4+$0x15930]  }
0xda: {  	v16 =	vld [tilespmem:s4+$0x15950];
	v17 =	vperm.xlane v12, v5;
	v9 =	vmul.f32 v9, v14  }
0xdb: {  	v18 =	vld [tilespmem:s4+$0x15960];
	v19 =	vperm.xlane v12, v6;
	v10 =	vmul.f32 v10, v14  }
0xdc: {  	v62 =	vld [tilespmem:s4+$0x15970];
	v11 =	vmul.f32 v11, v17;
	[tilespmem:s4+$0x19900] =	vst v9  }
0xdd: {  	v63 =	vmul.f32 v15, v19;
	[tilespmem:s4+$0x19910] =	vst v10  }
0xde: {  	v9 =	vmul.f32 v13, v17;
	v10 =	vperm.xlane v12, v7;
	[tilespmem:s4+$0x19920] =	vst v11  }
0xdf: {  	v11 =	vmul.f32 v16, v19;
	[tilespmem:s4+$0x19940] =	vst v63  }
.Ltmp4:
0xe0: {  	[tilespmem:s4+$0x19930] =	vst v9;
	v9 =	vmul.f32 v18, v10;
	(pc) =	sbr.rel @p3 .LBB2_8-.Ltmp4, $4  }
0xe1: {  	v10 =	vmul.f32 v62, v10;
	[tilespmem:s4+$0x19950] =	vst v11  }
0xe2: {  	[tilespmem:s4+$0x19960] =	vst v9  }
0xe3: {  	s25 =	sadd.s32 $0x1D580, s25;
	[tilespmem:s4+$0x19970] =	vst v10  }
0xe4: {  	[spmem:s2] =	stream.indirect.scatter.add.f32 [tilespmem:s0], [sflag:$0x4], $0x80, s25, s22, $0xb8;
	[tilespmem:$0x1FF00] =	vst v63  }
0xe5: {  	s4 =	sadd.s32 $0x3, s24  }
0xe6: {  	s7 =	sshll.u32 s4, $0x6;
	s4 =	sadd.s32 s8, s4  }
.Ltmp5:
0xe7: {  	s7 =	sand.u32 $0x3FFFFFC0, s7;
	s4 =	sshll.u32 s4, $0x7;
	(pc) =	sbr.rel .LBB2_2-.Ltmp5, $4  }
0xe8: {  	s7 =	sadd.s32 $0x1C100, s7;
	s4 =	sand.u32 $0x1FFFFF80, s4  }
0xe9: {  	[tilespmem:s26], [sflag:$0x2] =	stream.indirect.gather [hbm4b:s5+s22], $0x80, s7, s22, $0xb8;
	[tilespmem:$0x1FF00] =	vst v63  }
0xea: {  	s23 =	sadd.s32 $0x1, s23;
	s4 =	sadd.s32 s6, s4  }
0xeb: {  	[tilespmem:s28], [sflag:$0x2] =	stream.linear.gather [hbm4b:s4+s3], $0x400, $0x38;
	[tilespmem:$0x1FF00] =	vst v63  }
.LBB2_9:
0xec: {  	_ =	sfence.sel $0x180000  }
0xed: {  	[bflag:$0x0] =	sbarrier.arrive $0xFFFF  }
0xee: {  	_ =	strace $0x9000004D  }
0xef: {  	[bflag:$0x2] =	sbarrier.arrive $0xFFFF  }
0xf0: {  	s0 =	rddreg [dreg:$0x3]  }
0xf1: {  	s0 =	sadd.s32 @!p1 $0x100000, s0  }
0xf2: {  	[sflag:s0] =	ssyncadd.tile.s32 @!p1 $0x1;
	_ =	shalt  }
.Lfunc_end2:
_tile_overlayer_lowered:
.L_overlay_start_2:
0xf3: {  	(tag) =	ssettag $0x2  }
0xf4: {  	s0 =	rddreg [dreg:$0x0];
	s2 =	stileid.u32  }
0xf5: {  	s1 =	rddreg [dreg:$0x1];
	p0 =	sne.s32 s2, $0x0  }
0xf6: {  	s3 =	rddreg [dreg:$0x2];
	[bflag:$0x3] =	sbarrier.arrive $0xFFFF;
	s2 =	simm.s32 @!p0 $0x1C05  }
0xf7: {  	[timem:s3], [sflag:s2] =	dma.local @!p0 [hbm:s0], s1  }
0xf8: {  	s0 =	simm.s32 @!p0 $0x5  }
0xf9: {  	_ =	swait.ge @!p0 [sflag:s0], s1  }
0xfa: {  	s1 =	ssub.s32 @!p0 $0x0, s1;
	[sflag:s0] =	ssyncset.done @!p0 $0x0  }
0xfb: {  	[sflag:s0] =	ssyncadd.s32 @!p0 s1  }
0xfc: {  	[bflag:$0x3] =	sbarrier.arrive $0xFFFF  }
0xfd: {  	_ =	shalt  }

// kernel: kernel.17.cloned.1.call-start
scs
__scs_entry_jumppad:
0x0: {  	(pc) =	sbr.rel $0x88, $3  }
0x1: {  	(tag) =	ssettag $0x0;
	lr =	simm.s32 $0x1  }
0x2: {  	[smem:$0x3F92] =	sst lr;
	_ =	strace $0xD0000000  }
0x3: {  	_ = 	snop  }
0x4: {  	_ = 	snop  }
0x5: {  	_ = 	snop  }
0x6: {  	_ = 	snop  }
0x7: {  	_ = 	snop  }
__scs_overlays_trampoline_lowered:
0x8: {  	[smem:$0x3FA1] =	sst s0  }
0x9: {  	[smem:$0x3FA2] =	sst s1  }
0xa: {  	[smem:$0x3FA3] =	sst s2  }
0xb: {  	[smem:$0x3FA4] =	sst s3  }
0xc: {  	[smem:$0x3FA5] =	sst s4  }
0xd: {  	[smem:$0x3FA6] =	sst s5  }
0xe: {  	[smem:$0x3FA7] =	sst s6  }
0xf: {  	[smem:$0x3FA8] =	sst s7  }
0x10: {  	[smem:$0x3FA9] =	sst s8  }
0x11: {  	[smem:$0x3FAA] =	sst s9;
	s0 =	simm.s32 @!p0 $0x0  }
0x12: {  	s1 =	sld [smem:$0x3F90];
	s0 =	simm.s32 @p0 $0x1  }
0x13: {  	[smem:$0x3FAB] =	sst s0;
	s0 =	simm.s32 @!p1 $0x0  }
0x14: {  	s2 =	sld [smem:$0x3F8F];
	s0 =	simm.s32 @p1 $0x1  }
0x15: {  	[smem:$0x3FAC] =	sst s0;
	s0 =	simm.s32 @!p2 $0x0  }
0x16: {  	s3 =	sld [smem:$0x3FDB];
	s0 =	simm.s32 @p2 $0x1  }
0x17: {  	s4 =	simm.s32 $0x1BF5;
	[smem:$0x3FAE] =	sst s0  }
0x18: {  	s0 =	sld [smem:$0x3F91];
	_ =	swait.ge [sflag:s4], $0x0  }
0x19: {  	s7 =	sld [smem:$0x3F92]  }
0x1a: {  	s8 =	sadd.s32 $0xFFFFE003, lr  }
0x1b: {  	s9 =	sadd.s32 $0xFFFFFEF7, lr;
	s5 =	simm.s32 $0xFFFFFFFF;
	p2 =	slt.u32 s8, $0xFFFFF086  }
0x1c: {  	p1 =	slt.u32 s9, $0xF7A;
	s5 =	simm.s32 @!p2 $0x0  }
0x1d: {  	s5 =	simm.s32 @p1 $0x1;
	p0 =	seq.s32 s7, s2  }
0x1e: {  	s7 =	smul.u32 @!p0 $0xF7A, s2;
	p2 =	seq.s32 @!p0 s5, $0x0  }
0x1f: {  	s9 =	smul.u32 $0xF7A, s1;
	s8 =	simm.s32 @!p0 $0x1BF5;
	p2 =	por !p2, p0  }
0x20: {  	[sflag:s8] =	ssyncset.s32 @!p0 $0xFFFFF086;
	s6 =	sadd.s32 @!p0 s3, s7;
	s7 =	simm.s32 @!p0 $0x108  }
0x21: {  	s3 =	sadd.s32 s3, s9;
	s6 =	sadd.s32 @!p0 $0x88, s6;
	s7 =	simm.s32 @p2 $0x1082  }
0x22: {  	[simem:s7], [sflag:s8] =	dma.local @!p0 [hbm:s6], $0xF7A  }
0x23: {  	s9 =	sor.u32 $0xD0000000, s2;
	s6 =	simm.s32 $0x108;
	_ =	swait.ge @!p0 [sflag:s8], $0x0  }
0x24: {  	s3 =	sadd.s32 $0x88, s3;
	s6 =	simm.s32 @!p1 $0x1082;
	[sflag:s4] =	ssyncset.s32 $0xFFFFF086  }
0x25: {  	[simem:s6], [sflag:s4] =	dma.local [hbm:s3], $0xF7A  }
0x26: {  	[smem:$0x3F92] =	sst s1;
	(tag) =	ssettag s2;
	_ =	strace s9  }
0x27: {  	s1 =	sld [smem:$0x3FA2]  }
0x28: {  	s2 =	sld [smem:$0x3FA3]  }
0x29: {  	s4 =	sld [smem:$0x3FA5]  }
0x2a: {  	p0 =	seq.s32 s5, $0x0;
	s5 =	sld [smem:$0x3FA6]  }
0x2b: {  	s6 =	sld [smem:$0x3FA7]  }
0x2c: {  	s7 =	sld [smem:$0x3FA8]  }
0x2d: {  	s3 =	simm.s32 $0x108;
	s8 =	sld [smem:$0x3FA9]  }
0x2e: {  	s3 =	simm.s32 @!p0 $0x1082;
	s9 =	sld [smem:$0x3FAA]  }
0x2f: {  	lr =	sadd.s32 s0, s3;
	s0 =	sld [smem:$0x3FA1]  }
0x30: {  	s3 =	sld [smem:$0x3FA4]  }
0x31: {  	[smem:$0x3FAD] =	sst s10  }
0x32: {  	s10 =	sld [smem:$0x3FAB];
	_ =	sdelay $0x3  }
0x33: {  	p0 =	seq.s32 s10, $0x1;
	s10 =	sld [smem:$0x3FAD];
	_ =	sdelay $0x3  }
0x34: {  	[smem:$0x3FAD] =	sst s10  }
0x35: {  	s10 =	sld [smem:$0x3FAC];
	_ =	sdelay $0x3  }
0x36: {  	p1 =	seq.s32 s10, $0x1;
	s10 =	sld [smem:$0x3FAD];
	_ =	sdelay $0x3  }
0x37: {  	[smem:$0x3FAD] =	sst s10  }
0x38: {  	s10 =	sld [smem:$0x3FAE]  }
0x39: {  	_ = 	snop;
	(pc) =	sbr.ind lr, $3  }
0x3a: {  	_ = 	snop  }
0x3b: {  	_ = 	snop  }
0x3c: {  	p2 =	seq.s32 s10, $0x1;
	s10 =	sld [smem:$0x3FAD]  }
0x3d: {  	_ =	shalt  }
0x3e: {  	_ =	shalt  }
0x3f: {  	_ =	shalt  }
0x40: {  	_ =	shalt  }
0x41: {  	_ =	shalt  }
0x42: {  	_ =	shalt  }
0x43: {  	_ =	shalt  }
0x44: {  	_ =	shalt  }
0x45: {  	_ =	shalt  }
0x46: {  	_ =	shalt  }
0x47: {  	_ =	shalt  }
0x48: {  	_ =	shalt  }
0x49: {  	_ =	shalt  }
0x4a: {  	_ =	shalt  }
0x4b: {  	_ =	shalt  }
0x4c: {  	_ =	shalt  }
0x4d: {  	_ =	shalt  }
0x4e: {  	_ =	shalt  }
0x4f: {  	_ =	shalt  }
0x50: {  	_ =	shalt  }
0x51: {  	_ =	shalt  }
0x52: {  	_ =	shalt  }
0x53: {  	_ =	shalt  }
0x54: {  	_ =	shalt  }
0x55: {  	_ =	shalt  }
0x56: {  	_ =	shalt  }
0x57: {  	_ =	shalt  }
0x58: {  	_ =	shalt  }
0x59: {  	_ =	shalt  }
0x5a: {  	_ =	shalt  }
0x5b: {  	_ =	shalt  }
0x5c: {  	_ =	shalt  }
0x5d: {  	_ =	shalt  }
0x5e: {  	_ =	shalt  }
0x5f: {  	_ =	shalt  }
0x60: {  	_ =	shalt  }
0x61: {  	_ =	shalt  }
0x62: {  	_ =	shalt  }
0x63: {  	_ =	shalt  }
0x64: {  	_ =	shalt  }
0x65: {  	_ =	shalt  }
0x66: {  	_ =	shalt  }
0x67: {  	_ =	shalt  }
0x68: {  	_ =	shalt  }
0x69: {  	_ =	shalt  }
0x6a: {  	_ =	shalt  }
0x6b: {  	_ =	shalt  }
0x6c: {  	_ =	shalt  }
0x6d: {  	_ =	shalt  }
0x6e: {  	_ =	shalt  }
0x6f: {  	_ =	shalt  }
0x70: {  	_ =	shalt  }
0x71: {  	_ =	shalt  }
0x72: {  	_ =	shalt  }
0x73: {  	_ =	shalt  }
0x74: {  	_ =	shalt  }
0x75: {  	_ =	shalt  }
0x76: {  	_ =	shalt  }
0x77: {  	_ =	shalt  }
0x78: {  	_ =	shalt  }
0x79: {  	_ =	shalt  }
0x7a: {  	_ =	shalt  }
0x7b: {  	_ =	shalt  }
0x7c: {  	_ =	shalt  }
0x7d: {  	_ =	shalt  }
0x7e: {  	_ =	shalt  }
0x7f: {  	_ =	shalt  }
0x80: {  	_ =	shalt  }
0x81: {  	_ =	shalt  }
0x82: {  	_ =	shalt  }
0x83: {  	_ =	shalt  }
0x84: {  	_ =	shalt  }
0x85: {  	_ =	shalt  }
0x86: {  	_ =	shalt  }
0x87: {  	_ =	shalt  }
.Lfunc_end0:
.L_simem_size_0:
called_computation.3_lowered:
.L_overlay_start_0:
0x88: {  	s2 =	sld [smem:$0x3FD9]  }
0x89: {  	s3 =	sld [smem:$0x3FFE];
	_ =	sdelay $0x1  }
0x8a: {  	s1 =	srdreg.scid  }
0x8b: {  	s0 =	sand.u32 $0x1, s1  }
0x8c: {  	s17 =	sshll.u32 s0, $0xA;
	s2 =	sadd.s32 s3, s2  }
0x8d: {  	s2 =	sadd.s32 s2, s17  }
0x8e: {  	[smem:$0x3FB9] =	sst s2  }
0x8f: {  	_ = 	snop  }
0x90: {  	s2 =	sld [smem:$0x3FD0];
	(tm) =	ssettm $0x1  }
0x91: {  	s18 =	sld [smem:$0x3FFB];
	_ =	sdelay $0x3  }
0x92: {  	_ =	strace s18  }
0x93: {  	s3 =	sld [smem:$0x3FFC];
	_ =	sdelay $0x3  }
0x94: {  	_ =	strace s3  }
0x95: {  	s3 =	sld [smem:$0x3FFD];
	_ =	sdelay $0x3  }
0x96: {  	_ =	strace s3  }
0x97: {  	_ =	strace $0x8FFFFFFF  }
0x98: {  	s19 =	sld [smem:$0x3FDB];
	_ =	sdelay $0x1  }
0x99: {  	s4 =	simm.s32 $_scs_section_size  }
0x9a: {  	s5 =	simm.s32 $_size__tile_overlayer_lowered;
	s6 =	simm.s32 $_tile_overlayer_lowered  }
0x9b: {  	s22 =	simm.s32 $0x1BFF;
	s21 =	sshll.u32 s6, $0x1;
	s3 =	sadd.s32 s4, s19  }
0x9c: {  	s7 =	simm.s32 $0x0;
	s20 =	sshll.u32 s5, $0x1;
	s5 =	sadd.s32 s21, s3  }
0x9d: {  	[timem:s7], [sflag:s22] =	dma.local [hbm:s5], s20  }
0x9e: {  	_ =	swait.ge [sflag:s22], s20  }
0x9f: {  	s4 =	ssub.s32 $0x0, s20;
	[sflag:s22] =	ssyncset.done $0x0  }
0xa0: {  	[sflag:s22] =	ssyncadd.s32 s4;
	_ =	sdelay $0x1  }
0xa1: {  	s23 =	simm.s32 $0x1B8B  }
0xa2: {  	_ =	swait.ge [sflag:s23], $0x1  }
0xa3: {  	[sflag:s23] =	ssyncset.done $0x0  }
0xa4: {  	s25 =	simm.s32 $0x1B8E;
	s24 =	sld [smem:$0x3FFE];
	[sflag:s23] =	ssyncadd.s32 $0xFFFFFFFF  }
0xa5: {  	s26 =	simm.s32 $execute0_lowered;
	[smem:$0x3FD2] =	sst s25  }
0xa6: {  	s5 =	sshll.u32 s26, $0x1;
	_ =	strace $0x80000049;
	[dreg:$0x1] =	wrdreg $0xFFFFFFFF  }
0xa7: {  	s28 =	simm.s32 $_size_execute0_lowered;
	s3 =	sadd.s32 s3, s5;
	[dreg:$0x0] =	wrdreg $0x0  }
0xa8: {  	s5 =	sshll.u32 s28, $0x1;
	[dreg:$0x2] =	wrdreg s3  }
0xa9: {  	[dreg:$0x3] =	wrdreg s5  }
0xaa: {  	[dreg:$0x4] =	wrdreg $0xC0  }
0xab: {  	_ =	task [dreg:s7], $0x5FFFF  }
0xac: {  	[dreg:$0x1] =	wrdreg $0xFFFFFFFF  }
0xad: {  	[dreg:$0x0] =	wrdreg $0x60  }
0xae: {  	[dreg:$0x2] =	wrdreg s24  }
0xaf: {  	[dreg:$0x3] =	wrdreg s2  }
0xb0: {  	[dreg:$0x4] =	wrdreg $0x0  }
0xb1: {  	[dreg:$0x5] =	wrdreg $0xB  }
0xb2: {  	_ =	task.clear_ibuf [dreg:s7], $0x6FFFF;
	_ =	strace $0x90000049  }
0xb3: {  	s29 =	simm.s32 $0xB;
	_ =	strace $0x8000004B  }
0xb4: {  	_ =	swait.ge [sflag:s29], $0x1  }
0xb5: {  	[sflag:s29] =	ssyncadd.s32 $0xFFFFFFFF  }
0xb6: {  	_ =	strace $0x9000004B  }
0xb7: {  	_ =	sfence  }
0xb8: {  	s30 =	sld [smem:$0x0];
	_ =	sdelay $0x2  }
0xb9: {  	s31 =	sshll.u32 s1, $0xD;
	s1 =	sshrl.u32 s1, $0x2  }
0xba: {  	s3 =	sand.u32 $0x4000, s31;
	s1 =	sadd.s32 s1, s30  }
0xbb: {  	s0 =	sor.u32 s3, s0;
	s1 =	sshll.u32 s1, $0x11  }
0xbc: {  	s0 =	sor.u32 s1, s0  }
0xbd: {  	s0 =	sadd.s32 $0x8F2B, s0  }
0xbe: {  	[sflag:s0] =	ssyncadd.remote.s32 $0x1  }
0xbf: {  	_ =	sfence.sel $0xFFFF  }
0xc0: {  	[dreg:$0x0] =	wrdreg $0xFFFFFFFF;
	(pc) =	sbr.abs _section_cstart, $3  }
0xc1: {  	[dreg:$0x1] =	wrdreg $0xFFFFFFFF  }
0xc2: {  	_ =	task.clear_ibuf [dreg:s7], $0x2FFFF;
	_ =	strace $0x9FFFFFFF  }
0xc3: {  	(tm) =	ssettm $0x7FFFFFFF  }
tec
execute0_lowered:
.L_overlay_start_1:
0x0: {  	(tag) =	ssettag $0x1  }
0x1: {  	s0 =	rddreg [dreg:$0x0]  }
0x2: {  	s2 =	rddreg [dreg:$0x2]  }
0x3: {  	s1 =	srdreg.scid;
	s3 =	simm.s32 $0x0;
	s4 =	stileid.u32  }
0x4: {  	s18 =	simm.s32 $0x1C100;
	s19 =	simm.s32 $0x5;
	s22 =	simm.s32 $0x40  }
0x5: {  	s28 =	simm.s32 $0x1BD00;
	s29 =	simm.s32 $0x1;
	s30 =	simm.s32 $0x17900  }
0x6: {  	s31 =	simm.s32 $0x2;
	s20 =	simm.s32 $0x4;
	s21 =	simm.s32 $0x0  }
0x7: {  	s1 =	sand.u32 $0x1, s1;
	[smem:$0x7FF] =	sst s3;
	s11 =	smul.u32 $0x3E80, s4  }
0x8: {  	s6 =	sadd.s32 $0xAA800, s0;
	s9 =	sadd.s32 $0xFA800, s0;
	s25 =	smul.u32 $0x7D000, s4  }
0x9: {  	p1 =	slt.u32 s4, $0xA;
	s5 =	sshll.u32 s1, $0x4;
	_ =	strace $0x8000004A  }
0xa: {  	v0 =	vimm.s32 $0xFEDCBA98;
	v1 =	vimm.s32 $0x76543210;
	[dreg:$0x4] =	wrdreg s9;
	s12 =	ssub.s32 $0x2, s1;
	p0 =	seq.s32 s1, $0x0  }
0xb: {  	v2 =	vimm.s32 $0xBA98FEDC;
	v3 =	vimm.s32 $0x32107654;
	v4 =	vimm.s32 $0xDCFE98BA;
	p2 =	seq.s32 s1, $0x1;
	s1 =	simm.s32 $0x3;
	s7 =	sor.u32 s4, s5  }
0xc: {  	v5 =	vimm.s32 $0x54761032;
	v6 =	vimm.s32 $0xEFCDAB89;
	s5 =	sadd.s32 $0x83600, s0;
	s13 =	sshrl.u32 s12, $0x1;
	p0 =	por !p0, !p1  }
0xd: {  	v7 =	vimm.s32 $0x67452301;
	v0 =	vunpack.c.l.s4.s8 v0;
	v1 =	vunpack.c.l.s4.s8 v1;
	s26 =	sshrl.u32 s25, $0x2;
	p1 =	por !p1, !p2;
	s8 =	smul.u32 $0x280, s7  }
0xe: {  	v2 =	vunpack.c.l.s4.s8 v2;
	v3 =	vunpack.c.l.s4.s8 v3;
	v4 =	vunpack.c.l.s4.s8 v4;
	s24 =	smul.u32 $0x500, s7;
	s16 =	ssub.s32 s12, s13;
	p0 =	por !p0, !p0  }
0xf: {  	v5 =	vunpack.c.l.s4.s8 v5;
	v6 =	vunpack.c.l.s4.s8 v6;
	v7 =	vunpack.c.l.s4.s8 v7;
	s13 =	sadd.s32 s26, s2;
	p2 =	por !p1, !p1;
	p1 =	sne.s32 s4, $0x0  }
0x10: {  	v0 =	vunpack.c.0.s8.s32 v0;
	v1 =	vunpack.c.0.s8.s32 v1;
	v2 =	vunpack.c.0.s8.s32 v2;
	s26 =	simm.s32 $0x15900;
	s10 =	sadd.s32 s8, s0;
	s8 =	smul.u32 $0x50, s7  }
.Ltmp0:
0x11: {  	v3 =	vunpack.c.0.s8.s32 v3;
	v4 =	vunpack.c.0.s8.s32 v4;
	v5 =	vunpack.c.0.s8.s32 v5;
	s16 =	smax.u32 s16, $0x1;
	s17 =	sshrl.u32 @!p1 s2, $0x3;
	(pc) =	sbr.rel .LBB2_1-.Ltmp0, $4  }
0x12: {  	v6 =	vunpack.c.0.s8.s32 v6;
	v7 =	vunpack.c.0.s8.s32 v7;
	v0 =	vand.u32 $0xF, v0;
	s9 =	sadd.s32 s24, s0;
	s0 =	sadd.s32 s11, s0;
	s7 =	smul.u32 $0x2800, s7  }
0x13: {  	v0 =	vcombine.low v0, v1;
	v1 =	vcombine.low v3, v2;
	s10 =	sadd.s32 $0x9200, s10;
	s9 =	sadd.s32 $0xFAA00, s9;
	s14 =	sadd.s32 $0xE200, s0  }
0x14: {  	v2 =	vcombine.low v5, v4;
	v3 =	vcombine.low v7, v6;
	v4 =	vimm.s32 $0x4;
	s15 =	sadd.s32 $0x104A00, s0;
	[dreg:$0x5] =	wrdreg s10;
	s11 =	sadd.s32 s6, s7  }
0x15: {  	v5 =	vimm.s32 $0x5;
	v6 =	vimm.s32 $0x6;
	v7 =	vimm.s32 $0x7;
	s0 =	simm.s32 $0x19900;
	[dreg:$0x6] =	wrdreg s9;
	s12 =	sadd.s32 $0x80, s11  }
.LBB2_8:
0x16: {  	_ =	swait.ge [sflag:s1], $0x2000  }
0x17: {  	[sflag:s1] =	ssyncset.done $0x0  }
0x18: {  	[sflag:s1] =	ssyncadd.s32 $0xFFFFE000  }
0x19: {  	_ =	swait.ge [sflag:s20], $0x2000  }
0x1a: {  	s9 =	stileid.u32;
	[sflag:s20] =	ssyncset.done $0x0  }
0x1b: {  	s4 =	sshll.u32 @p0 s9, $0x6;
	[sflag:s20] =	ssyncadd.s32 $0xFFFFE000  }
0x1c: {  	s7 =	sshrl.u32 @p0 s13, $0x3;
	s4 =	sor.u32 @p0 $0x1C05, s4;
	[bflag:$0x0] =	sbarrier.arrive $0xFFFF  }
0x1d: {  	[hbm:s14], [sflag:s4] =	dma.local @p0 [spmem:s7], $0x3E80  }
0x1e: {  	s4 =	simm.s32 @p0 $0x5  }
0x1f: {  	s21 =	sadd.s32 $0x1, s21;
	_ =	swait.ge @p0 [sflag:s4], $0x3E80  }
0x20: {  	p3 =	sne.s32 s21, s16;
	s7 =	sshll.u32 @p2 s9, $0x6;
	[sflag:s4] =	ssyncset.done @p0 $0x0  }
0x21: {  	[sflag:s4] =	ssyncadd.s32 @p0 $0xFFFFC180;
	s4 =	sor.u32 @p2 $0x1C05, s7;
	s7 =	sshrl.u32 @p2 s13, $0x3  }
0x22: {  	[hbm:s15], [sflag:s4] =	dma.local @p2 [spmem:s7], $0x3E80  }
.Ltmp1:
0x23: {  	_ = 	snop;
	(pc) =	sbr.rel @!p3 .LBB2_9-.Ltmp1, $4  }
0x24: {  	s4 =	simm.s32 @p2 $0x5  }
0x25: {  	_ =	swait.ge @p2 [sflag:s4], $0x3E80  }
0x26: {  	[sflag:s4] =	ssyncset.done @p2 $0x0  }
0x27: {  	[sflag:s4] =	ssyncadd.s32 @p2 $0xFFFFC180  }
.LBB2_1:
0x28: {  	s7 =	simm.s32 @!p1 $0x1C05;
	s4 =	rddreg [dreg:$0x1]  }
0x29: {  	[spmem:s17], [sflag:s7] =	dma.local @!p1 [hbm:s4], $0x27200  }
0x2a: {  	s7 =	simm.s32 @!p1 $0x5  }
0x2b: {  	_ =	swait.ge @!p1 [sflag:s7], $0x27200  }
0x2c: {  	[sflag:s7] =	ssyncset.done @!p1 $0x0  }
0x2d: {  	s23 =	rddreg [dreg:$0x5];
	[sflag:s7] =	ssyncadd.s32 @!p1 $0xFFFD8E00  }
0x2e: {  	[tilespmem:s18], [sflag:$0x5] =	stream.linear.gather [hbm4b:s23+s3], $0x1400, $0x38;
	[tilespmem:$0x1FF00] =	vst v63  }
0x2f: {  	_ =	swait.ge [sflag:s19], $0x1400  }
0x30: {  	[sflag:s19] =	ssyncset.done $0x0  }
0x31: {  	s25 =	simm.s32 $0x1D500;
	s24 =	rddreg [dreg:$0x6];
	[sflag:s19] =	ssyncadd.s32 $0xFFFFEC00  }
0x32: {  	[tilespmem:s25], [sflag:$0x5] =	stream.linear.gather [hbm4b:s24+s3], $0x2800, $0x38;
	[tilespmem:$0x1FF00] =	vst v63  }
0x33: {  	_ =	swait.ge [sflag:s19], $0x2800  }
0x34: {  	[sflag:s19] =	ssyncset.done $0x0  }
0x35: {  	s10 =	simm.s32 $0x1FD00;
	s9 =	rddreg [dreg:$0x4];
	[sflag:s19] =	ssyncadd.s32 $0xFFFFD800  }
0x36: {  	[tilespmem:s10], [sflag:$0x5] =	stream.linear.gather [hbm4b:s9+s3], $0x200, $0x38;
	[tilespmem:$0x1FF00] =	vst v63  }
0x37: {  	_ =	swait.ge [sflag:s19], $0x200  }
0x38: {  	[sflag:s19] =	ssyncset.done $0x0  }
0x39: {  	[sflag:s19] =	ssyncadd.s32 $0xFFFFFE00  }
0x3a: {  	v8 =	vld [tilespmem:$0x1FD00]  }
0x3b: {  	v9 =	vld [tilespmem:$0x1FD10]  }
0x3c: {  	v10 =	vld [tilespmem:$0x1FD20]  }
0x3d: {  	v11 =	vld [tilespmem:$0x1FD30]  }
0x3e: {  	v12 =	vld [tilespmem:$0x1FD40]  }
0x3f: {  	v13 =	vld [tilespmem:$0x1FD50]  }
0x40: {  	v8 =	vmax.f32 v8, v9;
	v9 =	vld [tilespmem:$0x1FD60]  }
0x41: {  	v8 =	vmax.f32 v8, v10;
	v10 =	vld [tilespmem:$0x1FD70]  }
0x42: {  	v8 =	vmax.f32 v8, v11;
	v11 =	vld [tilespmem:$0x1FD80]  }
0x43: {  	v54 =	vld [tilespmem:$0x1FD90];
	v8 =	vmax.f32 v8, v12  }
0x44: {  	v55 =	vld [tilespmem:$0x1FDA0];
	v8 =	vmax.f32 v8, v13  }
0x45: {  	v8 =	vmax.f32 v8, v9;
	v9 =	vld [tilespmem:$0x1FDB0]  }
0x46: {  	v8 =	vmax.f32 v8, v10;
	v10 =	vld [tilespmem:$0x1FDC0]  }
0x47: {  	v8 =	vmax.f32 v8, v11;
	v11 =	vld [tilespmem:$0x1FDD0]  }
0x48: {  	v56 =	vld [tilespmem:$0x1FDE0];
	v8 =	vmax.f32 v8, v54  }
0x49: {  	v57 =	vld [tilespmem:$0x1FDF0];
	v8 =	vmax.f32 v8, v55  }
0x4a: {  	v8 =	vmax.f32 v8, v9;
	v9 =	vld [tilespmem:$0x1FE00]  }
0x4b: {  	v8 =	vmax.f32 v8, v10;
	v10 =	vld [tilespmem:$0x1FE10]  }
0x4c: {  	v8 =	vmax.f32 v8, v11;
	v11 =	vld [tilespmem:$0x1FE20]  }
0x4d: {  	v58 =	vld [tilespmem:$0x1FE30];
	v8 =	vmax.f32 v8, v56  }
0x4e: {  	v59 =	vld [tilespmem:$0x1FE40];
	v8 =	vmax.f32 v8, v57  }
0x4f: {  	v8 =	vmax.f32 v8, v9;
	v9 =	vld [tilespmem:$0x1FE50]  }
0x50: {  	v8 =	vmax.f32 v8, v10;
	v10 =	vld [tilespmem:$0x1FE60]  }
0x51: {  	v8 =	vmax.f32 v8, v11;
	v11 =	vld [tilespmem:$0x1FE70]  }
0x52: {  	v60 =	vld [tilespmem:$0x1FE80];
	v8 =	vmax.f32 v8, v58  }
0x53: {  	v61 =	vld [tilespmem:$0x1FE90];
	v8 =	vmax.f32 v8, v59  }
0x54: {  	v8 =	vmax.f32 v8, v9;
	v9 =	vld [tilespmem:$0x1FEA0]  }
0x55: {  	v8 =	vmax.f32 v8, v10;
	v10 =	vld [tilespmem:$0x1FEB0]  }
0x56: {  	v8 =	vmax.f32 v8, v11;
	v11 =	vld [tilespmem:$0x1FEC0]  }
0x57: {  	v62 =	vld [tilespmem:$0x1FED0];
	v8 =	vmax.f32 v8, v60  }
0x58: {  	v63 =	vld [tilespmem:$0x1FEE0];
	v8 =	vmax.f32 v8, v61  }
0x59: {  	v8 =	vmax.f32 v8, v9;
	v9 =	vld [tilespmem:$0x1FEF0]  }
0x5a: {  	v8 =	vmax.f32 v8, v10  }
0x5b: {  	v8 =	vmax.f32 v8, v11  }
0x5c: {  	v8 =	vmax.f32 v8, v62  }
0x5d: {  	v8 =	vmax.f32 v8, v63  }
0x5e: {  	v8 =	vmax.f32 v8, v9  }
0x5f: {  	v9 =	vperm.xlane v8, v0;
	_ =	sdelay $0x1  }
0x60: {  	v8 =	vmax.f32 v8, v9  }
0x61: {  	v9 =	vperm.xlane v8, v1  }
0x62: {  	s23 =	simm.s32 $0x13900;
	[bflag:$0x0] =	sbarrier.arrive $0xFFFF  }
0x63: {  	[tilespmem:s23], [sflag:$0x1] =	stream.indirect.gather [hbm4b:s5+s22], $0x80, s18, s22, $0xb8;
	v8 =	vmax.f32 v8, v9;
	[tilespmem:$0x1FF00] =	vst v63  }
0x64: {  	s24 =	simm.s32 $0x1B900;
	v9 =	vperm.xlane v8, v2  }
0x65: {  	[tilespmem:s24], [sflag:$0x1] =	stream.linear.gather [hbm4b:s11+s3], $0x400, $0x38;
	[tilespmem:$0x1FF00] =	vst v63  }
0x66: {  	s25 =	simm.s32 $0x1C140;
	v8 =	vmax.f32 v8, v9  }
0x67: {  	[tilespmem:s26], [sflag:$0x2] =	stream.indirect.gather [hbm4b:s5+s22], $0x80, s25, s22, $0xb8;
	v9 =	vperm.xlane v8, v3;
	[tilespmem:$0x1FF00] =	vst v63  }
0x68: {  	s23 =	simm.s32 $0x0  }
0x69: {  	[tilespmem:s28], [sflag:$0x2] =	stream.linear.gather [hbm4b:s12+s3], $0x400, $0x38;
	v8 =	vmax.f32 v8, v9;
	[tilespmem:$0x1FF00] =	vst v63  }
.LBB2_2:
0x6a: {  	p3 =	seq.s32 s23, $0x0  }
0x6b: {  	s7 =	simm.s32 @!p3 $0x3  }
0x6c: {  	_ =	swait.ge @!p3 [sflag:s7], $0x2000  }
0x6d: {  	[sflag:s7] =	ssyncset.done @!p3 $0x0  }
0x6e: {  	[sflag:s7] =	ssyncadd.s32 @!p3 $0xFFFFE000;
	s7 =	simm.s32 @!p3 $0x4  }
0x6f: {  	_ =	swait.ge @!p3 [sflag:s7], $0x2000  }
0x70: {  	[sflag:s7] =	ssyncset.done @!p3 $0x0  }
0x71: {  	[sflag:s7] =	ssyncadd.s32 @!p3 $0xFFFFE000  }
0x72: {  	_ =	swait.ge [sflag:s29], $0x2000  }
0x73: {  	[sflag:s29] =	ssyncset.done $0x0  }
0x74: {  	[sflag:s29] =	ssyncadd.s32 $0xFFFFE000  }
0x75: {  	_ =	swait.ge [sflag:s29], $0x400  }
0x76: {  	[sflag:s29] =	ssyncset.done $0x0  }
0x77: {  	s7 =	simm.s32 $0x1B900;
	[sflag:s29] =	ssyncadd.s32 $0xFFFFFC00  }
0x78: {  	s24 =	sshll.u32 s23, $0x1;
	s25 =	simm.s32 $0x0;
	s9 =	simm.s32 $0x200;
	v9 =	vld [tilespmem:s7+$0x0]  }
.LBB2_3:
0x79: {  	p3 =	sne.s32 s9, $0x7E00;
	_ =	sdelay $0x3  }
0x7a: {  	v9 =	vsub.f32 v9, v8;
	_ =	sdelay $0x1  }
0x7b: {  	v9 =	vmul.f32 $1.442695020e+00, v9;
	_ =	sdelay $0x1  }
0x7c: {  	(erf) = vpow2.f32 v9;
	_ =	sdelay $0x1  }
0x7d: {  	s10 =	sshra.s32 s25, $0x2;
	s25 =	smov.u32 s9  }
0x7e: {  	v9 =	vld [tilespmem:s10+$0x13900]  }
0x7f: {  	v10 =	vld [tilespmem:s10+$0x13910]  }
0x80: {  	v11 =	vld [tilespmem:s10+$0x13920]  }
0x81: {  	v12 =	vld [tilespmem:s10+$0x13930]  }
0x82: {  	v13 =	vld [tilespmem:s10+$0x13940]  }
0x83: {  	v14 =	vld [tilespmem:s10+$0x13950]  }
0x84: {  	v15 =	vld [tilespmem:s10+$0x13960];
	v16 =	vpop (erf)  }
0x85: {  	v17 =	vperm.xlane v16, v4;
	v18 =	vperm.xlane v16, v5;
	v19 =	vld [tilespmem:s10+$0x13970]  }
0x86: {  	v20 =	vperm.xlane v16, v6;
	v16 =	vperm.xlane v16, v7  }
0x87: {  	v9 =	vmul.f32 v9, v17;
	v10 =	vmul.f32 v10, v17  }
0x88: {  	v11 =	vmul.f32 v11, v18;
	v12 =	vmul.f32 v12, v18  }
0x89: {  	[tilespmem:s10+$0x17900] =	vst v9;
	v9 =	vmul.f32 v13, v20;
	v13 =	vmul.f32 v14, v20  }
0x8a: {  	[tilespmem:s10+$0x17910] =	vst v10;
	v10 =	vmul.f32 v15, v16;
	v14 =	vmul.f32 v19, v16  }
0x8b: {  	[tilespmem:s10+$0x17920] =	vst v11  }
0x8c: {  	[tilespmem:s10+$0x17930] =	vst v12  }
.Ltmp2:
0x8d: {  	[tilespmem:s10+$0x17940] =	vst v9;
	(pc) =	sbr.rel @p3 .LBB2_3-.Ltmp2, $4  }
0x8e: {  	[tilespmem:s10+$0x17950] =	vst v13  }
0x8f: {  	[tilespmem:s10+$0x17960] =	vst v10  }
0x90: {  	s7 =	sadd.s32 $0x10, s7;
	[tilespmem:s10+$0x17970] =	vst v14  }
0x91: {  	s9 =	sadd.s32 $0x200, s9;
	v9 =	vld [tilespmem:s7+$0x0]  }
0x92: {  	_ =	sdelay $0x3  }
0x93: {  	v9 =	vsub.f32 v9, v8;
	_ =	sdelay $0x1  }
0x94: {  	v9 =	vmul.f32 $1.442695020e+00, v9;
	_ =	sdelay $0x1  }
0x95: {  	(erf) = vpow2.f32 v9;
	_ =	sdelay $0x5  }
0x96: {  	s7 =	sshra.s32 s25, $0x2  }
0x97: {  	v9 =	vld [tilespmem:s7+$0x13900]  }
0x98: {  	v10 =	vld [tilespmem:s7+$0x13910]  }
0x99: {  	v11 =	vld [tilespmem:s7+$0x13920];
	v12 =	vpop (erf)  }
0x9a: {  	v15 =	vld [tilespmem:s7+$0x13940];
	v14 =	vperm.xlane v12, v4  }
0x9b: {  	v13 =	vld [tilespmem:s7+$0x13930]  }
0x9c: {  	v16 =	vld [tilespmem:s7+$0x13950];
	v17 =	vperm.xlane v12, v5;
	v9 =	vmul.f32 v9, v14  }
0x9d: {  	v18 =	vld [tilespmem:s7+$0x13960];
	v19 =	vperm.xlane v12, v6;
	v10 =	vmul.f32 v10, v14  }
0x9e: {  	v62 =	vld [tilespmem:s7+$0x13970];
	v11 =	vmul.f32 v11, v17;
	[tilespmem:s7+$0x17900] =	vst v9  }
0x9f: {  	v63 =	vmul.f32 v15, v19;
	[tilespmem:s7+$0x17910] =	vst v10  }
0xa0: {  	v9 =	vmul.f32 v13, v17;
	v10 =	vperm.xlane v12, v7;
	[tilespmem:s7+$0x17920] =	vst v11  }
0xa1: {  	v11 =	vmul.f32 v16, v19;
	[tilespmem:s7+$0x17940] =	vst v63  }
0xa2: {  	[tilespmem:s7+$0x17930] =	vst v9;
	v9 =	vmul.f32 v18, v10  }
0xa3: {  	s9 =	sshll.u32 s23, $0x8;
	v10 =	vmul.f32 v62, v10;
	[tilespmem:s7+$0x17950] =	vst v11  }
0xa4: {  	p3 =	seq.s32 s23, $0x27;
	s25 =	sand.u32 $0x3FFFFF00, s9;
	[tilespmem:s7+$0x17960] =	vst v9  }
0xa5: {  	s10 =	sadd.s32 $0x1D500, s25;
	[tilespmem:s7+$0x17970] =	vst v10;
	s7 =	sadd.s32 @!p3 $0x2, s24  }
0xa6: {  	[spmem:s2] =	stream.indirect.scatter.add.f32 [tilespmem:s30], [sflag:$0x3], $0x80, s10, s22, $0xb8;
	[tilespmem:$0x1FF00] =	vst v63  }
0xa7: {  	s9 =	sshll.u32 @!p3 s7, $0x6  }
0xa8: {  	s9 =	sand.u32 @!p3 $0x3FFFFFC0, s9  }
0xa9: {  	s4 =	simm.s32 @!p3 $0x13900;
	s10 =	simm.s32 @!p3 $0x40;
	s9 =	sadd.s32 @!p3 $0x1C100, s9  }
0xaa: {  	[tilespmem:s4], [sflag:$0x1] =	stream.indirect.gather @!p3 [hbm4b:s5+s10], $0x80, s9, s10, $0xb8;
	[tilespmem:$0x1FF00] =	vst v63  }
0xab: {  	s4 =	sadd.s32 @!p3 s8, s7  }
0xac: {  	s4 =	sshll.u32 @!p3 s4, $0x7  }
0xad: {  	s4 =	sand.u32 @!p3 $0x1FFFFF00, s4  }
0xae: {  	s7 =	simm.s32 @!p3 $0x0;
	s9 =	simm.s32 @!p3 $0x1B900;
	s4 =	sadd.s32 @!p3 s6, s4  }
0xaf: {  	[tilespmem:s9], [sflag:$0x1] =	stream.linear.gather @!p3 [hbm4b:s4+s7], $0x400, $0x38;
	[tilespmem:$0x1FF00] =	vst v63  }
0xb0: {  	_ =	swait.ge [sflag:s31], $0x2000  }
0xb1: {  	[sflag:s31] =	ssyncset.done $0x0  }
0xb2: {  	[sflag:s31] =	ssyncadd.s32 $0xFFFFE000  }
0xb3: {  	_ =	swait.ge [sflag:s31], $0x400  }
0xb4: {  	[sflag:s31] =	ssyncset.done $0x0  }
0xb5: {  	s9 =	simm.s32 $0x1BD00;
	[sflag:s31] =	ssyncadd.s32 $0xFFFFFC00  }
0xb6: {  	s10 =	simm.s32 $0x200;
	s7 =	simm.s32 $0x0;
	v9 =	vld [tilespmem:s9+$0x0]  }
.LBB2_5:
0xb7: {  	p4 =	sne.s32 s10, $0x7E00;
	_ =	sdelay $0x3  }
0xb8: {  	v9 =	vsub.f32 v9, v8;
	_ =	sdelay $0x1  }
0xb9: {  	v9 =	vmul.f32 $1.442695020e+00, v9;
	_ =	sdelay $0x1  }
0xba: {  	(erf) = vpow2.f32 v9;
	_ =	sdelay $0x1  }
0xbb: {  	s4 =	sshra.s32 s7, $0x2;
	s7 =	smov.u32 s10  }
0xbc: {  	v9 =	vld [tilespmem:s4+$0x15900]  }
0xbd: {  	v10 =	vld [tilespmem:s4+$0x15910]  }
0xbe: {  	v11 =	vld [tilespmem:s4+$0x15920]  }
0xbf: {  	v12 =	vld [tilespmem:s4+$0x15930]  }
0xc0: {  	v13 =	vld [tilespmem:s4+$0x15940]  }
0xc1: {  	v14 =	vld [tilespmem:s4+$0x15950]  }
0xc2: {  	v15 =	vld [tilespmem:s4+$0x15960];
	v16 =	vpop (erf)  }
0xc3: {  	v17 =	vperm.xlane v16, v4;
	v18 =	vperm.xlane v16, v5;
	v19 =	vld [tilespmem:s4+$0x15970]  }
0xc4: {  	v20 =	vperm.xlane v16, v6;
	v16 =	vperm.xlane v16, v7  }
0xc5: {  	v9 =	vmul.f32 v9, v17;
	v10 =	vmul.f32 v10, v17  }
0xc6: {  	v11 =	vmul.f32 v11, v18;
	v12 =	vmul.f32 v12, v18  }
0xc7: {  	[tilespmem:s4+$0x19900] =	vst v9;
	v9 =	vmul.f32 v13, v20;
	v13 =	vmul.f32 v14, v20  }
0xc8: {  	[tilespmem:s4+$0x19910] =	vst v10;
	v10 =	vmul.f32 v15, v16;
	v14 =	vmul.f32 v19, v16  }
0xc9: {  	[tilespmem:s4+$0x19920] =	vst v11  }
0xca: {  	[tilespmem:s4+$0x19930] =	vst v12  }
.Ltmp3:
0xcb: {  	[tilespmem:s4+$0x19940] =	vst v9;
	(pc) =	sbr.rel @p4 .LBB2_5-.Ltmp3, $4  }
0xcc: {  	[tilespmem:s4+$0x19950] =	vst v13  }
0xcd: {  	[tilespmem:s4+$0x19960] =	vst v10  }
0xce: {  	s9 =	sadd.s32 $0x10, s9;
	[tilespmem:s4+$0x19970] =	vst v14  }
0xcf: {  	s10 =	sadd.s32 $0x200, s10;
	v9 =	vld [tilespmem:s9+$0x0]  }
0xd0: {  	_ =	sdelay $0x3  }
0xd1: {  	v9 =	vsub.f32 v9, v8;
	_ =	sdelay $0x1  }
0xd2: {  	v9 =	vmul.f32 $1.442695020e+00, v9;
	_ =	sdelay $0x1  }
0xd3: {  	(erf) = vpow2.f32 v9;
	_ =	sdelay $0x5  }
0xd4: {  	s4 =	sshra.s32 s7, $0x2  }
0xd5: {  	v9 =	vld [tilespmem:s4+$0x15900]  }
0xd6: {  	v10 =	vld [tilespmem:s4+$0x15910]  }
0xd7: {  	v11 =	vld [tilespmem:s4+$0x15920];
	v12 =	vpop (erf)  }
0xd8: {  	v15 =	vld [tilespmem:s4+$0x15940];
	v14 =	vperm.xlane v12, v4  }
0xd9: {  	v13 =	vld [tilespmem:s4+$0x15930]  }
0xda: {  	v16 =	vld [tilespmem:s4+$0x15950];
	v17 =	vperm.xlane v12, v5;
	v9 =	vmul.f32 v9, v14  }
0xdb: {  	v18 =	vld [tilespmem:s4+$0x15960];
	v19 =	vperm.xlane v12, v6;
	v10 =	vmul.f32 v10, v14  }
0xdc: {  	v62 =	vld [tilespmem:s4+$0x15970];
	v11 =	vmul.f32 v11, v17;
	[tilespmem:s4+$0x19900] =	vst v9  }
0xdd: {  	v63 =	vmul.f32 v15, v19;
	[tilespmem:s4+$0x19910] =	vst v10  }
0xde: {  	v9 =	vmul.f32 v13, v17;
	v10 =	vperm.xlane v12, v7;
	[tilespmem:s4+$0x19920] =	vst v11  }
0xdf: {  	v11 =	vmul.f32 v16, v19;
	[tilespmem:s4+$0x19940] =	vst v63  }
.Ltmp4:
0xe0: {  	[tilespmem:s4+$0x19930] =	vst v9;
	v9 =	vmul.f32 v18, v10;
	(pc) =	sbr.rel @p3 .LBB2_8-.Ltmp4, $4  }
0xe1: {  	v10 =	vmul.f32 v62, v10;
	[tilespmem:s4+$0x19950] =	vst v11  }
0xe2: {  	[tilespmem:s4+$0x19960] =	vst v9  }
0xe3: {  	s25 =	sadd.s32 $0x1D580, s25;
	[tilespmem:s4+$0x19970] =	vst v10  }
0xe4: {  	[spmem:s2] =	stream.indirect.scatter.add.f32 [tilespmem:s0], [sflag:$0x4], $0x80, s25, s22, $0xb8;
	[tilespmem:$0x1FF00] =	vst v63  }
0xe5: {  	s4 =	sadd.s32 $0x3, s24  }
0xe6: {  	s7 =	sshll.u32 s4, $0x6;
	s4 =	sadd.s32 s8, s4  }
.Ltmp5:
0xe7: {  	s7 =	sand.u32 $0x3FFFFFC0, s7;
	s4 =	sshll.u32 s4, $0x7;
	(pc) =	sbr.rel .LBB2_2-.Ltmp5, $4  }
0xe8: {  	s7 =	sadd.s32 $0x1C100, s7;
	s4 =	sand.u32 $0x1FFFFF80, s4  }
0xe9: {  	[tilespmem:s26], [sflag:$0x2] =	stream.indirect.gather [hbm4b:s5+s22], $0x80, s7, s22, $0xb8;
	[tilespmem:$0x1FF00] =	vst v63  }
0xea: {  	s23 =	sadd.s32 $0x1, s23;
	s4 =	sadd.s32 s6, s4  }
0xeb: {  	[tilespmem:s28], [sflag:$0x2] =	stream.linear.gather [hbm4b:s4+s3], $0x400, $0x38;
	[tilespmem:$0x1FF00] =	vst v63  }
.LBB2_9:
0xec: {  	_ =	sfence.sel $0x180000  }
0xed: {  	[bflag:$0x0] =	sbarrier.arrive $0xFFFF  }
0xee: {  	_ =	strace $0x9000004A  }
0xef: {  	[bflag:$0x2] =	sbarrier.arrive $0xFFFF  }
0xf0: {  	s0 =	rddreg [dreg:$0x3]  }
0xf1: {  	s0 =	sadd.s32 @!p1 $0x100000, s0  }
0xf2: {  	[sflag:s0] =	ssyncadd.tile.s32 @!p1 $0x1;
	_ =	shalt  }
.Lfunc_end2:
_tile_overlayer_lowered:
.L_overlay_start_2:
0xf3: {  	(tag) =	ssettag $0x2  }
0xf4: {  	s0 =	rddreg [dreg:$0x0];
	s2 =	stileid.u32  }
0xf5: {  	s1 =	rddreg [dreg:$0x1];
	p0 =	sne.s32 s2, $0x0  }
0xf6: {  	s3 =	rddreg [dreg:$0x2];
	[bflag:$0x3] =	sbarrier.arrive $0xFFFF;
	s2 =	simm.s32 @!p0 $0x1C05  }
0xf7: {  	[timem:s3], [sflag:s2] =	dma.local @!p0 [hbm:s0], s1  }
0xf8: {  	s0 =	simm.s32 @!p0 $0x5  }
0xf9: {  	_ =	swait.ge @!p0 [sflag:s0], s1  }
0xfa: {  	s1 =	ssub.s32 @!p0 $0x0, s1;
	[sflag:s0] =	ssyncset.done @!p0 $0x0  }
0xfb: {  	[sflag:s0] =	ssyncadd.s32 @!p0 s1  }
0xfc: {  	[bflag:$0x3] =	sbarrier.arrive $0xFFFF  }
0xfd: {  	_ =	shalt  }

// kernel: kernel.8.cloned.1.call-start
scs
__scs_entry_jumppad:
0x0: {  	(pc) =	sbr.rel $0x88, $3  }
0x1: {  	(tag) =	ssettag $0x0;
	lr =	simm.s32 $0x1  }
0x2: {  	[smem:$0x3F92] =	sst lr;
	_ =	strace $0xD0000000  }
0x3: {  	_ = 	snop  }
0x4: {  	_ = 	snop  }
0x5: {  	_ = 	snop  }
0x6: {  	_ = 	snop  }
0x7: {  	_ = 	snop  }
__scs_overlays_trampoline_lowered:
0x8: {  	[smem:$0x3FA1] =	sst s0  }
0x9: {  	[smem:$0x3FA2] =	sst s1  }
0xa: {  	[smem:$0x3FA3] =	sst s2  }
0xb: {  	[smem:$0x3FA4] =	sst s3  }
0xc: {  	[smem:$0x3FA5] =	sst s4  }
0xd: {  	[smem:$0x3FA6] =	sst s5  }
0xe: {  	[smem:$0x3FA7] =	sst s6  }
0xf: {  	[smem:$0x3FA8] =	sst s7  }
0x10: {  	[smem:$0x3FA9] =	sst s8  }
0x11: {  	[smem:$0x3FAA] =	sst s9;
	s0 =	simm.s32 @!p0 $0x0  }
0x12: {  	s1 =	sld [smem:$0x3F90];
	s0 =	simm.s32 @p0 $0x1  }
0x13: {  	[smem:$0x3FAB] =	sst s0;
	s0 =	simm.s32 @!p1 $0x0  }
0x14: {  	s2 =	sld [smem:$0x3F8F];
	s0 =	simm.s32 @p1 $0x1  }
0x15: {  	[smem:$0x3FAC] =	sst s0;
	s0 =	simm.s32 @!p2 $0x0  }
0x16: {  	s3 =	sld [smem:$0x3FDB];
	s0 =	simm.s32 @p2 $0x1  }
0x17: {  	s4 =	simm.s32 $0x1BF5;
	[smem:$0x3FAE] =	sst s0  }
0x18: {  	s0 =	sld [smem:$0x3F91];
	_ =	swait.ge [sflag:s4], $0x0  }
0x19: {  	s7 =	sld [smem:$0x3F92]  }
0x1a: {  	s8 =	sadd.s32 $0xFFFFE003, lr  }
0x1b: {  	s9 =	sadd.s32 $0xFFFFFEF7, lr;
	s5 =	simm.s32 $0xFFFFFFFF;
	p2 =	slt.u32 s8, $0xFFFFF086  }
0x1c: {  	p1 =	slt.u32 s9, $0xF7A;
	s5 =	simm.s32 @!p2 $0x0  }
0x1d: {  	s5 =	simm.s32 @p1 $0x1;
	p0 =	seq.s32 s7, s2  }
0x1e: {  	s7 =	smul.u32 @!p0 $0xF7A, s2;
	p2 =	seq.s32 @!p0 s5, $0x0  }
0x1f: {  	s9 =	smul.u32 $0xF7A, s1;
	s8 =	simm.s32 @!p0 $0x1BF5;
	p2 =	por !p2, p0  }
0x20: {  	[sflag:s8] =	ssyncset.s32 @!p0 $0xFFFFF086;
	s6 =	sadd.s32 @!p0 s3, s7;
	s7 =	simm.s32 @!p0 $0x108  }
0x21: {  	s3 =	sadd.s32 s3, s9;
	s6 =	sadd.s32 @!p0 $0x88, s6;
	s7 =	simm.s32 @p2 $0x1082  }
0x22: {  	[simem:s7], [sflag:s8] =	dma.local @!p0 [hbm:s6], $0xF7A  }
0x23: {  	s9 =	sor.u32 $0xD0000000, s2;
	s6 =	simm.s32 $0x108;
	_ =	swait.ge @!p0 [sflag:s8], $0x0  }
0x24: {  	s3 =	sadd.s32 $0x88, s3;
	s6 =	simm.s32 @!p1 $0x1082;
	[sflag:s4] =	ssyncset.s32 $0xFFFFF086  }
0x25: {  	[simem:s6], [sflag:s4] =	dma.local [hbm:s3], $0xF7A  }
0x26: {  	[smem:$0x3F92] =	sst s1;
	(tag) =	ssettag s2;
	_ =	strace s9  }
0x27: {  	s1 =	sld [smem:$0x3FA2]  }
0x28: {  	s2 =	sld [smem:$0x3FA3]  }
0x29: {  	s4 =	sld [smem:$0x3FA5]  }
0x2a: {  	p0 =	seq.s32 s5, $0x0;
	s5 =	sld [smem:$0x3FA6]  }
0x2b: {  	s6 =	sld [smem:$0x3FA7]  }
0x2c: {  	s7 =	sld [smem:$0x3FA8]  }
0x2d: {  	s3 =	simm.s32 $0x108;
	s8 =	sld [smem:$0x3FA9]  }
0x2e: {  	s3 =	simm.s32 @!p0 $0x1082;
	s9 =	sld [smem:$0x3FAA]  }
0x2f: {  	lr =	sadd.s32 s0, s3;
	s0 =	sld [smem:$0x3FA1]  }
0x30: {  	s3 =	sld [smem:$0x3FA4]  }
0x31: {  	[smem:$0x3FAD] =	sst s10  }
0x32: {  	s10 =	sld [smem:$0x3FAB];
	_ =	sdelay $0x3  }
0x33: {  	p0 =	seq.s32 s10, $0x1;
	s10 =	sld [smem:$0x3FAD];
	_ =	sdelay $0x3  }
0x34: {  	[smem:$0x3FAD] =	sst s10  }
0x35: {  	s10 =	sld [smem:$0x3FAC];
	_ =	sdelay $0x3  }
0x36: {  	p1 =	seq.s32 s10, $0x1;
	s10 =	sld [smem:$0x3FAD];
	_ =	sdelay $0x3  }
0x37: {  	[smem:$0x3FAD] =	sst s10  }
0x38: {  	s10 =	sld [smem:$0x3FAE]  }
0x39: {  	_ = 	snop;
	(pc) =	sbr.ind lr, $3  }
0x3a: {  	_ = 	snop  }
0x3b: {  	_ = 	snop  }
0x3c: {  	p2 =	seq.s32 s10, $0x1;
	s10 =	sld [smem:$0x3FAD]  }
0x3d: {  	_ =	shalt  }
0x3e: {  	_ =	shalt  }
0x3f: {  	_ =	shalt  }
0x40: {  	_ =	shalt  }
0x41: {  	_ =	shalt  }
0x42: {  	_ =	shalt  }
0x43: {  	_ =	shalt  }
0x44: {  	_ =	shalt  }
0x45: {  	_ =	shalt  }
0x46: {  	_ =	shalt  }
0x47: {  	_ =	shalt  }
0x48: {  	_ =	shalt  }
0x49: {  	_ =	shalt  }
0x4a: {  	_ =	shalt  }
0x4b: {  	_ =	shalt  }
0x4c: {  	_ =	shalt  }
0x4d: {  	_ =	shalt  }
0x4e: {  	_ =	shalt  }
0x4f: {  	_ =	shalt  }
0x50: {  	_ =	shalt  }
0x51: {  	_ =	shalt  }
0x52: {  	_ =	shalt  }
0x53: {  	_ =	shalt  }
0x54: {  	_ =	shalt  }
0x55: {  	_ =	shalt  }
0x56: {  	_ =	shalt  }
0x57: {  	_ =	shalt  }
0x58: {  	_ =	shalt  }
0x59: {  	_ =	shalt  }
0x5a: {  	_ =	shalt  }
0x5b: {  	_ =	shalt  }
0x5c: {  	_ =	shalt  }
0x5d: {  	_ =	shalt  }
0x5e: {  	_ =	shalt  }
0x5f: {  	_ =	shalt  }
0x60: {  	_ =	shalt  }
0x61: {  	_ =	shalt  }
0x62: {  	_ =	shalt  }
0x63: {  	_ =	shalt  }
0x64: {  	_ =	shalt  }
0x65: {  	_ =	shalt  }
0x66: {  	_ =	shalt  }
0x67: {  	_ =	shalt  }
0x68: {  	_ =	shalt  }
0x69: {  	_ =	shalt  }
0x6a: {  	_ =	shalt  }
0x6b: {  	_ =	shalt  }
0x6c: {  	_ =	shalt  }
0x6d: {  	_ =	shalt  }
0x6e: {  	_ =	shalt  }
0x6f: {  	_ =	shalt  }
0x70: {  	_ =	shalt  }
0x71: {  	_ =	shalt  }
0x72: {  	_ =	shalt  }
0x73: {  	_ =	shalt  }
0x74: {  	_ =	shalt  }
0x75: {  	_ =	shalt  }
0x76: {  	_ =	shalt  }
0x77: {  	_ =	shalt  }
0x78: {  	_ =	shalt  }
0x79: {  	_ =	shalt  }
0x7a: {  	_ =	shalt  }
0x7b: {  	_ =	shalt  }
0x7c: {  	_ =	shalt  }
0x7d: {  	_ =	shalt  }
0x7e: {  	_ =	shalt  }
0x7f: {  	_ =	shalt  }
0x80: {  	_ =	shalt  }
0x81: {  	_ =	shalt  }
0x82: {  	_ =	shalt  }
0x83: {  	_ =	shalt  }
0x84: {  	_ =	shalt  }
0x85: {  	_ =	shalt  }
0x86: {  	_ =	shalt  }
0x87: {  	_ =	shalt  }
.Lfunc_end0:
.L_simem_size_0:
called_computation_lowered:
.L_overlay_start_0:
0x88: {  	s2 =	sld [smem:$0x3FD9]  }
0x89: {  	s3 =	sld [smem:$0x3FFE];
	_ =	sdelay $0x1  }
0x8a: {  	s1 =	srdreg.scid  }
0x8b: {  	s0 =	sand.u32 $0x1, s1  }
0x8c: {  	s17 =	sshll.u32 s0, $0xA;
	s2 =	sadd.s32 s3, s2  }
0x8d: {  	s2 =	sadd.s32 s2, s17  }
0x8e: {  	[smem:$0x3FB9] =	sst s2  }
0x8f: {  	_ = 	snop  }
0x90: {  	s2 =	sld [smem:$0x3FD0];
	(tm) =	ssettm $0x1  }
0x91: {  	s18 =	sld [smem:$0x3FFB];
	_ =	sdelay $0x3  }
0x92: {  	_ =	strace s18  }
0x93: {  	s3 =	sld [smem:$0x3FFC];
	_ =	sdelay $0x3  }
0x94: {  	_ =	strace s3  }
0x95: {  	s3 =	sld [smem:$0x3FFD];
	_ =	sdelay $0x3  }
0x96: {  	_ =	strace s3  }
0x97: {  	_ =	strace $0x8FFFFFFF  }
0x98: {  	s19 =	sld [smem:$0x3FDB];
	_ =	sdelay $0x1  }
0x99: {  	s4 =	simm.s32 $_scs_section_size  }
0x9a: {  	s5 =	simm.s32 $_size__tile_overlayer_lowered;
	s6 =	simm.s32 $_tile_overlayer_lowered  }
0x9b: {  	s22 =	simm.s32 $0x1BFF;
	s21 =	sshll.u32 s6, $0x1;
	s3 =	sadd.s32 s4, s19  }
0x9c: {  	s7 =	simm.s32 $0x0;
	s20 =	sshll.u32 s5, $0x1;
	s5 =	sadd.s32 s21, s3  }
0x9d: {  	[timem:s7], [sflag:s22] =	dma.local [hbm:s5], s20  }
0x9e: {  	_ =	swait.ge [sflag:s22], s20  }
0x9f: {  	s4 =	ssub.s32 $0x0, s20;
	[sflag:s22] =	ssyncset.done $0x0  }
0xa0: {  	[sflag:s22] =	ssyncadd.s32 s4;
	_ =	sdelay $0x1  }
0xa1: {  	s23 =	simm.s32 $0x1B8B  }
0xa2: {  	_ =	swait.ge [sflag:s23], $0x1  }
0xa3: {  	[sflag:s23] =	ssyncset.done $0x0  }
0xa4: {  	s25 =	simm.s32 $0x1B8E;
	s24 =	sld [smem:$0x3FFE];
	[sflag:s23] =	ssyncadd.s32 $0xFFFFFFFF  }
0xa5: {  	s26 =	simm.s32 $execute0_lowered;
	[smem:$0x3FD2] =	sst s25  }
0xa6: {  	s5 =	sshll.u32 s26, $0x1;
	_ =	strace $0x80000046;
	[dreg:$0x1] =	wrdreg $0xFFFFFFFF  }
0xa7: {  	s28 =	simm.s32 $_size_execute0_lowered;
	s3 =	sadd.s32 s3, s5;
	[dreg:$0x0] =	wrdreg $0x0  }
0xa8: {  	s5 =	sshll.u32 s28, $0x1;
	[dreg:$0x2] =	wrdreg s3  }
0xa9: {  	[dreg:$0x3] =	wrdreg s5  }
0xaa: {  	[dreg:$0x4] =	wrdreg $0xC0  }
0xab: {  	_ =	task [dreg:s7], $0x5FFFF  }
0xac: {  	[dreg:$0x1] =	wrdreg $0xFFFFFFFF  }
0xad: {  	[dreg:$0x0] =	wrdreg $0x60  }
0xae: {  	[dreg:$0x2] =	wrdreg s2  }
0xaf: {  	[dreg:$0x3] =	wrdreg s24  }
0xb0: {  	[dreg:$0x4] =	wrdreg $0x9  }
0xb1: {  	_ =	task.clear_ibuf [dreg:s7], $0x5FFFF;
	_ =	strace $0x90000046  }
0xb2: {  	s29 =	simm.s32 $0x9;
	_ =	strace $0x80000048  }
0xb3: {  	_ =	swait.ge [sflag:s29], $0x1  }
0xb4: {  	[sflag:s29] =	ssyncadd.s32 $0xFFFFFFFF  }
0xb5: {  	_ =	strace $0x90000048  }
0xb6: {  	_ =	sfence  }
0xb7: {  	s30 =	sld [smem:$0x0];
	_ =	sdelay $0x2  }
0xb8: {  	s31 =	sshll.u32 s1, $0xD;
	s1 =	sshrl.u32 s1, $0x2  }
0xb9: {  	s3 =	sand.u32 $0x4000, s31;
	s1 =	sadd.s32 s1, s30  }
0xba: {  	s0 =	sor.u32 s3, s0;
	s1 =	sshll.u32 s1, $0x11  }
0xbb: {  	s0 =	sor.u32 s1, s0  }
0xbc: {  	s0 =	sadd.s32 $0x8F2B, s0  }
0xbd: {  	[sflag:s0] =	ssyncadd.remote.s32 $0x1  }
0xbe: {  	_ =	sfence.sel $0xFFFF  }
0xbf: {  	[dreg:$0x0] =	wrdreg $0xFFFFFFFF;
	(pc) =	sbr.abs _section_cstart, $3  }
0xc0: {  	[dreg:$0x1] =	wrdreg $0xFFFFFFFF  }
0xc1: {  	_ =	task.clear_ibuf [dreg:s7], $0x2FFFF;
	_ =	strace $0x9FFFFFFF  }
0xc2: {  	(tm) =	ssettm $0x7FFFFFFF  }
0xc3: {  	_ =	shalt  }
tec
execute0_lowered:
.L_overlay_start_1:
0x0: {  	(tag) =	ssettag $0x1  }
0x1: {  	s0 =	srdreg.scid;
	s2 =	rddreg [dreg:$0x0]  }
0x2: {  	s3 =	stileid.u32;
	s6 =	rddreg [dreg:$0x1];
	v0 =	vimm.s32 $0x76543210;
	v1 =	vimm.s32 $0xFEDCBA98;
	v2 =	vimm.s32 $0xBA98FEDC;
	s26 =	simm.s32 $0x5  }
0x3: {  	v3 =	vimm.s32 $0x32107654;
	s12 =	simm.s32 $0xC000;
	s10 =	simm.s32 $0xD800;
	s11 =	simm.s32 $0xE000  }
0x4: {  	v5 =	vimm.s32 $0xDCFE98BA;
	s21 =	simm.s32 $0xE800;
	s13 =	simm.s32 $0xF000;
	s14 =	simm.s32 $0xF800;
	v1 =	vunpack.c.l.s4.s8 v1  }
0x5: {  	v6 =	vimm.s32 $0x54761032;
	s15 =	simm.s32 $0x10000;
	s16 =	simm.s32 $0x10800;
	s17 =	simm.s32 $0x11000;
	v2 =	vunpack.c.l.s4.s8 v2;
	v3 =	vunpack.c.l.s4.s8 v3  }
0x6: {  	s18 =	simm.s32 $0x11800;
	s19 =	simm.s32 $0x12000;
	s20 =	simm.s32 $0x1;
	v0 =	vunpack.c.l.s4.s8 v0;
	v5 =	vunpack.c.l.s4.s8 v5;
	v1 =	vunpack.c.0.s8.s32 v1  }
0x7: {  	s22 =	simm.s32 $0x12800;
	s23 =	simm.s32 $0x2;
	s0 =	sand.u32 $0x1, s0;
	v6 =	vunpack.c.l.s4.s8 v6;
	v2 =	vunpack.c.0.s8.s32 v2;
	v3 =	vunpack.c.0.s8.s32 v3  }
0x8: {  	v4 =	vlaneseq.u32;
	s24 =	simm.s32 $0x12C00;
	s25 =	simm.s32 $0x0;
	s1 =	sshll.u32 s0, $0x4;
	v0 =	vunpack.c.0.s8.s32 v0;
	v1 =	vand.u32 $0xF, v1  }
0x9: {  	s4 =	sadd.s32 $0xE200, s6;
	s0 =	ssub.s32 $0x2, s0;
	s1 =	sor.u32 s3, s1;
	v7 =	vcombine.low v3, v2;
	v2 =	vunpack.c.0.s8.s32 v5;
	v3 =	vunpack.c.0.s8.s32 v6  }
0xa: {  	s3 =	simm.s32 $0x0;
	s9 =	sshrl.u32 s0, $0x1;
	s5 =	smul.u32 $0x280, s1;
	v5 =	vimm.s32 $0x67452301;
	v0 =	vcombine.low v1, v0;
	v1 =	vimm.s32 $0xEFCDAB89  }
0xb: {  	vm2 =	vcmask $0x2F20;
	[smem:$0x7FF] =	sst s3;
	s8 =	sshll.u32 s1, $0x1;
	s0 =	ssub.s32 s0, s9;
	v5 =	vunpack.c.l.s4.s8 v5;
	v8 =	vunpack.c.l.s4.s8 v1  }
0xc: {  	vm3 =	vcmask $0xF00;
	_ =	strace $0x80000047;
	s8 =	sadd.s32 s8, s6;
	s0 =	smax.u32 s0, $0x1;
	v6 =	vshrl.u32 v4, $0x3;
	v9 =	vcombine.low v3, v2  }
.Ltmp0:
0xd: {  	s7 =	sadd.s32 s5, s6;
	s5 =	sadd.s32 $0xAA800, s6;
	v2 =	vmul.u32 $0x8, v6;
	v5 =	vunpack.c.0.s8.s32 v5;
	v6 =	vunpack.c.0.s8.s32 v8;
	(pc) =	sbr.rel .LBB2_1-.Ltmp0, $4  }
0xe: {  	vm0 =	vmmov $0xffff;
	vm1 =	vmmov $0xff;
	vm2 =	vmor vm3, vm2;
	s6 =	smul.u32 $0x50, s1;
	s31 =	sadd.s32 $0xFA800, s8;
	[dreg:$0x6] =	wrdreg s0  }
0xf: {  	vm3 =	vmmov $0xf;
	s0 =	simm.s32 $0xB800;
	s29 =	sadd.s32 $0x9200, s7;
	[dreg:$0x5] =	wrdreg s31;
	v1 =	vand.u32 $0x7, v4;
	v6 =	vcombine.low v5, v6  }
0x10: {  	s8 =	simm.s32 $0xD000;
	s30 =	sadd.s32 $0x4200, s7;
	v3 =	vor.u32 $0x8, v4;
	v4 =	vand.u32 $0xF, v7;
	v7 =	vimm.s32 $0xC040800;
	[dreg:$0x3] =	wrdreg s29  }
0x11: {  	s7 =	simm.s32 $0xC800;
	[dreg:$0x4] =	wrdreg s30;
	s9 =	sor.u32 $0x1, s6;
	v7 =	vunpack.c.0.s8.s32 v7;
	v5 =	vand.u32 $0xF, v9;
	v6 =	vand.u32 $0xF, v6  }
.LBB2_10:
0x12: {  	s1 =	simm.s32 $0x3  }
0x13: {  	_ =	swait.ge [sflag:s1], $0x400  }
0x14: {  	[sflag:s1] =	ssyncset.done $0x0  }
0x15: {  	s28 =	simm.s32 $0x4;
	[sflag:s1] =	ssyncadd.s32 $0xFFFFFC00  }
0x16: {  	_ =	swait.ge [sflag:s28], $0x400  }
0x17: {  	[sflag:s28] =	ssyncset.done $0x0  }
0x18: {  	[sflag:s28] =	ssyncadd.s32 $0xFFFFFC00  }
0x19: {  	s25 =	simm.s32 $0x13000;
	s26 =	simm.s32 $0x5;
	s29 =	rddreg [dreg:$0x5];
	[tilespmem:$0x13000] =	vst v8  }
0x1a: {  	[hbm4b:s29+s3] =	stream.linear.scatter [tilespmem:s25], [sflag:$0x5], $0x10, $0x38;
	[tilespmem:$0x13080] =	vst v63  }
0x1b: {  	_ =	swait.ge [sflag:s26], $0x10  }
0x1c: {  	s30 =	rddreg [dreg:$0x7]  }
0x1d: {  	s31 =	rddreg [dreg:$0x6];
	s25 =	sadd.s32 $0x1, s30  }
0x1e: {  	p0 =	sne.s32 s25, s31  }
.Ltmp1:
0x1f: {  	_ = 	snop;
	(pc) =	sbr.rel @!p0 .LBB2_11-.Ltmp1, $3  }
0x20: {  	_ =	sdelay $0x1  }
0x21: {  	[sflag:s26] =	ssyncset.done $0x0  }
0x22: {  	[sflag:s26] =	ssyncadd.s32 $0xFFFFFFF0  }
.LBB2_1:
0x23: {  	[dreg:$0x7] =	wrdreg s25  }
0x24: {  	s1 =	rddreg [dreg:$0x3]  }
0x25: {  	[tilespmem:s3], [sflag:$0x5] =	stream.linear.gather [hbm4b:s1+s3], $0x1400, $0x38;
	[tilespmem:$0x13080] =	vst v63  }
0x26: {  	_ =	swait.ge [sflag:s26], $0x1400  }
0x27: {  	[sflag:s26] =	ssyncset.done $0x0  }
0x28: {  	s31 =	simm.s32 $0x1400;
	s30 =	rddreg [dreg:$0x4];
	[sflag:s26] =	ssyncadd.s32 $0xFFFFEC00  }
0x29: {  	[tilespmem:s31], [sflag:$0x5] =	stream.linear.gather [hbm4b:s30+s3], $0x1400, $0x38;
	[tilespmem:$0x13080] =	vst v63  }
0x2a: {  	_ =	swait.ge [sflag:s26], $0x1400  }
0x2b: {  	[sflag:s26] =	ssyncset.done $0x0  }
0x2c: {  	[sflag:s26] =	ssyncadd.s32 $0xFFFFEC00  }
0x2d: {  	v8 =	vld [tilespmem:$0x0];
	_ =	sdelay $0x4  }
0x2e: {  	v9 =	vshll.u32 v8, $0x1  }
0x2f: {  	v8 =	vand.u32 $0x7, v8;
	v9 =	vand.u32 $0xFFFFFFF0, v9  }
0x30: {  	v8 =	vor.u32 v8, v9  }
0x31: {  	v9 =	vperm.xlane v8, v1;
	_ =	sdelay $0x1  }
0x32: {  	v8 =	vperm.xlane v8, v3;
	v9 =	vadd.s32 v2, v9;
	_ =	sdelay $0x1  }
0x33: {  	v8 =	vadd.s32 v2, v8;
	_ =	sdelay $0x1  }
0x34: {  	s25 =	simm.s32 $0x2800  }
0x35: {  	[tilespmem:s25], [sflag:$0x1] =	stream.indirect_vreg.gather [hbm4b:s2+s3], $0x80, v9, vm0, $0xb8;
	[tilespmem:$0x13080] =	vst v63  }
0x36: {  	s26 =	simm.s32 $0x3000  }
0x37: {  	[tilespmem:s26], [sflag:$0x1] =	stream.indirect_vreg.gather [hbm4b:s2+s3], $0x80, v8, vm0, $0xb8;
	[tilespmem:$0x13080] =	vst v63  }
0x38: {  	v8 =	vld [tilespmem:$0x10];
	_ =	sdelay $0x4  }
0x39: {  	v9 =	vshll.u32 v8, $0x1  }
0x3a: {  	v8 =	vand.u32 $0x7, v8;
	v9 =	vand.u32 $0xFFFFFFF0, v9  }
0x3b: {  	v8 =	vor.u32 v8, v9  }
0x3c: {  	v9 =	vperm.xlane v8, v1;
	_ =	sdelay $0x1  }
0x3d: {  	v8 =	vperm.xlane v8, v3;
	v9 =	vadd.s32 v2, v9;
	_ =	sdelay $0x1  }
0x3e: {  	v8 =	vadd.s32 v2, v8;
	_ =	sdelay $0x1  }
0x3f: {  	s28 =	simm.s32 $0x3800  }
0x40: {  	[tilespmem:s28], [sflag:$0x1] =	stream.indirect_vreg.gather [hbm4b:s2+s3], $0x80, v9, vm0, $0xb8;
	[tilespmem:$0x13080] =	vst v63  }
0x41: {  	s29 =	simm.s32 $0x4000  }
0x42: {  	[tilespmem:s29], [sflag:$0x1] =	stream.indirect_vreg.gather [hbm4b:s2+s3], $0x80, v8, vm0, $0xb8;
	[tilespmem:$0x13080] =	vst v63  }
0x43: {  	v8 =	vld [tilespmem:$0x20];
	_ =	sdelay $0x4  }
0x44: {  	v9 =	vshll.u32 v8, $0x1  }
0x45: {  	v8 =	vand.u32 $0x7, v8;
	v9 =	vand.u32 $0xFFFFFFF0, v9  }
0x46: {  	v8 =	vor.u32 v8, v9  }
0x47: {  	v9 =	vperm.xlane v8, v1;
	_ =	sdelay $0x1  }
0x48: {  	v8 =	vperm.xlane v8, v3;
	v9 =	vadd.s32 v2, v9;
	_ =	sdelay $0x1  }
0x49: {  	v8 =	vadd.s32 v2, v8;
	_ =	sdelay $0x1  }
0x4a: {  	s30 =	simm.s32 $0x4800  }
0x4b: {  	[tilespmem:s30], [sflag:$0x1] =	stream.indirect_vreg.gather [hbm4b:s2+s3], $0x80, v9, vm0, $0xb8;
	[tilespmem:$0x13080] =	vst v63  }
0x4c: {  	s31 =	simm.s32 $0x5000  }
0x4d: {  	[tilespmem:s31], [sflag:$0x1] =	stream.indirect_vreg.gather [hbm4b:s2+s3], $0x80, v8, vm0, $0xb8;
	[tilespmem:$0x13080] =	vst v63  }
0x4e: {  	v8 =	vld [tilespmem:$0x30];
	_ =	sdelay $0x4  }
0x4f: {  	v9 =	vshll.u32 v8, $0x1  }
0x50: {  	v8 =	vand.u32 $0x7, v8;
	v9 =	vand.u32 $0xFFFFFFF0, v9  }
0x51: {  	v8 =	vor.u32 v8, v9  }
0x52: {  	v9 =	vperm.xlane v8, v1;
	_ =	sdelay $0x1  }
0x53: {  	v8 =	vperm.xlane v8, v3;
	v9 =	vadd.s32 v2, v9;
	_ =	sdelay $0x1  }
0x54: {  	v8 =	vadd.s32 v2, v8;
	_ =	sdelay $0x1  }
0x55: {  	s25 =	simm.s32 $0x5800  }
0x56: {  	[tilespmem:s25], [sflag:$0x1] =	stream.indirect_vreg.gather [hbm4b:s2+s3], $0x80, v9, vm0, $0xb8;
	[tilespmem:$0x13080] =	vst v63  }
0x57: {  	s26 =	simm.s32 $0x6000  }
0x58: {  	[tilespmem:s26], [sflag:$0x1] =	stream.indirect_vreg.gather [hbm4b:s2+s3], $0x80, v8, vm0, $0xb8;
	[tilespmem:$0x13080] =	vst v63  }
0x59: {  	v8 =	vld [tilespmem:$0x1400];
	_ =	sdelay $0x4  }
0x5a: {  	v9 =	vshll.u32 v8, $0x1  }
0x5b: {  	v8 =	vand.u32 $0x7, v8;
	v9 =	vand.u32 $0xFFFFFFF0, v9  }
0x5c: {  	v8 =	vor.u32 v8, v9  }
0x5d: {  	v9 =	vperm.xlane v8, v1;
	_ =	sdelay $0x1  }
0x5e: {  	v8 =	vperm.xlane v8, v3;
	v9 =	vadd.s32 v2, v9;
	_ =	sdelay $0x1  }
0x5f: {  	v8 =	vadd.s32 v2, v8;
	_ =	sdelay $0x1  }
0x60: {  	s28 =	simm.s32 $0x6800  }
0x61: {  	[tilespmem:s28], [sflag:$0x1] =	stream.indirect_vreg.gather [hbm4b:s4+s3], $0x80, v9, vm0, $0xb8;
	[tilespmem:$0x13080] =	vst v63  }
0x62: {  	s29 =	simm.s32 $0x7000  }
0x63: {  	[tilespmem:s29], [sflag:$0x1] =	stream.indirect_vreg.gather [hbm4b:s4+s3], $0x80, v8, vm0, $0xb8;
	[tilespmem:$0x13080] =	vst v63  }
0x64: {  	v8 =	vld [tilespmem:$0x1410];
	_ =	sdelay $0x4  }
0x65: {  	v9 =	vshll.u32 v8, $0x1  }
0x66: {  	v8 =	vand.u32 $0x7, v8;
	v9 =	vand.u32 $0xFFFFFFF0, v9  }
0x67: {  	v8 =	vor.u32 v8, v9  }
0x68: {  	v9 =	vperm.xlane v8, v1;
	_ =	sdelay $0x1  }
0x69: {  	v8 =	vperm.xlane v8, v3;
	v9 =	vadd.s32 v2, v9;
	_ =	sdelay $0x1  }
0x6a: {  	v8 =	vadd.s32 v2, v8;
	_ =	sdelay $0x1  }
0x6b: {  	s30 =	simm.s32 $0x7800  }
0x6c: {  	[tilespmem:s30], [sflag:$0x1] =	stream.indirect_vreg.gather [hbm4b:s4+s3], $0x80, v9, vm0, $0xb8;
	[tilespmem:$0x13080] =	vst v63  }
0x6d: {  	s31 =	simm.s32 $0x8000  }
0x6e: {  	[tilespmem:s31], [sflag:$0x1] =	stream.indirect_vreg.gather [hbm4b:s4+s3], $0x80, v8, vm0, $0xb8;
	[tilespmem:$0x13080] =	vst v63  }
0x6f: {  	v8 =	vld [tilespmem:$0x1420];
	_ =	sdelay $0x4  }
0x70: {  	v9 =	vshll.u32 v8, $0x1  }
0x71: {  	v8 =	vand.u32 $0x7, v8;
	v9 =	vand.u32 $0xFFFFFFF0, v9  }
0x72: {  	v8 =	vor.u32 v8, v9  }
0x73: {  	v9 =	vperm.xlane v8, v1;
	_ =	sdelay $0x1  }
0x74: {  	v8 =	vperm.xlane v8, v3;
	v9 =	vadd.s32 v2, v9;
	_ =	sdelay $0x1  }
0x75: {  	v8 =	vadd.s32 v2, v8;
	_ =	sdelay $0x1  }
0x76: {  	s25 =	simm.s32 $0x8800  }
0x77: {  	[tilespmem:s25], [sflag:$0x1] =	stream.indirect_vreg.gather [hbm4b:s4+s3], $0x80, v9, vm0, $0xb8;
	[tilespmem:$0x13080] =	vst v63  }
0x78: {  	s26 =	simm.s32 $0x9000  }
0x79: {  	[tilespmem:s26], [sflag:$0x1] =	stream.indirect_vreg.gather [hbm4b:s4+s3], $0x80, v8, vm0, $0xb8;
	[tilespmem:$0x13080] =	vst v63  }
0x7a: {  	v8 =	vld [tilespmem:$0x1430];
	_ =	sdelay $0x4  }
0x7b: {  	v9 =	vshll.u32 v8, $0x1  }
0x7c: {  	v8 =	vand.u32 $0x7, v8;
	v9 =	vand.u32 $0xFFFFFFF0, v9  }
0x7d: {  	v8 =	vor.u32 v8, v9  }
0x7e: {  	v9 =	vperm.xlane v8, v1;
	_ =	sdelay $0x1  }
0x7f: {  	v8 =	vperm.xlane v8, v3;
	v9 =	vadd.s32 v2, v9;
	_ =	sdelay $0x1  }
0x80: {  	v8 =	vadd.s32 v2, v8;
	_ =	sdelay $0x1  }
0x81: {  	s28 =	simm.s32 $0x9800  }
0x82: {  	[tilespmem:s28], [sflag:$0x1] =	stream.indirect_vreg.gather [hbm4b:s4+s3], $0x80, v9, vm0, $0xb8;
	[tilespmem:$0x13080] =	vst v63  }
0x83: {  	s29 =	simm.s32 $0xA000  }
0x84: {  	[tilespmem:s29], [sflag:$0x1] =	stream.indirect_vreg.gather [hbm4b:s4+s3], $0x80, v8, vm0, $0xb8;
	[tilespmem:$0x13080] =	vst v63  }
0x85: {  	v8 =	vld [tilespmem:$0x40];
	_ =	sdelay $0x4  }
0x86: {  	v9 =	vshll.u32 v8, $0x1  }
0x87: {  	v8 =	vand.u32 $0x7, v8;
	v9 =	vand.u32 $0xFFFFFFF0, v9  }
0x88: {  	v8 =	vor.u32 v8, v9  }
0x89: {  	v9 =	vperm.xlane v8, v1;
	_ =	sdelay $0x1  }
0x8a: {  	v8 =	vperm.xlane v8, v3;
	v9 =	vadd.s32 v2, v9;
	_ =	sdelay $0x1  }
0x8b: {  	v8 =	vadd.s32 v2, v8;
	_ =	sdelay $0x1  }
0x8c: {  	s30 =	simm.s32 $0xA800  }
0x8d: {  	[tilespmem:s30], [sflag:$0x2] =	stream.indirect_vreg.gather [hbm4b:s2+s3], $0x80, v9, vm0, $0xb8;
	[tilespmem:$0x13080] =	vst v63  }
0x8e: {  	s31 =	simm.s32 $0xB000  }
0x8f: {  	[tilespmem:s31], [sflag:$0x2] =	stream.indirect_vreg.gather [hbm4b:s2+s3], $0x80, v8, vm0, $0xb8;
	[tilespmem:$0x13080] =	vst v63  }
0x90: {  	v8 =	vld [tilespmem:$0x50];
	_ =	sdelay $0x4  }
0x91: {  	v9 =	vshll.u32 v8, $0x1  }
0x92: {  	v8 =	vand.u32 $0x7, v8;
	v9 =	vand.u32 $0xFFFFFFF0, v9  }
0x93: {  	v8 =	vor.u32 v8, v9  }
0x94: {  	v9 =	vperm.xlane v8, v1;
	_ =	sdelay $0x1  }
0x95: {  	v8 =	vperm.xlane v8, v3;
	v9 =	vadd.s32 v2, v9;
	_ =	sdelay $0x1  }
0x96: {  	v8 =	vadd.s32 v2, v8;
	_ =	sdelay $0x2  }
0x97: {  	[tilespmem:s0], [sflag:$0x2] =	stream.indirect_vreg.gather [hbm4b:s2+s3], $0x80, v9, vm0, $0xb8;
	[tilespmem:$0x13080] =	vst v63  }
0x98: {  	_ = 	snop  }
0x99: {  	[tilespmem:s12], [sflag:$0x2] =	stream.indirect_vreg.gather [hbm4b:s2+s3], $0x80, v8, vm0, $0xb8;
	[tilespmem:$0x13080] =	vst v63  }
0x9a: {  	v8 =	vld [tilespmem:$0x60];
	_ =	sdelay $0x4  }
0x9b: {  	v9 =	vshll.u32 v8, $0x1  }
0x9c: {  	v8 =	vand.u32 $0x7, v8;
	v9 =	vand.u32 $0xFFFFFFF0, v9  }
0x9d: {  	v8 =	vor.u32 v8, v9  }
0x9e: {  	v9 =	vperm.xlane v8, v1;
	_ =	sdelay $0x1  }
0x9f: {  	v8 =	vperm.xlane v8, v3;
	v9 =	vadd.s32 v2, v9;
	_ =	sdelay $0x1  }
0xa0: {  	v8 =	vadd.s32 v2, v8;
	_ =	sdelay $0x2  }
0xa1: {  	[tilespmem:s7], [sflag:$0x2] =	stream.indirect_vreg.gather [hbm4b:s2+s3], $0x80, v9, vm0, $0xb8;
	[tilespmem:$0x13080] =	vst v63  }
0xa2: {  	_ = 	snop  }
0xa3: {  	[tilespmem:s8], [sflag:$0x2] =	stream.indirect_vreg.gather [hbm4b:s2+s3], $0x80, v8, vm0, $0xb8;
	[tilespmem:$0x13080] =	vst v63  }
0xa4: {  	v8 =	vld [tilespmem:$0x70];
	_ =	sdelay $0x4  }
0xa5: {  	v9 =	vshll.u32 v8, $0x1  }
0xa6: {  	v8 =	vand.u32 $0x7, v8;
	v9 =	vand.u32 $0xFFFFFFF0, v9  }
0xa7: {  	v8 =	vor.u32 v8, v9  }
0xa8: {  	v9 =	vperm.xlane v8, v1;
	_ =	sdelay $0x1  }
0xa9: {  	v8 =	vperm.xlane v8, v3;
	v9 =	vadd.s32 v2, v9;
	_ =	sdelay $0x1  }
0xaa: {  	v8 =	vadd.s32 v2, v8;
	_ =	sdelay $0x2  }
0xab: {  	[tilespmem:s10], [sflag:$0x2] =	stream.indirect_vreg.gather [hbm4b:s2+s3], $0x80, v9, vm0, $0xb8;
	[tilespmem:$0x13080] =	vst v63  }
0xac: {  	_ = 	snop  }
0xad: {  	[tilespmem:s11], [sflag:$0x2] =	stream.indirect_vreg.gather [hbm4b:s2+s3], $0x80, v8, vm0, $0xb8;
	[tilespmem:$0x13080] =	vst v63  }
0xae: {  	v8 =	vld [tilespmem:$0x1440];
	_ =	sdelay $0x4  }
0xaf: {  	v9 =	vshll.u32 v8, $0x1  }
0xb0: {  	v8 =	vand.u32 $0x7, v8;
	v9 =	vand.u32 $0xFFFFFFF0, v9  }
0xb1: {  	v8 =	vor.u32 v8, v9  }
0xb2: {  	v9 =	vperm.xlane v8, v1;
	_ =	sdelay $0x1  }
0xb3: {  	v8 =	vperm.xlane v8, v3;
	v9 =	vadd.s32 v2, v9;
	_ =	sdelay $0x1  }
0xb4: {  	v8 =	vadd.s32 v2, v8;
	_ =	sdelay $0x2  }
0xb5: {  	[tilespmem:s21], [sflag:$0x2] =	stream.indirect_vreg.gather [hbm4b:s4+s3], $0x80, v9, vm0, $0xb8;
	[tilespmem:$0x13080] =	vst v63  }
0xb6: {  	_ = 	snop  }
0xb7: {  	[tilespmem:s13], [sflag:$0x2] =	stream.indirect_vreg.gather [hbm4b:s4+s3], $0x80, v8, vm0, $0xb8;
	[tilespmem:$0x13080] =	vst v63  }
0xb8: {  	v8 =	vld [tilespmem:$0x1450];
	_ =	sdelay $0x4  }
0xb9: {  	v9 =	vshll.u32 v8, $0x1  }
0xba: {  	v8 =	vand.u32 $0x7, v8;
	v9 =	vand.u32 $0xFFFFFFF0, v9  }
0xbb: {  	v8 =	vor.u32 v8, v9  }
0xbc: {  	v9 =	vperm.xlane v8, v1;
	_ =	sdelay $0x1  }
0xbd: {  	v8 =	vperm.xlane v8, v3;
	v9 =	vadd.s32 v2, v9;
	_ =	sdelay $0x1  }
0xbe: {  	v8 =	vadd.s32 v2, v8;
	_ =	sdelay $0x2  }
0xbf: {  	[tilespmem:s14], [sflag:$0x2] =	stream.indirect_vreg.gather [hbm4b:s4+s3], $0x80, v9, vm0, $0xb8;
	[tilespmem:$0x13080] =	vst v63  }
0xc0: {  	_ = 	snop  }
0xc1: {  	[tilespmem:s15], [sflag:$0x2] =	stream.indirect_vreg.gather [hbm4b:s4+s3], $0x80, v8, vm0, $0xb8;
	[tilespmem:$0x13080] =	vst v63  }
0xc2: {  	v8 =	vld [tilespmem:$0x1460];
	_ =	sdelay $0x4  }
0xc3: {  	v9 =	vshll.u32 v8, $0x1  }
0xc4: {  	v8 =	vand.u32 $0x7, v8;
	v9 =	vand.u32 $0xFFFFFFF0, v9  }
0xc5: {  	v8 =	vor.u32 v8, v9  }
0xc6: {  	v9 =	vperm.xlane v8, v1;
	_ =	sdelay $0x1  }
0xc7: {  	v8 =	vperm.xlane v8, v3;
	v9 =	vadd.s32 v2, v9;
	_ =	sdelay $0x1  }
0xc8: {  	v8 =	vadd.s32 v2, v8;
	_ =	sdelay $0x2  }
0xc9: {  	[tilespmem:s16], [sflag:$0x2] =	stream.indirect_vreg.gather [hbm4b:s4+s3], $0x80, v9, vm0, $0xb8;
	[tilespmem:$0x13080] =	vst v63  }
0xca: {  	_ = 	snop  }
0xcb: {  	[tilespmem:s17], [sflag:$0x2] =	stream.indirect_vreg.gather [hbm4b:s4+s3], $0x80, v8, vm0, $0xb8;
	[tilespmem:$0x13080] =	vst v63  }
0xcc: {  	v8 =	vld [tilespmem:$0x1470];
	_ =	sdelay $0x4  }
0xcd: {  	v9 =	vshll.u32 v8, $0x1  }
0xce: {  	v8 =	vand.u32 $0x7, v8;
	v9 =	vand.u32 $0xFFFFFFF0, v9  }
0xcf: {  	v8 =	vor.u32 v8, v9  }
0xd0: {  	v9 =	vperm.xlane v8, v1;
	_ =	sdelay $0x1  }
0xd1: {  	v8 =	vperm.xlane v8, v3;
	v9 =	vadd.s32 v2, v9;
	_ =	sdelay $0x1  }
0xd2: {  	v8 =	vadd.s32 v2, v8;
	_ =	sdelay $0x2  }
0xd3: {  	[tilespmem:s18], [sflag:$0x2] =	stream.indirect_vreg.gather [hbm4b:s4+s3], $0x80, v9, vm0, $0xb8;
	[tilespmem:$0x13080] =	vst v63  }
0xd4: {  	s25 =	simm.s32 $0x0  }
0xd5: {  	[tilespmem:s19], [sflag:$0x2] =	stream.indirect_vreg.gather [hbm4b:s4+s3], $0x80, v8, vm0, $0xb8;
	v8 =	vimm.f32 $-1.000000020e+30;
	[tilespmem:$0x13080] =	vst v63  }
.LBB2_2:
0xd6: {  	p0 =	seq.s32 s25, $0x0  }
0xd7: {  	s26 =	simm.s32 @!p0 $0x3  }
0xd8: {  	_ =	swait.ge @!p0 [sflag:s26], $0x400  }
0xd9: {  	[sflag:s26] =	ssyncset.done @!p0 $0x0  }
0xda: {  	[sflag:s26] =	ssyncadd.s32 @!p0 $0xFFFFFC00;
	s26 =	simm.s32 @!p0 $0x4  }
0xdb: {  	_ =	swait.ge @!p0 [sflag:s26], $0x400  }
0xdc: {  	[sflag:s26] =	ssyncset.done @!p0 $0x0  }
0xdd: {  	[sflag:s26] =	ssyncadd.s32 @!p0 $0xFFFFFC00  }
0xde: {  	_ =	swait.ge [sflag:s20], $0x4000  }
0xdf: {  	[sflag:s20] =	ssyncset.done $0x0  }
0xe0: {  	[sflag:s20] =	ssyncadd.s32 $0xFFFFC000  }
0xe1: {  	_ =	swait.ge [sflag:s20], $0x4000  }
0xe2: {  	s28 =	simm.s32 $0x80;
	s29 =	simm.s32 $0x12810;
	[sflag:s20] =	ssyncset.done $0x0  }
0xe3: {  	s30 =	simm.s32 $0x0;
	s26 =	sshll.u32 s25, $0x1;
	[sflag:s20] =	ssyncadd.s32 $0xFFFFC000  }
.LBB2_3:
0xe4: {  	s1 =	sadd.s32 $0xFFFFFF80, s28  }
0xe5: {  	s31 =	sand.u32 $0x3800, s30;
	s1 =	sand.u32 $0x300, s1  }
0xe6: {  	s1 =	sor.u32 s1, s31  }
0xe7: {  	v9 =	vld [tilespmem:s1+$0x2800]  }
0xe8: {  	v10 =	vld [tilespmem:s1+$0x6800]  }
0xe9: {  	v11 =	vld [tilespmem:s1+$0x2810]  }
0xea: {  	v12 =	vld [tilespmem:s1+$0x6810]  }
0xeb: {  	v13 =	vld [tilespmem:s1+$0x2820]  }
0xec: {  	v14 =	vld [tilespmem:s1+$0x6820]  }
0xed: {  	v15 =	vld [tilespmem:s1+$0x2830]  }
0xee: {  	v16 =	vld [tilespmem:s1+$0x6830]  }
0xef: {  	v17 =	vld [tilespmem:s1+$0x2840]  }
0xf0: {  	v18 =	vld [tilespmem:s1+$0x6840]  }
0xf1: {  	v19 =	vld [tilespmem:s1+$0x2850]  }
0xf2: {  	v20 =	vld [tilespmem:s1+$0x6850]  }
0xf3: {  	v21 =	vld [tilespmem:s1+$0x2860]  }
0xf4: {  	v22 =	vld [tilespmem:s1+$0x6860]  }
0xf5: {  	v23 =	vld [tilespmem:s1+$0x2870]  }
0xf6: {  	v24 =	vld [tilespmem:s1+$0x6870]  }
0xf7: {  	v25 =	vld [tilespmem:s1+$0x2C00]  }
0xf8: {  	v27 =	vld [tilespmem:s1+$0x2C10]  }
0xf9: {  	v28 =	vld [tilespmem:s1+$0x6C10]  }
0xfa: {  	v29 =	vld [tilespmem:s1+$0x2C20]  }
0xfb: {  	v30 =	vld [tilespmem:s1+$0x6C20]  }
0xfc: {  	v31 =	vld [tilespmem:s1+$0x2C30]  }
0xfd: {  	v32 =	vld [tilespmem:s1+$0x2C40]  }
0xfe: {  	v33 =	vld [tilespmem:s1+$0x6C40]  }
0xff: {  	v34 =	vld [tilespmem:s1+$0x2C50]  }
0x100: {  	v35 =	vld [tilespmem:s1+$0x6C50]  }
0x101: {  	v36 =	vld [tilespmem:s1+$0x2C60]  }
0x102: {  	v37 =	vld [tilespmem:s1+$0x6C60]  }
0x103: {  	v63 =	vld [tilespmem:s1+$0x6C70];
	v9 =	vmul.f32 v10, v9;
	v10 =	vmul.f32 v12, v11  }
0x104: {  	v40 =	vld [tilespmem:s1+$0x6C30];
	v61 =	vmul.f32 v14, v13;
	v62 =	vmul.f32 v16, v15  }
0x105: {  	v11 =	vld [tilespmem:s1+$0x2C70];
	v38 =	vmul.f32 v18, v17;
	v39 =	vmul.f32 v20, v19  }
0x106: {  	v26 =	vld [tilespmem:s1+$0x6C00];
	v41 =	vmul.f32 v22, v21;
	v42 =	vmul.f32 v24, v23  }
0x107: {  	v43 =	vmul.f32 v28, v27;
	v44 =	vmul.f32 v33, v32  }
0x108: {  	v45 =	vmul.f32 v35, v34;
	v46 =	vmul.f32 v37, v36  }
0x109: {  	v48 =	vmul.f32 v30, v29;
	v17 =	vmul.f32 v40, v31  }
0x10a: {  	v9 =	vadd.f32 v10, v9;
	v12 =	vadd.f32 v62, v61;
	v11 =	vmul.f32 v63, v11  }
0x10b: {  	v10 =	vmul.f32 v26, v25;
	v15 =	vadd.f32 v39, v38;
	v47 =	vadd.f32 v42, v41  }
0x10c: {  	v13 =	vadd.f32 v45, v44;
	v11 =	vadd.f32 v11, v46  }
0x10d: {  	v49 =	vadd.f32 v17, v48;
	v10 =	vadd.f32 v43, v10;
	v50 =	vsel vm1, v12, v9  }
0x10e: {  	v51 =	vsel vm1, v47, v15;
	v9 =	vsel vm1, v9, v12;
	v52 =	vsel vm1, v11, v13  }
0x10f: {  	v14 =	vsel vm1, v15, v47;
	v53 =	vperm.xlane v51, v0;
	v54 =	vperm.xlane v52, v0  }
0x110: {  	v17 =	vperm.xlane v50, v0;
	v55 =	vsel vm1, v49, v10;
	v11 =	vsel vm1, v13, v11  }
0x111: {  	v12 =	vadd.f32 v53, v14;
	v56 =	vperm.xlane v55, v0;
	v11 =	vadd.f32 v54, v11  }
0x112: {  	v10 =	vsel vm1, v10, v49;
	v9 =	vadd.f32 v17, v9  }
0x113: {  	v10 =	vadd.f32 v56, v10;
	v57 =	vperm.xlane v12, v4;
	v58 =	vperm.xlane v11, v4  }
0x114: {  	v59 =	vperm.xlane v9, v4  }
0x115: {  	v12 =	vadd.f32 v57, v12;
	v60 =	vperm.xlane v10, v4;
	v11 =	vadd.f32 v58, v11  }
0x116: {  	v9 =	vadd.f32 v59, v9  }
0x117: {  	v12 =	vperm.xlane v12, v4;
	v10 =	vadd.f32 v60, v10;
	v11 =	vperm.xlane v11, v4;
	_ =	sdelay $0x1  }
0x118: {  	v9 =	vsel vm2, v9, v12;
	v10 =	vsel vm2, v10, v11  }
0x119: {  	v11 =	vperm.xlane v9, v5;
	v61 =	vperm.xlane v10, v5;
	_ =	sdelay $0x1  }
0x11a: {  	v9 =	vadd.f32 v11, v9;
	v10 =	vadd.f32 v61, v10;
	_ =	sdelay $0x1  }
0x11b: {  	v11 =	vperm.xlane v9, v6;
	v12 =	vperm.xlane v10, v6;
	_ =	sdelay $0x1  }
0x11c: {  	v9 =	vadd.f32 v11, v9;
	v10 =	vadd.f32 v12, v10;
	_ =	sdelay $0x1  }
0x11d: {  	v9 =	vperm.xlane v9, v7;
	v10 =	vperm.xlane v10, v7;
	_ =	sdelay $0x1  }
0x11e: {  	s1 =	sand.u32 $0x380, s28;
	v9 =	vsel vm3, v9, v10  }
0x11f: {  	s1 =	sor.u32 s31, s1;
	[tilespmem:s29+$0xFFFFFFF0] =	vst v9  }
0x120: {  	v10 =	vld [tilespmem:s1+$0x2800]  }
0x121: {  	v11 =	vld [tilespmem:s1+$0x6800]  }
0x122: {  	v12 =	vld [tilespmem:s1+$0x2810]  }
0x123: {  	v62 =	vld [tilespmem:s1+$0x6810]  }
0x124: {  	v14 =	vld [tilespmem:s1+$0x2820]  }
0x125: {  	v63 =	vld [tilespmem:s1+$0x6820]  }
0x126: {  	v40 =	vld [tilespmem:s1+$0x2830]  }
0x127: {  	v41 =	vld [tilespmem:s1+$0x6830]  }
0x128: {  	v42 =	vld [tilespmem:s1+$0x2840]  }
0x129: {  	v43 =	vld [tilespmem:s1+$0x6840]  }
0x12a: {  	v44 =	vld [tilespmem:s1+$0x2850]  }
0x12b: {  	v45 =	vld [tilespmem:s1+$0x6850]  }
0x12c: {  	v46 =	vld [tilespmem:s1+$0x2860]  }
0x12d: {  	v47 =	vld [tilespmem:s1+$0x6860]  }
0x12e: {  	v48 =	vld [tilespmem:s1+$0x2870]  }
0x12f: {  	v49 =	vld [tilespmem:s1+$0x6870]  }
0x130: {  	v50 =	vld [tilespmem:s1+$0x2C00]  }
0x131: {  	v51 =	vld [tilespmem:s1+$0x6C00]  }
0x132: {  	v52 =	vld [tilespmem:s1+$0x2C10]  }
0x133: {  	v53 =	vld [tilespmem:s1+$0x6C10]  }
0x134: {  	v54 =	vld [tilespmem:s1+$0x2C20]  }
0x135: {  	v55 =	vld [tilespmem:s1+$0x6C20]  }
0x136: {  	v57 =	vld [tilespmem:s1+$0x2C40]  }
0x137: {  	v58 =	vld [tilespmem:s1+$0x6C40]  }
0x138: {  	v59 =	vld [tilespmem:s1+$0x2C50]  }
0x139: {  	v60 =	vld [tilespmem:s1+$0x6C50]  }
0x13a: {  	v61 =	vld [tilespmem:s1+$0x2C60]  }
0x13b: {  	v38 =	vld [tilespmem:s1+$0x6C60]  }
0x13c: {  	v10 =	vmul.f32 v11, v10;
	v11 =	vmul.f32 v62, v12;
	v62 =	vld [tilespmem:s1+$0x2C70]  }
0x13d: {  	v63 =	vmul.f32 v63, v14;
	v39 =	vmul.f32 v41, v40;
	v40 =	vld [tilespmem:s1+$0x6C70]  }
0x13e: {  	v56 =	vld [tilespmem:s1+$0x2C30];
	v41 =	vmul.f32 v43, v42;
	v42 =	vmul.f32 v45, v44  }
0x13f: {  	v43 =	vld [tilespmem:s1+$0x6C30];
	v44 =	vmul.f32 v47, v46;
	v45 =	vmul.f32 v49, v48  }
0x140: {  	v46 =	vmul.f32 v53, v52;
	v47 =	vmul.f32 v58, v57  }
0x141: {  	v48 =	vmul.f32 v60, v59;
	v49 =	vmul.f32 v38, v61;
	v10 =	vadd.f32 v11, v10  }
0x142: {  	v11 =	vmul.f32 v51, v50;
	v13 =	vadd.f32 v39, v63;
	v12 =	vmul.f32 v40, v62  }
0x143: {  	v16 =	vadd.f32 v42, v41;
	v50 =	vadd.f32 v45, v44;
	v51 =	vmul.f32 v55, v54  }
0x144: {  	v14 =	vadd.f32 v48, v47;
	v18 =	vmul.f32 v43, v56;
	v12 =	vadd.f32 v12, v49  }
0x145: {  	v11 =	vadd.f32 v46, v11;
	v53 =	vsel vm1, v10, v13;
	v10 =	vsel vm1, v13, v10  }
0x146: {  	v54 =	vsel vm1, v50, v16;
	v52 =	vadd.f32 v18, v51;
	v55 =	vsel vm1, v12, v14  }
0x147: {  	v15 =	vsel vm1, v16, v50;
	v13 =	vperm.xlane v54, v0;
	v56 =	vperm.xlane v55, v0  }
0x148: {  	v10 =	vperm.xlane v10, v0;
	v12 =	vsel vm1, v14, v12;
	v57 =	vsel vm1, v52, v11  }
0x149: {  	v13 =	vadd.f32 v13, v15;
	v14 =	vperm.xlane v57, v0;
	v12 =	vadd.f32 v56, v12  }
0x14a: {  	v10 =	vadd.f32 v10, v53;
	v11 =	vsel vm1, v11, v52  }
0x14b: {  	v58 =	vperm.xlane v13, v4;
	v11 =	vadd.f32 v14, v11;
	v59 =	vperm.xlane v12, v4  }
0x14c: {  	v60 =	vperm.xlane v10, v4  }
0x14d: {  	v13 =	vadd.f32 v58, v13;
	v61 =	vperm.xlane v11, v4;
	v12 =	vadd.f32 v59, v12  }
0x14e: {  	v10 =	vadd.f32 v60, v10  }
0x14f: {  	v13 =	vperm.xlane v13, v4;
	v11 =	vadd.f32 v61, v11;
	v12 =	vperm.xlane v12, v4;
	_ =	sdelay $0x1  }
0x150: {  	v10 =	vsel vm2, v10, v13;
	v11 =	vsel vm2, v11, v12  }
0x151: {  	v62 =	vperm.xlane v10, v5;
	v63 =	vperm.xlane v11, v5;
	_ =	sdelay $0x1  }
0x152: {  	v10 =	vadd.f32 v62, v10;
	v11 =	vadd.f32 v63, v11;
	_ =	sdelay $0x1  }
0x153: {  	v12 =	vperm.xlane v10, v6;
	v13 =	vperm.xlane v11, v6;
	_ =	sdelay $0x1  }
0x154: {  	v10 =	vadd.f32 v12, v10;
	v11 =	vadd.f32 v13, v11  }
0x155: {  	p0 =	sne.s32 s28, $0x1F80  }
.Ltmp2:
0x156: {  	v10 =	vperm.xlane v10, v7;
	v11 =	vperm.xlane v11, v7;
	(pc) =	sbr.rel @p0 .LBB2_3-.Ltmp2, $4  }
0x157: {  	_ = 	snop  }
0x158: {  	v9 =	vnsel vm1, $0xF149F2CA, v9;
	v10 =	vsel vm3, v10, v11  }
0x159: {  	v8 =	vmax.f32 v8, v9;
	v9 =	vnsel vm1, $0xF149F2CA, v10  }
0x15a: {  	s30 =	sadd.s32 $0x200, s30;
	s28 =	sadd.s32 $0x100, s28;
	[tilespmem:s29+$0x0] =	vst v10;
	s29 =	sadd.s32 $0x20, s29;
	v8 =	vmax.f32 v8, v9  }
0x15b: {  	p0 =	seq.s32 s25, $0x27  }
.Ltmp3:
0x15c: {  	_ = 	snop;
	(pc) =	sbr.rel @p0 .LBB2_6-.Ltmp3, $4  }
0x15d: {  	s1 =	sadd.s32 s6, s26  }
0x15e: {  	s1 =	sshll.u32 s1, $0x7  }
0x15f: {  	s1 =	sadd.s32 s5, s1  }
0x160: {  	[hbm4b:s1+s3] =	stream.linear.scatter [tilespmem:s22], [sflag:$0x3], $0x400, $0x38;
	[tilespmem:$0x13080] =	vst v63  }
0x161: {  	s28 =	sshll.u32 s25, $0x7  }
0x162: {  	v9 =	vld [tilespmem:s28+$0x80];
	_ =	sdelay $0x4  }
0x163: {  	v10 =	vshll.u32 v9, $0x1  }
0x164: {  	v9 =	vand.u32 $0x7, v9;
	v10 =	vand.u32 $0xFFFFFFF0, v10  }
0x165: {  	v9 =	vor.u32 v9, v10  }
0x166: {  	v10 =	vperm.xlane v9, v1;
	_ =	sdelay $0x1  }
0x167: {  	v9 =	vperm.xlane v9, v3;
	v10 =	vadd.s32 v2, v10;
	_ =	sdelay $0x1  }
0x168: {  	v9 =	vadd.s32 v2, v9;
	_ =	sdelay $0x1  }
0x169: {  	s1 =	simm.s32 $0x2800  }
0x16a: {  	[tilespmem:s1], [sflag:$0x1] =	stream.indirect_vreg.gather [hbm4b:s2+s3], $0x80, v10, vm0, $0xb8;
	[tilespmem:$0x13080] =	vst v63  }
0x16b: {  	s29 =	simm.s32 $0x3000  }
0x16c: {  	[tilespmem:s29], [sflag:$0x1] =	stream.indirect_vreg.gather [hbm4b:s2+s3], $0x80, v9, vm0, $0xb8;
	[tilespmem:$0x13080] =	vst v63  }
0x16d: {  	v9 =	vld [tilespmem:s28+$0x90];
	_ =	sdelay $0x4  }
0x16e: {  	v10 =	vshll.u32 v9, $0x1  }
0x16f: {  	v9 =	vand.u32 $0x7, v9;
	v10 =	vand.u32 $0xFFFFFFF0, v10  }
0x170: {  	v9 =	vor.u32 v9, v10  }
0x171: {  	v10 =	vperm.xlane v9, v1;
	_ =	sdelay $0x1  }
0x172: {  	v9 =	vperm.xlane v9, v3;
	v10 =	vadd.s32 v2, v10;
	_ =	sdelay $0x1  }
0x173: {  	v9 =	vadd.s32 v2, v9;
	_ =	sdelay $0x1  }
0x174: {  	s30 =	simm.s32 $0x3800  }
0x175: {  	[tilespmem:s30], [sflag:$0x1] =	stream.indirect_vreg.gather [hbm4b:s2+s3], $0x80, v10, vm0, $0xb8;
	[tilespmem:$0x13080] =	vst v63  }
0x176: {  	s31 =	simm.s32 $0x4000  }
0x177: {  	[tilespmem:s31], [sflag:$0x1] =	stream.indirect_vreg.gather [hbm4b:s2+s3], $0x80, v9, vm0, $0xb8;
	[tilespmem:$0x13080] =	vst v63  }
0x178: {  	v9 =	vld [tilespmem:s28+$0xA0];
	_ =	sdelay $0x4  }
0x179: {  	v10 =	vshll.u32 v9, $0x1  }
0x17a: {  	v9 =	vand.u32 $0x7, v9;
	v10 =	vand.u32 $0xFFFFFFF0, v10  }
0x17b: {  	v9 =	vor.u32 v9, v10  }
0x17c: {  	v10 =	vperm.xlane v9, v1;
	_ =	sdelay $0x1  }
0x17d: {  	v9 =	vperm.xlane v9, v3;
	v10 =	vadd.s32 v2, v10;
	_ =	sdelay $0x1  }
0x17e: {  	v9 =	vadd.s32 v2, v9;
	_ =	sdelay $0x1  }
0x17f: {  	s29 =	simm.s32 $0x4800  }
0x180: {  	[tilespmem:s29], [sflag:$0x1] =	stream.indirect_vreg.gather [hbm4b:s2+s3], $0x80, v10, vm0, $0xb8;
	[tilespmem:$0x13080] =	vst v63  }
0x181: {  	s30 =	simm.s32 $0x5000  }
0x182: {  	[tilespmem:s30], [sflag:$0x1] =	stream.indirect_vreg.gather [hbm4b:s2+s3], $0x80, v9, vm0, $0xb8;
	[tilespmem:$0x13080] =	vst v63  }
0x183: {  	v9 =	vld [tilespmem:s28+$0xB0];
	_ =	sdelay $0x4  }
0x184: {  	v10 =	vshll.u32 v9, $0x1  }
0x185: {  	v9 =	vand.u32 $0x7, v9;
	v10 =	vand.u32 $0xFFFFFFF0, v10  }
0x186: {  	v9 =	vor.u32 v9, v10  }
0x187: {  	v10 =	vperm.xlane v9, v1;
	_ =	sdelay $0x1  }
0x188: {  	v9 =	vperm.xlane v9, v3;
	v10 =	vadd.s32 v2, v10;
	_ =	sdelay $0x1  }
0x189: {  	v9 =	vadd.s32 v2, v9;
	_ =	sdelay $0x1  }
0x18a: {  	s31 =	simm.s32 $0x5800  }
0x18b: {  	[tilespmem:s31], [sflag:$0x1] =	stream.indirect_vreg.gather [hbm4b:s2+s3], $0x80, v10, vm0, $0xb8;
	[tilespmem:$0x13080] =	vst v63  }
0x18c: {  	s29 =	simm.s32 $0x6000  }
0x18d: {  	[tilespmem:s29], [sflag:$0x1] =	stream.indirect_vreg.gather [hbm4b:s2+s3], $0x80, v9, vm0, $0xb8;
	[tilespmem:$0x13080] =	vst v63  }
0x18e: {  	v9 =	vld [tilespmem:s28+$0x1480];
	_ =	sdelay $0x4  }
0x18f: {  	v10 =	vshll.u32 v9, $0x1  }
0x190: {  	v9 =	vand.u32 $0x7, v9;
	v10 =	vand.u32 $0xFFFFFFF0, v10  }
0x191: {  	v9 =	vor.u32 v9, v10  }
0x192: {  	v10 =	vperm.xlane v9, v1;
	_ =	sdelay $0x1  }
0x193: {  	v9 =	vperm.xlane v9, v3;
	v10 =	vadd.s32 v2, v10;
	_ =	sdelay $0x1  }
0x194: {  	v9 =	vadd.s32 v2, v9;
	_ =	sdelay $0x1  }
0x195: {  	s30 =	simm.s32 $0x6800  }
0x196: {  	[tilespmem:s30], [sflag:$0x1] =	stream.indirect_vreg.gather [hbm4b:s4+s3], $0x80, v10, vm0, $0xb8;
	[tilespmem:$0x13080] =	vst v63  }
0x197: {  	s31 =	simm.s32 $0x7000  }
0x198: {  	[tilespmem:s31], [sflag:$0x1] =	stream.indirect_vreg.gather [hbm4b:s4+s3], $0x80, v9, vm0, $0xb8;
	[tilespmem:$0x13080] =	vst v63  }
0x199: {  	v9 =	vld [tilespmem:s28+$0x1490];
	_ =	sdelay $0x4  }
0x19a: {  	v10 =	vshll.u32 v9, $0x1  }
0x19b: {  	v9 =	vand.u32 $0x7, v9;
	v10 =	vand.u32 $0xFFFFFFF0, v10  }
0x19c: {  	v9 =	vor.u32 v9, v10  }
0x19d: {  	v10 =	vperm.xlane v9, v1;
	_ =	sdelay $0x1  }
0x19e: {  	v9 =	vperm.xlane v9, v3;
	v10 =	vadd.s32 v2, v10;
	_ =	sdelay $0x1  }
0x19f: {  	v9 =	vadd.s32 v2, v9;
	_ =	sdelay $0x1  }
0x1a0: {  	s29 =	simm.s32 $0x7800  }
0x1a1: {  	[tilespmem:s29], [sflag:$0x1] =	stream.indirect_vreg.gather [hbm4b:s4+s3], $0x80, v10, vm0, $0xb8;
	[tilespmem:$0x13080] =	vst v63  }
0x1a2: {  	s30 =	simm.s32 $0x8000  }
0x1a3: {  	[tilespmem:s30], [sflag:$0x1] =	stream.indirect_vreg.gather [hbm4b:s4+s3], $0x80, v9, vm0, $0xb8;
	[tilespmem:$0x13080] =	vst v63  }
0x1a4: {  	v9 =	vld [tilespmem:s28+$0x14A0];
	_ =	sdelay $0x4  }
0x1a5: {  	v10 =	vshll.u32 v9, $0x1  }
0x1a6: {  	v9 =	vand.u32 $0x7, v9;
	v10 =	vand.u32 $0xFFFFFFF0, v10  }
0x1a7: {  	v9 =	vor.u32 v9, v10  }
0x1a8: {  	v10 =	vperm.xlane v9, v1;
	_ =	sdelay $0x1  }
0x1a9: {  	v9 =	vperm.xlane v9, v3;
	v10 =	vadd.s32 v2, v10;
	_ =	sdelay $0x1  }
0x1aa: {  	v9 =	vadd.s32 v2, v9;
	_ =	sdelay $0x1  }
0x1ab: {  	s31 =	simm.s32 $0x8800  }
0x1ac: {  	[tilespmem:s31], [sflag:$0x1] =	stream.indirect_vreg.gather [hbm4b:s4+s3], $0x80, v10, vm0, $0xb8;
	[tilespmem:$0x13080] =	vst v63  }
0x1ad: {  	s29 =	simm.s32 $0x9000  }
0x1ae: {  	[tilespmem:s29], [sflag:$0x1] =	stream.indirect_vreg.gather [hbm4b:s4+s3], $0x80, v9, vm0, $0xb8;
	[tilespmem:$0x13080] =	vst v63  }
0x1af: {  	v9 =	vld [tilespmem:s28+$0x14B0];
	_ =	sdelay $0x4  }
0x1b0: {  	v10 =	vshll.u32 v9, $0x1  }
0x1b1: {  	v9 =	vand.u32 $0x7, v9;
	v10 =	vand.u32 $0xFFFFFFF0, v10  }
0x1b2: {  	v9 =	vor.u32 v9, v10  }
0x1b3: {  	v10 =	vperm.xlane v9, v1;
	_ =	sdelay $0x1  }
0x1b4: {  	v9 =	vperm.xlane v9, v3;
	v10 =	vadd.s32 v2, v10;
	_ =	sdelay $0x1  }
0x1b5: {  	v9 =	vadd.s32 v2, v9;
	_ =	sdelay $0x1  }
0x1b6: {  	s30 =	simm.s32 $0x9800  }
0x1b7: {  	[tilespmem:s30], [sflag:$0x1] =	stream.indirect_vreg.gather [hbm4b:s4+s3], $0x80, v10, vm0, $0xb8;
	[tilespmem:$0x13080] =	vst v63  }
0x1b8: {  	s31 =	simm.s32 $0xA000  }
0x1b9: {  	[tilespmem:s31], [sflag:$0x1] =	stream.indirect_vreg.gather [hbm4b:s4+s3], $0x80, v9, vm0, $0xb8;
	[tilespmem:$0x13080] =	vst v63  }
.LBB2_6:
0x1ba: {  	_ =	swait.ge [sflag:s23], $0x4000  }
0x1bb: {  	[sflag:s23] =	ssyncset.done $0x0  }
0x1bc: {  	[sflag:s23] =	ssyncadd.s32 $0xFFFFC000  }
0x1bd: {  	_ =	swait.ge [sflag:s23], $0x4000  }
0x1be: {  	s28 =	simm.s32 $0x80;
	[sflag:s23] =	ssyncset.done $0x0  }
0x1bf: {  	s29 =	simm.s32 $0x12C10;
	s30 =	simm.s32 $0x0;
	[sflag:s23] =	ssyncadd.s32 $0xFFFFC000  }
.LBB2_7:
0x1c0: {  	s1 =	sadd.s32 $0xFFFFFF80, s28  }
0x1c1: {  	s31 =	sand.u32 $0x3800, s30;
	s1 =	sand.u32 $0x300, s1  }
0x1c2: {  	s1 =	sor.u32 s1, s31  }
0x1c3: {  	v9 =	vld [tilespmem:s1+$0xA800]  }
0x1c4: {  	v10 =	vld [tilespmem:s1+$0xE800]  }
0x1c5: {  	v11 =	vld [tilespmem:s1+$0xA810]  }
0x1c6: {  	v12 =	vld [tilespmem:s1+$0xE810]  }
0x1c7: {  	v13 =	vld [tilespmem:s1+$0xA820]  }
0x1c8: {  	v14 =	vld [tilespmem:s1+$0xE820]  }
0x1c9: {  	v15 =	vld [tilespmem:s1+$0xA830]  }
0x1ca: {  	v16 =	vld [tilespmem:s1+$0xE830]  }
0x1cb: {  	v17 =	vld [tilespmem:s1+$0xA840]  }
0x1cc: {  	v18 =	vld [tilespmem:s1+$0xE840]  }
0x1cd: {  	v19 =	vld [tilespmem:s1+$0xA850]  }
0x1ce: {  	v20 =	vld [tilespmem:s1+$0xE850]  }
0x1cf: {  	v21 =	vld [tilespmem:s1+$0xA860]  }
0x1d0: {  	v22 =	vld [tilespmem:s1+$0xE860]  }
0x1d1: {  	v23 =	vld [tilespmem:s1+$0xA870]  }
0x1d2: {  	v24 =	vld [tilespmem:s1+$0xE870]  }
0x1d3: {  	v25 =	vld [tilespmem:s1+$0xAC00]  }
0x1d4: {  	v27 =	vld [tilespmem:s1+$0xAC10]  }
0x1d5: {  	v28 =	vld [tilespmem:s1+$0xEC10]  }
0x1d6: {  	v29 =	vld [tilespmem:s1+$0xAC20]  }
0x1d7: {  	v30 =	vld [tilespmem:s1+$0xEC20]  }
0x1d8: {  	v31 =	vld [tilespmem:s1+$0xAC30]  }
0x1d9: {  	v32 =	vld [tilespmem:s1+$0xAC40]  }
0x1da: {  	v33 =	vld [tilespmem:s1+$0xEC40]  }
0x1db: {  	v34 =	vld [tilespmem:s1+$0xAC50]  }
0x1dc: {  	v35 =	vld [tilespmem:s1+$0xEC50]  }
0x1dd: {  	v36 =	vld [tilespmem:s1+$0xAC60]  }
0x1de: {  	v37 =	vld [tilespmem:s1+$0xEC60]  }
0x1df: {  	v63 =	vld [tilespmem:s1+$0xEC70];
	v9 =	vmul.f32 v10, v9;
	v10 =	vmul.f32 v12, v11  }
0x1e0: {  	v40 =	vld [tilespmem:s1+$0xEC30];
	v61 =	vmul.f32 v14, v13;
	v62 =	vmul.f32 v16, v15  }
0x1e1: {  	v11 =	vld [tilespmem:s1+$0xAC70];
	v38 =	vmul.f32 v18, v17;
	v39 =	vmul.f32 v20, v19  }
0x1e2: {  	v26 =	vld [tilespmem:s1+$0xEC00];
	v41 =	vmul.f32 v22, v21;
	v42 =	vmul.f32 v24, v23  }
0x1e3: {  	v43 =	vmul.f32 v28, v27;
	v44 =	vmul.f32 v33, v32  }
0x1e4: {  	v45 =	vmul.f32 v35, v34;
	v46 =	vmul.f32 v37, v36  }
0x1e5: {  	v48 =	vmul.f32 v30, v29;
	v17 =	vmul.f32 v40, v31  }
0x1e6: {  	v9 =	vadd.f32 v10, v9;
	v12 =	vadd.f32 v62, v61;
	v11 =	vmul.f32 v63, v11  }
0x1e7: {  	v10 =	vmul.f32 v26, v25;
	v15 =	vadd.f32 v39, v38;
	v47 =	vadd.f32 v42, v41  }
0x1e8: {  	v13 =	vadd.f32 v45, v44;
	v11 =	vadd.f32 v11, v46  }
0x1e9: {  	v49 =	vadd.f32 v17, v48;
	v10 =	vadd.f32 v43, v10;
	v50 =	vsel vm1, v12, v9  }
0x1ea: {  	v51 =	vsel vm1, v47, v15;
	v9 =	vsel vm1, v9, v12;
	v52 =	vsel vm1, v11, v13  }
0x1eb: {  	v14 =	vsel vm1, v15, v47;
	v53 =	vperm.xlane v51, v0;
	v54 =	vperm.xlane v52, v0  }
0x1ec: {  	v17 =	vperm.xlane v50, v0;
	v55 =	vsel vm1, v49, v10;
	v11 =	vsel vm1, v13, v11  }
0x1ed: {  	v12 =	vadd.f32 v53, v14;
	v56 =	vperm.xlane v55, v0;
	v11 =	vadd.f32 v54, v11  }
0x1ee: {  	v10 =	vsel vm1, v10, v49;
	v9 =	vadd.f32 v17, v9  }
0x1ef: {  	v10 =	vadd.f32 v56, v10;
	v57 =	vperm.xlane v12, v4;
	v58 =	vperm.xlane v11, v4  }
0x1f0: {  	v59 =	vperm.xlane v9, v4  }
0x1f1: {  	v12 =	vadd.f32 v57, v12;
	v60 =	vperm.xlane v10, v4;
	v11 =	vadd.f32 v58, v11  }
0x1f2: {  	v9 =	vadd.f32 v59, v9  }
0x1f3: {  	v12 =	vperm.xlane v12, v4;
	v10 =	vadd.f32 v60, v10;
	v11 =	vperm.xlane v11, v4;
	_ =	sdelay $0x1  }
0x1f4: {  	v9 =	vsel vm2, v9, v12;
	v10 =	vsel vm2, v10, v11  }
0x1f5: {  	v11 =	vperm.xlane v9, v5;
	v61 =	vperm.xlane v10, v5;
	_ =	sdelay $0x1  }
0x1f6: {  	v9 =	vadd.f32 v11, v9;
	v10 =	vadd.f32 v61, v10;
	_ =	sdelay $0x1  }
0x1f7: {  	v11 =	vperm.xlane v9, v6;
	v12 =	vperm.xlane v10, v6;
	_ =	sdelay $0x1  }
0x1f8: {  	v9 =	vadd.f32 v11, v9;
	v10 =	vadd.f32 v12, v10;
	_ =	sdelay $0x1  }
0x1f9: {  	v9 =	vperm.xlane v9, v7;
	v10 =	vperm.xlane v10, v7;
	_ =	sdelay $0x1  }
0x1fa: {  	s1 =	sand.u32 $0x380, s28;
	v9 =	vsel vm3, v9, v10  }
0x1fb: {  	s1 =	sor.u32 s31, s1;
	[tilespmem:s29+$0xFFFFFFF0] =	vst v9  }
0x1fc: {  	v10 =	vld [tilespmem:s1+$0xA800]  }
0x1fd: {  	v11 =	vld [tilespmem:s1+$0xE800]  }
0x1fe: {  	v12 =	vld [tilespmem:s1+$0xA810]  }
0x1ff: {  	v62 =	vld [tilespmem:s1+$0xE810]  }
0x200: {  	v14 =	vld [tilespmem:s1+$0xA820]  }
0x201: {  	v63 =	vld [tilespmem:s1+$0xE820]  }
0x202: {  	v40 =	vld [tilespmem:s1+$0xA830]  }
0x203: {  	v41 =	vld [tilespmem:s1+$0xE830]  }
0x204: {  	v42 =	vld [tilespmem:s1+$0xA840]  }
0x205: {  	v43 =	vld [tilespmem:s1+$0xE840]  }
0x206: {  	v44 =	vld [tilespmem:s1+$0xA850]  }
0x207: {  	v45 =	vld [tilespmem:s1+$0xE850]  }
0x208: {  	v46 =	vld [tilespmem:s1+$0xA860]  }
0x209: {  	v47 =	vld [tilespmem:s1+$0xE860]  }
0x20a: {  	v48 =	vld [tilespmem:s1+$0xA870]  }
0x20b: {  	v49 =	vld [tilespmem:s1+$0xE870]  }
0x20c: {  	v50 =	vld [tilespmem:s1+$0xAC00]  }
0x20d: {  	v51 =	vld [tilespmem:s1+$0xEC00]  }
0x20e: {  	v52 =	vld [tilespmem:s1+$0xAC10]  }
0x20f: {  	v53 =	vld [tilespmem:s1+$0xEC10]  }
0x210: {  	v54 =	vld [tilespmem:s1+$0xAC20]  }
0x211: {  	v55 =	vld [tilespmem:s1+$0xEC20]  }
0x212: {  	v57 =	vld [tilespmem:s1+$0xAC40]  }
0x213: {  	v58 =	vld [tilespmem:s1+$0xEC40]  }
0x214: {  	v59 =	vld [tilespmem:s1+$0xAC50]  }
0x215: {  	v60 =	vld [tilespmem:s1+$0xEC50]  }
0x216: {  	v61 =	vld [tilespmem:s1+$0xAC60]  }
0x217: {  	v38 =	vld [tilespmem:s1+$0xEC60]  }
0x218: {  	v10 =	vmul.f32 v11, v10;
	v11 =	vmul.f32 v62, v12;
	v62 =	vld [tilespmem:s1+$0xAC70]  }
0x219: {  	v63 =	vmul.f32 v63, v14;
	v39 =	vmul.f32 v41, v40;
	v40 =	vld [tilespmem:s1+$0xEC70]  }
0x21a: {  	v56 =	vld [tilespmem:s1+$0xAC30];
	v41 =	vmul.f32 v43, v42;
	v42 =	vmul.f32 v45, v44  }
0x21b: {  	v43 =	vld [tilespmem:s1+$0xEC30];
	v44 =	vmul.f32 v47, v46;
	v45 =	vmul.f32 v49, v48  }
0x21c: {  	v46 =	vmul.f32 v53, v52;
	v47 =	vmul.f32 v58, v57  }
0x21d: {  	v48 =	vmul.f32 v60, v59;
	v49 =	vmul.f32 v38, v61;
	v10 =	vadd.f32 v11, v10  }
0x21e: {  	v11 =	vmul.f32 v51, v50;
	v13 =	vadd.f32 v39, v63;
	v12 =	vmul.f32 v40, v62  }
0x21f: {  	v16 =	vadd.f32 v42, v41;
	v50 =	vadd.f32 v45, v44;
	v51 =	vmul.f32 v55, v54  }
0x220: {  	v14 =	vadd.f32 v48, v47;
	v18 =	vmul.f32 v43, v56;
	v12 =	vadd.f32 v12, v49  }
0x221: {  	v11 =	vadd.f32 v46, v11;
	v53 =	vsel vm1, v10, v13;
	v10 =	vsel vm1, v13, v10  }
0x222: {  	v54 =	vsel vm1, v50, v16;
	v52 =	vadd.f32 v18, v51;
	v55 =	vsel vm1, v12, v14  }
0x223: {  	v15 =	vsel vm1, v16, v50;
	v13 =	vperm.xlane v54, v0;
	v56 =	vperm.xlane v55, v0  }
0x224: {  	v10 =	vperm.xlane v10, v0;
	v12 =	vsel vm1, v14, v12;
	v57 =	vsel vm1, v52, v11  }
0x225: {  	v13 =	vadd.f32 v13, v15;
	v14 =	vperm.xlane v57, v0;
	v12 =	vadd.f32 v56, v12  }
0x226: {  	v10 =	vadd.f32 v10, v53;
	v11 =	vsel vm1, v11, v52  }
0x227: {  	v58 =	vperm.xlane v13, v4;
	v11 =	vadd.f32 v14, v11;
	v59 =	vperm.xlane v12, v4  }
0x228: {  	v60 =	vperm.xlane v10, v4  }
0x229: {  	v13 =	vadd.f32 v58, v13;
	v61 =	vperm.xlane v11, v4;
	v12 =	vadd.f32 v59, v12  }
0x22a: {  	v10 =	vadd.f32 v60, v10  }
0x22b: {  	v13 =	vperm.xlane v13, v4;
	v11 =	vadd.f32 v61, v11;
	v12 =	vperm.xlane v12, v4;
	_ =	sdelay $0x1  }
0x22c: {  	v10 =	vsel vm2, v10, v13;
	v11 =	vsel vm2, v11, v12  }
0x22d: {  	v62 =	vperm.xlane v10, v5;
	v63 =	vperm.xlane v11, v5;
	_ =	sdelay $0x1  }
0x22e: {  	v10 =	vadd.f32 v62, v10;
	v11 =	vadd.f32 v63, v11;
	_ =	sdelay $0x1  }
0x22f: {  	v12 =	vperm.xlane v10, v6;
	v13 =	vperm.xlane v11, v6;
	_ =	sdelay $0x1  }
0x230: {  	v10 =	vadd.f32 v12, v10;
	v11 =	vadd.f32 v13, v11  }
0x231: {  	p1 =	sne.s32 s28, $0x1F80  }
.Ltmp4:
0x232: {  	v10 =	vperm.xlane v10, v7;
	v11 =	vperm.xlane v11, v7;
	(pc) =	sbr.rel @p1 .LBB2_7-.Ltmp4, $4  }
0x233: {  	_ = 	snop  }
0x234: {  	v9 =	vnsel vm1, $0xF149F2CA, v9;
	v10 =	vsel vm3, v10, v11  }
0x235: {  	v8 =	vmax.f32 v8, v9;
	v9 =	vnsel vm1, $0xF149F2CA, v10  }
0x236: {  	s30 =	sadd.s32 $0x200, s30;
	s28 =	sadd.s32 $0x100, s28;
	[tilespmem:s29+$0x0] =	vst v10;
	s29 =	sadd.s32 $0x20, s29;
	v8 =	vmax.f32 v8, v9  }
.Ltmp5:
0x237: {  	s1 =	sadd.s32 s26, s9;
	(pc) =	sbr.rel @p0 .LBB2_10-.Ltmp5, $4  }
0x238: {  	s1 =	sshll.u32 s1, $0x7  }
0x239: {  	s1 =	sand.u32 $0x1FFFFF80, s1  }
0x23a: {  	s1 =	sadd.s32 s5, s1  }
0x23b: {  	[hbm4b:s1+s3] =	stream.linear.scatter [tilespmem:s24], [sflag:$0x4], $0x400, $0x38;
	[tilespmem:$0x13080] =	vst v63  }
0x23c: {  	s26 =	sshll.u32 s25, $0x7  }
0x23d: {  	v9 =	vld [tilespmem:s26+$0xC0];
	_ =	sdelay $0x4  }
0x23e: {  	v10 =	vshll.u32 v9, $0x1  }
0x23f: {  	v9 =	vand.u32 $0x7, v9;
	v10 =	vand.u32 $0xFFFFFFF0, v10  }
0x240: {  	v9 =	vor.u32 v9, v10  }
0x241: {  	v10 =	vperm.xlane v9, v1;
	_ =	sdelay $0x1  }
0x242: {  	v9 =	vperm.xlane v9, v3;
	v10 =	vadd.s32 v2, v10;
	_ =	sdelay $0x1  }
0x243: {  	v9 =	vadd.s32 v2, v9;
	_ =	sdelay $0x1  }
0x244: {  	s1 =	simm.s32 $0xA800  }
0x245: {  	[tilespmem:s1], [sflag:$0x2] =	stream.indirect_vreg.gather [hbm4b:s2+s3], $0x80, v10, vm0, $0xb8;
	[tilespmem:$0x13080] =	vst v63  }
0x246: {  	s31 =	simm.s32 $0xB000  }
0x247: {  	[tilespmem:s31], [sflag:$0x2] =	stream.indirect_vreg.gather [hbm4b:s2+s3], $0x80, v9, vm0, $0xb8;
	[tilespmem:$0x13080] =	vst v63  }
0x248: {  	v9 =	vld [tilespmem:s26+$0xD0];
	_ =	sdelay $0x4  }
0x249: {  	v10 =	vshll.u32 v9, $0x1  }
0x24a: {  	v9 =	vand.u32 $0x7, v9;
	v10 =	vand.u32 $0xFFFFFFF0, v10  }
0x24b: {  	v9 =	vor.u32 v9, v10  }
0x24c: {  	v10 =	vperm.xlane v9, v1;
	_ =	sdelay $0x1  }
0x24d: {  	v9 =	vperm.xlane v9, v3;
	v10 =	vadd.s32 v2, v10;
	_ =	sdelay $0x1  }
0x24e: {  	v9 =	vadd.s32 v2, v9;
	_ =	sdelay $0x2  }
0x24f: {  	[tilespmem:s0], [sflag:$0x2] =	stream.indirect_vreg.gather [hbm4b:s2+s3], $0x80, v10, vm0, $0xb8;
	[tilespmem:$0x13080] =	vst v63  }
0x250: {  	_ = 	snop  }
0x251: {  	[tilespmem:s12], [sflag:$0x2] =	stream.indirect_vreg.gather [hbm4b:s2+s3], $0x80, v9, vm0, $0xb8;
	[tilespmem:$0x13080] =	vst v63  }
0x252: {  	v9 =	vld [tilespmem:s26+$0xE0];
	_ =	sdelay $0x4  }
0x253: {  	v10 =	vshll.u32 v9, $0x1  }
0x254: {  	v9 =	vand.u32 $0x7, v9;
	v10 =	vand.u32 $0xFFFFFFF0, v10  }
0x255: {  	v9 =	vor.u32 v9, v10  }
0x256: {  	v10 =	vperm.xlane v9, v1;
	_ =	sdelay $0x1  }
0x257: {  	v9 =	vperm.xlane v9, v3;
	v10 =	vadd.s32 v2, v10;
	_ =	sdelay $0x1  }
0x258: {  	v9 =	vadd.s32 v2, v9;
	_ =	sdelay $0x2  }
0x259: {  	[tilespmem:s7], [sflag:$0x2] =	stream.indirect_vreg.gather [hbm4b:s2+s3], $0x80, v10, vm0, $0xb8;
	[tilespmem:$0x13080] =	vst v63  }
0x25a: {  	_ = 	snop  }
0x25b: {  	[tilespmem:s8], [sflag:$0x2] =	stream.indirect_vreg.gather [hbm4b:s2+s3], $0x80, v9, vm0, $0xb8;
	[tilespmem:$0x13080] =	vst v63  }
0x25c: {  	v9 =	vld [tilespmem:s26+$0xF0];
	_ =	sdelay $0x4  }
0x25d: {  	v10 =	vshll.u32 v9, $0x1  }
0x25e: {  	v9 =	vand.u32 $0x7, v9;
	v10 =	vand.u32 $0xFFFFFFF0, v10  }
0x25f: {  	v9 =	vor.u32 v9, v10  }
0x260: {  	v10 =	vperm.xlane v9, v1;
	_ =	sdelay $0x1  }
0x261: {  	v9 =	vperm.xlane v9, v3;
	v10 =	vadd.s32 v2, v10;
	_ =	sdelay $0x1  }
0x262: {  	v9 =	vadd.s32 v2, v9;
	_ =	sdelay $0x2  }
0x263: {  	[tilespmem:s10], [sflag:$0x2] =	stream.indirect_vreg.gather [hbm4b:s2+s3], $0x80, v10, vm0, $0xb8;
	[tilespmem:$0x13080] =	vst v63  }
0x264: {  	_ = 	snop  }
0x265: {  	[tilespmem:s11], [sflag:$0x2] =	stream.indirect_vreg.gather [hbm4b:s2+s3], $0x80, v9, vm0, $0xb8;
	[tilespmem:$0x13080] =	vst v63  }
0x266: {  	v9 =	vld [tilespmem:s26+$0x14C0];
	_ =	sdelay $0x4  }
0x267: {  	v10 =	vshll.u32 v9, $0x1  }
0x268: {  	v9 =	vand.u32 $0x7, v9;
	v10 =	vand.u32 $0xFFFFFFF0, v10  }
0x269: {  	v9 =	vor.u32 v9, v10  }
0x26a: {  	v10 =	vperm.xlane v9, v1;
	_ =	sdelay $0x1  }
0x26b: {  	v9 =	vperm.xlane v9, v3;
	v10 =	vadd.s32 v2, v10;
	_ =	sdelay $0x1  }
0x26c: {  	v9 =	vadd.s32 v2, v9;
	_ =	sdelay $0x2  }
0x26d: {  	[tilespmem:s21], [sflag:$0x2] =	stream.indirect_vreg.gather [hbm4b:s4+s3], $0x80, v10, vm0, $0xb8;
	[tilespmem:$0x13080] =	vst v63  }
0x26e: {  	_ = 	snop  }
0x26f: {  	[tilespmem:s13], [sflag:$0x2] =	stream.indirect_vreg.gather [hbm4b:s4+s3], $0x80, v9, vm0, $0xb8;
	[tilespmem:$0x13080] =	vst v63  }
0x270: {  	v9 =	vld [tilespmem:s26+$0x14D0];
	_ =	sdelay $0x4  }
0x271: {  	v10 =	vshll.u32 v9, $0x1  }
0x272: {  	v9 =	vand.u32 $0x7, v9;
	v10 =	vand.u32 $0xFFFFFFF0, v10  }
0x273: {  	v9 =	vor.u32 v9, v10  }
0x274: {  	v10 =	vperm.xlane v9, v1;
	_ =	sdelay $0x1  }
0x275: {  	v9 =	vperm.xlane v9, v3;
	v10 =	vadd.s32 v2, v10;
	_ =	sdelay $0x1  }
0x276: {  	v9 =	vadd.s32 v2, v9;
	_ =	sdelay $0x2  }
0x277: {  	[tilespmem:s14], [sflag:$0x2] =	stream.indirect_vreg.gather [hbm4b:s4+s3], $0x80, v10, vm0, $0xb8;
	[tilespmem:$0x13080] =	vst v63  }
0x278: {  	_ = 	snop  }
0x279: {  	[tilespmem:s15], [sflag:$0x2] =	stream.indirect_vreg.gather [hbm4b:s4+s3], $0x80, v9, vm0, $0xb8;
	[tilespmem:$0x13080] =	vst v63  }
0x27a: {  	v9 =	vld [tilespmem:s26+$0x14E0];
	_ =	sdelay $0x4  }
0x27b: {  	v10 =	vshll.u32 v9, $0x1  }
0x27c: {  	v9 =	vand.u32 $0x7, v9;
	v10 =	vand.u32 $0xFFFFFFF0, v10  }
0x27d: {  	v9 =	vor.u32 v9, v10  }
0x27e: {  	v10 =	vperm.xlane v9, v1;
	_ =	sdelay $0x1  }
0x27f: {  	v9 =	vperm.xlane v9, v3;
	v10 =	vadd.s32 v2, v10;
	_ =	sdelay $0x1  }
0x280: {  	v9 =	vadd.s32 v2, v9;
	_ =	sdelay $0x2  }
0x281: {  	[tilespmem:s16], [sflag:$0x2] =	stream.indirect_vreg.gather [hbm4b:s4+s3], $0x80, v10, vm0, $0xb8;
	[tilespmem:$0x13080] =	vst v63  }
0x282: {  	_ = 	snop  }
0x283: {  	[tilespmem:s17], [sflag:$0x2] =	stream.indirect_vreg.gather [hbm4b:s4+s3], $0x80, v9, vm0, $0xb8;
	[tilespmem:$0x13080] =	vst v63  }
0x284: {  	v9 =	vld [tilespmem:s26+$0x14F0];
	_ =	sdelay $0x4  }
0x285: {  	v10 =	vshll.u32 v9, $0x1  }
0x286: {  	v9 =	vand.u32 $0x7, v9;
	v10 =	vand.u32 $0xFFFFFFF0, v10  }
0x287: {  	v9 =	vor.u32 v9, v10  }
0x288: {  	v10 =	vperm.xlane v9, v1;
	_ =	sdelay $0x1  }
0x289: {  	v9 =	vperm.xlane v9, v3;
	v10 =	vadd.s32 v2, v10;
	_ =	sdelay $0x1  }
0x28a: {  	v9 =	vadd.s32 v2, v9  }
.Ltmp6:
0x28b: {  	_ = 	snop;
	(pc) =	sbr.rel .LBB2_2-.Ltmp6, $4  }
0x28c: {  	_ = 	snop  }
0x28d: {  	[tilespmem:s18], [sflag:$0x2] =	stream.indirect_vreg.gather [hbm4b:s4+s3], $0x80, v10, vm0, $0xb8;
	[tilespmem:$0x13080] =	vst v63  }
0x28e: {  	s25 =	sadd.s32 $0x1, s25  }
0x28f: {  	[tilespmem:s19], [sflag:$0x2] =	stream.indirect_vreg.gather [hbm4b:s4+s3], $0x80, v9, vm0, $0xb8;
	[tilespmem:$0x13080] =	vst v63  }
.LBB2_11:
0x290: {  	_ =	sfence.sel $0x180000  }
0x291: {  	[bflag:$0x0] =	sbarrier.arrive $0xFFFF  }
0x292: {  	_ =	strace $0x90000047  }
0x293: {  	s0 =	stileid.u32;
	[bflag:$0x2] =	sbarrier.arrive $0xFFFF  }
0x294: {  	p0 =	sne.s32 s0, $0x0;
	s0 =	rddreg [dreg:$0x2]  }
0x295: {  	s0 =	sadd.s32 @!p0 $0x100000, s0  }
0x296: {  	[sflag:s0] =	ssyncadd.tile.s32 @!p0 $0x1;
	_ =	shalt  }
.Lfunc_end2:
_tile_overlayer_lowered:
.L_overlay_start_2:
0x297: {  	(tag) =	ssettag $0x2  }
0x298: {  	s0 =	rddreg [dreg:$0x0];
	s2 =	stileid.u32  }
0x299: {  	s1 =	rddreg [dreg:$0x1];
	p0 =	sne.s32 s2, $0x0  }
0x29a: {  	s3 =	rddreg [dreg:$0x2];
	[bflag:$0x3] =	sbarrier.arrive $0xFFFF;
	s2 =	simm.s32 @!p0 $0x1C05  }
0x29b: {  	[timem:s3], [sflag:s2] =	dma.local @!p0 [hbm:s0], s1  }
0x29c: {  	s0 =	simm.s32 @!p0 $0x5  }
0x29d: {  	_ =	swait.ge @!p0 [sflag:s0], s1  }
0x29e: {  	s1 =	ssub.s32 @!p0 $0x0, s1;
	[sflag:s0] =	ssyncset.done @!p0 $0x0  }
0x29f: {  	[sflag:s0] =	ssyncadd.s32 @!p0 s1  }
0x2a0: {  	[bflag:$0x3] =	sbarrier.arrive $0xFFFF  }
0x2a1: {  	_ =	shalt  }

</sc_bundles>
